<compile_context>
chip_gen: v7x
topology: tpu7x:2x2x1
jax: 0.10.2.dev20260603
libtpu: 0.0.44.dev20260713+nightly
codegen_flags: <defaults>
</compile_context>

<pallas_src>
import functools

import jax
import jax.numpy as jnp
from jax import lax
from jax.experimental import pallas as pl
from jax.experimental.pallas import tpu as pltpu
from jax.experimental.pallas import tpu_sc as plsc

N = 2048
D = 1024
F = 2048
E = 8
BT = 256
G = (N * 2) // BT + E - 1
P = G * BT
NW = 32
TW = N // NW
NEG = -1e30


def _meta_body(x_ref, rw_ref, rb_ref,
               pos0_ref, pos1_ref, w0_ref, w1_ref, be_ref, nv_ref):
    x = x_ref[...]
    logits = jax.lax.dot_general(
        x, rw_ref[...], (((1,), (0,)), ((), ())),
        preferred_element_type=jnp.float32) + rb_ref[...]
    eio = jax.lax.broadcasted_iota(jnp.int32, (N, E), 1)
    m0 = jnp.max(logits, axis=1, keepdims=True)
    e0 = jnp.min(jnp.where(logits == m0, eio, E), axis=1, keepdims=True)
    l2 = jnp.where(eio == e0, NEG, logits)
    m1 = jnp.max(l2, axis=1, keepdims=True)
    e1 = jnp.min(jnp.where(l2 == m1, eio, E), axis=1, keepdims=True)
    w0 = 1.0 / (1.0 + jnp.exp(m1 - m0))
    w1 = 1.0 - w0

    oh0 = (eio == e0).astype(jnp.float32)
    oh1 = (eio == e1).astype(jnp.float32)
    s = oh0 + oh1

    rio = jax.lax.broadcasted_iota(jnp.int32, (N, N), 0)
    cio = jax.lax.broadcasted_iota(jnp.int32, (N, N), 1)
    tri = (rio > cio).astype(jnp.bfloat16)
    cum = jax.lax.dot_general(
        tri, s.astype(jnp.bfloat16), (((1,), (0,)), ((), ())),
        preferred_element_type=jnp.float32)

    counts = cum[N - 1:N, :] + s[N - 1:N, :]
    counts_i = counts.astype(jnp.int32)
    pc = (((counts_i + BT - 1) // BT) * BT).astype(jnp.float32)
    er = jax.lax.broadcasted_iota(jnp.int32, (E, E), 0)
    ec = jax.lax.broadcasted_iota(jnp.int32, (E, E), 1)
    mlt = (er < ec).astype(jnp.float32)
    po = jax.lax.dot_general(
        pc, mlt, (((1,), (0,)), ((), ())),
        preferred_element_type=jnp.float32)

    rank0 = jnp.sum(oh0 * cum, axis=1, keepdims=True)
    rank1 = jnp.sum(oh1 * cum, axis=1, keepdims=True)
    off0 = jnp.sum(oh0 * po, axis=1, keepdims=True)
    off1 = jnp.sum(oh1 * po, axis=1, keepdims=True)
    pos0_ref[...] = (off0 + rank0).astype(jnp.int32)
    pos1_ref[...] = (off1 + rank1).astype(jnp.int32)
    w0_ref[...] = w0
    w1_ref[...] = w1

    end = po + pc
    gio = jax.lax.broadcasted_iota(jnp.int32, (32, 1), 0)
    owned = (gio.astype(jnp.float32) * BT >= end)
    be = jnp.sum(owned.astype(jnp.int32), axis=1, keepdims=True)
    be = jnp.minimum(be, E - 1)
    be_ref[...] = be

    bio = jax.lax.broadcasted_iota(jnp.int32, (32, E), 1)
    bh = (be == bio)
    po_b = jnp.sum(jnp.where(bh, po, 0.0), axis=1, keepdims=True)
    c_b = jnp.sum(jnp.where(bh, counts, 0.0), axis=1, keepdims=True)
    start = gio.astype(jnp.float32) * BT - po_b
    nv = jnp.clip(c_b - start, 0.0, float(BT))
    nv_ref[...] = nv.astype(jnp.int32)


def _sc_scatter_body(x_hbm, p0_hbm, p1_hbm, xs_hbm, xv, i0v, i1v, sem0, sem1):
    wid = lax.axis_index("s") * 2 + lax.axis_index("c")
    base = wid * TW
    pltpu.sync_copy(x_hbm.at[pl.ds(base, TW)], xv)
    pltpu.sync_copy(p0_hbm.at[pl.ds(base, TW)], i0v)
    pltpu.sync_copy(p1_hbm.at[pl.ds(base, TW)], i1v)
    c0 = pltpu.async_copy(xv, xs_hbm.at[i0v], sem0)
    c1 = pltpu.async_copy(xv, xs_hbm.at[i1v], sem1)
    c0.wait()
    c1.wait()


_sc_scatter = functools.partial(
    pl.kernel,
    out_type=jax.ShapeDtypeStruct((P, D), jnp.float32),
    mesh=plsc.VectorSubcoreMesh(
        core_axis_name="c", subcore_axis_name="s",
        num_cores=2, num_subcores=16),
    scratch_types=[
        pltpu.VMEM((TW, D), jnp.float32),
        pltpu.VMEM((TW,), jnp.int32),
        pltpu.VMEM((TW,), jnp.int32),
        pltpu.SemaphoreType.DMA,
        pltpu.SemaphoreType.DMA,
    ],
)(_sc_scatter_body)


def _upgate_body(be_ref, nv_ref, xs_ref, wg_ref, wu_ref, h_ref):
    g = pl.program_id(0)
    nv = nv_ref[g]
    rio = jax.lax.broadcasted_iota(jnp.int32, (BT, 1), 0)
    rows = jnp.where(rio < nv, xs_ref[...], 0.0).astype(jnp.bfloat16)

    gate = jax.lax.dot_general(
        rows, wg_ref[0].astype(jnp.bfloat16), (((1,), (0,)), ((), ())),
        preferred_element_type=jnp.float32)
    up = jax.lax.dot_general(
        rows, wu_ref[0].astype(jnp.bfloat16), (((1,), (0,)), ((), ())),
        preferred_element_type=jnp.float32)
    h = gate * (1.0 / (1.0 + jnp.exp(-gate))) * up
    h_ref[...] = h.astype(jnp.bfloat16)


def _down_body(be_ref, h_ref, p0r_ref, p1r_ref, w0r_ref, w1r_ref,
               wd_ref, ys_ref):
    g = pl.program_id(0)
    base = g * BT

    y = jax.lax.dot_general(
        h_ref[...], wd_ref[0].astype(jnp.bfloat16), (((1,), (0,)), ((), ())),
        preferred_element_type=jnp.float32)

    pio_c = jax.lax.broadcasted_iota(jnp.int32, (BT, 1), 0) + base
    a0 = (p0r_ref[...] == pio_c)
    a1 = (p1r_ref[...] == pio_c)
    wmat = (jnp.where(a0, w0r_ref[...], 0.0)
            + jnp.where(a1, w1r_ref[...], 0.0)).astype(jnp.bfloat16)
    ones = jnp.ones((N, 1), dtype=jnp.bfloat16)
    wrow = jax.lax.dot_general(
        wmat, ones, (((1,), (0,)), ((), ())),
        preferred_element_type=jnp.float32)
    ys_ref[...] = y * wrow


def _sc_combine_body(ys_hbm, p0_hbm, p1_hbm, out_hbm,
                     r0v, r1v, i0v, i1v, sem0, sem1):
    wid = lax.axis_index("s") * 2 + lax.axis_index("c")
    base = wid * TW
    hc = TW // 2
    for c in range(2):
        cb = base + c * hc
        pltpu.sync_copy(p0_hbm.at[pl.ds(cb, hc)], i0v)
        pltpu.sync_copy(p1_hbm.at[pl.ds(cb, hc)], i1v)
        cp0 = pltpu.async_copy(ys_hbm.at[i0v], r0v, sem0)
        cp1 = pltpu.async_copy(ys_hbm.at[i1v], r1v, sem1)
        cp0.wait()
        cp1.wait()
        for t in range(hc):
            def _add(j, carry, t=t):
                sl = pl.ds(j * 16, 16)
                r0v[t, sl] = r0v[t, sl] + r1v[t, sl]
                return carry
            lax.fori_loop(0, D // 16, _add, 0)
        pltpu.sync_copy(r0v, out_hbm.at[pl.ds(cb, hc)])


_sc_combine = functools.partial(
    pl.kernel,
    out_type=jax.ShapeDtypeStruct((N, D), jnp.float32),
    mesh=plsc.VectorSubcoreMesh(
        core_axis_name="c", subcore_axis_name="s",
        num_cores=2, num_subcores=16),
    scratch_types=[
        pltpu.VMEM((TW // 2, D), jnp.float32),
        pltpu.VMEM((TW // 2, D), jnp.float32),
        pltpu.VMEM((TW // 2,), jnp.int32),
        pltpu.VMEM((TW // 2,), jnp.int32),
        pltpu.SemaphoreType.DMA,
        pltpu.SemaphoreType.DMA,
    ],
)(_sc_combine_body)


def kernel(x, router_w, router_b, w_gate, w_up, w_down):
    pos0, pos1, w0, w1, be, nv = pl.pallas_call(
        _meta_body,
        out_shape=[
            jax.ShapeDtypeStruct((N, 1), jnp.int32),
            jax.ShapeDtypeStruct((N, 1), jnp.int32),
            jax.ShapeDtypeStruct((N, 1), jnp.float32),
            jax.ShapeDtypeStruct((N, 1), jnp.float32),
            jax.ShapeDtypeStruct((32, 1), jnp.int32),
            jax.ShapeDtypeStruct((32, 1), jnp.int32),
        ],
        compiler_params=pltpu.CompilerParams(
            vmem_limit_bytes=128 * 1024 * 1024),
    )(x, router_w, router_b.reshape(1, E))

    be_flat = be.reshape(-1)[:G]
    nv_flat = nv.reshape(-1)[:G]
    pos0_r = pos0.reshape(1, N)
    pos1_r = pos1.reshape(1, N)

    x_sorted = _sc_scatter(x, pos0.reshape(-1), pos1.reshape(-1))

    upgate_spec = pltpu.PrefetchScalarGridSpec(
        num_scalar_prefetch=2,
        grid=(G,),
        in_specs=[
            pl.BlockSpec((BT, D), lambda g, be, nv: (g, 0)),
            pl.BlockSpec((1, D, F), lambda g, be, nv: (be[g], 0, 0)),
            pl.BlockSpec((1, D, F), lambda g, be, nv: (be[g], 0, 0)),
        ],
        out_specs=pl.BlockSpec((BT, F), lambda g, be, nv: (g, 0)),
    )
    hidden = pl.pallas_call(
        _upgate_body,
        grid_spec=upgate_spec,
        out_shape=jax.ShapeDtypeStruct((P, F), jnp.bfloat16),
        compiler_params=pltpu.CompilerParams(
            dimension_semantics=("arbitrary",),
            vmem_limit_bytes=128 * 1024 * 1024),
    )(be_flat, nv_flat, x_sorted, w_gate, w_up)

    down_spec = pltpu.PrefetchScalarGridSpec(
        num_scalar_prefetch=1,
        grid=(G,),
        in_specs=[
            pl.BlockSpec((BT, F), lambda g, be: (g, 0)),
            pl.BlockSpec((1, N), lambda g, be: (0, 0)),
            pl.BlockSpec((1, N), lambda g, be: (0, 0)),
            pl.BlockSpec((1, N), lambda g, be: (0, 0)),
            pl.BlockSpec((1, N), lambda g, be: (0, 0)),
            pl.BlockSpec((1, F, D), lambda g, be: (be[g], 0, 0)),
        ],
        out_specs=pl.BlockSpec((BT, D), lambda g, be: (g, 0)),
    )
    y_sorted = pl.pallas_call(
        _down_body,
        grid_spec=down_spec,
        out_shape=jax.ShapeDtypeStruct((P, D), jnp.float32),
        compiler_params=pltpu.CompilerParams(
            dimension_semantics=("arbitrary",),
            vmem_limit_bytes=128 * 1024 * 1024),
    )(be_flat, hidden, pos0_r, pos1_r,
      w0.reshape(1, N), w1.reshape(1, N), w_down)

    out = _sc_combine(y_sorted, pos0.reshape(-1), pos1.reshape(-1))
    return out

# --- scband reference (transcript-rebuilt; emitter-appended) ---
"""Pipeline reference for scband-swi-glumo-elayer-33337536152174 (READ-ONLY COPY).

The authoritative reference and input builder live on the scoring server;
editing this copy changes nothing except your own understanding.
"""

import jax, jax.numpy as jnp
import numpy as np

D_MODEL = 1024
D_FF = 2048
NUM_EXPERTS = 8
TOP_K = 2
N_TOK = 2048


def setup_inputs(seed: int = 0) -> dict:
    key = jax.random.key(seed)
    ks = jax.random.split(key, 6)
    x = jax.random.normal(ks[0], (N_TOK, D_MODEL), dtype=jnp.float32)
    router_w = jax.random.normal(ks[1], (D_MODEL, NUM_EXPERTS), dtype=jnp.float32) * (1.0 / np.sqrt(D_MODEL))
    router_b = jnp.zeros((NUM_EXPERTS,), dtype=jnp.float32)
    w_gate = jax.random.normal(ks[2], (NUM_EXPERTS, D_MODEL, D_FF), dtype=jnp.float32) * 0.02
    w_up = jax.random.normal(ks[3], (NUM_EXPERTS, D_MODEL, D_FF), dtype=jnp.float32) * 0.02
    w_down = jax.random.normal(ks[4], (NUM_EXPERTS, D_FF, D_MODEL), dtype=jnp.float32) * 0.02
    return {"x": x, "router_w": router_w, "router_b": router_b,
            "w_gate": w_gate, "w_up": w_up, "w_down": w_down}


def _grouped_gemm(inp, w, flat_idx, out_dim):
    # Faithful grouped GEMM: row i of `inp` is multiplied by the expert weight
    # assigned to that row. Implemented as per-expert dense GEMMs with a
    # fixed-shape row mask selecting the rows routed to each expert (same math
    # as torch.ops.moe.grouped_gemm).
    out = jnp.zeros((inp.shape[0], out_dim), dtype=inp.dtype)
    for e in range(NUM_EXPERTS):
        mask = (flat_idx == e)
        out = jnp.where(mask[:, None], inp @ w[e], out)
    return out


def reference(x, router_w, router_b, w_gate, w_up, w_down):
    n_tok, d_model = x.shape
    router_logits = x @ router_w + router_b
    router_probs = jax.nn.softmax(router_logits, axis=-1)
    top_k_weights, top_k_indices = jax.lax.top_k(router_probs, TOP_K)
    top_k_weights = top_k_weights / jnp.sum(top_k_weights, axis=-1, keepdims=True)

    # Routing metadata (integer, non-differentiable) kept as a traced array.
    flat_idx = top_k_indices.reshape(-1)  # [n_tok * TOP_K]

    # Each token row is duplicated TOP_K times (order n*TOP_K + j), matching
    # the torch grouped_gemm output layout.
    x_rep = jnp.repeat(x, TOP_K, axis=0)  # [n_tok*TOP_K, d_model]

    gate_output = _grouped_gemm(x_rep, w_gate, flat_idx, D_FF)
    up_output = _grouped_gemm(x_rep, w_up, flat_idx, D_FF)
    swish_gate = gate_output * jax.nn.sigmoid(gate_output)
    hidden = swish_gate * up_output
    expert_output = _grouped_gemm(hidden, w_down, flat_idx, d_model)
    expert_output = expert_output.reshape(n_tok, TOP_K, d_model)
    output = jnp.sum(expert_output * top_k_weights[..., None], axis=1)
    return output

if __name__ == "__main__":
    import jax
    _d = setup_inputs()
    print(jax.jit(kernel)(*tuple(_d.values())))

</pallas_src>

<mosaic_0001>
#map = affine_map<(d0, d1) -> (0, 0)>
#map1 = affine_map<(d0, d1) -> (0)>
module attributes {stable_mosaic.version = 14 : i64} {
  func.func @_sc_scatter_body(%arg0: i32, %arg1: i32, %arg2: memref<2048x1024xf32, #tpu.memory_space<hbm>>, %arg3: memref<2048xi32, #tpu.memory_space<hbm>>, %arg4: memref<2048xi32, #tpu.memory_space<hbm>>, %arg5: memref<5888x1024xf32, #tpu.memory_space<hbm>>, %arg6: memref<64x1024xf32, #tpu.memory_space<vmem>>, %arg7: memref<64xi32, #tpu.memory_space<vmem>>, %arg8: memref<64xi32, #tpu.memory_space<vmem>>, %arg9: memref<!tpu.dma_semaphore, #tpu.memory_space<semaphore_mem>>, %arg10: memref<!tpu.dma_semaphore, #tpu.memory_space<semaphore_mem>>) attributes {dimension_semantics = [#tpu.dimension_semantics<core_parallel>, #tpu.dimension_semantics<subcore_parallel>], iteration_bounds = array<i64: 2, 16>, scalar_prefetch = 0 : i64, scratch_operands = 5 : i64, tpu.core_type = #tpu.core_type<sc_vector_subcore>, window_params = [{transform_indices = #map}, {transform_indices = #map1}, {transform_indices = #map1}, {transform_indices = #map}]} {
    %mul3A = arith.constant 2 : i32
    %mul3A_0 = arith.muli %arg1, %mul3A : i32
    %add3A = arith.addi %mul3A_0, %arg0 : i32
    %mul3A_1 = arith.constant 64 : i32
    %mul3A_2 = arith.muli %add3A, %mul3A_1 : i32
    "tpu.region"() ({
      %run_scoped3A = tpu.sem_alloc : memref<!tpu.dma_semaphore, #tpu.memory_space<semaphore_mem>>
      %dma_start3A_13 = arith.constant 0 : i32
      %dma_start3A_14 = tpu.memref_slice %arg2[%mul3A_2, %dma_start3A_13] : memref<2048x1024xf32, #tpu.memory_space<hbm>> -> memref<64x1024xf32, #tpu.memory_space<hbm>>
      %dma_start3A_15 = arith.constant 0 : i32
      %dma_start3A_16 = tpu.memref_slice %arg2[%mul3A_2, %dma_start3A_15] : memref<2048x1024xf32, #tpu.memory_space<hbm>> -> memref<64x1024xf32, #tpu.memory_space<hbm>>
      tpu.enqueue_dma source(%dma_start3A_16 : memref<64x1024xf32, #tpu.memory_space<hbm>>) target(%arg6 : memref<64x1024xf32, #tpu.memory_space<vmem>>) target_semaphore(%run_scoped3A : memref<!tpu.dma_semaphore, #tpu.memory_space<semaphore_mem>>)
      %dma_wait3A_17 = arith.constant 0 : i32
      %dma_wait3A_18 = tpu.memref_slice %arg2[%mul3A_2, %dma_wait3A_17] : memref<2048x1024xf32, #tpu.memory_space<hbm>> -> memref<64x1024xf32, #tpu.memory_space<hbm>>
      %dma_wait3A_19 = arith.constant 0 : i32
      %dma_wait3A_20 = tpu.memref_slice %arg2[%mul3A_2, %dma_wait3A_19] : memref<2048x1024xf32, #tpu.memory_space<hbm>> -> memref<64x1024xf32, #tpu.memory_space<hbm>>
      tpu.wait_dma2 semaphore(%run_scoped3A : memref<!tpu.dma_semaphore, #tpu.memory_space<semaphore_mem>>) src(%dma_wait3A_20 : memref<64x1024xf32, #tpu.memory_space<hbm>>) dst(%arg6 : memref<64x1024xf32, #tpu.memory_space<vmem>>)
      tpu.yield
    }) : () -> ()
    "tpu.region"() ({
      %run_scoped3A = tpu.sem_alloc : memref<!tpu.dma_semaphore, #tpu.memory_space<semaphore_mem>>
      %dma_start3A_13 = tpu.memref_slice %arg3[%mul3A_2] : memref<2048xi32, #tpu.memory_space<hbm>> -> memref<64xi32, #tpu.memory_space<hbm>>
      %dma_start3A_14 = tpu.memref_slice %arg3[%mul3A_2] : memref<2048xi32, #tpu.memory_space<hbm>> -> memref<64xi32, #tpu.memory_space<hbm>>
      tpu.enqueue_dma source(%dma_start3A_14 : memref<64xi32, #tpu.memory_space<hbm>>) target(%arg7 : memref<64xi32, #tpu.memory_space<vmem>>) target_semaphore(%run_scoped3A : memref<!tpu.dma_semaphore, #tpu.memory_space<semaphore_mem>>)
      %dma_wait3A_15 = tpu.memref_slice %arg3[%mul3A_2] : memref<2048xi32, #tpu.memory_space<hbm>> -> memref<64xi32, #tpu.memory_space<hbm>>
      %dma_wait3A_16 = tpu.memref_slice %arg3[%mul3A_2] : memref<2048xi32, #tpu.memory_space<hbm>> -> memref<64xi32, #tpu.memory_space<hbm>>
      tpu.wait_dma2 semaphore(%run_scoped3A : memref<!tpu.dma_semaphore, #tpu.memory_space<semaphore_mem>>) src(%dma_wait3A_16 : memref<64xi32, #tpu.memory_space<hbm>>) dst(%arg7 : memref<64xi32, #tpu.memory_space<vmem>>)
      tpu.yield
    }) : () -> ()
    "tpu.region"() ({
      %run_scoped3A = tpu.sem_alloc : memref<!tpu.dma_semaphore, #tpu.memory_space<semaphore_mem>>
      %dma_start3A_13 = tpu.memref_slice %arg4[%mul3A_2] : memref<2048xi32, #tpu.memory_space<hbm>> -> memref<64xi32, #tpu.memory_space<hbm>>
      %dma_start3A_14 = tpu.memref_slice %arg4[%mul3A_2] : memref<2048xi32, #tpu.memory_space<hbm>> -> memref<64xi32, #tpu.memory_space<hbm>>
      tpu.enqueue_dma source(%dma_start3A_14 : memref<64xi32, #tpu.memory_space<hbm>>) target(%arg8 : memref<64xi32, #tpu.memory_space<vmem>>) target_semaphore(%run_scoped3A : memref<!tpu.dma_semaphore, #tpu.memory_space<semaphore_mem>>)
      %dma_wait3A_15 = tpu.memref_slice %arg4[%mul3A_2] : memref<2048xi32, #tpu.memory_space<hbm>> -> memref<64xi32, #tpu.memory_space<hbm>>
      %dma_wait3A_16 = tpu.memref_slice %arg4[%mul3A_2] : memref<2048xi32, #tpu.memory_space<hbm>> -> memref<64xi32, #tpu.memory_space<hbm>>
      tpu.wait_dma2 semaphore(%run_scoped3A : memref<!tpu.dma_semaphore, #tpu.memory_space<semaphore_mem>>) src(%dma_wait3A_16 : memref<64xi32, #tpu.memory_space<hbm>>) dst(%arg8 : memref<64xi32, #tpu.memory_space<vmem>>)
      tpu.yield
    }) : () -> ()
    %dma_start3A = arith.constant 0 : i32
    %dma_start3A_3 = arith.constant 0 : i32
    %dma_start3A_4 = tpu.memref_slice %arg5[%dma_start3A, %dma_start3A_3] : memref<5888x1024xf32, #tpu.memory_space<hbm>> -> memref<5888x1024xf32, #tpu.memory_space<hbm>>
    tpu.enqueue_indirect_dma source(%arg6 : memref<64x1024xf32, #tpu.memory_space<vmem>>) target(%dma_start3A_4 : memref<5888x1024xf32, #tpu.memory_space<hbm>>) offsets(%arg7 : memref<64xi32, #tpu.memory_space<vmem>>) semaphore(%arg9 : memref<!tpu.dma_semaphore, #tpu.memory_space<semaphore_mem>>)
    %dma_start3A_5 = arith.constant 0 : i32
    %dma_start3A_6 = arith.constant 0 : i32
    %dma_start3A_7 = tpu.memref_slice %arg5[%dma_start3A_5, %dma_start3A_6] : memref<5888x1024xf32, #tpu.memory_space<hbm>> -> memref<5888x1024xf32, #tpu.memory_space<hbm>>
    tpu.enqueue_indirect_dma source(%arg6 : memref<64x1024xf32, #tpu.memory_space<vmem>>) target(%dma_start3A_7 : memref<5888x1024xf32, #tpu.memory_space<hbm>>) offsets(%arg8 : memref<64xi32, #tpu.memory_space<vmem>>) semaphore(%arg10 : memref<!tpu.dma_semaphore, #tpu.memory_space<semaphore_mem>>)
    %dma_wait3A = arith.constant 0 : i32
    %dma_wait3A_8 = arith.constant 0 : i32
    %dma_wait3A_9 = tpu.memref_slice %arg5[%dma_wait3A, %dma_wait3A_8] : memref<5888x1024xf32, #tpu.memory_space<hbm>> -> memref<5888x1024xf32, #tpu.memory_space<hbm>>
    tpu.wait_indirect_dma semaphore(%arg9 : memref<!tpu.dma_semaphore, #tpu.memory_space<semaphore_mem>>) src(%arg6 : memref<64x1024xf32, #tpu.memory_space<vmem>>) dst(%dma_wait3A_9 : memref<5888x1024xf32, #tpu.memory_space<hbm>>)
    %dma_wait3A_10 = arith.constant 0 : i32
    %dma_wait3A_11 = arith.constant 0 : i32
    %dma_wait3A_12 = tpu.memref_slice %arg5[%dma_wait3A_10, %dma_wait3A_11] : memref<5888x1024xf32, #tpu.memory_space<hbm>> -> memref<5888x1024xf32, #tpu.memory_space<hbm>>
    tpu.wait_indirect_dma semaphore(%arg10 : memref<!tpu.dma_semaphore, #tpu.memory_space<semaphore_mem>>) src(%arg6 : memref<64x1024xf32, #tpu.memory_space<vmem>>) dst(%dma_wait3A_12 : memref<5888x1024xf32, #tpu.memory_space<hbm>>)
    return
  }
}

#map = affine_map<(d0, d1) -> (0, 0)>
#map1 = affine_map<(d0, d1) -> (0)>
module attributes {stable_mosaic.version = 14 : i64} {
  func.func @_sc_combine_body(%arg0: i32, %arg1: i32, %arg2: memref<5888x1024xf32, #tpu.memory_space<hbm>>, %arg3: memref<2048xi32, #tpu.memory_space<hbm>>, %arg4: memref<2048xi32, #tpu.memory_space<hbm>>, %arg5: memref<2048x1024xf32, #tpu.memory_space<hbm>>, %arg6: memref<32x1024xf32, #tpu.memory_space<vmem>>, %arg7: memref<32x1024xf32, #tpu.memory_space<vmem>>, %arg8: memref<32xi32, #tpu.memory_space<vmem>>, %arg9: memref<32xi32, #tpu.memory_space<vmem>>, %arg10: memref<!tpu.dma_semaphore, #tpu.memory_space<semaphore_mem>>, %arg11: memref<!tpu.dma_semaphore, #tpu.memory_space<semaphore_mem>>) attributes {dimension_semantics = [#tpu.dimension_semantics<core_parallel>, #tpu.dimension_semantics<subcore_parallel>], iteration_bounds = array<i64: 2, 16>, scalar_prefetch = 0 : i64, scratch_operands = 6 : i64, tpu.core_type = #tpu.core_type<sc_vector_subcore>, window_params = [{transform_indices = #map}, {transform_indices = #map1}, {transform_indices = #map1}, {transform_indices = #map}]} {
    %mul3A = arith.constant 2 : i32
    %mul3A_0 = arith.muli %arg1, %mul3A : i32
    %add3A = arith.addi %mul3A_0, %arg0 : i32
    %mul3A_1 = arith.constant 64 : i32
    %mul3A_2 = arith.muli %add3A, %mul3A_1 : i32
    %add3A_3 = arith.constant 0 : i32
    %add3A_4 = arith.addi %mul3A_2, %add3A_3 : i32
    "tpu.region"() ({
      %run_scoped3A = tpu.sem_alloc : memref<!tpu.dma_semaphore, #tpu.memory_space<semaphore_mem>>
      %dma_start3A_412 = tpu.memref_slice %arg3[%add3A_4] : memref<2048xi32, #tpu.memory_space<hbm>> -> memref<32xi32, #tpu.memory_space<hbm>>
      %dma_start3A_413 = tpu.memref_slice %arg3[%add3A_4] : memref<2048xi32, #tpu.memory_space<hbm>> -> memref<32xi32, #tpu.memory_space<hbm>>
      tpu.enqueue_dma source(%dma_start3A_413 : memref<32xi32, #tpu.memory_space<hbm>>) target(%arg8 : memref<32xi32, #tpu.memory_space<vmem>>) target_semaphore(%run_scoped3A : memref<!tpu.dma_semaphore, #tpu.memory_space<semaphore_mem>>)
      %dma_wait3A_414 = tpu.memref_slice %arg3[%add3A_4] : memref<2048xi32, #tpu.memory_space<hbm>> -> memref<32xi32, #tpu.memory_space<hbm>>
      %dma_wait3A_415 = tpu.memref_slice %arg3[%add3A_4] : memref<2048xi32, #tpu.memory_space<hbm>> -> memref<32xi32, #tpu.memory_space<hbm>>
      tpu.wait_dma2 semaphore(%run_scoped3A : memref<!tpu.dma_semaphore, #tpu.memory_space<semaphore_mem>>) src(%dma_wait3A_415 : memref<32xi32, #tpu.memory_space<hbm>>) dst(%arg8 : memref<32xi32, #tpu.memory_space<vmem>>)
      tpu.yield
    }) : () -> ()
    "tpu.region"() ({
      %run_scoped3A = tpu.sem_alloc : memref<!tpu.dma_semaphore, #tpu.memory_space<semaphore_mem>>
      %dma_start3A_412 = tpu.memref_slice %arg4[%add3A_4] : memref<2048xi32, #tpu.memory_space<hbm>> -> memref<32xi32, #tpu.memory_space<hbm>>
      %dma_start3A_413 = tpu.memref_slice %arg4[%add3A_4] : memref<2048xi32, #tpu.memory_space<hbm>> -> memref<32xi32, #tpu.memory_space<hbm>>
      tpu.enqueue_dma source(%dma_start3A_413 : memref<32xi32, #tpu.memory_space<hbm>>) target(%arg9 : memref<32xi32, #tpu.memory_space<vmem>>) target_semaphore(%run_scoped3A : memref<!tpu.dma_semaphore, #tpu.memory_space<semaphore_mem>>)
      %dma_wait3A_414 = tpu.memref_slice %arg4[%add3A_4] : memref<2048xi32, #tpu.memory_space<hbm>> -> memref<32xi32, #tpu.memory_space<hbm>>
      %dma_wait3A_415 = tpu.memref_slice %arg4[%add3A_4] : memref<2048xi32, #tpu.memory_space<hbm>> -> memref<32xi32, #tpu.memory_space<hbm>>
      tpu.wait_dma2 semaphore(%run_scoped3A : memref<!tpu.dma_semaphore, #tpu.memory_space<semaphore_mem>>) src(%dma_wait3A_415 : memref<32xi32, #tpu.memory_space<hbm>>) dst(%arg9 : memref<32xi32, #tpu.memory_space<vmem>>)
      tpu.yield
    }) : () -> ()
    %dma_start3A = arith.constant 0 : i32
    %dma_start3A_5 = arith.constant 0 : i32
    %dma_start3A_6 = tpu.memref_slice %arg2[%dma_start3A, %dma_start3A_5] : memref<5888x1024xf32, #tpu.memory_space<hbm>> -> memref<5888x1024xf32, #tpu.memory_space<hbm>>
    tpu.enqueue_indirect_dma source(%dma_start3A_6 : memref<5888x1024xf32, #tpu.memory_space<hbm>>) target(%arg6 : memref<32x1024xf32, #tpu.memory_space<vmem>>) offsets(%arg8 : memref<32xi32, #tpu.memory_space<vmem>>) semaphore(%arg10 : memref<!tpu.dma_semaphore, #tpu.memory_space<semaphore_mem>>)
    %dma_start3A_7 = arith.constant 0 : i32
    %dma_start3A_8 = arith.constant 0 : i32
    %dma_start3A_9 = tpu.memref_slice %arg2[%dma_start3A_7, %dma_start3A_8] : memref<5888x1024xf32, #tpu.memory_space<hbm>> -> memref<5888x1024xf32, #tpu.memory_space<hbm>>
    tpu.enqueue_indirect_dma source(%dma_start3A_9 : memref<5888x1024xf32, #tpu.memory_space<hbm>>) target(%arg7 : memref<32x1024xf32, #tpu.memory_space<vmem>>) offsets(%arg9 : memref<32xi32, #tpu.memory_space<vmem>>) semaphore(%arg11 : memref<!tpu.dma_semaphore, #tpu.memory_space<semaphore_mem>>)
    %dma_wait3A = arith.constant 0 : i32
    %dma_wait3A_10 = arith.constant 0 : i32
    %dma_wait3A_11 = tpu.memref_slice %arg2[%dma_wait3A, %dma_wait3A_10] : memref<5888x1024xf32, #tpu.memory_space<hbm>> -> memref<5888x1024xf32, #tpu.memory_space<hbm>>
    tpu.wait_indirect_dma semaphore(%arg10 : memref<!tpu.dma_semaphore, #tpu.memory_space<semaphore_mem>>) src(%dma_wait3A_11 : memref<5888x1024xf32, #tpu.memory_space<hbm>>) dst(%arg6 : memref<32x1024xf32, #tpu.memory_space<vmem>>)
    %dma_wait3A_12 = arith.constant 0 : i32
    %dma_wait3A_13 = arith.constant 0 : i32
    %dma_wait3A_14 = tpu.memref_slice %arg2[%dma_wait3A_12, %dma_wait3A_13] : memref<5888x1024xf32, #tpu.memory_space<hbm>> -> memref<5888x1024xf32, #tpu.memory_space<hbm>>
    tpu.wait_indirect_dma semaphore(%arg11 : memref<!tpu.dma_semaphore, #tpu.memory_space<semaphore_mem>>) src(%dma_wait3A_14 : memref<5888x1024xf32, #tpu.memory_space<hbm>>) dst(%arg7 : memref<32x1024xf32, #tpu.memory_space<vmem>>)
    %scan3A = arith.constant 0 : i32
    %scan3A_15 = arith.constant 0 : i32
    %scan3A_16 = arith.constant 64 : i32
    %scan3A_17 = arith.addi %scan3A_15, %scan3A_16 : i32
    %scan3A_18 = arith.constant 1 : i32
    scf.for %scan3A_412 = %scan3A_15 to %scan3A_17 step %scan3A_18  : i32 {
      %mul3A_413 = arith.constant 16 : i32
      %mul3A_414 = arith.muli %scan3A_412, %mul3A_413 : i32
      %get3A = arith.constant 0 : i32
      %get3A_415 = arith.index_cast %get3A : i32 to index
      %get3A_416 = arith.index_cast %mul3A_414 : i32 to index
      %get3A_417 = tpu.vector_load %arg6[%get3A_415, %get3A_416] {strides = array<i32>} : memref<32x1024xf32, #tpu.memory_space<vmem>>, vector<1x16xf32>,
      %get3A_418 = vector.shape_cast %get3A_417 : vector<1x16xf32> to vector<16xf32>
      %get3A_419 = arith.constant 0 : i32
      %get3A_420 = arith.index_cast %get3A_419 : i32 to index
      %get3A_421 = arith.index_cast %mul3A_414 : i32 to index
      %get3A_422 = tpu.vector_load %arg7[%get3A_420, %get3A_421] {strides = array<i32>} : memref<32x1024xf32, #tpu.memory_space<vmem>>, vector<1x16xf32>,
      %get3A_423 = vector.shape_cast %get3A_422 : vector<1x16xf32> to vector<16xf32>
      %add3A_424 = arith.addf %get3A_418, %get3A_423 : vector<16xf32>
      %swap3A = arith.constant 0 : i32
      %swap3A_425 = arith.index_cast %swap3A : i32 to index
      %swap3A_426 = arith.index_cast %mul3A_414 : i32 to index
      %swap3A_427 = tpu.vector_load %arg6[%swap3A_425, %swap3A_426] {strides = array<i32>} : memref<32x1024xf32, #tpu.memory_space<vmem>>, vector<1x16xf32>,
      %swap3A_428 = vector.shape_cast %swap3A_427 : vector<1x16xf32> to vector<16xf32>
      %swap3A_429 = vector.shape_cast %add3A_424 : vector<16xf32> to vector<1x16xf32>
      tpu.vector_store %arg6[%swap3A_425, %swap3A_426], %swap3A_429 {strides = array<i32>} : memref<32x1024xf32, #tpu.memory_space<vmem>>, vector<1x16xf32>,
    }
    %scan3A_19 = arith.constant 64 : i32
    %scan3A_20 = arith.constant 0 : i32
    %scan3A_21 = arith.constant 0 : i32
    %scan3A_22 = arith.constant 64 : i32
    %scan3A_23 = arith.addi %scan3A_21, %scan3A_22 : i32
    %scan3A_24 = arith.constant 1 : i32
    scf.for %scan3A_412 = %scan3A_21 to %scan3A_23 step %scan3A_24  : i32 {
      %mul3A_413 = arith.constant 16 : i32
      %mul3A_414 = arith.muli %scan3A_412, %mul3A_413 : i32
      %get3A = arith.constant 1 : i32
      %get3A_415 = arith.index_cast %get3A : i32 to index
      %get3A_416 = arith.index_cast %mul3A_414 : i32 to index
      %get3A_417 = tpu.vector_load %arg6[%get3A_415, %get3A_416] {strides = array<i32>} : memref<32x1024xf32, #tpu.memory_space<vmem>>, vector<1x16xf32>,
      %get3A_418 = vector.shape_cast %get3A_417 : vector<1x16xf32> to vector<16xf32>
      %get3A_419 = arith.constant 1 : i32
      %get3A_420 = arith.index_cast %get3A_419 : i32 to index
      %get3A_421 = arith.index_cast %mul3A_414 : i32 to index
      %get3A_422 = tpu.vector_load %arg7[%get3A_420, %get3A_421] {strides = array<i32>} : memref<32x1024xf32, #tpu.memory_space<vmem>>, vector<1x16xf32>,
      %get3A_423 = vector.shape_cast %get3A_422 : vector<1x16xf32> to vector<16xf32>
      %add3A_424 = arith.addf %get3A_418, %get3A_423 : vector<16xf32>
      %swap3A = arith.constant 1 : i32
      %swap3A_425 = arith.index_cast %swap3A : i32 to index
      %swap3A_426 = arith.index_cast %mul3A_414 : i32 to index
      %swap3A_427 = tpu.vector_load %arg6[%swap3A_425, %swap3A_426] {strides = array<i32>} : memref<32x1024xf32, #tpu.memory_space<vmem>>, vector<1x16xf32>,
      %swap3A_428 = vector.shape_cast %swap3A_427 : vector<1x16xf32> to vector<16xf32>
      %swap3A_429 = vector.shape_cast %add3A_424 : vector<16xf32> to vector<1x16xf32>
      tpu.vector_store %arg6[%swap3A_425, %swap3A_426], %swap3A_429 {strides = array<i32>} : memref<32x1024xf32, #tpu.memory_space<vmem>>, vector<1x16xf32>,
    }
    %scan3A_25 = arith.constant 64 : i32
    %scan3A_26 = arith.constant 0 : i32
    %scan3A_27 = arith.constant 0 : i32
    %scan3A_28 = arith.constant 64 : i32
    %scan3A_29 = arith.addi %scan3A_27, %scan3A_28 : i32
    %scan3A_30 = arith.constant 1 : i32
    scf.for %scan3A_412 = %scan3A_27 to %scan3A_29 step %scan3A_30  : i32 {
      %mul3A_413 = arith.constant 16 : i32
      %mul3A_414 = arith.muli %scan3A_412, %mul3A_413 : i32
      %get3A = arith.constant 2 : i32
      %get3A_415 = arith.index_cast %get3A : i32 to index
      %get3A_416 = arith.index_cast %mul3A_414 : i32 to index
      %get3A_417 = tpu.vector_load %arg6[%get3A_415, %get3A_416] {strides = array<i32>} : memref<32x1024xf32, #tpu.memory_space<vmem>>, vector<1x16xf32>,
      %get3A_418 = vector.shape_cast %get3A_417 : vector<1x16xf32> to vector<16xf32>
      %get3A_419 = arith.constant 2 : i32
      %get3A_420 = arith.index_cast %get3A_419 : i32 to index
      %get3A_421 = arith.index_cast %mul3A_414 : i32 to index
      %get3A_422 = tpu.vector_load %arg7[%get3A_420, %get3A_421] {strides = array<i32>} : memref<32x1024xf32, #tpu.memory_space<vmem>>, vector<1x16xf32>,
      %get3A_423 = vector.shape_cast %get3A_422 : vector<1x16xf32> to vector<16xf32>
      %add3A_424 = arith.addf %get3A_418, %get3A_423 : vector<16xf32>
      %swap3A = arith.constant 2 : i32
      %swap3A_425 = arith.index_cast %swap3A : i32 to index
      %swap3A_426 = arith.index_cast %mul3A_414 : i32 to index
      %swap3A_427 = tpu.vector_load %arg6[%swap3A_425, %swap3A_426] {strides = array<i32>} : memref<32x1024xf32, #tpu.memory_space<vmem>>, vector<1x16xf32>,
      %swap3A_428 = vector.shape_cast %swap3A_427 : vector<1x16xf32> to vector<16xf32>
      %swap3A_429 = vector.shape_cast %add3A_424 : vector<16xf32> to vector<1x16xf32>
      tpu.vector_store %arg6[%swap3A_425, %swap3A_426], %swap3A_429 {strides = array<i32>} : memref<32x1024xf32, #tpu.memory_space<vmem>>, vector<1x16xf32>,
    }
    %scan3A_31 = arith.constant 64 : i32
    %scan3A_32 = arith.constant 0 : i32
    %scan3A_33 = arith.constant 0 : i32
    %scan3A_34 = arith.constant 64 : i32
    %scan3A_35 = arith.addi %scan3A_33, %scan3A_34 : i32
    %scan3A_36 = arith.constant 1 : i32
    scf.for %scan3A_412 = %scan3A_33 to %scan3A_35 step %scan3A_36  : i32 {
      %mul3A_413 = arith.constant 16 : i32
      %mul3A_414 = arith.muli %scan3A_412, %mul3A_413 : i32
      %get3A = arith.constant 3 : i32
      %get3A_415 = arith.index_cast %get3A : i32 to index
      %get3A_416 = arith.index_cast %mul3A_414 : i32 to index
      %get3A_417 = tpu.vector_load %arg6[%get3A_415, %get3A_416] {strides = array<i32>} : memref<32x1024xf32, #tpu.memory_space<vmem>>, vector<1x16xf32>,
      %get3A_418 = vector.shape_cast %get3A_417 : vector<1x16xf32> to vector<16xf32>
      %get3A_419 = arith.constant 3 : i32
      %get3A_420 = arith.index_cast %get3A_419 : i32 to index
      %get3A_421 = arith.index_cast %mul3A_414 : i32 to index
      %get3A_422 = tpu.vector_load %arg7[%get3A_420, %get3A_421] {strides = array<i32>} : memref<32x1024xf32, #tpu.memory_space<vmem>>, vector<1x16xf32>,
      %get3A_423 = vector.shape_cast %get3A_422 : vector<1x16xf32> to vector<16xf32>
      %add3A_424 = arith.addf %get3A_418, %get3A_423 : vector<16xf32>
      %swap3A = arith.constant 3 : i32
      %swap3A_425 = arith.index_cast %swap3A : i32 to index
      %swap3A_426 = arith.index_cast %mul3A_414 : i32 to index
      %swap3A_427 = tpu.vector_load %arg6[%swap3A_425, %swap3A_426] {strides = array<i32>} : memref<32x1024xf32, #tpu.memory_space<vmem>>, vector<1x16xf32>,
      %swap3A_428 = vector.shape_cast %swap3A_427 : vector<1x16xf32> to vector<16xf32>
      %swap3A_429 = vector.shape_cast %add3A_424 : vector<16xf32> to vector<1x16xf32>
      tpu.vector_store %arg6[%swap3A_425, %swap3A_426], %swap3A_429 {strides = array<i32>} : memref<32x1024xf32, #tpu.memory_space<vmem>>, vector<1x16xf32>,
    }
    %scan3A_37 = arith.constant 64 : i32
    %scan3A_38 = arith.constant 0 : i32
    %scan3A_39 = arith.constant 0 : i32
    %scan3A_40 = arith.constant 64 : i32
    %scan3A_41 = arith.addi %scan3A_39, %scan3A_40 : i32
    %scan3A_42 = arith.constant 1 : i32
    scf.for %scan3A_412 = %scan3A_39 to %scan3A_41 step %scan3A_42  : i32 {
      %mul3A_413 = arith.constant 16 : i32
      %mul3A_414 = arith.muli %scan3A_412, %mul3A_413 : i32
      %get3A = arith.constant 4 : i32
      %get3A_415 = arith.index_cast %get3A : i32 to index
      %get3A_416 = arith.index_cast %mul3A_414 : i32 to index
      %get3A_417 = tpu.vector_load %arg6[%get3A_415, %get3A_416] {strides = array<i32>} : memref<32x1024xf32, #tpu.memory_space<vmem>>, vector<1x16xf32>,
      %get3A_418 = vector.shape_cast %get3A_417 : vector<1x16xf32> to vector<16xf32>
      %get3A_419 = arith.constant 4 : i32
      %get3A_420 = arith.index_cast %get3A_419 : i32 to index
      %get3A_421 = arith.index_cast %mul3A_414 : i32 to index
      %get3A_422 = tpu.vector_load %arg7[%get3A_420, %get3A_421] {strides = array<i32>} : memref<32x1024xf32, #tpu.memory_space<vmem>>, vector<1x16xf32>,
      %get3A_423 = vector.shape_cast %get3A_422 : vector<1x16xf32> to vector<16xf32>
      %add3A_424 = arith.addf %get3A_418, %get3A_423 : vector<16xf32>
      %swap3A = arith.constant 4 : i32
      %swap3A_425 = arith.index_cast %swap3A : i32 to index
      %swap3A_426 = arith.index_cast %mul3A_414 : i32 to index
      %swap3A_427 = tpu.vector_load %arg6[%swap3A_425, %swap3A_426] {strides = array<i32>} : memref<32x1024xf32, #tpu.memory_space<vmem>>, vector<1x16xf32>,
      %swap3A_428 = vector.shape_cast %swap3A_427 : vector<1x16xf32> to vector<16xf32>
      %swap3A_429 = vector.shape_cast %add3A_424 : vector<16xf32> to vector<1x16xf32>
      tpu.vector_store %arg6[%swap3A_425, %swap3A_426], %swap3A_429 {strides = array<i32>} : memref<32x1024xf32, #tpu.memory_space<vmem>>, vector<1x16xf32>,
    }
    %scan3A_43 = arith.constant 64 : i32
    %scan3A_44 = arith.constant 0 : i32
    %scan3A_45 = arith.constant 0 : i32
    %scan3A_46 = arith.constant 64 : i32
    %scan3A_47 = arith.addi %scan3A_45, %scan3A_46 : i32
    %scan3A_48 = arith.constant 1 : i32
    scf.for %scan3A_412 = %scan3A_45 to %scan3A_47 step %scan3A_48  : i32 {
      %mul3A_413 = arith.constant 16 : i32
      %mul3A_414 = arith.muli %scan3A_412, %mul3A_413 : i32
      %get3A = arith.constant 5 : i32
      %get3A_415 = arith.index_cast %get3A : i32 to index
      %get3A_416 = arith.index_cast %mul3A_414 : i32 to index
      %get3A_417 = tpu.vector_load %arg6[%get3A_415, %get3A_416] {strides = array<i32>} : memref<32x1024xf32, #tpu.memory_space<vmem>>, vector<1x16xf32>,
      %get3A_418 = vector.shape_cast %get3A_417 : vector<1x16xf32> to vector<16xf32>
      %get3A_419 = arith.constant 5 : i32
      %get3A_420 = arith.index_cast %get3A_419 : i32 to index
      %get3A_421 = arith.index_cast %mul3A_414 : i32 to index
      %get3A_422 = tpu.vector_load %arg7[%get3A_420, %get3A_421] {strides = array<i32>} : memref<32x1024xf32, #tpu.memory_space<vmem>>, vector<1x16xf32>,
      %get3A_423 = vector.shape_cast %get3A_422 : vector<1x16xf32> to vector<16xf32>
      %add3A_424 = arith.addf %get3A_418, %get3A_423 : vector<16xf32>
      %swap3A = arith.constant 5 : i32
      %swap3A_425 = arith.index_cast %swap3A : i32 to index
      %swap3A_426 = arith.index_cast %mul3A_414 : i32 to index
      %swap3A_427 = tpu.vector_load %arg6[%swap3A_425, %swap3A_426] {strides = array<i32>} : memref<32x1024xf32, #tpu.memory_space<vmem>>, vector<1x16xf32>,
      %swap3A_428 = vector.shape_cast %swap3A_427 : vector<1x16xf32> to vector<16xf32>
      %swap3A_429 = vector.shape_cast %add3A_424 : vector<16xf32> to vector<1x16xf32>
      tpu.vector_store %arg6[%swap3A_425, %swap3A_426], %swap3A_429 {strides = array<i32>} : memref<32x1024xf32, #tpu.memory_space<vmem>>, vector<1x16xf32>,
    }
    %scan3A_49 = arith.constant 64 : i32
    %scan3A_50 = arith.constant 0 : i32
    %scan3A_51 = arith.constant 0 : i32
    %scan3A_52 = arith.constant 64 : i32
    %scan3A_53 = arith.addi %scan3A_51, %scan3A_52 : i32
    %scan3A_54 = arith.constant 1 : i32
    scf.for %scan3A_412 = %scan3A_51 to %scan3A_53 step %scan3A_54  : i32 {
      %mul3A_413 = arith.constant 16 : i32
      %mul3A_414 = arith.muli %scan3A_412, %mul3A_413 : i32
      %get3A = arith.constant 6 : i32
      %get3A_415 = arith.index_cast %get3A : i32 to index
      %get3A_416 = arith.index_cast %mul3A_414 : i32 to index
      %get3A_417 = tpu.vector_load %arg6[%get3A_415, %get3A_416] {strides = array<i32>} : memref<32x1024xf32, #tpu.memory_space<vmem>>, vector<1x16xf32>,
      %get3A_418 = vector.shape_cast %get3A_417 : vector<1x16xf32> to vector<16xf32>
      %get3A_419 = arith.constant 6 : i32
      %get3A_420 = arith.index_cast %get3A_419 : i32 to index
      %get3A_421 = arith.index_cast %mul3A_414 : i32 to index
      %get3A_422 = tpu.vector_load %arg7[%get3A_420, %get3A_421] {strides = array<i32>} : memref<32x1024xf32, #tpu.memory_space<vmem>>, vector<1x16xf32>,
      %get3A_423 = vector.shape_cast %get3A_422 : vector<1x16xf32> to vector<16xf32>
      %add3A_424 = arith.addf %get3A_418, %get3A_423 : vector<16xf32>
      %swap3A = arith.constant 6 : i32
      %swap3A_425 = arith.index_cast %swap3A : i32 to index
      %swap3A_426 = arith.index_cast %mul3A_414 : i32 to index
      %swap3A_427 = tpu.vector_load %arg6[%swap3A_425, %swap3A_426] {strides = array<i32>} : memref<32x1024xf32, #tpu.memory_space<vmem>>, vector<1x16xf32>,
      %swap3A_428 = vector.shape_cast %swap3A_427 : vector<1x16xf32> to vector<16xf32>
      %swap3A_429 = vector.shape_cast %add3A_424 : vector<16xf32> to vector<1x16xf32>
      tpu.vector_store %arg6[%swap3A_425, %swap3A_426], %swap3A_429 {strides = array<i32>} : memref<32x1024xf32, #tpu.memory_space<vmem>>, vector<1x16xf32>,
    }
    %scan3A_55 = arith.constant 64 : i32
    %scan3A_56 = arith.constant 0 : i32
    %scan3A_57 = arith.constant 0 : i32
    %scan3A_58 = arith.constant 64 : i32
    %scan3A_59 = arith.addi %scan3A_57, %scan3A_58 : i32
    %scan3A_60 = arith.constant 1 : i32
    scf.for %scan3A_412 = %scan3A_57 to %scan3A_59 step %scan3A_60  : i32 {
      %mul3A_413 = arith.constant 16 : i32
      %mul3A_414 = arith.muli %scan3A_412, %mul3A_413 : i32
      %get3A = arith.constant 7 : i32
      %get3A_415 = arith.index_cast %get3A : i32 to index
      %get3A_416 = arith.index_cast %mul3A_414 : i32 to index
      %get3A_417 = tpu.vector_load %arg6[%get3A_415, %get3A_416] {strides = array<i32>} : memref<32x1024xf32, #tpu.memory_space<vmem>>, vector<1x16xf32>,
      %get3A_418 = vector.shape_cast %get3A_417 : vector<1x16xf32> to vector<16xf32>
      %get3A_419 = arith.constant 7 : i32
      %get3A_420 = arith.index_cast %get3A_419 : i32 to index
      %get3A_421 = arith.index_cast %mul3A_414 : i32 to index
      %get3A_422 = tpu.vector_load %arg7[%get3A_420, %get3A_421] {strides = array<i32>} : memref<32x1024xf32, #tpu.memory_space<vmem>>, vector<1x16xf32>,
      %get3A_423 = vector.shape_cast %get3A_422 : vector<1x16xf32> to vector<16xf32>
      %add3A_424 = arith.addf %get3A_418, %get3A_423 : vector<16xf32>
      %swap3A = arith.constant 7 : i32
      %swap3A_425 = arith.index_cast %swap3A : i32 to index
      %swap3A_426 = arith.index_cast %mul3A_414 : i32 to index
      %swap3A_427 = tpu.vector_load %arg6[%swap3A_425, %swap3A_426] {strides = array<i32>} : memref<32x1024xf32, #tpu.memory_space<vmem>>, vector<1x16xf32>,
      %swap3A_428 = vector.shape_cast %swap3A_427 : vector<1x16xf32> to vector<16xf32>
      %swap3A_429 = vector.shape_cast %add3A_424 : vector<16xf32> to vector<1x16xf32>
      tpu.vector_store %arg6[%swap3A_425, %swap3A_426], %swap3A_429 {strides = array<i32>} : memref<32x1024xf32, #tpu.memory_space<vmem>>, vector<1x16xf32>,
    }
    %scan3A_61 = arith.constant 64 : i32
    %scan3A_62 = arith.constant 0 : i32
    %scan3A_63 = arith.constant 0 : i32
    %scan3A_64 = arith.constant 64 : i32
    %scan3A_65 = arith.addi %scan3A_63, %scan3A_64 : i32
    %scan3A_66 = arith.constant 1 : i32
    scf.for %scan3A_412 = %scan3A_63 to %scan3A_65 step %scan3A_66  : i32 {
      %mul3A_413 = arith.constant 16 : i32
      %mul3A_414 = arith.muli %scan3A_412, %mul3A_413 : i32
      %get3A = arith.constant 8 : i32
      %get3A_415 = arith.index_cast %get3A : i32 to index
      %get3A_416 = arith.index_cast %mul3A_414 : i32 to index
      %get3A_417 = tpu.vector_load %arg6[%get3A_415, %get3A_416] {strides = array<i32>} : memref<32x1024xf32, #tpu.memory_space<vmem>>, vector<1x16xf32>,
      %get3A_418 = vector.shape_cast %get3A_417 : vector<1x16xf32> to vector<16xf32>
      %get3A_419 = arith.constant 8 : i32
      %get3A_420 = arith.index_cast %get3A_419 : i32 to index
      %get3A_421 = arith.index_cast %mul3A_414 : i32 to index
      %get3A_422 = tpu.vector_load %arg7[%get3A_420, %get3A_421] {strides = array<i32>} : memref<32x1024xf32, #tpu.memory_space<vmem>>, vector<1x16xf32>,
      %get3A_423 = vector.shape_cast %get3A_422 : vector<1x16xf32> to vector<16xf32>
      %add3A_424 = arith.addf %get3A_418, %get3A_423 : vector<16xf32>
      %swap3A = arith.constant 8 : i32
      %swap3A_425 = arith.index_cast %swap3A : i32 to index
      %swap3A_426 = arith.index_cast %mul3A_414 : i32 to index
      %swap3A_427 = tpu.vector_load %arg6[%swap3A_425, %swap3A_426] {strides = array<i32>} : memref<32x1024xf32, #tpu.memory_space<vmem>>, vector<1x16xf32>,
      %swap3A_428 = vector.shape_cast %swap3A_427 : vector<1x16xf32> to vector<16xf32>
      %swap3A_429 = vector.shape_cast %add3A_424 : vector<16xf32> to vector<1x16xf32>
      tpu.vector_store %arg6[%swap3A_425, %swap3A_426], %swap3A_429 {strides = array<i32>} : memref<32x1024xf32, #tpu.memory_space<vmem>>, vector<1x16xf32>,
    }
    %scan3A_67 = arith.constant 64 : i32
    %scan3A_68 = arith.constant 0 : i32
    %scan3A_69 = arith.constant 0 : i32
    %scan3A_70 = arith.constant 64 : i32
    %scan3A_71 = arith.addi %scan3A_69, %scan3A_70 : i32
    %scan3A_72 = arith.constant 1 : i32
    scf.for %scan3A_412 = %scan3A_69 to %scan3A_71 step %scan3A_72  : i32 {
      %mul3A_413 = arith.constant 16 : i32
      %mul3A_414 = arith.muli %scan3A_412, %mul3A_413 : i32
      %get3A = arith.constant 9 : i32
      %get3A_415 = arith.index_cast %get3A : i32 to index
      %get3A_416 = arith.index_cast %mul3A_414 : i32 to index
      %get3A_417 = tpu.vector_load %arg6[%get3A_415, %get3A_416] {strides = array<i32>} : memref<32x1024xf32, #tpu.memory_space<vmem>>, vector<1x16xf32>,
      %get3A_418 = vector.shape_cast %get3A_417 : vector<1x16xf32> to vector<16xf32>
      %get3A_419 = arith.constant 9 : i32
      %get3A_420 = arith.index_cast %get3A_419 : i32 to index
      %get3A_421 = arith.index_cast %mul3A_414 : i32 to index
      %get3A_422 = tpu.vector_load %arg7[%get3A_420, %get3A_421] {strides = array<i32>} : memref<32x1024xf32, #tpu.memory_space<vmem>>, vector<1x16xf32>,
      %get3A_423 = vector.shape_cast %get3A_422 : vector<1x16xf32> to vector<16xf32>
      %add3A_424 = arith.addf %get3A_418, %get3A_423 : vector<16xf32>
      %swap3A = arith.constant 9 : i32
      %swap3A_425 = arith.index_cast %swap3A : i32 to index
      %swap3A_426 = arith.index_cast %mul3A_414 : i32 to index
      %swap3A_427 = tpu.vector_load %arg6[%swap3A_425, %swap3A_426] {strides = array<i32>} : memref<32x1024xf32, #tpu.memory_space<vmem>>, vector<1x16xf32>,
      %swap3A_428 = vector.shape_cast %swap3A_427 : vector<1x16xf32> to vector<16xf32>
      %swap3A_429 = vector.shape_cast %add3A_424 : vector<16xf32> to vector<1x16xf32>
      tpu.vector_store %arg6[%swap3A_425, %swap3A_426], %swap3A_429 {strides = array<i32>} : memref<32x1024xf32, #tpu.memory_space<vmem>>, vector<1x16xf32>,
    }
    %scan3A_73 = arith.constant 64 : i32
    %scan3A_74 = arith.constant 0 : i32
    %scan3A_75 = arith.constant 0 : i32
    %scan3A_76 = arith.constant 64 : i32
    %scan3A_77 = arith.addi %scan3A_75, %scan3A_76 : i32
    %scan3A_78 = arith.constant 1 : i32
    scf.for %scan3A_412 = %scan3A_75 to %scan3A_77 step %scan3A_78  : i32 {
      %mul3A_413 = arith.constant 16 : i32
      %mul3A_414 = arith.muli %scan3A_412, %mul3A_413 : i32
      %get3A = arith.constant 10 : i32
      %get3A_415 = arith.index_cast %get3A : i32 to index
      %get3A_416 = arith.index_cast %mul3A_414 : i32 to index
      %get3A_417 = tpu.vector_load %arg6[%get3A_415, %get3A_416] {strides = array<i32>} : memref<32x1024xf32, #tpu.memory_space<vmem>>, vector<1x16xf32>,
      %get3A_418 = vector.shape_cast %get3A_417 : vector<1x16xf32> to vector<16xf32>
      %get3A_419 = arith.constant 10 : i32
      %get3A_420 = arith.index_cast %get3A_419 : i32 to index
      %get3A_421 = arith.index_cast %mul3A_414 : i32 to index
      %get3A_422 = tpu.vector_load %arg7[%get3A_420, %get3A_421] {strides = array<i32>} : memref<32x1024xf32, #tpu.memory_space<vmem>>, vector<1x16xf32>,
      %get3A_423 = vector.shape_cast %get3A_422 : vector<1x16xf32> to vector<16xf32>
      %add3A_424 = arith.addf %get3A_418, %get3A_423 : vector<16xf32>
      %swap3A = arith.constant 10 : i32
      %swap3A_425 = arith.index_cast %swap3A : i32 to index
      %swap3A_426 = arith.index_cast %mul3A_414 : i32 to index
      %swap3A_427 = tpu.vector_load %arg6[%swap3A_425, %swap3A_426] {strides = array<i32>} : memref<32x1024xf32, #tpu.memory_space<vmem>>, vector<1x16xf32>,
      %swap3A_428 = vector.shape_cast %swap3A_427 : vector<1x16xf32> to vector<16xf32>
      %swap3A_429 = vector.shape_cast %add3A_424 : vector<16xf32> to vector<1x16xf32>
      tpu.vector_store %arg6[%swap3A_425, %swap3A_426], %swap3A_429 {strides = array<i32>} : memref<32x1024xf32, #tpu.memory_space<vmem>>, vector<1x16xf32>,
    }
    %scan3A_79 = arith.constant 64 : i32
    %scan3A_80 = arith.constant 0 : i32
    %scan3A_81 = arith.constant 0 : i32
    %scan3A_82 = arith.constant 64 : i32
    %scan3A_83 = arith.addi %scan3A_81, %scan3A_82 : i32
    %scan3A_84 = arith.constant 1 : i32
    scf.for %scan3A_412 = %scan3A_81 to %scan3A_83 step %scan3A_84  : i32 {
      %mul3A_413 = arith.constant 16 : i32
      %mul3A_414 = arith.muli %scan3A_412, %mul3A_413 : i32
      %get3A = arith.constant 11 : i32
      %get3A_415 = arith.index_cast %get3A : i32 to index
      %get3A_416 = arith.index_cast %mul3A_414 : i32 to index
      %get3A_417 = tpu.vector_load %arg6[%get3A_415, %get3A_416] {strides = array<i32>} : memref<32x1024xf32, #tpu.memory_space<vmem>>, vector<1x16xf32>,
      %get3A_418 = vector.shape_cast %get3A_417 : vector<1x16xf32> to vector<16xf32>
      %get3A_419 = arith.constant 11 : i32
      %get3A_420 = arith.index_cast %get3A_419 : i32 to index
      %get3A_421 = arith.index_cast %mul3A_414 : i32 to index
      %get3A_422 = tpu.vector_load %arg7[%get3A_420, %get3A_421] {strides = array<i32>} : memref<32x1024xf32, #tpu.memory_space<vmem>>, vector<1x16xf32>,
      %get3A_423 = vector.shape_cast %get3A_422 : vector<1x16xf32> to vector<16xf32>
      %add3A_424 = arith.addf %get3A_418, %get3A_423 : vector<16xf32>
      %swap3A = arith.constant 11 : i32
      %swap3A_425 = arith.index_cast %swap3A : i32 to index
      %swap3A_426 = arith.index_cast %mul3A_414 : i32 to index
      %swap3A_427 = tpu.vector_load %arg6[%swap3A_425, %swap3A_426] {strides = array<i32>} : memref<32x1024xf32, #tpu.memory_space<vmem>>, vector<1x16xf32>,
      %swap3A_428 = vector.shape_cast %swap3A_427 : vector<1x16xf32> to vector<16xf32>
      %swap3A_429 = vector.shape_cast %add3A_424 : vector<16xf32> to vector<1x16xf32>
      tpu.vector_store %arg6[%swap3A_425, %swap3A_426], %swap3A_429 {strides = array<i32>} : memref<32x1024xf32, #tpu.memory_space<vmem>>, vector<1x16xf32>,
    }
    %scan3A_85 = arith.constant 64 : i32
    %scan3A_86 = arith.constant 0 : i32
    %scan3A_87 = arith.constant 0 : i32
    %scan3A_88 = arith.constant 64 : i32
    %scan3A_89 = arith.addi %scan3A_87, %scan3A_88 : i32
    %scan3A_90 = arith.constant 1 : i32
    scf.for %scan3A_412 = %scan3A_87 to %scan3A_89 step %scan3A_90  : i32 {
      %mul3A_413 = arith.constant 16 : i32
      %mul3A_414 = arith.muli %scan3A_412, %mul3A_413 : i32
      %get3A = arith.constant 12 : i32
      %get3A_415 = arith.index_cast %get3A : i32 to index
      %get3A_416 = arith.index_cast %mul3A_414 : i32 to index
      %get3A_417 = tpu.vector_load %arg6[%get3A_415, %get3A_416] {strides = array<i32>} : memref<32x1024xf32, #tpu.memory_space<vmem>>, vector<1x16xf32>,
      %get3A_418 = vector.shape_cast %get3A_417 : vector<1x16xf32> to vector<16xf32>
      %get3A_419 = arith.constant 12 : i32
      %get3A_420 = arith.index_cast %get3A_419 : i32 to index
      %get3A_421 = arith.index_cast %mul3A_414 : i32 to index
      %get3A_422 = tpu.vector_load %arg7[%get3A_420, %get3A_421] {strides = array<i32>} : memref<32x1024xf32, #tpu.memory_space<vmem>>, vector<1x16xf32>,
      %get3A_423 = vector.shape_cast %get3A_422 : vector<1x16xf32> to vector<16xf32>
      %add3A_424 = arith.addf %get3A_418, %get3A_423 : vector<16xf32>
      %swap3A = arith.constant 12 : i32
      %swap3A_425 = arith.index_cast %swap3A : i32 to index
      %swap3A_426 = arith.index_cast %mul3A_414 : i32 to index
      %swap3A_427 = tpu.vector_load %arg6[%swap3A_425, %swap3A_426] {strides = array<i32>} : memref<32x1024xf32, #tpu.memory_space<vmem>>, vector<1x16xf32>,
      %swap3A_428 = vector.shape_cast %swap3A_427 : vector<1x16xf32> to vector<16xf32>
      %swap3A_429 = vector.shape_cast %add3A_424 : vector<16xf32> to vector<1x16xf32>
      tpu.vector_store %arg6[%swap3A_425, %swap3A_426], %swap3A_429 {strides = array<i32>} : memref<32x1024xf32, #tpu.memory_space<vmem>>, vector<1x16xf32>,
    }
    %scan3A_91 = arith.constant 64 : i32
    %scan3A_92 = arith.constant 0 : i32
    %scan3A_93 = arith.constant 0 : i32
    %scan3A_94 = arith.constant 64 : i32
    %scan3A_95 = arith.addi %scan3A_93, %scan3A_94 : i32
    %scan3A_96 = arith.constant 1 : i32
    scf.for %scan3A_412 = %scan3A_93 to %scan3A_95 step %scan3A_96  : i32 {
      %mul3A_413 = arith.constant 16 : i32
      %mul3A_414 = arith.muli %scan3A_412, %mul3A_413 : i32
      %get3A = arith.constant 13 : i32
      %get3A_415 = arith.index_cast %get3A : i32 to index
      %get3A_416 = arith.index_cast %mul3A_414 : i32 to index
      %get3A_417 = tpu.vector_load %arg6[%get3A_415, %get3A_416] {strides = array<i32>} : memref<32x1024xf32, #tpu.memory_space<vmem>>, vector<1x16xf32>,
      %get3A_418 = vector.shape_cast %get3A_417 : vector<1x16xf32> to vector<16xf32>
      %get3A_419 = arith.constant 13 : i32
      %get3A_420 = arith.index_cast %get3A_419 : i32 to index
      %get3A_421 = arith.index_cast %mul3A_414 : i32 to index
      %get3A_422 = tpu.vector_load %arg7[%get3A_420, %get3A_421] {strides = array<i32>} : memref<32x1024xf32, #tpu.memory_space<vmem>>, vector<1x16xf32>,
      %get3A_423 = vector.shape_cast %get3A_422 : vector<1x16xf32> to vector<16xf32>
      %add3A_424 = arith.addf %get3A_418, %get3A_423 : vector<16xf32>
      %swap3A = arith.constant 13 : i32
      %swap3A_425 = arith.index_cast %swap3A : i32 to index
      %swap3A_426 = arith.index_cast %mul3A_414 : i32 to index
      %swap3A_427 = tpu.vector_load %arg6[%swap3A_425, %swap3A_426] {strides = array<i32>} : memref<32x1024xf32, #tpu.memory_space<vmem>>, vector<1x16xf32>,
      %swap3A_428 = vector.shape_cast %swap3A_427 : vector<1x16xf32> to vector<16xf32>
      %swap3A_429 = vector.shape_cast %add3A_424 : vector<16xf32> to vector<1x16xf32>
      tpu.vector_store %arg6[%swap3A_425, %swap3A_426], %swap3A_429 {strides = array<i32>} : memref<32x1024xf32, #tpu.memory_space<vmem>>, vector<1x16xf32>,
    }
    %scan3A_97 = arith.constant 64 : i32
    %scan3A_98 = arith.constant 0 : i32
    %scan3A_99 = arith.constant 0 : i32
    %scan3A_100 = arith.constant 64 : i32
    %scan3A_101 = arith.addi %scan3A_99, %scan3A_100 : i32
    %scan3A_102 = arith.constant 1 : i32
    scf.for %scan3A_412 = %scan3A_99 to %scan3A_101 step %scan3A_102  : i32 {
      %mul3A_413 = arith.constant 16 : i32
      %mul3A_414 = arith.muli %scan3A_412, %mul3A_413 : i32
      %get3A = arith.constant 14 : i32
      %get3A_415 = arith.index_cast %get3A : i32 to index
      %get3A_416 = arith.index_cast %mul3A_414 : i32 to index
      %get3A_417 = tpu.vector_load %arg6[%get3A_415, %get3A_416] {strides = array<i32>} : memref<32x1024xf32, #tpu.memory_space<vmem>>, vector<1x16xf32>,
      %get3A_418 = vector.shape_cast %get3A_417 : vector<1x16xf32> to vector<16xf32>
      %get3A_419 = arith.constant 14 : i32
      %get3A_420 = arith.index_cast %get3A_419 : i32 to index
      %get3A_421 = arith.index_cast %mul3A_414 : i32 to index
      %get3A_422 = tpu.vector_load %arg7[%get3A_420, %get3A_421] {strides = array<i32>} : memref<32x1024xf32, #tpu.memory_space<vmem>>, vector<1x16xf32>,
      %get3A_423 = vector.shape_cast %get3A_422 : vector<1x16xf32> to vector<16xf32>
      %add3A_424 = arith.addf %get3A_418, %get3A_423 : vector<16xf32>
      %swap3A = arith.constant 14 : i32
      %swap3A_425 = arith.index_cast %swap3A : i32 to index
      %swap3A_426 = arith.index_cast %mul3A_414 : i32 to index
      %swap3A_427 = tpu.vector_load %arg6[%swap3A_425, %swap3A_426] {strides = array<i32>} : memref<32x1024xf32, #tpu.memory_space<vmem>>, vector<1x16xf32>,
      %swap3A_428 = vector.shape_cast %swap3A_427 : vector<1x16xf32> to vector<16xf32>
      %swap3A_429 = vector.shape_cast %add3A_424 : vector<16xf32> to vector<1x16xf32>
      tpu.vector_store %arg6[%swap3A_425, %swap3A_426], %swap3A_429 {strides = array<i32>} : memref<32x1024xf32, #tpu.memory_space<vmem>>, vector<1x16xf32>,
    }
    %scan3A_103 = arith.constant 64 : i32
    %scan3A_104 = arith.constant 0 : i32
    %scan3A_105 = arith.constant 0 : i32
    %scan3A_106 = arith.constant 64 : i32
    %scan3A_107 = arith.addi %scan3A_105, %scan3A_106 : i32
    %scan3A_108 = arith.constant 1 : i32
    scf.for %scan3A_412 = %scan3A_105 to %scan3A_107 step %scan3A_108  : i32 {
      %mul3A_413 = arith.constant 16 : i32
      %mul3A_414 = arith.muli %scan3A_412, %mul3A_413 : i32
      %get3A = arith.constant 15 : i32
      %get3A_415 = arith.index_cast %get3A : i32 to index
      %get3A_416 = arith.index_cast %mul3A_414 : i32 to index
      %get3A_417 = tpu.vector_load %arg6[%get3A_415, %get3A_416] {strides = array<i32>} : memref<32x1024xf32, #tpu.memory_space<vmem>>, vector<1x16xf32>,
      %get3A_418 = vector.shape_cast %get3A_417 : vector<1x16xf32> to vector<16xf32>
      %get3A_419 = arith.constant 15 : i32
      %get3A_420 = arith.index_cast %get3A_419 : i32 to index
      %get3A_421 = arith.index_cast %mul3A_414 : i32 to index
      %get3A_422 = tpu.vector_load %arg7[%get3A_420, %get3A_421] {strides = array<i32>} : memref<32x1024xf32, #tpu.memory_space<vmem>>, vector<1x16xf32>,
      %get3A_423 = vector.shape_cast %get3A_422 : vector<1x16xf32> to vector<16xf32>
      %add3A_424 = arith.addf %get3A_418, %get3A_423 : vector<16xf32>
      %swap3A = arith.constant 15 : i32
      %swap3A_425 = arith.index_cast %swap3A : i32 to index
      %swap3A_426 = arith.index_cast %mul3A_414 : i32 to index
      %swap3A_427 = tpu.vector_load %arg6[%swap3A_425, %swap3A_426] {strides = array<i32>} : memref<32x1024xf32, #tpu.memory_space<vmem>>, vector<1x16xf32>,
      %swap3A_428 = vector.shape_cast %swap3A_427 : vector<1x16xf32> to vector<16xf32>
      %swap3A_429 = vector.shape_cast %add3A_424 : vector<16xf32> to vector<1x16xf32>
      tpu.vector_store %arg6[%swap3A_425, %swap3A_426], %swap3A_429 {strides = array<i32>} : memref<32x1024xf32, #tpu.memory_space<vmem>>, vector<1x16xf32>,
    }
    %scan3A_109 = arith.constant 64 : i32
    %scan3A_110 = arith.constant 0 : i32
    %scan3A_111 = arith.constant 0 : i32
    %scan3A_112 = arith.constant 64 : i32
    %scan3A_113 = arith.addi %scan3A_111, %scan3A_112 : i32
    %scan3A_114 = arith.constant 1 : i32
    scf.for %scan3A_412 = %scan3A_111 to %scan3A_113 step %scan3A_114  : i32 {
      %mul3A_413 = arith.constant 16 : i32
      %mul3A_414 = arith.muli %scan3A_412, %mul3A_413 : i32
      %get3A = arith.constant 16 : i32
      %get3A_415 = arith.index_cast %get3A : i32 to index
      %get3A_416 = arith.index_cast %mul3A_414 : i32 to index
      %get3A_417 = tpu.vector_load %arg6[%get3A_415, %get3A_416] {strides = array<i32>} : memref<32x1024xf32, #tpu.memory_space<vmem>>, vector<1x16xf32>,
      %get3A_418 = vector.shape_cast %get3A_417 : vector<1x16xf32> to vector<16xf32>
      %get3A_419 = arith.constant 16 : i32
      %get3A_420 = arith.index_cast %get3A_419 : i32 to index
      %get3A_421 = arith.index_cast %mul3A_414 : i32 to index
      %get3A_422 = tpu.vector_load %arg7[%get3A_420, %get3A_421] {strides = array<i32>} : memref<32x1024xf32, #tpu.memory_space<vmem>>, vector<1x16xf32>,
      %get3A_423 = vector.shape_cast %get3A_422 : vector<1x16xf32> to vector<16xf32>
      %add3A_424 = arith.addf %get3A_418, %get3A_423 : vector<16xf32>
      %swap3A = arith.constant 16 : i32
      %swap3A_425 = arith.index_cast %swap3A : i32 to index
      %swap3A_426 = arith.index_cast %mul3A_414 : i32 to index
      %swap3A_427 = tpu.vector_load %arg6[%swap3A_425, %swap3A_426] {strides = array<i32>} : memref<32x1024xf32, #tpu.memory_space<vmem>>, vector<1x16xf32>,
      %swap3A_428 = vector.shape_cast %swap3A_427 : vector<1x16xf32> to vector<16xf32>
      %swap3A_429 = vector.shape_cast %add3A_424 : vector<16xf32> to vector<1x16xf32>
      tpu.vector_store %arg6[%swap3A_425, %swap3A_426], %swap3A_429 {strides = array<i32>} : memref<32x1024xf32, #tpu.memory_space<vmem>>, vector<1x16xf32>,
    }
    %scan3A_115 = arith.constant 64 : i32
    %scan3A_116 = arith.constant 0 : i32
    %scan3A_117 = arith.constant 0 : i32
    %scan3A_118 = arith.constant 64 : i32
    %scan3A_119 = arith.addi %scan3A_117, %scan3A_118 : i32
    %scan3A_120 = arith.constant 1 : i32
    scf.for %scan3A_412 = %scan3A_117 to %scan3A_119 step %scan3A_120  : i32 {
      %mul3A_413 = arith.constant 16 : i32
      %mul3A_414 = arith.muli %scan3A_412, %mul3A_413 : i32
      %get3A = arith.constant 17 : i32
      %get3A_415 = arith.index_cast %get3A : i32 to index
      %get3A_416 = arith.index_cast %mul3A_414 : i32 to index
      %get3A_417 = tpu.vector_load %arg6[%get3A_415, %get3A_416] {strides = array<i32>} : memref<32x1024xf32, #tpu.memory_space<vmem>>, vector<1x16xf32>,
      %get3A_418 = vector.shape_cast %get3A_417 : vector<1x16xf32> to vector<16xf32>
      %get3A_419 = arith.constant 17 : i32
      %get3A_420 = arith.index_cast %get3A_419 : i32 to index
      %get3A_421 = arith.index_cast %mul3A_414 : i32 to index
      %get3A_422 = tpu.vector_load %arg7[%get3A_420, %get3A_421] {strides = array<i32>} : memref<32x1024xf32, #tpu.memory_space<vmem>>, vector<1x16xf32>,
      %get3A_423 = vector.shape_cast %get3A_422 : vector<1x16xf32> to vector<16xf32>
      %add3A_424 = arith.addf %get3A_418, %get3A_423 : vector<16xf32>
      %swap3A = arith.constant 17 : i32
      %swap3A_425 = arith.index_cast %swap3A : i32 to index
      %swap3A_426 = arith.index_cast %mul3A_414 : i32 to index
      %swap3A_427 = tpu.vector_load %arg6[%swap3A_425, %swap3A_426] {strides = array<i32>} : memref<32x1024xf32, #tpu.memory_space<vmem>>, vector<1x16xf32>,
      %swap3A_428 = vector.shape_cast %swap3A_427 : vector<1x16xf32> to vector<16xf32>
      %swap3A_429 = vector.shape_cast %add3A_424 : vector<16xf32> to vector<1x16xf32>
      tpu.vector_store %arg6[%swap3A_425, %swap3A_426], %swap3A_429 {strides = array<i32>} : memref<32x1024xf32, #tpu.memory_space<vmem>>, vector<1x16xf32>,
    }
    %scan3A_121 = arith.constant 64 : i32
    %scan3A_122 = arith.constant 0 : i32
    %scan3A_123 = arith.constant 0 : i32
    %scan3A_124 = arith.constant 64 : i32
    %scan3A_125 = arith.addi %scan3A_123, %scan3A_124 : i32
    %scan3A_126 = arith.constant 1 : i32
    scf.for %scan3A_412 = %scan3A_123 to %scan3A_125 step %scan3A_126  : i32 {
      %mul3A_413 = arith.constant 16 : i32
      %mul3A_414 = arith.muli %scan3A_412, %mul3A_413 : i32
      %get3A = arith.constant 18 : i32
      %get3A_415 = arith.index_cast %get3A : i32 to index
      %get3A_416 = arith.index_cast %mul3A_414 : i32 to index
      %get3A_417 = tpu.vector_load %arg6[%get3A_415, %get3A_416] {strides = array<i32>} : memref<32x1024xf32, #tpu.memory_space<vmem>>, vector<1x16xf32>,
      %get3A_418 = vector.shape_cast %get3A_417 : vector<1x16xf32> to vector<16xf32>
      %get3A_419 = arith.constant 18 : i32
      %get3A_420 = arith.index_cast %get3A_419 : i32 to index
      %get3A_421 = arith.index_cast %mul3A_414 : i32 to index
      %get3A_422 = tpu.vector_load %arg7[%get3A_420, %get3A_421] {strides = array<i32>} : memref<32x1024xf32, #tpu.memory_space<vmem>>, vector<1x16xf32>,
      %get3A_423 = vector.shape_cast %get3A_422 : vector<1x16xf32> to vector<16xf32>
      %add3A_424 = arith.addf %get3A_418, %get3A_423 : vector<16xf32>
      %swap3A = arith.constant 18 : i32
      %swap3A_425 = arith.index_cast %swap3A : i32 to index
      %swap3A_426 = arith.index_cast %mul3A_414 : i32 to index
      %swap3A_427 = tpu.vector_load %arg6[%swap3A_425, %swap3A_426] {strides = array<i32>} : memref<32x1024xf32, #tpu.memory_space<vmem>>, vector<1x16xf32>,
      %swap3A_428 = vector.shape_cast %swap3A_427 : vector<1x16xf32> to vector<16xf32>
      %swap3A_429 = vector.shape_cast %add3A_424 : vector<16xf32> to vector<1x16xf32>
      tpu.vector_store %arg6[%swap3A_425, %swap3A_426], %swap3A_429 {strides = array<i32>} : memref<32x1024xf32, #tpu.memory_space<vmem>>, vector<1x16xf32>,
    }
    %scan3A_127 = arith.constant 64 : i32
    %scan3A_128 = arith.constant 0 : i32
    %scan3A_129 = arith.constant 0 : i32
    %scan3A_130 = arith.constant 64 : i32
    %scan3A_131 = arith.addi %scan3A_129, %scan3A_130 : i32
    %scan3A_132 = arith.constant 1 : i32
    scf.for %scan3A_412 = %scan3A_129 to %scan3A_131 step %scan3A_132  : i32 {
      %mul3A_413 = arith.constant 16 : i32
      %mul3A_414 = arith.muli %scan3A_412, %mul3A_413 : i32
      %get3A = arith.constant 19 : i32
      %get3A_415 = arith.index_cast %get3A : i32 to index
      %get3A_416 = arith.index_cast %mul3A_414 : i32 to index
      %get3A_417 = tpu.vector_load %arg6[%get3A_415, %get3A_416] {strides = array<i32>} : memref<32x1024xf32, #tpu.memory_space<vmem>>, vector<1x16xf32>,
      %get3A_418 = vector.shape_cast %get3A_417 : vector<1x16xf32> to vector<16xf32>
      %get3A_419 = arith.constant 19 : i32
      %get3A_420 = arith.index_cast %get3A_419 : i32 to index
      %get3A_421 = arith.index_cast %mul3A_414 : i32 to index
      %get3A_422 = tpu.vector_load %arg7[%get3A_420, %get3A_421] {strides = array<i32>} : memref<32x1024xf32, #tpu.memory_space<vmem>>, vector<1x16xf32>,
      %get3A_423 = vector.shape_cast %get3A_422 : vector<1x16xf32> to vector<16xf32>
      %add3A_424 = arith.addf %get3A_418, %get3A_423 : vector<16xf32>
      %swap3A = arith.constant 19 : i32
      %swap3A_425 = arith.index_cast %swap3A : i32 to index
      %swap3A_426 = arith.index_cast %mul3A_414 : i32 to index
      %swap3A_427 = tpu.vector_load %arg6[%swap3A_425, %swap3A_426] {strides = array<i32>} : memref<32x1024xf32, #tpu.memory_space<vmem>>, vector<1x16xf32>,
      %swap3A_428 = vector.shape_cast %swap3A_427 : vector<1x16xf32> to vector<16xf32>
      %swap3A_429 = vector.shape_cast %add3A_424 : vector<16xf32> to vector<1x16xf32>
      tpu.vector_store %arg6[%swap3A_425, %swap3A_426], %swap3A_429 {strides = array<i32>} : memref<32x1024xf32, #tpu.memory_space<vmem>>, vector<1x16xf32>,
    }
    %scan3A_133 = arith.constant 64 : i32
    %scan3A_134 = arith.constant 0 : i32
    %scan3A_135 = arith.constant 0 : i32
    %scan3A_136 = arith.constant 64 : i32
    %scan3A_137 = arith.addi %scan3A_135, %scan3A_136 : i32
    %scan3A_138 = arith.constant 1 : i32
    scf.for %scan3A_412 = %scan3A_135 to %scan3A_137 step %scan3A_138  : i32 {
      %mul3A_413 = arith.constant 16 : i32
      %mul3A_414 = arith.muli %scan3A_412, %mul3A_413 : i32
      %get3A = arith.constant 20 : i32
      %get3A_415 = arith.index_cast %get3A : i32 to index
      %get3A_416 = arith.index_cast %mul3A_414 : i32 to index
      %get3A_417 = tpu.vector_load %arg6[%get3A_415, %get3A_416] {strides = array<i32>} : memref<32x1024xf32, #tpu.memory_space<vmem>>, vector<1x16xf32>,
      %get3A_418 = vector.shape_cast %get3A_417 : vector<1x16xf32> to vector<16xf32>
      %get3A_419 = arith.constant 20 : i32
      %get3A_420 = arith.index_cast %get3A_419 : i32 to index
      %get3A_421 = arith.index_cast %mul3A_414 : i32 to index
      %get3A_422 = tpu.vector_load %arg7[%get3A_420, %get3A_421] {strides = array<i32>} : memref<32x1024xf32, #tpu.memory_space<vmem>>, vector<1x16xf32>,
      %get3A_423 = vector.shape_cast %get3A_422 : vector<1x16xf32> to vector<16xf32>
      %add3A_424 = arith.addf %get3A_418, %get3A_423 : vector<16xf32>
      %swap3A = arith.constant 20 : i32
      %swap3A_425 = arith.index_cast %swap3A : i32 to index
      %swap3A_426 = arith.index_cast %mul3A_414 : i32 to index
      %swap3A_427 = tpu.vector_load %arg6[%swap3A_425, %swap3A_426] {strides = array<i32>} : memref<32x1024xf32, #tpu.memory_space<vmem>>, vector<1x16xf32>,
      %swap3A_428 = vector.shape_cast %swap3A_427 : vector<1x16xf32> to vector<16xf32>
      %swap3A_429 = vector.shape_cast %add3A_424 : vector<16xf32> to vector<1x16xf32>
      tpu.vector_store %arg6[%swap3A_425, %swap3A_426], %swap3A_429 {strides = array<i32>} : memref<32x1024xf32, #tpu.memory_space<vmem>>, vector<1x16xf32>,
    }
    %scan3A_139 = arith.constant 64 : i32
    %scan3A_140 = arith.constant 0 : i32
    %scan3A_141 = arith.constant 0 : i32
    %scan3A_142 = arith.constant 64 : i32
    %scan3A_143 = arith.addi %scan3A_141, %scan3A_142 : i32
    %scan3A_144 = arith.constant 1 : i32
    scf.for %scan3A_412 = %scan3A_141 to %scan3A_143 step %scan3A_144  : i32 {
      %mul3A_413 = arith.constant 16 : i32
      %mul3A_414 = arith.muli %scan3A_412, %mul3A_413 : i32
      %get3A = arith.constant 21 : i32
      %get3A_415 = arith.index_cast %get3A : i32 to index
      %get3A_416 = arith.index_cast %mul3A_414 : i32 to index
      %get3A_417 = tpu.vector_load %arg6[%get3A_415, %get3A_416] {strides = array<i32>} : memref<32x1024xf32, #tpu.memory_space<vmem>>, vector<1x16xf32>,
      %get3A_418 = vector.shape_cast %get3A_417 : vector<1x16xf32> to vector<16xf32>
      %get3A_419 = arith.constant 21 : i32
      %get3A_420 = arith.index_cast %get3A_419 : i32 to index
      %get3A_421 = arith.index_cast %mul3A_414 : i32 to index
      %get3A_422 = tpu.vector_load %arg7[%get3A_420, %get3A_421] {strides = array<i32>} : memref<32x1024xf32, #tpu.memory_space<vmem>>, vector<1x16xf32>,
      %get3A_423 = vector.shape_cast %get3A_422 : vector<1x16xf32> to vector<16xf32>
      %add3A_424 = arith.addf %get3A_418, %get3A_423 : vector<16xf32>
      %swap3A = arith.constant 21 : i32
      %swap3A_425 = arith.index_cast %swap3A : i32 to index
      %swap3A_426 = arith.index_cast %mul3A_414 : i32 to index
      %swap3A_427 = tpu.vector_load %arg6[%swap3A_425, %swap3A_426] {strides = array<i32>} : memref<32x1024xf32, #tpu.memory_space<vmem>>, vector<1x16xf32>,
      %swap3A_428 = vector.shape_cast %swap3A_427 : vector<1x16xf32> to vector<16xf32>
      %swap3A_429 = vector.shape_cast %add3A_424 : vector<16xf32> to vector<1x16xf32>
      tpu.vector_store %arg6[%swap3A_425, %swap3A_426], %swap3A_429 {strides = array<i32>} : memref<32x1024xf32, #tpu.memory_space<vmem>>, vector<1x16xf32>,
    }
    %scan3A_145 = arith.constant 64 : i32
    %scan3A_146 = arith.constant 0 : i32
    %scan3A_147 = arith.constant 0 : i32
    %scan3A_148 = arith.constant 64 : i32
    %scan3A_149 = arith.addi %scan3A_147, %scan3A_148 : i32
    %scan3A_150 = arith.constant 1 : i32
    scf.for %scan3A_412 = %scan3A_147 to %scan3A_149 step %scan3A_150  : i32 {
      %mul3A_413 = arith.constant 16 : i32
      %mul3A_414 = arith.muli %scan3A_412, %mul3A_413 : i32
      %get3A = arith.constant 22 : i32
      %get3A_415 = arith.index_cast %get3A : i32 to index
      %get3A_416 = arith.index_cast %mul3A_414 : i32 to index
      %get3A_417 = tpu.vector_load %arg6[%get3A_415, %get3A_416] {strides = array<i32>} : memref<32x1024xf32, #tpu.memory_space<vmem>>, vector<1x16xf32>,
      %get3A_418 = vector.shape_cast %get3A_417 : vector<1x16xf32> to vector<16xf32>
      %get3A_419 = arith.constant 22 : i32
      %get3A_420 = arith.index_cast %get3A_419 : i32 to index
      %get3A_421 = arith.index_cast %mul3A_414 : i32 to index
      %get3A_422 = tpu.vector_load %arg7[%get3A_420, %get3A_421] {strides = array<i32>} : memref<32x1024xf32, #tpu.memory_space<vmem>>, vector<1x16xf32>,
      %get3A_423 = vector.shape_cast %get3A_422 : vector<1x16xf32> to vector<16xf32>
      %add3A_424 = arith.addf %get3A_418, %get3A_423 : vector<16xf32>
      %swap3A = arith.constant 22 : i32
      %swap3A_425 = arith.index_cast %swap3A : i32 to index
      %swap3A_426 = arith.index_cast %mul3A_414 : i32 to index
      %swap3A_427 = tpu.vector_load %arg6[%swap3A_425, %swap3A_426] {strides = array<i32>} : memref<32x1024xf32, #tpu.memory_space<vmem>>, vector<1x16xf32>,
      %swap3A_428 = vector.shape_cast %swap3A_427 : vector<1x16xf32> to vector<16xf32>
      %swap3A_429 = vector.shape_cast %add3A_424 : vector<16xf32> to vector<1x16xf32>
      tpu.vector_store %arg6[%swap3A_425, %swap3A_426], %swap3A_429 {strides = array<i32>} : memref<32x1024xf32, #tpu.memory_space<vmem>>, vector<1x16xf32>,
    }
    %scan3A_151 = arith.constant 64 : i32
    %scan3A_152 = arith.constant 0 : i32
    %scan3A_153 = arith.constant 0 : i32
    %scan3A_154 = arith.constant 64 : i32
    %scan3A_155 = arith.addi %scan3A_153, %scan3A_154 : i32
    %scan3A_156 = arith.constant 1 : i32
    scf.for %scan3A_412 = %scan3A_153 to %scan3A_155 step %scan3A_156  : i32 {
      %mul3A_413 = arith.constant 16 : i32
      %mul3A_414 = arith.muli %scan3A_412, %mul3A_413 : i32
      %get3A = arith.constant 23 : i32
      %get3A_415 = arith.index_cast %get3A : i32 to index
      %get3A_416 = arith.index_cast %mul3A_414 : i32 to index
      %get3A_417 = tpu.vector_load %arg6[%get3A_415, %get3A_416] {strides = array<i32>} : memref<32x1024xf32, #tpu.memory_space<vmem>>, vector<1x16xf32>,
      %get3A_418 = vector.shape_cast %get3A_417 : vector<1x16xf32> to vector<16xf32>
      %get3A_419 = arith.constant 23 : i32
      %get3A_420 = arith.index_cast %get3A_419 : i32 to index
      %get3A_421 = arith.index_cast %mul3A_414 : i32 to index
      %get3A_422 = tpu.vector_load %arg7[%get3A_420, %get3A_421] {strides = array<i32>} : memref<32x1024xf32, #tpu.memory_space<vmem>>, vector<1x16xf32>,
      %get3A_423 = vector.shape_cast %get3A_422 : vector<1x16xf32> to vector<16xf32>
      %add3A_424 = arith.addf %get3A_418, %get3A_423 : vector<16xf32>
      %swap3A = arith.constant 23 : i32
      %swap3A_425 = arith.index_cast %swap3A : i32 to index
      %swap3A_426 = arith.index_cast %mul3A_414 : i32 to index
      %swap3A_427 = tpu.vector_load %arg6[%swap3A_425, %swap3A_426] {strides = array<i32>} : memref<32x1024xf32, #tpu.memory_space<vmem>>, vector<1x16xf32>,
      %swap3A_428 = vector.shape_cast %swap3A_427 : vector<1x16xf32> to vector<16xf32>
      %swap3A_429 = vector.shape_cast %add3A_424 : vector<16xf32> to vector<1x16xf32>
      tpu.vector_store %arg6[%swap3A_425, %swap3A_426], %swap3A_429 {strides = array<i32>} : memref<32x1024xf32, #tpu.memory_space<vmem>>, vector<1x16xf32>,
    }
    %scan3A_157 = arith.constant 64 : i32
    %scan3A_158 = arith.constant 0 : i32
    %scan3A_159 = arith.constant 0 : i32
    %scan3A_160 = arith.constant 64 : i32
    %scan3A_161 = arith.addi %scan3A_159, %scan3A_160 : i32
    %scan3A_162 = arith.constant 1 : i32
    scf.for %scan3A_412 = %scan3A_159 to %scan3A_161 step %scan3A_162  : i32 {
      %mul3A_413 = arith.constant 16 : i32
      %mul3A_414 = arith.muli %scan3A_412, %mul3A_413 : i32
      %get3A = arith.constant 24 : i32
      %get3A_415 = arith.index_cast %get3A : i32 to index
      %get3A_416 = arith.index_cast %mul3A_414 : i32 to index
      %get3A_417 = tpu.vector_load %arg6[%get3A_415, %get3A_416] {strides = array<i32>} : memref<32x1024xf32, #tpu.memory_space<vmem>>, vector<1x16xf32>,
      %get3A_418 = vector.shape_cast %get3A_417 : vector<1x16xf32> to vector<16xf32>
      %get3A_419 = arith.constant 24 : i32
      %get3A_420 = arith.index_cast %get3A_419 : i32 to index
      %get3A_421 = arith.index_cast %mul3A_414 : i32 to index
      %get3A_422 = tpu.vector_load %arg7[%get3A_420, %get3A_421] {strides = array<i32>} : memref<32x1024xf32, #tpu.memory_space<vmem>>, vector<1x16xf32>,
      %get3A_423 = vector.shape_cast %get3A_422 : vector<1x16xf32> to vector<16xf32>
      %add3A_424 = arith.addf %get3A_418, %get3A_423 : vector<16xf32>
      %swap3A = arith.constant 24 : i32
      %swap3A_425 = arith.index_cast %swap3A : i32 to index
      %swap3A_426 = arith.index_cast %mul3A_414 : i32 to index
      %swap3A_427 = tpu.vector_load %arg6[%swap3A_425, %swap3A_426] {strides = array<i32>} : memref<32x1024xf32, #tpu.memory_space<vmem>>, vector<1x16xf32>,
      %swap3A_428 = vector.shape_cast %swap3A_427 : vector<1x16xf32> to vector<16xf32>
      %swap3A_429 = vector.shape_cast %add3A_424 : vector<16xf32> to vector<1x16xf32>
      tpu.vector_store %arg6[%swap3A_425, %swap3A_426], %swap3A_429 {strides = array<i32>} : memref<32x1024xf32, #tpu.memory_space<vmem>>, vector<1x16xf32>,
    }
    %scan3A_163 = arith.constant 64 : i32
    %scan3A_164 = arith.constant 0 : i32
    %scan3A_165 = arith.constant 0 : i32
    %scan3A_166 = arith.constant 64 : i32
    %scan3A_167 = arith.addi %scan3A_165, %scan3A_166 : i32
    %scan3A_168 = arith.constant 1 : i32
    scf.for %scan3A_412 = %scan3A_165 to %scan3A_167 step %scan3A_168  : i32 {
      %mul3A_413 = arith.constant 16 : i32
      %mul3A_414 = arith.muli %scan3A_412, %mul3A_413 : i32
      %get3A = arith.constant 25 : i32
      %get3A_415 = arith.index_cast %get3A : i32 to index
      %get3A_416 = arith.index_cast %mul3A_414 : i32 to index
      %get3A_417 = tpu.vector_load %arg6[%get3A_415, %get3A_416] {strides = array<i32>} : memref<32x1024xf32, #tpu.memory_space<vmem>>, vector<1x16xf32>,
      %get3A_418 = vector.shape_cast %get3A_417 : vector<1x16xf32> to vector<16xf32>
      %get3A_419 = arith.constant 25 : i32
      %get3A_420 = arith.index_cast %get3A_419 : i32 to index
      %get3A_421 = arith.index_cast %mul3A_414 : i32 to index
      %get3A_422 = tpu.vector_load %arg7[%get3A_420, %get3A_421] {strides = array<i32>} : memref<32x1024xf32, #tpu.memory_space<vmem>>, vector<1x16xf32>,
      %get3A_423 = vector.shape_cast %get3A_422 : vector<1x16xf32> to vector<16xf32>
      %add3A_424 = arith.addf %get3A_418, %get3A_423 : vector<16xf32>
      %swap3A = arith.constant 25 : i32
      %swap3A_425 = arith.index_cast %swap3A : i32 to index
      %swap3A_426 = arith.index_cast %mul3A_414 : i32 to index
      %swap3A_427 = tpu.vector_load %arg6[%swap3A_425, %swap3A_426] {strides = array<i32>} : memref<32x1024xf32, #tpu.memory_space<vmem>>, vector<1x16xf32>,
      %swap3A_428 = vector.shape_cast %swap3A_427 : vector<1x16xf32> to vector<16xf32>
      %swap3A_429 = vector.shape_cast %add3A_424 : vector<16xf32> to vector<1x16xf32>
      tpu.vector_store %arg6[%swap3A_425, %swap3A_426], %swap3A_429 {strides = array<i32>} : memref<32x1024xf32, #tpu.memory_space<vmem>>, vector<1x16xf32>,
    }
    %scan3A_169 = arith.constant 64 : i32
    %scan3A_170 = arith.constant 0 : i32
    %scan3A_171 = arith.constant 0 : i32
    %scan3A_172 = arith.constant 64 : i32
    %scan3A_173 = arith.addi %scan3A_171, %scan3A_172 : i32
    %scan3A_174 = arith.constant 1 : i32
    scf.for %scan3A_412 = %scan3A_171 to %scan3A_173 step %scan3A_174  : i32 {
      %mul3A_413 = arith.constant 16 : i32
      %mul3A_414 = arith.muli %scan3A_412, %mul3A_413 : i32
      %get3A = arith.constant 26 : i32
      %get3A_415 = arith.index_cast %get3A : i32 to index
      %get3A_416 = arith.index_cast %mul3A_414 : i32 to index
      %get3A_417 = tpu.vector_load %arg6[%get3A_415, %get3A_416] {strides = array<i32>} : memref<32x1024xf32, #tpu.memory_space<vmem>>, vector<1x16xf32>,
      %get3A_418 = vector.shape_cast %get3A_417 : vector<1x16xf32> to vector<16xf32>
      %get3A_419 = arith.constant 26 : i32
      %get3A_420 = arith.index_cast %get3A_419 : i32 to index
      %get3A_421 = arith.index_cast %mul3A_414 : i32 to index
      %get3A_422 = tpu.vector_load %arg7[%get3A_420, %get3A_421] {strides = array<i32>} : memref<32x1024xf32, #tpu.memory_space<vmem>>, vector<1x16xf32>,
      %get3A_423 = vector.shape_cast %get3A_422 : vector<1x16xf32> to vector<16xf32>
      %add3A_424 = arith.addf %get3A_418, %get3A_423 : vector<16xf32>
      %swap3A = arith.constant 26 : i32
      %swap3A_425 = arith.index_cast %swap3A : i32 to index
      %swap3A_426 = arith.index_cast %mul3A_414 : i32 to index
      %swap3A_427 = tpu.vector_load %arg6[%swap3A_425, %swap3A_426] {strides = array<i32>} : memref<32x1024xf32, #tpu.memory_space<vmem>>, vector<1x16xf32>,
      %swap3A_428 = vector.shape_cast %swap3A_427 : vector<1x16xf32> to vector<16xf32>
      %swap3A_429 = vector.shape_cast %add3A_424 : vector<16xf32> to vector<1x16xf32>
      tpu.vector_store %arg6[%swap3A_425, %swap3A_426], %swap3A_429 {strides = array<i32>} : memref<32x1024xf32, #tpu.memory_space<vmem>>, vector<1x16xf32>,
    }
    %scan3A_175 = arith.constant 64 : i32
    %scan3A_176 = arith.constant 0 : i32
    %scan3A_177 = arith.constant 0 : i32
    %scan3A_178 = arith.constant 64 : i32
    %scan3A_179 = arith.addi %scan3A_177, %scan3A_178 : i32
    %scan3A_180 = arith.constant 1 : i32
    scf.for %scan3A_412 = %scan3A_177 to %scan3A_179 step %scan3A_180  : i32 {
      %mul3A_413 = arith.constant 16 : i32
      %mul3A_414 = arith.muli %scan3A_412, %mul3A_413 : i32
      %get3A = arith.constant 27 : i32
      %get3A_415 = arith.index_cast %get3A : i32 to index
      %get3A_416 = arith.index_cast %mul3A_414 : i32 to index
      %get3A_417 = tpu.vector_load %arg6[%get3A_415, %get3A_416] {strides = array<i32>} : memref<32x1024xf32, #tpu.memory_space<vmem>>, vector<1x16xf32>,
      %get3A_418 = vector.shape_cast %get3A_417 : vector<1x16xf32> to vector<16xf32>
      %get3A_419 = arith.constant 27 : i32
      %get3A_420 = arith.index_cast %get3A_419 : i32 to index
      %get3A_421 = arith.index_cast %mul3A_414 : i32 to index
      %get3A_422 = tpu.vector_load %arg7[%get3A_420, %get3A_421] {strides = array<i32>} : memref<32x1024xf32, #tpu.memory_space<vmem>>, vector<1x16xf32>,
      %get3A_423 = vector.shape_cast %get3A_422 : vector<1x16xf32> to vector<16xf32>
      %add3A_424 = arith.addf %get3A_418, %get3A_423 : vector<16xf32>
      %swap3A = arith.constant 27 : i32
      %swap3A_425 = arith.index_cast %swap3A : i32 to index
      %swap3A_426 = arith.index_cast %mul3A_414 : i32 to index
      %swap3A_427 = tpu.vector_load %arg6[%swap3A_425, %swap3A_426] {strides = array<i32>} : memref<32x1024xf32, #tpu.memory_space<vmem>>, vector<1x16xf32>,
      %swap3A_428 = vector.shape_cast %swap3A_427 : vector<1x16xf32> to vector<16xf32>
      %swap3A_429 = vector.shape_cast %add3A_424 : vector<16xf32> to vector<1x16xf32>
      tpu.vector_store %arg6[%swap3A_425, %swap3A_426], %swap3A_429 {strides = array<i32>} : memref<32x1024xf32, #tpu.memory_space<vmem>>, vector<1x16xf32>,
    }
    %scan3A_181 = arith.constant 64 : i32
    %scan3A_182 = arith.constant 0 : i32
    %scan3A_183 = arith.constant 0 : i32
    %scan3A_184 = arith.constant 64 : i32
    %scan3A_185 = arith.addi %scan3A_183, %scan3A_184 : i32
    %scan3A_186 = arith.constant 1 : i32
    scf.for %scan3A_412 = %scan3A_183 to %scan3A_185 step %scan3A_186  : i32 {
      %mul3A_413 = arith.constant 16 : i32
      %mul3A_414 = arith.muli %scan3A_412, %mul3A_413 : i32
      %get3A = arith.constant 28 : i32
      %get3A_415 = arith.index_cast %get3A : i32 to index
      %get3A_416 = arith.index_cast %mul3A_414 : i32 to index
      %get3A_417 = tpu.vector_load %arg6[%get3A_415, %get3A_416] {strides = array<i32>} : memref<32x1024xf32, #tpu.memory_space<vmem>>, vector<1x16xf32>,
      %get3A_418 = vector.shape_cast %get3A_417 : vector<1x16xf32> to vector<16xf32>
      %get3A_419 = arith.constant 28 : i32
      %get3A_420 = arith.index_cast %get3A_419 : i32 to index
      %get3A_421 = arith.index_cast %mul3A_414 : i32 to index
      %get3A_422 = tpu.vector_load %arg7[%get3A_420, %get3A_421] {strides = array<i32>} : memref<32x1024xf32, #tpu.memory_space<vmem>>, vector<1x16xf32>,
      %get3A_423 = vector.shape_cast %get3A_422 : vector<1x16xf32> to vector<16xf32>
      %add3A_424 = arith.addf %get3A_418, %get3A_423 : vector<16xf32>
      %swap3A = arith.constant 28 : i32
      %swap3A_425 = arith.index_cast %swap3A : i32 to index
      %swap3A_426 = arith.index_cast %mul3A_414 : i32 to index
      %swap3A_427 = tpu.vector_load %arg6[%swap3A_425, %swap3A_426] {strides = array<i32>} : memref<32x1024xf32, #tpu.memory_space<vmem>>, vector<1x16xf32>,
      %swap3A_428 = vector.shape_cast %swap3A_427 : vector<1x16xf32> to vector<16xf32>
      %swap3A_429 = vector.shape_cast %add3A_424 : vector<16xf32> to vector<1x16xf32>
      tpu.vector_store %arg6[%swap3A_425, %swap3A_426], %swap3A_429 {strides = array<i32>} : memref<32x1024xf32, #tpu.memory_space<vmem>>, vector<1x16xf32>,
    }
    %scan3A_187 = arith.constant 64 : i32
    %scan3A_188 = arith.constant 0 : i32
    %scan3A_189 = arith.constant 0 : i32
    %scan3A_190 = arith.constant 64 : i32
    %scan3A_191 = arith.addi %scan3A_189, %scan3A_190 : i32
    %scan3A_192 = arith.constant 1 : i32
    scf.for %scan3A_412 = %scan3A_189 to %scan3A_191 step %scan3A_192  : i32 {
      %mul3A_413 = arith.constant 16 : i32
      %mul3A_414 = arith.muli %scan3A_412, %mul3A_413 : i32
      %get3A = arith.constant 29 : i32
      %get3A_415 = arith.index_cast %get3A : i32 to index
      %get3A_416 = arith.index_cast %mul3A_414 : i32 to index
      %get3A_417 = tpu.vector_load %arg6[%get3A_415, %get3A_416] {strides = array<i32>} : memref<32x1024xf32, #tpu.memory_space<vmem>>, vector<1x16xf32>,
      %get3A_418 = vector.shape_cast %get3A_417 : vector<1x16xf32> to vector<16xf32>
      %get3A_419 = arith.constant 29 : i32
      %get3A_420 = arith.index_cast %get3A_419 : i32 to index
      %get3A_421 = arith.index_cast %mul3A_414 : i32 to index
      %get3A_422 = tpu.vector_load %arg7[%get3A_420, %get3A_421] {strides = array<i32>} : memref<32x1024xf32, #tpu.memory_space<vmem>>, vector<1x16xf32>,
      %get3A_423 = vector.shape_cast %get3A_422 : vector<1x16xf32> to vector<16xf32>
      %add3A_424 = arith.addf %get3A_418, %get3A_423 : vector<16xf32>
      %swap3A = arith.constant 29 : i32
      %swap3A_425 = arith.index_cast %swap3A : i32 to index
      %swap3A_426 = arith.index_cast %mul3A_414 : i32 to index
      %swap3A_427 = tpu.vector_load %arg6[%swap3A_425, %swap3A_426] {strides = array<i32>} : memref<32x1024xf32, #tpu.memory_space<vmem>>, vector<1x16xf32>,
      %swap3A_428 = vector.shape_cast %swap3A_427 : vector<1x16xf32> to vector<16xf32>
      %swap3A_429 = vector.shape_cast %add3A_424 : vector<16xf32> to vector<1x16xf32>
      tpu.vector_store %arg6[%swap3A_425, %swap3A_426], %swap3A_429 {strides = array<i32>} : memref<32x1024xf32, #tpu.memory_space<vmem>>, vector<1x16xf32>,
    }
    %scan3A_193 = arith.constant 64 : i32
    %scan3A_194 = arith.constant 0 : i32
    %scan3A_195 = arith.constant 0 : i32
    %scan3A_196 = arith.constant 64 : i32
    %scan3A_197 = arith.addi %scan3A_195, %scan3A_196 : i32
    %scan3A_198 = arith.constant 1 : i32
    scf.for %scan3A_412 = %scan3A_195 to %scan3A_197 step %scan3A_198  : i32 {
      %mul3A_413 = arith.constant 16 : i32
      %mul3A_414 = arith.muli %scan3A_412, %mul3A_413 : i32
      %get3A = arith.constant 30 : i32
      %get3A_415 = arith.index_cast %get3A : i32 to index
      %get3A_416 = arith.index_cast %mul3A_414 : i32 to index
      %get3A_417 = tpu.vector_load %arg6[%get3A_415, %get3A_416] {strides = array<i32>} : memref<32x1024xf32, #tpu.memory_space<vmem>>, vector<1x16xf32>,
      %get3A_418 = vector.shape_cast %get3A_417 : vector<1x16xf32> to vector<16xf32>
      %get3A_419 = arith.constant 30 : i32
      %get3A_420 = arith.index_cast %get3A_419 : i32 to index
      %get3A_421 = arith.index_cast %mul3A_414 : i32 to index
      %get3A_422 = tpu.vector_load %arg7[%get3A_420, %get3A_421] {strides = array<i32>} : memref<32x1024xf32, #tpu.memory_space<vmem>>, vector<1x16xf32>,
      %get3A_423 = vector.shape_cast %get3A_422 : vector<1x16xf32> to vector<16xf32>
      %add3A_424 = arith.addf %get3A_418, %get3A_423 : vector<16xf32>
      %swap3A = arith.constant 30 : i32
      %swap3A_425 = arith.index_cast %swap3A : i32 to index
      %swap3A_426 = arith.index_cast %mul3A_414 : i32 to index
      %swap3A_427 = tpu.vector_load %arg6[%swap3A_425, %swap3A_426] {strides = array<i32>} : memref<32x1024xf32, #tpu.memory_space<vmem>>, vector<1x16xf32>,
      %swap3A_428 = vector.shape_cast %swap3A_427 : vector<1x16xf32> to vector<16xf32>
      %swap3A_429 = vector.shape_cast %add3A_424 : vector<16xf32> to vector<1x16xf32>
      tpu.vector_store %arg6[%swap3A_425, %swap3A_426], %swap3A_429 {strides = array<i32>} : memref<32x1024xf32, #tpu.memory_space<vmem>>, vector<1x16xf32>,
    }
    %scan3A_199 = arith.constant 64 : i32
    %scan3A_200 = arith.constant 0 : i32
    %scan3A_201 = arith.constant 0 : i32
    %scan3A_202 = arith.constant 64 : i32
    %scan3A_203 = arith.addi %scan3A_201, %scan3A_202 : i32
    %scan3A_204 = arith.constant 1 : i32
    scf.for %scan3A_412 = %scan3A_201 to %scan3A_203 step %scan3A_204  : i32 {
      %mul3A_413 = arith.constant 16 : i32
      %mul3A_414 = arith.muli %scan3A_412, %mul3A_413 : i32
      %get3A = arith.constant 31 : i32
      %get3A_415 = arith.index_cast %get3A : i32 to index
      %get3A_416 = arith.index_cast %mul3A_414 : i32 to index
      %get3A_417 = tpu.vector_load %arg6[%get3A_415, %get3A_416] {strides = array<i32>} : memref<32x1024xf32, #tpu.memory_space<vmem>>, vector<1x16xf32>,
      %get3A_418 = vector.shape_cast %get3A_417 : vector<1x16xf32> to vector<16xf32>
      %get3A_419 = arith.constant 31 : i32
      %get3A_420 = arith.index_cast %get3A_419 : i32 to index
      %get3A_421 = arith.index_cast %mul3A_414 : i32 to index
      %get3A_422 = tpu.vector_load %arg7[%get3A_420, %get3A_421] {strides = array<i32>} : memref<32x1024xf32, #tpu.memory_space<vmem>>, vector<1x16xf32>,
      %get3A_423 = vector.shape_cast %get3A_422 : vector<1x16xf32> to vector<16xf32>
      %add3A_424 = arith.addf %get3A_418, %get3A_423 : vector<16xf32>
      %swap3A = arith.constant 31 : i32
      %swap3A_425 = arith.index_cast %swap3A : i32 to index
      %swap3A_426 = arith.index_cast %mul3A_414 : i32 to index
      %swap3A_427 = tpu.vector_load %arg6[%swap3A_425, %swap3A_426] {strides = array<i32>} : memref<32x1024xf32, #tpu.memory_space<vmem>>, vector<1x16xf32>,
      %swap3A_428 = vector.shape_cast %swap3A_427 : vector<1x16xf32> to vector<16xf32>
      %swap3A_429 = vector.shape_cast %add3A_424 : vector<16xf32> to vector<1x16xf32>
      tpu.vector_store %arg6[%swap3A_425, %swap3A_426], %swap3A_429 {strides = array<i32>} : memref<32x1024xf32, #tpu.memory_space<vmem>>, vector<1x16xf32>,
    }
    %scan3A_205 = arith.constant 64 : i32
    "tpu.region"() ({
      %run_scoped3A = tpu.sem_alloc : memref<!tpu.dma_semaphore, #tpu.memory_space<semaphore_mem>>
      %dma_start3A_412 = arith.constant 0 : i32
      %dma_start3A_413 = tpu.memref_slice %arg5[%add3A_4, %dma_start3A_412] : memref<2048x1024xf32, #tpu.memory_space<hbm>> -> memref<32x1024xf32, #tpu.memory_space<hbm>>
      %dma_start3A_414 = arith.constant 0 : i32
      %dma_start3A_415 = tpu.memref_slice %arg5[%add3A_4, %dma_start3A_414] : memref<2048x1024xf32, #tpu.memory_space<hbm>> -> memref<32x1024xf32, #tpu.memory_space<hbm>>
      tpu.enqueue_dma source(%arg6 : memref<32x1024xf32, #tpu.memory_space<vmem>>) target(%dma_start3A_415 : memref<32x1024xf32, #tpu.memory_space<hbm>>) target_semaphore(%run_scoped3A : memref<!tpu.dma_semaphore, #tpu.memory_space<semaphore_mem>>)
      %dma_wait3A_416 = arith.constant 0 : i32
      %dma_wait3A_417 = tpu.memref_slice %arg5[%add3A_4, %dma_wait3A_416] : memref<2048x1024xf32, #tpu.memory_space<hbm>> -> memref<32x1024xf32, #tpu.memory_space<hbm>>
      %dma_wait3A_418 = arith.constant 0 : i32
      %dma_wait3A_419 = tpu.memref_slice %arg5[%add3A_4, %dma_wait3A_418] : memref<2048x1024xf32, #tpu.memory_space<hbm>> -> memref<32x1024xf32, #tpu.memory_space<hbm>>
      tpu.wait_dma2 semaphore(%run_scoped3A : memref<!tpu.dma_semaphore, #tpu.memory_space<semaphore_mem>>) src(%arg6 : memref<32x1024xf32, #tpu.memory_space<vmem>>) dst(%dma_wait3A_419 : memref<32x1024xf32, #tpu.memory_space<hbm>>)
      tpu.yield
    }) : () -> ()
    %add3A_206 = arith.constant 32 : i32
    %add3A_207 = arith.addi %mul3A_2, %add3A_206 : i32
    "tpu.region"() ({
      %run_scoped3A = tpu.sem_alloc : memref<!tpu.dma_semaphore, #tpu.memory_space<semaphore_mem>>
      %dma_start3A_412 = tpu.memref_slice %arg3[%add3A_207] : memref<2048xi32, #tpu.memory_space<hbm>> -> memref<32xi32, #tpu.memory_space<hbm>>
      %dma_start3A_413 = tpu.memref_slice %arg3[%add3A_207] : memref<2048xi32, #tpu.memory_space<hbm>> -> memref<32xi32, #tpu.memory_space<hbm>>
      tpu.enqueue_dma source(%dma_start3A_413 : memref<32xi32, #tpu.memory_space<hbm>>) target(%arg8 : memref<32xi32, #tpu.memory_space<vmem>>) target_semaphore(%run_scoped3A : memref<!tpu.dma_semaphore, #tpu.memory_space<semaphore_mem>>)
      %dma_wait3A_414 = tpu.memref_slice %arg3[%add3A_207] : memref<2048xi32, #tpu.memory_space<hbm>> -> memref<32xi32, #tpu.memory_space<hbm>>
      %dma_wait3A_415 = tpu.memref_slice %arg3[%add3A_207] : memref<2048xi32, #tpu.memory_space<hbm>> -> memref<32xi32, #tpu.memory_space<hbm>>
      tpu.wait_dma2 semaphore(%run_scoped3A : memref<!tpu.dma_semaphore, #tpu.memory_space<semaphore_mem>>) src(%dma_wait3A_415 : memref<32xi32, #tpu.memory_space<hbm>>) dst(%arg8 : memref<32xi32, #tpu.memory_space<vmem>>)
      tpu.yield
    }) : () -> ()
    "tpu.region"() ({
      %run_scoped3A = tpu.sem_alloc : memref<!tpu.dma_semaphore, #tpu.memory_space<semaphore_mem>>
      %dma_start3A_412 = tpu.memref_slice %arg4[%add3A_207] : memref<2048xi32, #tpu.memory_space<hbm>> -> memref<32xi32, #tpu.memory_space<hbm>>
      %dma_start3A_413 = tpu.memref_slice %arg4[%add3A_207] : memref<2048xi32, #tpu.memory_space<hbm>> -> memref<32xi32, #tpu.memory_space<hbm>>
      tpu.enqueue_dma source(%dma_start3A_413 : memref<32xi32, #tpu.memory_space<hbm>>) target(%arg9 : memref<32xi32, #tpu.memory_space<vmem>>) target_semaphore(%run_scoped3A : memref<!tpu.dma_semaphore, #tpu.memory_space<semaphore_mem>>)
      %dma_wait3A_414 = tpu.memref_slice %arg4[%add3A_207] : memref<2048xi32, #tpu.memory_space<hbm>> -> memref<32xi32, #tpu.memory_space<hbm>>
      %dma_wait3A_415 = tpu.memref_slice %arg4[%add3A_207] : memref<2048xi32, #tpu.memory_space<hbm>> -> memref<32xi32, #tpu.memory_space<hbm>>
      tpu.wait_dma2 semaphore(%run_scoped3A : memref<!tpu.dma_semaphore, #tpu.memory_space<semaphore_mem>>) src(%dma_wait3A_415 : memref<32xi32, #tpu.memory_space<hbm>>) dst(%arg9 : memref<32xi32, #tpu.memory_space<vmem>>)
      tpu.yield
    }) : () -> ()
    %dma_start3A_208 = arith.constant 0 : i32
    %dma_start3A_209 = arith.constant 0 : i32
    %dma_start3A_210 = tpu.memref_slice %arg2[%dma_start3A_208, %dma_start3A_209] : memref<5888x1024xf32, #tpu.memory_space<hbm>> -> memref<5888x1024xf32, #tpu.memory_space<hbm>>
    tpu.enqueue_indirect_dma source(%dma_start3A_210 : memref<5888x1024xf32, #tpu.memory_space<hbm>>) target(%arg6 : memref<32x1024xf32, #tpu.memory_space<vmem>>) offsets(%arg8 : memref<32xi32, #tpu.memory_space<vmem>>) semaphore(%arg10 : memref<!tpu.dma_semaphore, #tpu.memory_space<semaphore_mem>>)
    %dma_start3A_211 = arith.constant 0 : i32
    %dma_start3A_212 = arith.constant 0 : i32
    %dma_start3A_213 = tpu.memref_slice %arg2[%dma_start3A_211, %dma_start3A_212] : memref<5888x1024xf32, #tpu.memory_space<hbm>> -> memref<5888x1024xf32, #tpu.memory_space<hbm>>
    tpu.enqueue_indirect_dma source(%dma_start3A_213 : memref<5888x1024xf32, #tpu.memory_space<hbm>>) target(%arg7 : memref<32x1024xf32, #tpu.memory_space<vmem>>) offsets(%arg9 : memref<32xi32, #tpu.memory_space<vmem>>) semaphore(%arg11 : memref<!tpu.dma_semaphore, #tpu.memory_space<semaphore_mem>>)
    %dma_wait3A_214 = arith.constant 0 : i32
    %dma_wait3A_215 = arith.constant 0 : i32
    %dma_wait3A_216 = tpu.memref_slice %arg2[%dma_wait3A_214, %dma_wait3A_215] : memref<5888x1024xf32, #tpu.memory_space<hbm>> -> memref<5888x1024xf32, #tpu.memory_space<hbm>>
    tpu.wait_indirect_dma semaphore(%arg10 : memref<!tpu.dma_semaphore, #tpu.memory_space<semaphore_mem>>) src(%dma_wait3A_216 : memref<5888x1024xf32, #tpu.memory_space<hbm>>) dst(%arg6 : memref<32x1024xf32, #tpu.memory_space<vmem>>)
    %dma_wait3A_217 = arith.constant 0 : i32
    %dma_wait3A_218 = arith.constant 0 : i32
    %dma_wait3A_219 = tpu.memref_slice %arg2[%dma_wait3A_217, %dma_wait3A_218] : memref<5888x1024xf32, #tpu.memory_space<hbm>> -> memref<5888x1024xf32, #tpu.memory_space<hbm>>
    tpu.wait_indirect_dma semaphore(%arg11 : memref<!tpu.dma_semaphore, #tpu.memory_space<semaphore_mem>>) src(%dma_wait3A_219 : memref<5888x1024xf32, #tpu.memory_space<hbm>>) dst(%arg7 : memref<32x1024xf32, #tpu.memory_space<vmem>>)
    %scan3A_220 = arith.constant 0 : i32
    %scan3A_221 = arith.constant 0 : i32
    %scan3A_222 = arith.constant 64 : i32
    %scan3A_223 = arith.addi %scan3A_221, %scan3A_222 : i32
    %scan3A_224 = arith.constant 1 : i32
    scf.for %scan3A_412 = %scan3A_221 to %scan3A_223 step %scan3A_224  : i32 {
      %mul3A_413 = arith.constant 16 : i32
      %mul3A_414 = arith.muli %scan3A_412, %mul3A_413 : i32
      %get3A = arith.constant 0 : i32
      %get3A_415 = arith.index_cast %get3A : i32 to index
      %get3A_416 = arith.index_cast %mul3A_414 : i32 to index
      %get3A_417 = tpu.vector_load %arg6[%get3A_415, %get3A_416] {strides = array<i32>} : memref<32x1024xf32, #tpu.memory_space<vmem>>, vector<1x16xf32>,
      %get3A_418 = vector.shape_cast %get3A_417 : vector<1x16xf32> to vector<16xf32>
      %get3A_419 = arith.constant 0 : i32
      %get3A_420 = arith.index_cast %get3A_419 : i32 to index
      %get3A_421 = arith.index_cast %mul3A_414 : i32 to index
      %get3A_422 = tpu.vector_load %arg7[%get3A_420, %get3A_421] {strides = array<i32>} : memref<32x1024xf32, #tpu.memory_space<vmem>>, vector<1x16xf32>,
      %get3A_423 = vector.shape_cast %get3A_422 : vector<1x16xf32> to vector<16xf32>
      %add3A_424 = arith.addf %get3A_418, %get3A_423 : vector<16xf32>
      %swap3A = arith.constant 0 : i32
      %swap3A_425 = arith.index_cast %swap3A : i32 to index
      %swap3A_426 = arith.index_cast %mul3A_414 : i32 to index
      %swap3A_427 = tpu.vector_load %arg6[%swap3A_425, %swap3A_426] {strides = array<i32>} : memref<32x1024xf32, #tpu.memory_space<vmem>>, vector<1x16xf32>,
      %swap3A_428 = vector.shape_cast %swap3A_427 : vector<1x16xf32> to vector<16xf32>
      %swap3A_429 = vector.shape_cast %add3A_424 : vector<16xf32> to vector<1x16xf32>
      tpu.vector_store %arg6[%swap3A_425, %swap3A_426], %swap3A_429 {strides = array<i32>} : memref<32x1024xf32, #tpu.memory_space<vmem>>, vector<1x16xf32>,
    }
    %scan3A_225 = arith.constant 64 : i32
    %scan3A_226 = arith.constant 0 : i32
    %scan3A_227 = arith.constant 0 : i32
    %scan3A_228 = arith.constant 64 : i32
    %scan3A_229 = arith.addi %scan3A_227, %scan3A_228 : i32
    %scan3A_230 = arith.constant 1 : i32
    scf.for %scan3A_412 = %scan3A_227 to %scan3A_229 step %scan3A_230  : i32 {
      %mul3A_413 = arith.constant 16 : i32
      %mul3A_414 = arith.muli %scan3A_412, %mul3A_413 : i32
      %get3A = arith.constant 1 : i32
      %get3A_415 = arith.index_cast %get3A : i32 to index
      %get3A_416 = arith.index_cast %mul3A_414 : i32 to index
      %get3A_417 = tpu.vector_load %arg6[%get3A_415, %get3A_416] {strides = array<i32>} : memref<32x1024xf32, #tpu.memory_space<vmem>>, vector<1x16xf32>,
      %get3A_418 = vector.shape_cast %get3A_417 : vector<1x16xf32> to vector<16xf32>
      %get3A_419 = arith.constant 1 : i32
      %get3A_420 = arith.index_cast %get3A_419 : i32 to index
      %get3A_421 = arith.index_cast %mul3A_414 : i32 to index
      %get3A_422 = tpu.vector_load %arg7[%get3A_420, %get3A_421] {strides = array<i32>} : memref<32x1024xf32, #tpu.memory_space<vmem>>, vector<1x16xf32>,
      %get3A_423 = vector.shape_cast %get3A_422 : vector<1x16xf32> to vector<16xf32>
      %add3A_424 = arith.addf %get3A_418, %get3A_423 : vector<16xf32>
      %swap3A = arith.constant 1 : i32
      %swap3A_425 = arith.index_cast %swap3A : i32 to index
      %swap3A_426 = arith.index_cast %mul3A_414 : i32 to index
      %swap3A_427 = tpu.vector_load %arg6[%swap3A_425, %swap3A_426] {strides = array<i32>} : memref<32x1024xf32, #tpu.memory_space<vmem>>, vector<1x16xf32>,
      %swap3A_428 = vector.shape_cast %swap3A_427 : vector<1x16xf32> to vector<16xf32>
      %swap3A_429 = vector.shape_cast %add3A_424 : vector<16xf32> to vector<1x16xf32>
      tpu.vector_store %arg6[%swap3A_425, %swap3A_426], %swap3A_429 {strides = array<i32>} : memref<32x1024xf32, #tpu.memory_space<vmem>>, vector<1x16xf32>,
    }
    %scan3A_231 = arith.constant 64 : i32
    %scan3A_232 = arith.constant 0 : i32
    %scan3A_233 = arith.constant 0 : i32
    %scan3A_234 = arith.constant 64 : i32
    %scan3A_235 = arith.addi %scan3A_233, %scan3A_234 : i32
    %scan3A_236 = arith.constant 1 : i32
    scf.for %scan3A_412 = %scan3A_233 to %scan3A_235 step %scan3A_236  : i32 {
      %mul3A_413 = arith.constant 16 : i32
      %mul3A_414 = arith.muli %scan3A_412, %mul3A_413 : i32
      %get3A = arith.constant 2 : i32
      %get3A_415 = arith.index_cast %get3A : i32 to index
      %get3A_416 = arith.index_cast %mul3A_414 : i32 to index
      %get3A_417 = tpu.vector_load %arg6[%get3A_415, %get3A_416] {strides = array<i32>} : memref<32x1024xf32, #tpu.memory_space<vmem>>, vector<1x16xf32>,
      %get3A_418 = vector.shape_cast %get3A_417 : vector<1x16xf32> to vector<16xf32>
      %get3A_419 = arith.constant 2 : i32
      %get3A_420 = arith.index_cast %get3A_419 : i32 to index
      %get3A_421 = arith.index_cast %mul3A_414 : i32 to index
      %get3A_422 = tpu.vector_load %arg7[%get3A_420, %get3A_421] {strides = array<i32>} : memref<32x1024xf32, #tpu.memory_space<vmem>>, vector<1x16xf32>,
      %get3A_423 = vector.shape_cast %get3A_422 : vector<1x16xf32> to vector<16xf32>
      %add3A_424 = arith.addf %get3A_418, %get3A_423 : vector<16xf32>
      %swap3A = arith.constant 2 : i32
      %swap3A_425 = arith.index_cast %swap3A : i32 to index
      %swap3A_426 = arith.index_cast %mul3A_414 : i32 to index
      %swap3A_427 = tpu.vector_load %arg6[%swap3A_425, %swap3A_426] {strides = array<i32>} : memref<32x1024xf32, #tpu.memory_space<vmem>>, vector<1x16xf32>,
      %swap3A_428 = vector.shape_cast %swap3A_427 : vector<1x16xf32> to vector<16xf32>
      %swap3A_429 = vector.shape_cast %add3A_424 : vector<16xf32> to vector<1x16xf32>
      tpu.vector_store %arg6[%swap3A_425, %swap3A_426], %swap3A_429 {strides = array<i32>} : memref<32x1024xf32, #tpu.memory_space<vmem>>, vector<1x16xf32>,
    }
    %scan3A_237 = arith.constant 64 : i32
    %scan3A_238 = arith.constant 0 : i32
    %scan3A_239 = arith.constant 0 : i32
    %scan3A_240 = arith.constant 64 : i32
    %scan3A_241 = arith.addi %scan3A_239, %scan3A_240 : i32
    %scan3A_242 = arith.constant 1 : i32
    scf.for %scan3A_412 = %scan3A_239 to %scan3A_241 step %scan3A_242  : i32 {
      %mul3A_413 = arith.constant 16 : i32
      %mul3A_414 = arith.muli %scan3A_412, %mul3A_413 : i32
      %get3A = arith.constant 3 : i32
      %get3A_415 = arith.index_cast %get3A : i32 to index
      %get3A_416 = arith.index_cast %mul3A_414 : i32 to index
      %get3A_417 = tpu.vector_load %arg6[%get3A_415, %get3A_416] {strides = array<i32>} : memref<32x1024xf32, #tpu.memory_space<vmem>>, vector<1x16xf32>,
      %get3A_418 = vector.shape_cast %get3A_417 : vector<1x16xf32> to vector<16xf32>
      %get3A_419 = arith.constant 3 : i32
      %get3A_420 = arith.index_cast %get3A_419 : i32 to index
      %get3A_421 = arith.index_cast %mul3A_414 : i32 to index
      %get3A_422 = tpu.vector_load %arg7[%get3A_420, %get3A_421] {strides = array<i32>} : memref<32x1024xf32, #tpu.memory_space<vmem>>, vector<1x16xf32>,
      %get3A_423 = vector.shape_cast %get3A_422 : vector<1x16xf32> to vector<16xf32>
      %add3A_424 = arith.addf %get3A_418, %get3A_423 : vector<16xf32>
      %swap3A = arith.constant 3 : i32
      %swap3A_425 = arith.index_cast %swap3A : i32 to index
      %swap3A_426 = arith.index_cast %mul3A_414 : i32 to index
      %swap3A_427 = tpu.vector_load %arg6[%swap3A_425, %swap3A_426] {strides = array<i32>} : memref<32x1024xf32, #tpu.memory_space<vmem>>, vector<1x16xf32>,
      %swap3A_428 = vector.shape_cast %swap3A_427 : vector<1x16xf32> to vector<16xf32>
      %swap3A_429 = vector.shape_cast %add3A_424 : vector<16xf32> to vector<1x16xf32>
      tpu.vector_store %arg6[%swap3A_425, %swap3A_426], %swap3A_429 {strides = array<i32>} : memref<32x1024xf32, #tpu.memory_space<vmem>>, vector<1x16xf32>,
    }
    %scan3A_243 = arith.constant 64 : i32
    %scan3A_244 = arith.constant 0 : i32
    %scan3A_245 = arith.constant 0 : i32
    %scan3A_246 = arith.constant 64 : i32
    %scan3A_247 = arith.addi %scan3A_245, %scan3A_246 : i32
    %scan3A_248 = arith.constant 1 : i32
    scf.for %scan3A_412 = %scan3A_245 to %scan3A_247 step %scan3A_248  : i32 {
      %mul3A_413 = arith.constant 16 : i32
      %mul3A_414 = arith.muli %scan3A_412, %mul3A_413 : i32
      %get3A = arith.constant 4 : i32
      %get3A_415 = arith.index_cast %get3A : i32 to index
      %get3A_416 = arith.index_cast %mul3A_414 : i32 to index
      %get3A_417 = tpu.vector_load %arg6[%get3A_415, %get3A_416] {strides = array<i32>} : memref<32x1024xf32, #tpu.memory_space<vmem>>, vector<1x16xf32>,
      %get3A_418 = vector.shape_cast %get3A_417 : vector<1x16xf32> to vector<16xf32>
      %get3A_419 = arith.constant 4 : i32
      %get3A_420 = arith.index_cast %get3A_419 : i32 to index
      %get3A_421 = arith.index_cast %mul3A_414 : i32 to index
      %get3A_422 = tpu.vector_load %arg7[%get3A_420, %get3A_421] {strides = array<i32>} : memref<32x1024xf32, #tpu.memory_space<vmem>>, vector<1x16xf32>,
      %get3A_423 = vector.shape_cast %get3A_422 : vector<1x16xf32> to vector<16xf32>
      %add3A_424 = arith.addf %get3A_418, %get3A_423 : vector<16xf32>
      %swap3A = arith.constant 4 : i32
      %swap3A_425 = arith.index_cast %swap3A : i32 to index
      %swap3A_426 = arith.index_cast %mul3A_414 : i32 to index
      %swap3A_427 = tpu.vector_load %arg6[%swap3A_425, %swap3A_426] {strides = array<i32>} : memref<32x1024xf32, #tpu.memory_space<vmem>>, vector<1x16xf32>,
      %swap3A_428 = vector.shape_cast %swap3A_427 : vector<1x16xf32> to vector<16xf32>
      %swap3A_429 = vector.shape_cast %add3A_424 : vector<16xf32> to vector<1x16xf32>
      tpu.vector_store %arg6[%swap3A_425, %swap3A_426], %swap3A_429 {strides = array<i32>} : memref<32x1024xf32, #tpu.memory_space<vmem>>, vector<1x16xf32>,
    }
    %scan3A_249 = arith.constant 64 : i32
    %scan3A_250 = arith.constant 0 : i32
    %scan3A_251 = arith.constant 0 : i32
    %scan3A_252 = arith.constant 64 : i32
    %scan3A_253 = arith.addi %scan3A_251, %scan3A_252 : i32
    %scan3A_254 = arith.constant 1 : i32
    scf.for %scan3A_412 = %scan3A_251 to %scan3A_253 step %scan3A_254  : i32 {
      %mul3A_413 = arith.constant 16 : i32
      %mul3A_414 = arith.muli %scan3A_412, %mul3A_413 : i32
      %get3A = arith.constant 5 : i32
      %get3A_415 = arith.index_cast %get3A : i32 to index
      %get3A_416 = arith.index_cast %mul3A_414 : i32 to index
      %get3A_417 = tpu.vector_load %arg6[%get3A_415, %get3A_416] {strides = array<i32>} : memref<32x1024xf32, #tpu.memory_space<vmem>>, vector<1x16xf32>,
      %get3A_418 = vector.shape_cast %get3A_417 : vector<1x16xf32> to vector<16xf32>
      %get3A_419 = arith.constant 5 : i32
      %get3A_420 = arith.index_cast %get3A_419 : i32 to index
      %get3A_421 = arith.index_cast %mul3A_414 : i32 to index
      %get3A_422 = tpu.vector_load %arg7[%get3A_420, %get3A_421] {strides = array<i32>} : memref<32x1024xf32, #tpu.memory_space<vmem>>, vector<1x16xf32>,
      %get3A_423 = vector.shape_cast %get3A_422 : vector<1x16xf32> to vector<16xf32>
      %add3A_424 = arith.addf %get3A_418, %get3A_423 : vector<16xf32>
      %swap3A = arith.constant 5 : i32
      %swap3A_425 = arith.index_cast %swap3A : i32 to index
      %swap3A_426 = arith.index_cast %mul3A_414 : i32 to index
      %swap3A_427 = tpu.vector_load %arg6[%swap3A_425, %swap3A_426] {strides = array<i32>} : memref<32x1024xf32, #tpu.memory_space<vmem>>, vector<1x16xf32>,
      %swap3A_428 = vector.shape_cast %swap3A_427 : vector<1x16xf32> to vector<16xf32>
      %swap3A_429 = vector.shape_cast %add3A_424 : vector<16xf32> to vector<1x16xf32>
      tpu.vector_store %arg6[%swap3A_425, %swap3A_426], %swap3A_429 {strides = array<i32>} : memref<32x1024xf32, #tpu.memory_space<vmem>>, vector<1x16xf32>,
    }
    %scan3A_255 = arith.constant 64 : i32
    %scan3A_256 = arith.constant 0 : i32
    %scan3A_257 = arith.constant 0 : i32
    %scan3A_258 = arith.constant 64 : i32
    %scan3A_259 = arith.addi %scan3A_257, %scan3A_258 : i32
    %scan3A_260 = arith.constant 1 : i32
    scf.for %scan3A_412 = %scan3A_257 to %scan3A_259 step %scan3A_260  : i32 {
      %mul3A_413 = arith.constant 16 : i32
      %mul3A_414 = arith.muli %scan3A_412, %mul3A_413 : i32
      %get3A = arith.constant 6 : i32
      %get3A_415 = arith.index_cast %get3A : i32 to index
      %get3A_416 = arith.index_cast %mul3A_414 : i32 to index
      %get3A_417 = tpu.vector_load %arg6[%get3A_415, %get3A_416] {strides = array<i32>} : memref<32x1024xf32, #tpu.memory_space<vmem>>, vector<1x16xf32>,
      %get3A_418 = vector.shape_cast %get3A_417 : vector<1x16xf32> to vector<16xf32>
      %get3A_419 = arith.constant 6 : i32
      %get3A_420 = arith.index_cast %get3A_419 : i32 to index
      %get3A_421 = arith.index_cast %mul3A_414 : i32 to index
      %get3A_422 = tpu.vector_load %arg7[%get3A_420, %get3A_421] {strides = array<i32>} : memref<32x1024xf32, #tpu.memory_space<vmem>>, vector<1x16xf32>,
      %get3A_423 = vector.shape_cast %get3A_422 : vector<1x16xf32> to vector<16xf32>
      %add3A_424 = arith.addf %get3A_418, %get3A_423 : vector<16xf32>
      %swap3A = arith.constant 6 : i32
      %swap3A_425 = arith.index_cast %swap3A : i32 to index
      %swap3A_426 = arith.index_cast %mul3A_414 : i32 to index
      %swap3A_427 = tpu.vector_load %arg6[%swap3A_425, %swap3A_426] {strides = array<i32>} : memref<32x1024xf32, #tpu.memory_space<vmem>>, vector<1x16xf32>,
      %swap3A_428 = vector.shape_cast %swap3A_427 : vector<1x16xf32> to vector<16xf32>
      %swap3A_429 = vector.shape_cast %add3A_424 : vector<16xf32> to vector<1x16xf32>
      tpu.vector_store %arg6[%swap3A_425, %swap3A_426], %swap3A_429 {strides = array<i32>} : memref<32x1024xf32, #tpu.memory_space<vmem>>, vector<1x16xf32>,
    }
    %scan3A_261 = arith.constant 64 : i32
    %scan3A_262 = arith.constant 0 : i32
    %scan3A_263 = arith.constant 0 : i32
    %scan3A_264 = arith.constant 64 : i32
    %scan3A_265 = arith.addi %scan3A_263, %scan3A_264 : i32
    %scan3A_266 = arith.constant 1 : i32
    scf.for %scan3A_412 = %scan3A_263 to %scan3A_265 step %scan3A_266  : i32 {
      %mul3A_413 = arith.constant 16 : i32
      %mul3A_414 = arith.muli %scan3A_412, %mul3A_413 : i32
      %get3A = arith.constant 7 : i32
      %get3A_415 = arith.index_cast %get3A : i32 to index
      %get3A_416 = arith.index_cast %mul3A_414 : i32 to index
      %get3A_417 = tpu.vector_load %arg6[%get3A_415, %get3A_416] {strides = array<i32>} : memref<32x1024xf32, #tpu.memory_space<vmem>>, vector<1x16xf32>,
      %get3A_418 = vector.shape_cast %get3A_417 : vector<1x16xf32> to vector<16xf32>
      %get3A_419 = arith.constant 7 : i32
      %get3A_420 = arith.index_cast %get3A_419 : i32 to index
      %get3A_421 = arith.index_cast %mul3A_414 : i32 to index
      %get3A_422 = tpu.vector_load %arg7[%get3A_420, %get3A_421] {strides = array<i32>} : memref<32x1024xf32, #tpu.memory_space<vmem>>, vector<1x16xf32>,
      %get3A_423 = vector.shape_cast %get3A_422 : vector<1x16xf32> to vector<16xf32>
      %add3A_424 = arith.addf %get3A_418, %get3A_423 : vector<16xf32>
      %swap3A = arith.constant 7 : i32
      %swap3A_425 = arith.index_cast %swap3A : i32 to index
      %swap3A_426 = arith.index_cast %mul3A_414 : i32 to index
      %swap3A_427 = tpu.vector_load %arg6[%swap3A_425, %swap3A_426] {strides = array<i32>} : memref<32x1024xf32, #tpu.memory_space<vmem>>, vector<1x16xf32>,
      %swap3A_428 = vector.shape_cast %swap3A_427 : vector<1x16xf32> to vector<16xf32>
      %swap3A_429 = vector.shape_cast %add3A_424 : vector<16xf32> to vector<1x16xf32>
      tpu.vector_store %arg6[%swap3A_425, %swap3A_426], %swap3A_429 {strides = array<i32>} : memref<32x1024xf32, #tpu.memory_space<vmem>>, vector<1x16xf32>,
    }
    %scan3A_267 = arith.constant 64 : i32
    %scan3A_268 = arith.constant 0 : i32
    %scan3A_269 = arith.constant 0 : i32
    %scan3A_270 = arith.constant 64 : i32
    %scan3A_271 = arith.addi %scan3A_269, %scan3A_270 : i32
    %scan3A_272 = arith.constant 1 : i32
    scf.for %scan3A_412 = %scan3A_269 to %scan3A_271 step %scan3A_272  : i32 {
      %mul3A_413 = arith.constant 16 : i32
      %mul3A_414 = arith.muli %scan3A_412, %mul3A_413 : i32
      %get3A = arith.constant 8 : i32
      %get3A_415 = arith.index_cast %get3A : i32 to index
      %get3A_416 = arith.index_cast %mul3A_414 : i32 to index
      %get3A_417 = tpu.vector_load %arg6[%get3A_415, %get3A_416] {strides = array<i32>} : memref<32x1024xf32, #tpu.memory_space<vmem>>, vector<1x16xf32>,
      %get3A_418 = vector.shape_cast %get3A_417 : vector<1x16xf32> to vector<16xf32>
      %get3A_419 = arith.constant 8 : i32
      %get3A_420 = arith.index_cast %get3A_419 : i32 to index
      %get3A_421 = arith.index_cast %mul3A_414 : i32 to index
      %get3A_422 = tpu.vector_load %arg7[%get3A_420, %get3A_421] {strides = array<i32>} : memref<32x1024xf32, #tpu.memory_space<vmem>>, vector<1x16xf32>,
      %get3A_423 = vector.shape_cast %get3A_422 : vector<1x16xf32> to vector<16xf32>
      %add3A_424 = arith.addf %get3A_418, %get3A_423 : vector<16xf32>
      %swap3A = arith.constant 8 : i32
      %swap3A_425 = arith.index_cast %swap3A : i32 to index
      %swap3A_426 = arith.index_cast %mul3A_414 : i32 to index
      %swap3A_427 = tpu.vector_load %arg6[%swap3A_425, %swap3A_426] {strides = array<i32>} : memref<32x1024xf32, #tpu.memory_space<vmem>>, vector<1x16xf32>,
      %swap3A_428 = vector.shape_cast %swap3A_427 : vector<1x16xf32> to vector<16xf32>
      %swap3A_429 = vector.shape_cast %add3A_424 : vector<16xf32> to vector<1x16xf32>
      tpu.vector_store %arg6[%swap3A_425, %swap3A_426], %swap3A_429 {strides = array<i32>} : memref<32x1024xf32, #tpu.memory_space<vmem>>, vector<1x16xf32>,
    }
    %scan3A_273 = arith.constant 64 : i32
    %scan3A_274 = arith.constant 0 : i32
    %scan3A_275 = arith.constant 0 : i32
    %scan3A_276 = arith.constant 64 : i32
    %scan3A_277 = arith.addi %scan3A_275, %scan3A_276 : i32
    %scan3A_278 = arith.constant 1 : i32
    scf.for %scan3A_412 = %scan3A_275 to %scan3A_277 step %scan3A_278  : i32 {
      %mul3A_413 = arith.constant 16 : i32
      %mul3A_414 = arith.muli %scan3A_412, %mul3A_413 : i32
      %get3A = arith.constant 9 : i32
      %get3A_415 = arith.index_cast %get3A : i32 to index
      %get3A_416 = arith.index_cast %mul3A_414 : i32 to index
      %get3A_417 = tpu.vector_load %arg6[%get3A_415, %get3A_416] {strides = array<i32>} : memref<32x1024xf32, #tpu.memory_space<vmem>>, vector<1x16xf32>,
      %get3A_418 = vector.shape_cast %get3A_417 : vector<1x16xf32> to vector<16xf32>
      %get3A_419 = arith.constant 9 : i32
      %get3A_420 = arith.index_cast %get3A_419 : i32 to index
      %get3A_421 = arith.index_cast %mul3A_414 : i32 to index
      %get3A_422 = tpu.vector_load %arg7[%get3A_420, %get3A_421] {strides = array<i32>} : memref<32x1024xf32, #tpu.memory_space<vmem>>, vector<1x16xf32>,
      %get3A_423 = vector.shape_cast %get3A_422 : vector<1x16xf32> to vector<16xf32>
      %add3A_424 = arith.addf %get3A_418, %get3A_423 : vector<16xf32>
      %swap3A = arith.constant 9 : i32
      %swap3A_425 = arith.index_cast %swap3A : i32 to index
      %swap3A_426 = arith.index_cast %mul3A_414 : i32 to index
      %swap3A_427 = tpu.vector_load %arg6[%swap3A_425, %swap3A_426] {strides = array<i32>} : memref<32x1024xf32, #tpu.memory_space<vmem>>, vector<1x16xf32>,
      %swap3A_428 = vector.shape_cast %swap3A_427 : vector<1x16xf32> to vector<16xf32>
      %swap3A_429 = vector.shape_cast %add3A_424 : vector<16xf32> to vector<1x16xf32>
      tpu.vector_store %arg6[%swap3A_425, %swap3A_426], %swap3A_429 {strides = array<i32>} : memref<32x1024xf32, #tpu.memory_space<vmem>>, vector<1x16xf32>,
    }
    %scan3A_279 = arith.constant 64 : i32
    %scan3A_280 = arith.constant 0 : i32
    %scan3A_281 = arith.constant 0 : i32
    %scan3A_282 = arith.constant 64 : i32
    %scan3A_283 = arith.addi %scan3A_281, %scan3A_282 : i32
    %scan3A_284 = arith.constant 1 : i32
    scf.for %scan3A_412 = %scan3A_281 to %scan3A_283 step %scan3A_284  : i32 {
      %mul3A_413 = arith.constant 16 : i32
      %mul3A_414 = arith.muli %scan3A_412, %mul3A_413 : i32
      %get3A = arith.constant 10 : i32
      %get3A_415 = arith.index_cast %get3A : i32 to index
      %get3A_416 = arith.index_cast %mul3A_414 : i32 to index
      %get3A_417 = tpu.vector_load %arg6[%get3A_415, %get3A_416] {strides = array<i32>} : memref<32x1024xf32, #tpu.memory_space<vmem>>, vector<1x16xf32>,
      %get3A_418 = vector.shape_cast %get3A_417 : vector<1x16xf32> to vector<16xf32>
      %get3A_419 = arith.constant 10 : i32
      %get3A_420 = arith.index_cast %get3A_419 : i32 to index
      %get3A_421 = arith.index_cast %mul3A_414 : i32 to index
      %get3A_422 = tpu.vector_load %arg7[%get3A_420, %get3A_421] {strides = array<i32>} : memref<32x1024xf32, #tpu.memory_space<vmem>>, vector<1x16xf32>,
      %get3A_423 = vector.shape_cast %get3A_422 : vector<1x16xf32> to vector<16xf32>
      %add3A_424 = arith.addf %get3A_418, %get3A_423 : vector<16xf32>
      %swap3A = arith.constant 10 : i32
      %swap3A_425 = arith.index_cast %swap3A : i32 to index
      %swap3A_426 = arith.index_cast %mul3A_414 : i32 to index
      %swap3A_427 = tpu.vector_load %arg6[%swap3A_425, %swap3A_426] {strides = array<i32>} : memref<32x1024xf32, #tpu.memory_space<vmem>>, vector<1x16xf32>,
      %swap3A_428 = vector.shape_cast %swap3A_427 : vector<1x16xf32> to vector<16xf32>
      %swap3A_429 = vector.shape_cast %add3A_424 : vector<16xf32> to vector<1x16xf32>
      tpu.vector_store %arg6[%swap3A_425, %swap3A_426], %swap3A_429 {strides = array<i32>} : memref<32x1024xf32, #tpu.memory_space<vmem>>, vector<1x16xf32>,
    }
    %scan3A_285 = arith.constant 64 : i32
    %scan3A_286 = arith.constant 0 : i32
    %scan3A_287 = arith.constant 0 : i32
    %scan3A_288 = arith.constant 64 : i32
    %scan3A_289 = arith.addi %scan3A_287, %scan3A_288 : i32
    %scan3A_290 = arith.constant 1 : i32
    scf.for %scan3A_412 = %scan3A_287 to %scan3A_289 step %scan3A_290  : i32 {
      %mul3A_413 = arith.constant 16 : i32
      %mul3A_414 = arith.muli %scan3A_412, %mul3A_413 : i32
      %get3A = arith.constant 11 : i32
      %get3A_415 = arith.index_cast %get3A : i32 to index
      %get3A_416 = arith.index_cast %mul3A_414 : i32 to index
      %get3A_417 = tpu.vector_load %arg6[%get3A_415, %get3A_416] {strides = array<i32>} : memref<32x1024xf32, #tpu.memory_space<vmem>>, vector<1x16xf32>,
      %get3A_418 = vector.shape_cast %get3A_417 : vector<1x16xf32> to vector<16xf32>
      %get3A_419 = arith.constant 11 : i32
      %get3A_420 = arith.index_cast %get3A_419 : i32 to index
      %get3A_421 = arith.index_cast %mul3A_414 : i32 to index
      %get3A_422 = tpu.vector_load %arg7[%get3A_420, %get3A_421] {strides = array<i32>} : memref<32x1024xf32, #tpu.memory_space<vmem>>, vector<1x16xf32>,
      %get3A_423 = vector.shape_cast %get3A_422 : vector<1x16xf32> to vector<16xf32>
      %add3A_424 = arith.addf %get3A_418, %get3A_423 : vector<16xf32>
      %swap3A = arith.constant 11 : i32
      %swap3A_425 = arith.index_cast %swap3A : i32 to index
      %swap3A_426 = arith.index_cast %mul3A_414 : i32 to index
      %swap3A_427 = tpu.vector_load %arg6[%swap3A_425, %swap3A_426] {strides = array<i32>} : memref<32x1024xf32, #tpu.memory_space<vmem>>, vector<1x16xf32>,
      %swap3A_428 = vector.shape_cast %swap3A_427 : vector<1x16xf32> to vector<16xf32>
      %swap3A_429 = vector.shape_cast %add3A_424 : vector<16xf32> to vector<1x16xf32>
      tpu.vector_store %arg6[%swap3A_425, %swap3A_426], %swap3A_429 {strides = array<i32>} : memref<32x1024xf32, #tpu.memory_space<vmem>>, vector<1x16xf32>,
    }
    %scan3A_291 = arith.constant 64 : i32
    %scan3A_292 = arith.constant 0 : i32
    %scan3A_293 = arith.constant 0 : i32
    %scan3A_294 = arith.constant 64 : i32
    %scan3A_295 = arith.addi %scan3A_293, %scan3A_294 : i32
    %scan3A_296 = arith.constant 1 : i32
    scf.for %scan3A_412 = %scan3A_293 to %scan3A_295 step %scan3A_296  : i32 {
      %mul3A_413 = arith.constant 16 : i32
      %mul3A_414 = arith.muli %scan3A_412, %mul3A_413 : i32
      %get3A = arith.constant 12 : i32
      %get3A_415 = arith.index_cast %get3A : i32 to index
      %get3A_416 = arith.index_cast %mul3A_414 : i32 to index
      %get3A_417 = tpu.vector_load %arg6[%get3A_415, %get3A_416] {strides = array<i32>} : memref<32x1024xf32, #tpu.memory_space<vmem>>, vector<1x16xf32>,
      %get3A_418 = vector.shape_cast %get3A_417 : vector<1x16xf32> to vector<16xf32>
      %get3A_419 = arith.constant 12 : i32
      %get3A_420 = arith.index_cast %get3A_419 : i32 to index
      %get3A_421 = arith.index_cast %mul3A_414 : i32 to index
      %get3A_422 = tpu.vector_load %arg7[%get3A_420, %get3A_421] {strides = array<i32>} : memref<32x1024xf32, #tpu.memory_space<vmem>>, vector<1x16xf32>,
      %get3A_423 = vector.shape_cast %get3A_422 : vector<1x16xf32> to vector<16xf32>
      %add3A_424 = arith.addf %get3A_418, %get3A_423 : vector<16xf32>
      %swap3A = arith.constant 12 : i32
      %swap3A_425 = arith.index_cast %swap3A : i32 to index
      %swap3A_426 = arith.index_cast %mul3A_414 : i32 to index
      %swap3A_427 = tpu.vector_load %arg6[%swap3A_425, %swap3A_426] {strides = array<i32>} : memref<32x1024xf32, #tpu.memory_space<vmem>>, vector<1x16xf32>,
      %swap3A_428 = vector.shape_cast %swap3A_427 : vector<1x16xf32> to vector<16xf32>
      %swap3A_429 = vector.shape_cast %add3A_424 : vector<16xf32> to vector<1x16xf32>
      tpu.vector_store %arg6[%swap3A_425, %swap3A_426], %swap3A_429 {strides = array<i32>} : memref<32x1024xf32, #tpu.memory_space<vmem>>, vector<1x16xf32>,
    }
    %scan3A_297 = arith.constant 64 : i32
    %scan3A_298 = arith.constant 0 : i32
    %scan3A_299 = arith.constant 0 : i32
    %scan3A_300 = arith.constant 64 : i32
    %scan3A_301 = arith.addi %scan3A_299, %scan3A_300 : i32
    %scan3A_302 = arith.constant 1 : i32
    scf.for %scan3A_412 = %scan3A_299 to %scan3A_301 step %scan3A_302  : i32 {
      %mul3A_413 = arith.constant 16 : i32
      %mul3A_414 = arith.muli %scan3A_412, %mul3A_413 : i32
      %get3A = arith.constant 13 : i32
      %get3A_415 = arith.index_cast %get3A : i32 to index
      %get3A_416 = arith.index_cast %mul3A_414 : i32 to index
      %get3A_417 = tpu.vector_load %arg6[%get3A_415, %get3A_416] {strides = array<i32>} : memref<32x1024xf32, #tpu.memory_space<vmem>>, vector<1x16xf32>,
      %get3A_418 = vector.shape_cast %get3A_417 : vector<1x16xf32> to vector<16xf32>
      %get3A_419 = arith.constant 13 : i32
      %get3A_420 = arith.index_cast %get3A_419 : i32 to index
      %get3A_421 = arith.index_cast %mul3A_414 : i32 to index
      %get3A_422 = tpu.vector_load %arg7[%get3A_420, %get3A_421] {strides = array<i32>} : memref<32x1024xf32, #tpu.memory_space<vmem>>, vector<1x16xf32>,
      %get3A_423 = vector.shape_cast %get3A_422 : vector<1x16xf32> to vector<16xf32>
      %add3A_424 = arith.addf %get3A_418, %get3A_423 : vector<16xf32>
      %swap3A = arith.constant 13 : i32
      %swap3A_425 = arith.index_cast %swap3A : i32 to index
      %swap3A_426 = arith.index_cast %mul3A_414 : i32 to index
      %swap3A_427 = tpu.vector_load %arg6[%swap3A_425, %swap3A_426] {strides = array<i32>} : memref<32x1024xf32, #tpu.memory_space<vmem>>, vector<1x16xf32>,
      %swap3A_428 = vector.shape_cast %swap3A_427 : vector<1x16xf32> to vector<16xf32>
      %swap3A_429 = vector.shape_cast %add3A_424 : vector<16xf32> to vector<1x16xf32>
      tpu.vector_store %arg6[%swap3A_425, %swap3A_426], %swap3A_429 {strides = array<i32>} : memref<32x1024xf32, #tpu.memory_space<vmem>>, vector<1x16xf32>,
    }
    %scan3A_303 = arith.constant 64 : i32
    %scan3A_304 = arith.constant 0 : i32
    %scan3A_305 = arith.constant 0 : i32
    %scan3A_306 = arith.constant 64 : i32
    %scan3A_307 = arith.addi %scan3A_305, %scan3A_306 : i32
    %scan3A_308 = arith.constant 1 : i32
    scf.for %scan3A_412 = %scan3A_305 to %scan3A_307 step %scan3A_308  : i32 {
      %mul3A_413 = arith.constant 16 : i32
      %mul3A_414 = arith.muli %scan3A_412, %mul3A_413 : i32
      %get3A = arith.constant 14 : i32
      %get3A_415 = arith.index_cast %get3A : i32 to index
      %get3A_416 = arith.index_cast %mul3A_414 : i32 to index
      %get3A_417 = tpu.vector_load %arg6[%get3A_415, %get3A_416] {strides = array<i32>} : memref<32x1024xf32, #tpu.memory_space<vmem>>, vector<1x16xf32>,
      %get3A_418 = vector.shape_cast %get3A_417 : vector<1x16xf32> to vector<16xf32>
      %get3A_419 = arith.constant 14 : i32
      %get3A_420 = arith.index_cast %get3A_419 : i32 to index
      %get3A_421 = arith.index_cast %mul3A_414 : i32 to index
      %get3A_422 = tpu.vector_load %arg7[%get3A_420, %get3A_421] {strides = array<i32>} : memref<32x1024xf32, #tpu.memory_space<vmem>>, vector<1x16xf32>,
      %get3A_423 = vector.shape_cast %get3A_422 : vector<1x16xf32> to vector<16xf32>
      %add3A_424 = arith.addf %get3A_418, %get3A_423 : vector<16xf32>
      %swap3A = arith.constant 14 : i32
      %swap3A_425 = arith.index_cast %swap3A : i32 to index
      %swap3A_426 = arith.index_cast %mul3A_414 : i32 to index
      %swap3A_427 = tpu.vector_load %arg6[%swap3A_425, %swap3A_426] {strides = array<i32>} : memref<32x1024xf32, #tpu.memory_space<vmem>>, vector<1x16xf32>,
      %swap3A_428 = vector.shape_cast %swap3A_427 : vector<1x16xf32> to vector<16xf32>
      %swap3A_429 = vector.shape_cast %add3A_424 : vector<16xf32> to vector<1x16xf32>
      tpu.vector_store %arg6[%swap3A_425, %swap3A_426], %swap3A_429 {strides = array<i32>} : memref<32x1024xf32, #tpu.memory_space<vmem>>, vector<1x16xf32>,
    }
    %scan3A_309 = arith.constant 64 : i32
    %scan3A_310 = arith.constant 0 : i32
    %scan3A_311 = arith.constant 0 : i32
    %scan3A_312 = arith.constant 64 : i32
    %scan3A_313 = arith.addi %scan3A_311, %scan3A_312 : i32
    %scan3A_314 = arith.constant 1 : i32
    scf.for %scan3A_412 = %scan3A_311 to %scan3A_313 step %scan3A_314  : i32 {
      %mul3A_413 = arith.constant 16 : i32
      %mul3A_414 = arith.muli %scan3A_412, %mul3A_413 : i32
      %get3A = arith.constant 15 : i32
      %get3A_415 = arith.index_cast %get3A : i32 to index
      %get3A_416 = arith.index_cast %mul3A_414 : i32 to index
      %get3A_417 = tpu.vector_load %arg6[%get3A_415, %get3A_416] {strides = array<i32>} : memref<32x1024xf32, #tpu.memory_space<vmem>>, vector<1x16xf32>,
      %get3A_418 = vector.shape_cast %get3A_417 : vector<1x16xf32> to vector<16xf32>
      %get3A_419 = arith.constant 15 : i32
      %get3A_420 = arith.index_cast %get3A_419 : i32 to index
      %get3A_421 = arith.index_cast %mul3A_414 : i32 to index
      %get3A_422 = tpu.vector_load %arg7[%get3A_420, %get3A_421] {strides = array<i32>} : memref<32x1024xf32, #tpu.memory_space<vmem>>, vector<1x16xf32>,
      %get3A_423 = vector.shape_cast %get3A_422 : vector<1x16xf32> to vector<16xf32>
      %add3A_424 = arith.addf %get3A_418, %get3A_423 : vector<16xf32>
      %swap3A = arith.constant 15 : i32
      %swap3A_425 = arith.index_cast %swap3A : i32 to index
      %swap3A_426 = arith.index_cast %mul3A_414 : i32 to index
      %swap3A_427 = tpu.vector_load %arg6[%swap3A_425, %swap3A_426] {strides = array<i32>} : memref<32x1024xf32, #tpu.memory_space<vmem>>, vector<1x16xf32>,
      %swap3A_428 = vector.shape_cast %swap3A_427 : vector<1x16xf32> to vector<16xf32>
      %swap3A_429 = vector.shape_cast %add3A_424 : vector<16xf32> to vector<1x16xf32>
      tpu.vector_store %arg6[%swap3A_425, %swap3A_426], %swap3A_429 {strides = array<i32>} : memref<32x1024xf32, #tpu.memory_space<vmem>>, vector<1x16xf32>,
    }
    %scan3A_315 = arith.constant 64 : i32
    %scan3A_316 = arith.constant 0 : i32
    %scan3A_317 = arith.constant 0 : i32
    %scan3A_318 = arith.constant 64 : i32
    %scan3A_319 = arith.addi %scan3A_317, %scan3A_318 : i32
    %scan3A_320 = arith.constant 1 : i32
    scf.for %scan3A_412 = %scan3A_317 to %scan3A_319 step %scan3A_320  : i32 {
      %mul3A_413 = arith.constant 16 : i32
      %mul3A_414 = arith.muli %scan3A_412, %mul3A_413 : i32
      %get3A = arith.constant 16 : i32
      %get3A_415 = arith.index_cast %get3A : i32 to index
      %get3A_416 = arith.index_cast %mul3A_414 : i32 to index
      %get3A_417 = tpu.vector_load %arg6[%get3A_415, %get3A_416] {strides = array<i32>} : memref<32x1024xf32, #tpu.memory_space<vmem>>, vector<1x16xf32>,
      %get3A_418 = vector.shape_cast %get3A_417 : vector<1x16xf32> to vector<16xf32>
      %get3A_419 = arith.constant 16 : i32
      %get3A_420 = arith.index_cast %get3A_419 : i32 to index
      %get3A_421 = arith.index_cast %mul3A_414 : i32 to index
      %get3A_422 = tpu.vector_load %arg7[%get3A_420, %get3A_421] {strides = array<i32>} : memref<32x1024xf32, #tpu.memory_space<vmem>>, vector<1x16xf32>,
      %get3A_423 = vector.shape_cast %get3A_422 : vector<1x16xf32> to vector<16xf32>
      %add3A_424 = arith.addf %get3A_418, %get3A_423 : vector<16xf32>
      %swap3A = arith.constant 16 : i32
      %swap3A_425 = arith.index_cast %swap3A : i32 to index
      %swap3A_426 = arith.index_cast %mul3A_414 : i32 to index
      %swap3A_427 = tpu.vector_load %arg6[%swap3A_425, %swap3A_426] {strides = array<i32>} : memref<32x1024xf32, #tpu.memory_space<vmem>>, vector<1x16xf32>,
      %swap3A_428 = vector.shape_cast %swap3A_427 : vector<1x16xf32> to vector<16xf32>
      %swap3A_429 = vector.shape_cast %add3A_424 : vector<16xf32> to vector<1x16xf32>
      tpu.vector_store %arg6[%swap3A_425, %swap3A_426], %swap3A_429 {strides = array<i32>} : memref<32x1024xf32, #tpu.memory_space<vmem>>, vector<1x16xf32>,
    }
    %scan3A_321 = arith.constant 64 : i32
    %scan3A_322 = arith.constant 0 : i32
    %scan3A_323 = arith.constant 0 : i32
    %scan3A_324 = arith.constant 64 : i32
    %scan3A_325 = arith.addi %scan3A_323, %scan3A_324 : i32
    %scan3A_326 = arith.constant 1 : i32
    scf.for %scan3A_412 = %scan3A_323 to %scan3A_325 step %scan3A_326  : i32 {
      %mul3A_413 = arith.constant 16 : i32
      %mul3A_414 = arith.muli %scan3A_412, %mul3A_413 : i32
      %get3A = arith.constant 17 : i32
      %get3A_415 = arith.index_cast %get3A : i32 to index
      %get3A_416 = arith.index_cast %mul3A_414 : i32 to index
      %get3A_417 = tpu.vector_load %arg6[%get3A_415, %get3A_416] {strides = array<i32>} : memref<32x1024xf32, #tpu.memory_space<vmem>>, vector<1x16xf32>,
      %get3A_418 = vector.shape_cast %get3A_417 : vector<1x16xf32> to vector<16xf32>
      %get3A_419 = arith.constant 17 : i32
      %get3A_420 = arith.index_cast %get3A_419 : i32 to index
      %get3A_421 = arith.index_cast %mul3A_414 : i32 to index
      %get3A_422 = tpu.vector_load %arg7[%get3A_420, %get3A_421] {strides = array<i32>} : memref<32x1024xf32, #tpu.memory_space<vmem>>, vector<1x16xf32>,
      %get3A_423 = vector.shape_cast %get3A_422 : vector<1x16xf32> to vector<16xf32>
      %add3A_424 = arith.addf %get3A_418, %get3A_423 : vector<16xf32>
      %swap3A = arith.constant 17 : i32
      %swap3A_425 = arith.index_cast %swap3A : i32 to index
      %swap3A_426 = arith.index_cast %mul3A_414 : i32 to index
      %swap3A_427 = tpu.vector_load %arg6[%swap3A_425, %swap3A_426] {strides = array<i32>} : memref<32x1024xf32, #tpu.memory_space<vmem>>, vector<1x16xf32>,
      %swap3A_428 = vector.shape_cast %swap3A_427 : vector<1x16xf32> to vector<16xf32>
      %swap3A_429 = vector.shape_cast %add3A_424 : vector<16xf32> to vector<1x16xf32>
      tpu.vector_store %arg6[%swap3A_425, %swap3A_426], %swap3A_429 {strides = array<i32>} : memref<32x1024xf32, #tpu.memory_space<vmem>>, vector<1x16xf32>,
    }
    %scan3A_327 = arith.constant 64 : i32
    %scan3A_328 = arith.constant 0 : i32
    %scan3A_329 = arith.constant 0 : i32
    %scan3A_330 = arith.constant 64 : i32
    %scan3A_331 = arith.addi %scan3A_329, %scan3A_330 : i32
    %scan3A_332 = arith.constant 1 : i32
    scf.for %scan3A_412 = %scan3A_329 to %scan3A_331 step %scan3A_332  : i32 {
      %mul3A_413 = arith.constant 16 : i32
      %mul3A_414 = arith.muli %scan3A_412, %mul3A_413 : i32
      %get3A = arith.constant 18 : i32
      %get3A_415 = arith.index_cast %get3A : i32 to index
      %get3A_416 = arith.index_cast %mul3A_414 : i32 to index
      %get3A_417 = tpu.vector_load %arg6[%get3A_415, %get3A_416] {strides = array<i32>} : memref<32x1024xf32, #tpu.memory_space<vmem>>, vector<1x16xf32>,
      %get3A_418 = vector.shape_cast %get3A_417 : vector<1x16xf32> to vector<16xf32>
      %get3A_419 = arith.constant 18 : i32
      %get3A_420 = arith.index_cast %get3A_419 : i32 to index
      %get3A_421 = arith.index_cast %mul3A_414 : i32 to index
      %get3A_422 = tpu.vector_load %arg7[%get3A_420, %get3A_421] {strides = array<i32>} : memref<32x1024xf32, #tpu.memory_space<vmem>>, vector<1x16xf32>,
      %get3A_423 = vector.shape_cast %get3A_422 : vector<1x16xf32> to vector<16xf32>
      %add3A_424 = arith.addf %get3A_418, %get3A_423 : vector<16xf32>
      %swap3A = arith.constant 18 : i32
      %swap3A_425 = arith.index_cast %swap3A : i32 to index
      %swap3A_426 = arith.index_cast %mul3A_414 : i32 to index
      %swap3A_427 = tpu.vector_load %arg6[%swap3A_425, %swap3A_426] {strides = array<i32>} : memref<32x1024xf32, #tpu.memory_space<vmem>>, vector<1x16xf32>,
      %swap3A_428 = vector.shape_cast %swap3A_427 : vector<1x16xf32> to vector<16xf32>
      %swap3A_429 = vector.shape_cast %add3A_424 : vector<16xf32> to vector<1x16xf32>
      tpu.vector_store %arg6[%swap3A_425, %swap3A_426], %swap3A_429 {strides = array<i32>} : memref<32x1024xf32, #tpu.memory_space<vmem>>, vector<1x16xf32>,
    }
    %scan3A_333 = arith.constant 64 : i32
    %scan3A_334 = arith.constant 0 : i32
    %scan3A_335 = arith.constant 0 : i32
    %scan3A_336 = arith.constant 64 : i32
    %scan3A_337 = arith.addi %scan3A_335, %scan3A_336 : i32
    %scan3A_338 = arith.constant 1 : i32
    scf.for %scan3A_412 = %scan3A_335 to %scan3A_337 step %scan3A_338  : i32 {
      %mul3A_413 = arith.constant 16 : i32
      %mul3A_414 = arith.muli %scan3A_412, %mul3A_413 : i32
      %get3A = arith.constant 19 : i32
      %get3A_415 = arith.index_cast %get3A : i32 to index
      %get3A_416 = arith.index_cast %mul3A_414 : i32 to index
      %get3A_417 = tpu.vector_load %arg6[%get3A_415, %get3A_416] {strides = array<i32>} : memref<32x1024xf32, #tpu.memory_space<vmem>>, vector<1x16xf32>,
      %get3A_418 = vector.shape_cast %get3A_417 : vector<1x16xf32> to vector<16xf32>
      %get3A_419 = arith.constant 19 : i32
      %get3A_420 = arith.index_cast %get3A_419 : i32 to index
      %get3A_421 = arith.index_cast %mul3A_414 : i32 to index
      %get3A_422 = tpu.vector_load %arg7[%get3A_420, %get3A_421] {strides = array<i32>} : memref<32x1024xf32, #tpu.memory_space<vmem>>, vector<1x16xf32>,
      %get3A_423 = vector.shape_cast %get3A_422 : vector<1x16xf32> to vector<16xf32>
      %add3A_424 = arith.addf %get3A_418, %get3A_423 : vector<16xf32>
      %swap3A = arith.constant 19 : i32
      %swap3A_425 = arith.index_cast %swap3A : i32 to index
      %swap3A_426 = arith.index_cast %mul3A_414 : i32 to index
      %swap3A_427 = tpu.vector_load %arg6[%swap3A_425, %swap3A_426] {strides = array<i32>} : memref<32x1024xf32, #tpu.memory_space<vmem>>, vector<1x16xf32>,
      %swap3A_428 = vector.shape_cast %swap3A_427 : vector<1x16xf32> to vector<16xf32>
      %swap3A_429 = vector.shape_cast %add3A_424 : vector<16xf32> to vector<1x16xf32>
      tpu.vector_store %arg6[%swap3A_425, %swap3A_426], %swap3A_429 {strides = array<i32>} : memref<32x1024xf32, #tpu.memory_space<vmem>>, vector<1x16xf32>,
    }
    %scan3A_339 = arith.constant 64 : i32
    %scan3A_340 = arith.constant 0 : i32
    %scan3A_341 = arith.constant 0 : i32
    %scan3A_342 = arith.constant 64 : i32
    %scan3A_343 = arith.addi %scan3A_341, %scan3A_342 : i32
    %scan3A_344 = arith.constant 1 : i32
    scf.for %scan3A_412 = %scan3A_341 to %scan3A_343 step %scan3A_344  : i32 {
      %mul3A_413 = arith.constant 16 : i32
      %mul3A_414 = arith.muli %scan3A_412, %mul3A_413 : i32
      %get3A = arith.constant 20 : i32
      %get3A_415 = arith.index_cast %get3A : i32 to index
      %get3A_416 = arith.index_cast %mul3A_414 : i32 to index
      %get3A_417 = tpu.vector_load %arg6[%get3A_415, %get3A_416] {strides = array<i32>} : memref<32x1024xf32, #tpu.memory_space<vmem>>, vector<1x16xf32>,
      %get3A_418 = vector.shape_cast %get3A_417 : vector<1x16xf32> to vector<16xf32>
      %get3A_419 = arith.constant 20 : i32
      %get3A_420 = arith.index_cast %get3A_419 : i32 to index
      %get3A_421 = arith.index_cast %mul3A_414 : i32 to index
      %get3A_422 = tpu.vector_load %arg7[%get3A_420, %get3A_421] {strides = array<i32>} : memref<32x1024xf32, #tpu.memory_space<vmem>>, vector<1x16xf32>,
      %get3A_423 = vector.shape_cast %get3A_422 : vector<1x16xf32> to vector<16xf32>
      %add3A_424 = arith.addf %get3A_418, %get3A_423 : vector<16xf32>
      %swap3A = arith.constant 20 : i32
      %swap3A_425 = arith.index_cast %swap3A : i32 to index
      %swap3A_426 = arith.index_cast %mul3A_414 : i32 to index
      %swap3A_427 = tpu.vector_load %arg6[%swap3A_425, %swap3A_426] {strides = array<i32>} : memref<32x1024xf32, #tpu.memory_space<vmem>>, vector<1x16xf32>,
      %swap3A_428 = vector.shape_cast %swap3A_427 : vector<1x16xf32> to vector<16xf32>
      %swap3A_429 = vector.shape_cast %add3A_424 : vector<16xf32> to vector<1x16xf32>
      tpu.vector_store %arg6[%swap3A_425, %swap3A_426], %swap3A_429 {strides = array<i32>} : memref<32x1024xf32, #tpu.memory_space<vmem>>, vector<1x16xf32>,
    }
    %scan3A_345 = arith.constant 64 : i32
    %scan3A_346 = arith.constant 0 : i32
    %scan3A_347 = arith.constant 0 : i32
    %scan3A_348 = arith.constant 64 : i32
    %scan3A_349 = arith.addi %scan3A_347, %scan3A_348 : i32
    %scan3A_350 = arith.constant 1 : i32
    scf.for %scan3A_412 = %scan3A_347 to %scan3A_349 step %scan3A_350  : i32 {
      %mul3A_413 = arith.constant 16 : i32
      %mul3A_414 = arith.muli %scan3A_412, %mul3A_413 : i32
      %get3A = arith.constant 21 : i32
      %get3A_415 = arith.index_cast %get3A : i32 to index
      %get3A_416 = arith.index_cast %mul3A_414 : i32 to index
      %get3A_417 = tpu.vector_load %arg6[%get3A_415, %get3A_416] {strides = array<i32>} : memref<32x1024xf32, #tpu.memory_space<vmem>>, vector<1x16xf32>,
      %get3A_418 = vector.shape_cast %get3A_417 : vector<1x16xf32> to vector<16xf32>
      %get3A_419 = arith.constant 21 : i32
      %get3A_420 = arith.index_cast %get3A_419 : i32 to index
      %get3A_421 = arith.index_cast %mul3A_414 : i32 to index
      %get3A_422 = tpu.vector_load %arg7[%get3A_420, %get3A_421] {strides = array<i32>} : memref<32x1024xf32, #tpu.memory_space<vmem>>, vector<1x16xf32>,
      %get3A_423 = vector.shape_cast %get3A_422 : vector<1x16xf32> to vector<16xf32>
      %add3A_424 = arith.addf %get3A_418, %get3A_423 : vector<16xf32>
      %swap3A = arith.constant 21 : i32
      %swap3A_425 = arith.index_cast %swap3A : i32 to index
      %swap3A_426 = arith.index_cast %mul3A_414 : i32 to index
      %swap3A_427 = tpu.vector_load %arg6[%swap3A_425, %swap3A_426] {strides = array<i32>} : memref<32x1024xf32, #tpu.memory_space<vmem>>, vector<1x16xf32>,
      %swap3A_428 = vector.shape_cast %swap3A_427 : vector<1x16xf32> to vector<16xf32>
      %swap3A_429 = vector.shape_cast %add3A_424 : vector<16xf32> to vector<1x16xf32>
      tpu.vector_store %arg6[%swap3A_425, %swap3A_426], %swap3A_429 {strides = array<i32>} : memref<32x1024xf32, #tpu.memory_space<vmem>>, vector<1x16xf32>,
    }
    %scan3A_351 = arith.constant 64 : i32
    %scan3A_352 = arith.constant 0 : i32
    %scan3A_353 = arith.constant 0 : i32
    %scan3A_354 = arith.constant 64 : i32
    %scan3A_355 = arith.addi %scan3A_353, %scan3A_354 : i32
    %scan3A_356 = arith.constant 1 : i32
    scf.for %scan3A_412 = %scan3A_353 to %scan3A_355 step %scan3A_356  : i32 {
      %mul3A_413 = arith.constant 16 : i32
      %mul3A_414 = arith.muli %scan3A_412, %mul3A_413 : i32
      %get3A = arith.constant 22 : i32
      %get3A_415 = arith.index_cast %get3A : i32 to index
      %get3A_416 = arith.index_cast %mul3A_414 : i32 to index
      %get3A_417 = tpu.vector_load %arg6[%get3A_415, %get3A_416] {strides = array<i32>} : memref<32x1024xf32, #tpu.memory_space<vmem>>, vector<1x16xf32>,
      %get3A_418 = vector.shape_cast %get3A_417 : vector<1x16xf32> to vector<16xf32>
      %get3A_419 = arith.constant 22 : i32
      %get3A_420 = arith.index_cast %get3A_419 : i32 to index
      %get3A_421 = arith.index_cast %mul3A_414 : i32 to index
      %get3A_422 = tpu.vector_load %arg7[%get3A_420, %get3A_421] {strides = array<i32>} : memref<32x1024xf32, #tpu.memory_space<vmem>>, vector<1x16xf32>,
      %get3A_423 = vector.shape_cast %get3A_422 : vector<1x16xf32> to vector<16xf32>
      %add3A_424 = arith.addf %get3A_418, %get3A_423 : vector<16xf32>
      %swap3A = arith.constant 22 : i32
      %swap3A_425 = arith.index_cast %swap3A : i32 to index
      %swap3A_426 = arith.index_cast %mul3A_414 : i32 to index
      %swap3A_427 = tpu.vector_load %arg6[%swap3A_425, %swap3A_426] {strides = array<i32>} : memref<32x1024xf32, #tpu.memory_space<vmem>>, vector<1x16xf32>,
      %swap3A_428 = vector.shape_cast %swap3A_427 : vector<1x16xf32> to vector<16xf32>
      %swap3A_429 = vector.shape_cast %add3A_424 : vector<16xf32> to vector<1x16xf32>
      tpu.vector_store %arg6[%swap3A_425, %swap3A_426], %swap3A_429 {strides = array<i32>} : memref<32x1024xf32, #tpu.memory_space<vmem>>, vector<1x16xf32>,
    }
    %scan3A_357 = arith.constant 64 : i32
    %scan3A_358 = arith.constant 0 : i32
    %scan3A_359 = arith.constant 0 : i32
    %scan3A_360 = arith.constant 64 : i32
    %scan3A_361 = arith.addi %scan3A_359, %scan3A_360 : i32
    %scan3A_362 = arith.constant 1 : i32
    scf.for %scan3A_412 = %scan3A_359 to %scan3A_361 step %scan3A_362  : i32 {
      %mul3A_413 = arith.constant 16 : i32
      %mul3A_414 = arith.muli %scan3A_412, %mul3A_413 : i32
      %get3A = arith.constant 23 : i32
      %get3A_415 = arith.index_cast %get3A : i32 to index
      %get3A_416 = arith.index_cast %mul3A_414 : i32 to index
      %get3A_417 = tpu.vector_load %arg6[%get3A_415, %get3A_416] {strides = array<i32>} : memref<32x1024xf32, #tpu.memory_space<vmem>>, vector<1x16xf32>,
      %get3A_418 = vector.shape_cast %get3A_417 : vector<1x16xf32> to vector<16xf32>
      %get3A_419 = arith.constant 23 : i32
      %get3A_420 = arith.index_cast %get3A_419 : i32 to index
      %get3A_421 = arith.index_cast %mul3A_414 : i32 to index
      %get3A_422 = tpu.vector_load %arg7[%get3A_420, %get3A_421] {strides = array<i32>} : memref<32x1024xf32, #tpu.memory_space<vmem>>, vector<1x16xf32>,
      %get3A_423 = vector.shape_cast %get3A_422 : vector<1x16xf32> to vector<16xf32>
      %add3A_424 = arith.addf %get3A_418, %get3A_423 : vector<16xf32>
      %swap3A = arith.constant 23 : i32
      %swap3A_425 = arith.index_cast %swap3A : i32 to index
      %swap3A_426 = arith.index_cast %mul3A_414 : i32 to index
      %swap3A_427 = tpu.vector_load %arg6[%swap3A_425, %swap3A_426] {strides = array<i32>} : memref<32x1024xf32, #tpu.memory_space<vmem>>, vector<1x16xf32>,
      %swap3A_428 = vector.shape_cast %swap3A_427 : vector<1x16xf32> to vector<16xf32>
      %swap3A_429 = vector.shape_cast %add3A_424 : vector<16xf32> to vector<1x16xf32>
      tpu.vector_store %arg6[%swap3A_425, %swap3A_426], %swap3A_429 {strides = array<i32>} : memref<32x1024xf32, #tpu.memory_space<vmem>>, vector<1x16xf32>,
    }
    %scan3A_363 = arith.constant 64 : i32
    %scan3A_364 = arith.constant 0 : i32
    %scan3A_365 = arith.constant 0 : i32
    %scan3A_366 = arith.constant 64 : i32
    %scan3A_367 = arith.addi %scan3A_365, %scan3A_366 : i32
    %scan3A_368 = arith.constant 1 : i32
    scf.for %scan3A_412 = %scan3A_365 to %scan3A_367 step %scan3A_368  : i32 {
      %mul3A_413 = arith.constant 16 : i32
      %mul3A_414 = arith.muli %scan3A_412, %mul3A_413 : i32
      %get3A = arith.constant 24 : i32
      %get3A_415 = arith.index_cast %get3A : i32 to index
      %get3A_416 = arith.index_cast %mul3A_414 : i32 to index
      %get3A_417 = tpu.vector_load %arg6[%get3A_415, %get3A_416] {strides = array<i32>} : memref<32x1024xf32, #tpu.memory_space<vmem>>, vector<1x16xf32>,
      %get3A_418 = vector.shape_cast %get3A_417 : vector<1x16xf32> to vector<16xf32>
      %get3A_419 = arith.constant 24 : i32
      %get3A_420 = arith.index_cast %get3A_419 : i32 to index
      %get3A_421 = arith.index_cast %mul3A_414 : i32 to index
      %get3A_422 = tpu.vector_load %arg7[%get3A_420, %get3A_421] {strides = array<i32>} : memref<32x1024xf32, #tpu.memory_space<vmem>>, vector<1x16xf32>,
      %get3A_423 = vector.shape_cast %get3A_422 : vector<1x16xf32> to vector<16xf32>
      %add3A_424 = arith.addf %get3A_418, %get3A_423 : vector<16xf32>
      %swap3A = arith.constant 24 : i32
      %swap3A_425 = arith.index_cast %swap3A : i32 to index
      %swap3A_426 = arith.index_cast %mul3A_414 : i32 to index
      %swap3A_427 = tpu.vector_load %arg6[%swap3A_425, %swap3A_426] {strides = array<i32>} : memref<32x1024xf32, #tpu.memory_space<vmem>>, vector<1x16xf32>,
      %swap3A_428 = vector.shape_cast %swap3A_427 : vector<1x16xf32> to vector<16xf32>
      %swap3A_429 = vector.shape_cast %add3A_424 : vector<16xf32> to vector<1x16xf32>
      tpu.vector_store %arg6[%swap3A_425, %swap3A_426], %swap3A_429 {strides = array<i32>} : memref<32x1024xf32, #tpu.memory_space<vmem>>, vector<1x16xf32>,
    }
    %scan3A_369 = arith.constant 64 : i32
    %scan3A_370 = arith.constant 0 : i32
    %scan3A_371 = arith.constant 0 : i32
    %scan3A_372 = arith.constant 64 : i32
    %scan3A_373 = arith.addi %scan3A_371, %scan3A_372 : i32
    %scan3A_374 = arith.constant 1 : i32
    scf.for %scan3A_412 = %scan3A_371 to %scan3A_373 step %scan3A_374  : i32 {
      %mul3A_413 = arith.constant 16 : i32
      %mul3A_414 = arith.muli %scan3A_412, %mul3A_413 : i32
      %get3A = arith.constant 25 : i32
      %get3A_415 = arith.index_cast %get3A : i32 to index
      %get3A_416 = arith.index_cast %mul3A_414 : i32 to index
      %get3A_417 = tpu.vector_load %arg6[%get3A_415, %get3A_416] {strides = array<i32>} : memref<32x1024xf32, #tpu.memory_space<vmem>>, vector<1x16xf32>,
      %get3A_418 = vector.shape_cast %get3A_417 : vector<1x16xf32> to vector<16xf32>
      %get3A_419 = arith.constant 25 : i32
      %get3A_420 = arith.index_cast %get3A_419 : i32 to index
      %get3A_421 = arith.index_cast %mul3A_414 : i32 to index
      %get3A_422 = tpu.vector_load %arg7[%get3A_420, %get3A_421] {strides = array<i32>} : memref<32x1024xf32, #tpu.memory_space<vmem>>, vector<1x16xf32>,
      %get3A_423 = vector.shape_cast %get3A_422 : vector<1x16xf32> to vector<16xf32>
      %add3A_424 = arith.addf %get3A_418, %get3A_423 : vector<16xf32>
      %swap3A = arith.constant 25 : i32
      %swap3A_425 = arith.index_cast %swap3A : i32 to index
      %swap3A_426 = arith.index_cast %mul3A_414 : i32 to index
      %swap3A_427 = tpu.vector_load %arg6[%swap3A_425, %swap3A_426] {strides = array<i32>} : memref<32x1024xf32, #tpu.memory_space<vmem>>, vector<1x16xf32>,
      %swap3A_428 = vector.shape_cast %swap3A_427 : vector<1x16xf32> to vector<16xf32>
      %swap3A_429 = vector.shape_cast %add3A_424 : vector<16xf32> to vector<1x16xf32>
      tpu.vector_store %arg6[%swap3A_425, %swap3A_426], %swap3A_429 {strides = array<i32>} : memref<32x1024xf32, #tpu.memory_space<vmem>>, vector<1x16xf32>,
    }
    %scan3A_375 = arith.constant 64 : i32
    %scan3A_376 = arith.constant 0 : i32
    %scan3A_377 = arith.constant 0 : i32
    %scan3A_378 = arith.constant 64 : i32
    %scan3A_379 = arith.addi %scan3A_377, %scan3A_378 : i32
    %scan3A_380 = arith.constant 1 : i32
    scf.for %scan3A_412 = %scan3A_377 to %scan3A_379 step %scan3A_380  : i32 {
      %mul3A_413 = arith.constant 16 : i32
      %mul3A_414 = arith.muli %scan3A_412, %mul3A_413 : i32
      %get3A = arith.constant 26 : i32
      %get3A_415 = arith.index_cast %get3A : i32 to index
      %get3A_416 = arith.index_cast %mul3A_414 : i32 to index
      %get3A_417 = tpu.vector_load %arg6[%get3A_415, %get3A_416] {strides = array<i32>} : memref<32x1024xf32, #tpu.memory_space<vmem>>, vector<1x16xf32>,
      %get3A_418 = vector.shape_cast %get3A_417 : vector<1x16xf32> to vector<16xf32>
      %get3A_419 = arith.constant 26 : i32
      %get3A_420 = arith.index_cast %get3A_419 : i32 to index
      %get3A_421 = arith.index_cast %mul3A_414 : i32 to index
      %get3A_422 = tpu.vector_load %arg7[%get3A_420, %get3A_421] {strides = array<i32>} : memref<32x1024xf32, #tpu.memory_space<vmem>>, vector<1x16xf32>,
      %get3A_423 = vector.shape_cast %get3A_422 : vector<1x16xf32> to vector<16xf32>
      %add3A_424 = arith.addf %get3A_418, %get3A_423 : vector<16xf32>
      %swap3A = arith.constant 26 : i32
      %swap3A_425 = arith.index_cast %swap3A : i32 to index
      %swap3A_426 = arith.index_cast %mul3A_414 : i32 to index
      %swap3A_427 = tpu.vector_load %arg6[%swap3A_425, %swap3A_426] {strides = array<i32>} : memref<32x1024xf32, #tpu.memory_space<vmem>>, vector<1x16xf32>,
      %swap3A_428 = vector.shape_cast %swap3A_427 : vector<1x16xf32> to vector<16xf32>
      %swap3A_429 = vector.shape_cast %add3A_424 : vector<16xf32> to vector<1x16xf32>
      tpu.vector_store %arg6[%swap3A_425, %swap3A_426], %swap3A_429 {strides = array<i32>} : memref<32x1024xf32, #tpu.memory_space<vmem>>, vector<1x16xf32>,
    }
    %scan3A_381 = arith.constant 64 : i32
    %scan3A_382 = arith.constant 0 : i32
    %scan3A_383 = arith.constant 0 : i32
    %scan3A_384 = arith.constant 64 : i32
    %scan3A_385 = arith.addi %scan3A_383, %scan3A_384 : i32
    %scan3A_386 = arith.constant 1 : i32
    scf.for %scan3A_412 = %scan3A_383 to %scan3A_385 step %scan3A_386  : i32 {
      %mul3A_413 = arith.constant 16 : i32
      %mul3A_414 = arith.muli %scan3A_412, %mul3A_413 : i32
      %get3A = arith.constant 27 : i32
      %get3A_415 = arith.index_cast %get3A : i32 to index
      %get3A_416 = arith.index_cast %mul3A_414 : i32 to index
      %get3A_417 = tpu.vector_load %arg6[%get3A_415, %get3A_416] {strides = array<i32>} : memref<32x1024xf32, #tpu.memory_space<vmem>>, vector<1x16xf32>,
      %get3A_418 = vector.shape_cast %get3A_417 : vector<1x16xf32> to vector<16xf32>
      %get3A_419 = arith.constant 27 : i32
      %get3A_420 = arith.index_cast %get3A_419 : i32 to index
      %get3A_421 = arith.index_cast %mul3A_414 : i32 to index
      %get3A_422 = tpu.vector_load %arg7[%get3A_420, %get3A_421] {strides = array<i32>} : memref<32x1024xf32, #tpu.memory_space<vmem>>, vector<1x16xf32>,
      %get3A_423 = vector.shape_cast %get3A_422 : vector<1x16xf32> to vector<16xf32>
      %add3A_424 = arith.addf %get3A_418, %get3A_423 : vector<16xf32>
      %swap3A = arith.constant 27 : i32
      %swap3A_425 = arith.index_cast %swap3A : i32 to index
      %swap3A_426 = arith.index_cast %mul3A_414 : i32 to index
      %swap3A_427 = tpu.vector_load %arg6[%swap3A_425, %swap3A_426] {strides = array<i32>} : memref<32x1024xf32, #tpu.memory_space<vmem>>, vector<1x16xf32>,
      %swap3A_428 = vector.shape_cast %swap3A_427 : vector<1x16xf32> to vector<16xf32>
      %swap3A_429 = vector.shape_cast %add3A_424 : vector<16xf32> to vector<1x16xf32>
      tpu.vector_store %arg6[%swap3A_425, %swap3A_426], %swap3A_429 {strides = array<i32>} : memref<32x1024xf32, #tpu.memory_space<vmem>>, vector<1x16xf32>,
    }
    %scan3A_387 = arith.constant 64 : i32
    %scan3A_388 = arith.constant 0 : i32
    %scan3A_389 = arith.constant 0 : i32
    %scan3A_390 = arith.constant 64 : i32
    %scan3A_391 = arith.addi %scan3A_389, %scan3A_390 : i32
    %scan3A_392 = arith.constant 1 : i32
    scf.for %scan3A_412 = %scan3A_389 to %scan3A_391 step %scan3A_392  : i32 {
      %mul3A_413 = arith.constant 16 : i32
      %mul3A_414 = arith.muli %scan3A_412, %mul3A_413 : i32
      %get3A = arith.constant 28 : i32
      %get3A_415 = arith.index_cast %get3A : i32 to index
      %get3A_416 = arith.index_cast %mul3A_414 : i32 to index
      %get3A_417 = tpu.vector_load %arg6[%get3A_415, %get3A_416] {strides = array<i32>} : memref<32x1024xf32, #tpu.memory_space<vmem>>, vector<1x16xf32>,
      %get3A_418 = vector.shape_cast %get3A_417 : vector<1x16xf32> to vector<16xf32>
      %get3A_419 = arith.constant 28 : i32
      %get3A_420 = arith.index_cast %get3A_419 : i32 to index
      %get3A_421 = arith.index_cast %mul3A_414 : i32 to index
      %get3A_422 = tpu.vector_load %arg7[%get3A_420, %get3A_421] {strides = array<i32>} : memref<32x1024xf32, #tpu.memory_space<vmem>>, vector<1x16xf32>,
      %get3A_423 = vector.shape_cast %get3A_422 : vector<1x16xf32> to vector<16xf32>
      %add3A_424 = arith.addf %get3A_418, %get3A_423 : vector<16xf32>
      %swap3A = arith.constant 28 : i32
      %swap3A_425 = arith.index_cast %swap3A : i32 to index
      %swap3A_426 = arith.index_cast %mul3A_414 : i32 to index
      %swap3A_427 = tpu.vector_load %arg6[%swap3A_425, %swap3A_426] {strides = array<i32>} : memref<32x1024xf32, #tpu.memory_space<vmem>>, vector<1x16xf32>,
      %swap3A_428 = vector.shape_cast %swap3A_427 : vector<1x16xf32> to vector<16xf32>
      %swap3A_429 = vector.shape_cast %add3A_424 : vector<16xf32> to vector<1x16xf32>
      tpu.vector_store %arg6[%swap3A_425, %swap3A_426], %swap3A_429 {strides = array<i32>} : memref<32x1024xf32, #tpu.memory_space<vmem>>, vector<1x16xf32>,
    }
    %scan3A_393 = arith.constant 64 : i32
    %scan3A_394 = arith.constant 0 : i32
    %scan3A_395 = arith.constant 0 : i32
    %scan3A_396 = arith.constant 64 : i32
    %scan3A_397 = arith.addi %scan3A_395, %scan3A_396 : i32
    %scan3A_398 = arith.constant 1 : i32
    scf.for %scan3A_412 = %scan3A_395 to %scan3A_397 step %scan3A_398  : i32 {
      %mul3A_413 = arith.constant 16 : i32
      %mul3A_414 = arith.muli %scan3A_412, %mul3A_413 : i32
      %get3A = arith.constant 29 : i32
      %get3A_415 = arith.index_cast %get3A : i32 to index
      %get3A_416 = arith.index_cast %mul3A_414 : i32 to index
      %get3A_417 = tpu.vector_load %arg6[%get3A_415, %get3A_416] {strides = array<i32>} : memref<32x1024xf32, #tpu.memory_space<vmem>>, vector<1x16xf32>,
      %get3A_418 = vector.shape_cast %get3A_417 : vector<1x16xf32> to vector<16xf32>
      %get3A_419 = arith.constant 29 : i32
      %get3A_420 = arith.index_cast %get3A_419 : i32 to index
      %get3A_421 = arith.index_cast %mul3A_414 : i32 to index
      %get3A_422 = tpu.vector_load %arg7[%get3A_420, %get3A_421] {strides = array<i32>} : memref<32x1024xf32, #tpu.memory_space<vmem>>, vector<1x16xf32>,
      %get3A_423 = vector.shape_cast %get3A_422 : vector<1x16xf32> to vector<16xf32>
      %add3A_424 = arith.addf %get3A_418, %get3A_423 : vector<16xf32>
      %swap3A = arith.constant 29 : i32
      %swap3A_425 = arith.index_cast %swap3A : i32 to index
      %swap3A_426 = arith.index_cast %mul3A_414 : i32 to index
      %swap3A_427 = tpu.vector_load %arg6[%swap3A_425, %swap3A_426] {strides = array<i32>} : memref<32x1024xf32, #tpu.memory_space<vmem>>, vector<1x16xf32>,
      %swap3A_428 = vector.shape_cast %swap3A_427 : vector<1x16xf32> to vector<16xf32>
      %swap3A_429 = vector.shape_cast %add3A_424 : vector<16xf32> to vector<1x16xf32>
      tpu.vector_store %arg6[%swap3A_425, %swap3A_426], %swap3A_429 {strides = array<i32>} : memref<32x1024xf32, #tpu.memory_space<vmem>>, vector<1x16xf32>,
    }
    %scan3A_399 = arith.constant 64 : i32
    %scan3A_400 = arith.constant 0 : i32
    %scan3A_401 = arith.constant 0 : i32
    %scan3A_402 = arith.constant 64 : i32
    %scan3A_403 = arith.addi %scan3A_401, %scan3A_402 : i32
    %scan3A_404 = arith.constant 1 : i32
    scf.for %scan3A_412 = %scan3A_401 to %scan3A_403 step %scan3A_404  : i32 {
      %mul3A_413 = arith.constant 16 : i32
      %mul3A_414 = arith.muli %scan3A_412, %mul3A_413 : i32
      %get3A = arith.constant 30 : i32
      %get3A_415 = arith.index_cast %get3A : i32 to index
      %get3A_416 = arith.index_cast %mul3A_414 : i32 to index
      %get3A_417 = tpu.vector_load %arg6[%get3A_415, %get3A_416] {strides = array<i32>} : memref<32x1024xf32, #tpu.memory_space<vmem>>, vector<1x16xf32>,
      %get3A_418 = vector.shape_cast %get3A_417 : vector<1x16xf32> to vector<16xf32>
      %get3A_419 = arith.constant 30 : i32
      %get3A_420 = arith.index_cast %get3A_419 : i32 to index
      %get3A_421 = arith.index_cast %mul3A_414 : i32 to index
      %get3A_422 = tpu.vector_load %arg7[%get3A_420, %get3A_421] {strides = array<i32>} : memref<32x1024xf32, #tpu.memory_space<vmem>>, vector<1x16xf32>,
      %get3A_423 = vector.shape_cast %get3A_422 : vector<1x16xf32> to vector<16xf32>
      %add3A_424 = arith.addf %get3A_418, %get3A_423 : vector<16xf32>
      %swap3A = arith.constant 30 : i32
      %swap3A_425 = arith.index_cast %swap3A : i32 to index
      %swap3A_426 = arith.index_cast %mul3A_414 : i32 to index
      %swap3A_427 = tpu.vector_load %arg6[%swap3A_425, %swap3A_426] {strides = array<i32>} : memref<32x1024xf32, #tpu.memory_space<vmem>>, vector<1x16xf32>,
      %swap3A_428 = vector.shape_cast %swap3A_427 : vector<1x16xf32> to vector<16xf32>
      %swap3A_429 = vector.shape_cast %add3A_424 : vector<16xf32> to vector<1x16xf32>
      tpu.vector_store %arg6[%swap3A_425, %swap3A_426], %swap3A_429 {strides = array<i32>} : memref<32x1024xf32, #tpu.memory_space<vmem>>, vector<1x16xf32>,
    }
    %scan3A_405 = arith.constant 64 : i32
    %scan3A_406 = arith.constant 0 : i32
    %scan3A_407 = arith.constant 0 : i32
    %scan3A_408 = arith.constant 64 : i32
    %scan3A_409 = arith.addi %scan3A_407, %scan3A_408 : i32
    %scan3A_410 = arith.constant 1 : i32
    scf.for %scan3A_412 = %scan3A_407 to %scan3A_409 step %scan3A_410  : i32 {
      %mul3A_413 = arith.constant 16 : i32
      %mul3A_414 = arith.muli %scan3A_412, %mul3A_413 : i32
      %get3A = arith.constant 31 : i32
      %get3A_415 = arith.index_cast %get3A : i32 to index
      %get3A_416 = arith.index_cast %mul3A_414 : i32 to index
      %get3A_417 = tpu.vector_load %arg6[%get3A_415, %get3A_416] {strides = array<i32>} : memref<32x1024xf32, #tpu.memory_space<vmem>>, vector<1x16xf32>,
      %get3A_418 = vector.shape_cast %get3A_417 : vector<1x16xf32> to vector<16xf32>
      %get3A_419 = arith.constant 31 : i32
      %get3A_420 = arith.index_cast %get3A_419 : i32 to index
      %get3A_421 = arith.index_cast %mul3A_414 : i32 to index
      %get3A_422 = tpu.vector_load %arg7[%get3A_420, %get3A_421] {strides = array<i32>} : memref<32x1024xf32, #tpu.memory_space<vmem>>, vector<1x16xf32>,
      %get3A_423 = vector.shape_cast %get3A_422 : vector<1x16xf32> to vector<16xf32>
      %add3A_424 = arith.addf %get3A_418, %get3A_423 : vector<16xf32>
      %swap3A = arith.constant 31 : i32
      %swap3A_425 = arith.index_cast %swap3A : i32 to index
      %swap3A_426 = arith.index_cast %mul3A_414 : i32 to index
      %swap3A_427 = tpu.vector_load %arg6[%swap3A_425, %swap3A_426] {strides = array<i32>} : memref<32x1024xf32, #tpu.memory_space<vmem>>, vector<1x16xf32>,
      %swap3A_428 = vector.shape_cast %swap3A_427 : vector<1x16xf32> to vector<16xf32>
      %swap3A_429 = vector.shape_cast %add3A_424 : vector<16xf32> to vector<1x16xf32>
      tpu.vector_store %arg6[%swap3A_425, %swap3A_426], %swap3A_429 {strides = array<i32>} : memref<32x1024xf32, #tpu.memory_space<vmem>>, vector<1x16xf32>,
    }
    %scan3A_411 = arith.constant 64 : i32
    "tpu.region"() ({
      %run_scoped3A = tpu.sem_alloc : memref<!tpu.dma_semaphore, #tpu.memory_space<semaphore_mem>>
      %dma_start3A_412 = arith.constant 0 : i32
      %dma_start3A_413 = tpu.memref_slice %arg5[%add3A_207, %dma_start3A_412] : memref<2048x1024xf32, #tpu.memory_space<hbm>> -> memref<32x1024xf32, #tpu.memory_space<hbm>>
      %dma_start3A_414 = arith.constant 0 : i32
      %dma_start3A_415 = tpu.memref_slice %arg5[%add3A_207, %dma_start3A_414] : memref<2048x1024xf32, #tpu.memory_space<hbm>> -> memref<32x1024xf32, #tpu.memory_space<hbm>>
      tpu.enqueue_dma source(%arg6 : memref<32x1024xf32, #tpu.memory_space<vmem>>) target(%dma_start3A_415 : memref<32x1024xf32, #tpu.memory_space<hbm>>) target_semaphore(%run_scoped3A : memref<!tpu.dma_semaphore, #tpu.memory_space<semaphore_mem>>)
      %dma_wait3A_416 = arith.constant 0 : i32
      %dma_wait3A_417 = tpu.memref_slice %arg5[%add3A_207, %dma_wait3A_416] : memref<2048x1024xf32, #tpu.memory_space<hbm>> -> memref<32x1024xf32, #tpu.memory_space<hbm>>
      %dma_wait3A_418 = arith.constant 0 : i32
      %dma_wait3A_419 = tpu.memref_slice %arg5[%add3A_207, %dma_wait3A_418] : memref<2048x1024xf32, #tpu.memory_space<hbm>> -> memref<32x1024xf32, #tpu.memory_space<hbm>>
      tpu.wait_dma2 semaphore(%run_scoped3A : memref<!tpu.dma_semaphore, #tpu.memory_space<semaphore_mem>>) src(%arg6 : memref<32x1024xf32, #tpu.memory_space<vmem>>) dst(%dma_wait3A_419 : memref<32x1024xf32, #tpu.memory_space<hbm>>)
      tpu.yield
    }) : () -> ()
    return
  }
}

module attributes {stable_mosaic.version = 14 : i64} {
  func.func @_meta_body(%arg0: memref<2048x1024xf32, #tpu.memory_space<vmem>>, %arg1: memref<1024x8xf32, #tpu.memory_space<vmem>>, %arg2: memref<1x8xf32, #tpu.memory_space<vmem>>, %arg3: memref<2048x1xi32, #tpu.memory_space<vmem>>, %arg4: memref<2048x1xi32, #tpu.memory_space<vmem>>, %arg5: memref<2048x1xf32, #tpu.memory_space<vmem>>, %arg6: memref<2048x1xf32, #tpu.memory_space<vmem>>, %arg7: memref<32x1xi32, #tpu.memory_space<vmem>>, %arg8: memref<32x1xi32, #tpu.memory_space<vmem>>) attributes {dimension_semantics = [], scalar_prefetch = 0 : i64, scratch_operands = 0 : i64, tpu.core_type = #tpu.core_type<tc>} {
    %get3A = arith.constant 0 : index
    %get3A_0 = arith.constant 0 : index
    %get3A_1 = vector.load %arg0[%get3A, %get3A_0] : memref<2048x1024xf32, #tpu.memory_space<vmem>>, vector<2048x1024xf32>
    %get3A_2 = arith.constant 0 : index
    %get3A_3 = arith.constant 0 : index
    %get3A_4 = vector.load %arg1[%get3A_2, %get3A_3] : memref<1024x8xf32, #tpu.memory_space<vmem>>, vector<1024x8xf32>
    %dot_general3A = arith.constant dense<0.000000e+00> : vector<2048x8xf32>
    %dot_general3A_5 = tpu.matmul %get3A_1, %get3A_4, %dot_general3A {dimension_numbers = #tpu.dot_dimension_numbers<[1], [0], [0], [1], [0, 0, 1, 1], [], []>, transpose_lhs_hint = false} : vector<2048x1024xf32>, vector<1024x8xf32>, vector<2048x8xf32> -> vector<2048x8xf32>
    %get3A_6 = arith.constant 0 : index
    %get3A_7 = arith.constant 0 : index
    %get3A_8 = vector.load %arg2[%get3A_6, %get3A_7] : memref<1x8xf32, #tpu.memory_space<vmem>>, vector<1x8xf32>
    %add3A = vector.broadcast %get3A_8 : vector<1x8xf32> to vector<2048x8xf32>
    %add3A_9 = arith.addf %dot_general3A_5, %add3A : vector<2048x8xf32>
    %iota3A = tpu.iota {dimensions = array<i32: 1>} : vector<2048x8xi32>
    %reduce_max3A = arith.constant dense<0xFF800000> : vector<2048xf32>
    %reduce_max3A_10 = vector.multi_reduction <maximumf>, %add3A_9, %reduce_max3A [1] : vector<2048x8xf32> to vector<2048xf32>
    %broadcast_in_dim3A = vector.shape_cast %reduce_max3A_10 : vector<2048xf32> to vector<2048x1xf32>
    %eq3A = vector.broadcast %broadcast_in_dim3A : vector<2048x1xf32> to vector<2048x8xf32>
    %eq3A_11 = arith.cmpf oeq, %add3A_9, %eq3A : vector<2048x8xf32>
    %jit3A = arith.constant 8 : i32
    %broadcast_in_dim3A_12 = vector.broadcast %jit3A : i32 to vector<2048x8xi32>
    %select_n3A = arith.select %eq3A_11, %iota3A, %broadcast_in_dim3A_12 : vector<2048x8xi1>, vector<2048x8xi32>
    %reduce_min3A = arith.constant dense<2147483647> : vector<2048xi32>
    %reduce_min3A_13 = vector.multi_reduction <minsi>, %select_n3A, %reduce_min3A [1] : vector<2048x8xi32> to vector<2048xi32>
    %broadcast_in_dim3A_14 = vector.shape_cast %reduce_min3A_13 : vector<2048xi32> to vector<2048x1xi32>
    %eq3A_15 = vector.broadcast %broadcast_in_dim3A_14 : vector<2048x1xi32> to vector<2048x8xi32>
    %eq3A_16 = arith.cmpi eq, %iota3A, %eq3A_15 : vector<2048x8xi32>
    %jit3A_17 = arith.constant -1.000000e+30 : f32
    %broadcast_in_dim3A_18 = vector.broadcast %jit3A_17 : f32 to vector<2048x8xf32>
    %select_n3A_19 = arith.select %eq3A_16, %broadcast_in_dim3A_18, %add3A_9 : vector<2048x8xi1>, vector<2048x8xf32>
    %reduce_max3A_20 = arith.constant dense<0xFF800000> : vector<2048xf32>
    %reduce_max3A_21 = vector.multi_reduction <maximumf>, %select_n3A_19, %reduce_max3A_20 [1] : vector<2048x8xf32> to vector<2048xf32>
    %broadcast_in_dim3A_22 = vector.shape_cast %reduce_max3A_21 : vector<2048xf32> to vector<2048x1xf32>
    %eq3A_23 = vector.broadcast %broadcast_in_dim3A_22 : vector<2048x1xf32> to vector<2048x8xf32>
    %eq3A_24 = arith.cmpf oeq, %select_n3A_19, %eq3A_23 : vector<2048x8xf32>
    %jit3A_25 = arith.constant 8 : i32
    %broadcast_in_dim3A_26 = vector.broadcast %jit3A_25 : i32 to vector<2048x8xi32>
    %select_n3A_27 = arith.select %eq3A_24, %iota3A, %broadcast_in_dim3A_26 : vector<2048x8xi1>, vector<2048x8xi32>
    %reduce_min3A_28 = arith.constant dense<2147483647> : vector<2048xi32>
    %reduce_min3A_29 = vector.multi_reduction <minsi>, %select_n3A_27, %reduce_min3A_28 [1] : vector<2048x8xi32> to vector<2048xi32>
    %broadcast_in_dim3A_30 = vector.shape_cast %reduce_min3A_29 : vector<2048xi32> to vector<2048x1xi32>
    %sub3A = arith.subf %broadcast_in_dim3A_22, %broadcast_in_dim3A : vector<2048x1xf32>
    %exp3A = math.exp %sub3A : vector<2048x1xf32>
    %add3A_31 = arith.constant 1.000000e+00 : f32
    %add3A_32 = vector.broadcast %add3A_31 : f32 to vector<2048x1xf32>
    %add3A_33 = arith.addf %add3A_32, %exp3A : vector<2048x1xf32>
    %div3A = arith.constant 1.000000e+00 : f32
    %div3A_34 = vector.broadcast %div3A : f32 to vector<2048x1xf32>
    %div3A_35 = arith.divf %div3A_34, %add3A_33 : vector<2048x1xf32>
    %sub3A_36 = arith.constant 1.000000e+00 : f32
    %sub3A_37 = vector.broadcast %sub3A_36 : f32 to vector<2048x1xf32>
    %sub3A_38 = arith.subf %sub3A_37, %div3A_35 : vector<2048x1xf32>
    %eq3A_39 = vector.broadcast %broadcast_in_dim3A_14 : vector<2048x1xi32> to vector<2048x8xi32>
    %eq3A_40 = arith.cmpi eq, %iota3A, %eq3A_39 : vector<2048x8xi32>
    %convert_element_type3A = arith.extui %eq3A_40 : vector<2048x8xi1> to vector<2048x8xi32>
    %convert_element_type3A_41 = arith.sitofp %convert_element_type3A : vector<2048x8xi32> to vector<2048x8xf32>
    %eq3A_42 = vector.broadcast %broadcast_in_dim3A_30 : vector<2048x1xi32> to vector<2048x8xi32>
    %eq3A_43 = arith.cmpi eq, %iota3A, %eq3A_42 : vector<2048x8xi32>
    %convert_element_type3A_44 = arith.extui %eq3A_43 : vector<2048x8xi1> to vector<2048x8xi32>
    %convert_element_type3A_45 = arith.sitofp %convert_element_type3A_44 : vector<2048x8xi32> to vector<2048x8xf32>
    %add3A_46 = arith.addf %convert_element_type3A_41, %convert_element_type3A_45 : vector<2048x8xf32>
    %iota3A_47 = tpu.iota {dimensions = array<i32: 0>} : vector<2048x2048xi32>
    %iota3A_48 = tpu.iota {dimensions = array<i32: 1>} : vector<2048x2048xi32>
    %gt3A = arith.cmpi sgt, %iota3A_47, %iota3A_48 : vector<2048x2048xi32>
    %convert_element_type3A_49 = arith.extui %gt3A : vector<2048x2048xi1> to vector<2048x2048xi32>
    %convert_element_type3A_50 = arith.sitofp %convert_element_type3A_49 : vector<2048x2048xi32> to vector<2048x2048xf32>
    %convert_element_type3A_51 = arith.truncf %convert_element_type3A_50 : vector<2048x2048xf32> to vector<2048x2048xbf16>
    %convert_element_type3A_52 = arith.truncf %add3A_46 : vector<2048x8xf32> to vector<2048x8xbf16>
    %dot_general3A_53 = arith.constant dense<0.000000e+00> : vector<2048x8xf32>
    %dot_general3A_54 = tpu.matmul %convert_element_type3A_51, %convert_element_type3A_52, %dot_general3A_53 {dimension_numbers = #tpu.dot_dimension_numbers<[1], [0], [0], [1], [0, 0, 1, 1], [], []>, transpose_lhs_hint = false} : vector<2048x2048xbf16>, vector<2048x8xbf16>, vector<2048x8xf32> -> vector<2048x8xf32>
    %slice3A = vector.extract_strided_slice %dot_general3A_54 {offsets = [2047, 0], sizes = [1, 8], strides = [1, 1]} : vector<2048x8xf32> to vector<1x8xf32>
    %slice3A_55 = vector.extract_strided_slice %add3A_46 {offsets = [2047, 0], sizes = [1, 8], strides = [1, 1]} : vector<2048x8xf32> to vector<1x8xf32>
    %add3A_56 = arith.addf %slice3A, %slice3A_55 : vector<1x8xf32>
    %convert_element_type3A_57 = arith.fptosi %add3A_56 : vector<1x8xf32> to vector<1x8xi32>
    %add3A_58 = arith.constant 256 : i32
    %add3A_59 = vector.broadcast %add3A_58 : i32 to vector<1x8xi32>
    %add3A_60 = arith.addi %convert_element_type3A_57, %add3A_59 : vector<1x8xi32>
    %sub3A_61 = arith.constant 1 : i32
    %sub3A_62 = vector.broadcast %sub3A_61 : i32 to vector<1x8xi32>
    %sub3A_63 = arith.subi %add3A_60, %sub3A_62 : vector<1x8xi32>
    %jit3A_64 = arith.constant 256 : i32
    %div3A_65 = vector.broadcast %jit3A_64 : i32 to vector<1x8xi32>
    %div3A_66 = arith.divsi %sub3A_63, %div3A_65 : vector<1x8xi32>
    %sign3A = arith.constant 0 : i32
    %sign3A_67 = vector.broadcast %sign3A : i32 to vector<1x8xi32>
    %sign3A_68 = arith.cmpi sgt, %sub3A_63, %sign3A_67 : vector<1x8xi32>
    %sign3A_69 = arith.extui %sign3A_68 : vector<1x8xi1> to vector<1x8xi32>
    %sign3A_70 = arith.constant 0 : i32
    %sign3A_71 = vector.broadcast %sign3A_70 : i32 to vector<1x8xi32>
    %sign3A_72 = arith.cmpi slt, %sub3A_63, %sign3A_71 : vector<1x8xi32>
    %sign3A_73 = arith.extui %sign3A_72 : vector<1x8xi1> to vector<1x8xi32>
    %sign3A_74 = arith.subi %sign3A_69, %sign3A_73 : vector<1x8xi32>
    %sign3A_75 = arith.constant 0 : i32
    %sign3A_76 = arith.cmpi sgt, %jit3A_64, %sign3A_75 : i32
    %sign3A_77 = arith.extui %sign3A_76 : i1 to i32
    %sign3A_78 = arith.constant 0 : i32
    %sign3A_79 = arith.cmpi slt, %jit3A_64, %sign3A_78 : i32
    %sign3A_80 = arith.extui %sign3A_79 : i1 to i32
    %sign3A_81 = arith.subi %sign3A_77, %sign3A_80 : i32
    %ne3A = vector.broadcast %sign3A_81 : i32 to vector<1x8xi32>
    %ne3A_82 = arith.cmpi ne, %sign3A_74, %ne3A : vector<1x8xi32>
    %rem3A = vector.broadcast %jit3A_64 : i32 to vector<1x8xi32>
    %rem3A_83 = arith.remsi %sub3A_63, %rem3A : vector<1x8xi32>
    %ne3A_84 = arith.constant 0 : i32
    %ne3A_85 = vector.broadcast %ne3A_84 : i32 to vector<1x8xi32>
    %ne3A_86 = arith.cmpi ne, %rem3A_83, %ne3A_85 : vector<1x8xi32>
    %and3A = arith.andi %ne3A_82, %ne3A_86 : vector<1x8xi1>
    %sub3A_87 = arith.constant 1 : i32
    %sub3A_88 = vector.broadcast %sub3A_87 : i32 to vector<1x8xi32>
    %sub3A_89 = arith.subi %div3A_66, %sub3A_88 : vector<1x8xi32>
    %select_n3A_90 = arith.select %and3A, %sub3A_89, %div3A_66 : vector<1x8xi1>, vector<1x8xi32>
    %mul3A = arith.constant 256 : i32
    %mul3A_91 = vector.broadcast %mul3A : i32 to vector<1x8xi32>
    %mul3A_92 = arith.muli %select_n3A_90, %mul3A_91 : vector<1x8xi32>
    %convert_element_type3A_93 = arith.sitofp %mul3A_92 : vector<1x8xi32> to vector<1x8xf32>
    %iota3A_94 = tpu.iota {dimensions = array<i32: 0>} : vector<8x8xi32>
    %iota3A_95 = tpu.iota {dimensions = array<i32: 1>} : vector<8x8xi32>
    %lt3A = arith.cmpi slt, %iota3A_94, %iota3A_95 : vector<8x8xi32>
    %convert_element_type3A_96 = arith.extui %lt3A : vector<8x8xi1> to vector<8x8xi32>
    %convert_element_type3A_97 = arith.sitofp %convert_element_type3A_96 : vector<8x8xi32> to vector<8x8xf32>
    %dot_general3A_98 = arith.constant dense<0.000000e+00> : vector<1x8xf32>
    %dot_general3A_99 = tpu.matmul %convert_element_type3A_93, %convert_element_type3A_97, %dot_general3A_98 {dimension_numbers = #tpu.dot_dimension_numbers<[1], [0], [0], [1], [0, 0, 1, 1], [], []>, transpose_lhs_hint = false} : vector<1x8xf32>, vector<8x8xf32>, vector<1x8xf32> -> vector<1x8xf32>
    %mul3A_100 = arith.mulf %convert_element_type3A_41, %dot_general3A_54 : vector<2048x8xf32>
    %reduce_sum3A = arith.constant dense<0.000000e+00> : vector<2048xf32>
    %reduce_sum3A_101 = vector.multi_reduction <add>, %mul3A_100, %reduce_sum3A [1] : vector<2048x8xf32> to vector<2048xf32>
    %broadcast_in_dim3A_102 = vector.shape_cast %reduce_sum3A_101 : vector<2048xf32> to vector<2048x1xf32>
    %mul3A_103 = arith.mulf %convert_element_type3A_45, %dot_general3A_54 : vector<2048x8xf32>
    %reduce_sum3A_104 = arith.constant dense<0.000000e+00> : vector<2048xf32>
    %reduce_sum3A_105 = vector.multi_reduction <add>, %mul3A_103, %reduce_sum3A_104 [1] : vector<2048x8xf32> to vector<2048xf32>
    %broadcast_in_dim3A_106 = vector.shape_cast %reduce_sum3A_105 : vector<2048xf32> to vector<2048x1xf32>
    %mul3A_107 = vector.broadcast %dot_general3A_99 : vector<1x8xf32> to vector<2048x8xf32>
    %mul3A_108 = arith.mulf %convert_element_type3A_41, %mul3A_107 : vector<2048x8xf32>
    %reduce_sum3A_109 = arith.constant dense<0.000000e+00> : vector<2048xf32>
    %reduce_sum3A_110 = vector.multi_reduction <add>, %mul3A_108, %reduce_sum3A_109 [1] : vector<2048x8xf32> to vector<2048xf32>
    %broadcast_in_dim3A_111 = vector.shape_cast %reduce_sum3A_110 : vector<2048xf32> to vector<2048x1xf32>
    %mul3A_112 = vector.broadcast %dot_general3A_99 : vector<1x8xf32> to vector<2048x8xf32>
    %mul3A_113 = arith.mulf %convert_element_type3A_45, %mul3A_112 : vector<2048x8xf32>
    %reduce_sum3A_114 = arith.constant dense<0.000000e+00> : vector<2048xf32>
    %reduce_sum3A_115 = vector.multi_reduction <add>, %mul3A_113, %reduce_sum3A_114 [1] : vector<2048x8xf32> to vector<2048xf32>
    %broadcast_in_dim3A_116 = vector.shape_cast %reduce_sum3A_115 : vector<2048xf32> to vector<2048x1xf32>
    %add3A_117 = arith.addf %broadcast_in_dim3A_111, %broadcast_in_dim3A_102 : vector<2048x1xf32>
    %convert_element_type3A_118 = arith.fptosi %add3A_117 : vector<2048x1xf32> to vector<2048x1xi32>
    %swap3A = arith.constant 0 : index
    %swap3A_119 = arith.constant 0 : index
    %swap3A_120 = vector.load %arg3[%swap3A, %swap3A_119] : memref<2048x1xi32, #tpu.memory_space<vmem>>, vector<2048x1xi32>
    tpu.vector_store %arg3[%swap3A, %swap3A_119], %convert_element_type3A_118 {strides = array<i32>} : memref<2048x1xi32, #tpu.memory_space<vmem>>, vector<2048x1xi32>,
    %add3A_121 = arith.addf %broadcast_in_dim3A_116, %broadcast_in_dim3A_106 : vector<2048x1xf32>
    %convert_element_type3A_122 = arith.fptosi %add3A_121 : vector<2048x1xf32> to vector<2048x1xi32>
    %swap3A_123 = arith.constant 0 : index
    %swap3A_124 = arith.constant 0 : index
    %swap3A_125 = vector.load %arg4[%swap3A_123, %swap3A_124] : memref<2048x1xi32, #tpu.memory_space<vmem>>, vector<2048x1xi32>
    tpu.vector_store %arg4[%swap3A_123, %swap3A_124], %convert_element_type3A_122 {strides = array<i32>} : memref<2048x1xi32, #tpu.memory_space<vmem>>, vector<2048x1xi32>,
    %swap3A_126 = arith.constant 0 : index
    %swap3A_127 = arith.constant 0 : index
    %swap3A_128 = vector.load %arg5[%swap3A_126, %swap3A_127] : memref<2048x1xf32, #tpu.memory_space<vmem>>, vector<2048x1xf32>
    tpu.vector_store %arg5[%swap3A_126, %swap3A_127], %div3A_35 {strides = array<i32>} : memref<2048x1xf32, #tpu.memory_space<vmem>>, vector<2048x1xf32>,
    %swap3A_129 = arith.constant 0 : index
    %swap3A_130 = arith.constant 0 : index
    %swap3A_131 = vector.load %arg6[%swap3A_129, %swap3A_130] : memref<2048x1xf32, #tpu.memory_space<vmem>>, vector<2048x1xf32>
    tpu.vector_store %arg6[%swap3A_129, %swap3A_130], %sub3A_38 {strides = array<i32>} : memref<2048x1xf32, #tpu.memory_space<vmem>>, vector<2048x1xf32>,
    %add3A_132 = arith.addf %dot_general3A_99, %convert_element_type3A_93 : vector<1x8xf32>
    %iota3A_133 = tpu.iota {dimensions = array<i32: 0>} : vector<32x1xi32>
    %convert_element_type3A_134 = arith.sitofp %iota3A_133 : vector<32x1xi32> to vector<32x1xf32>
    %mul3A_135 = arith.constant 2.560000e+02 : f32
    %mul3A_136 = vector.broadcast %mul3A_135 : f32 to vector<32x1xf32>
    %mul3A_137 = arith.mulf %convert_element_type3A_134, %mul3A_136 : vector<32x1xf32>
    %ge3A = vector.broadcast %mul3A_137 : vector<32x1xf32> to vector<32x8xf32>
    %ge3A_138 = vector.broadcast %add3A_132 : vector<1x8xf32> to vector<32x8xf32>
    %ge3A_139 = arith.cmpf oge, %ge3A, %ge3A_138 : vector<32x8xf32>
    %convert_element_type3A_140 = arith.extui %ge3A_139 : vector<32x8xi1> to vector<32x8xi32>
    %reduce_sum3A_141 = arith.constant dense<0> : vector<32xi32>
    %reduce_sum3A_142 = vector.multi_reduction <add>, %convert_element_type3A_140, %reduce_sum3A_141 [1] : vector<32x8xi32> to vector<32xi32>
    %broadcast_in_dim3A_143 = vector.shape_cast %reduce_sum3A_142 : vector<32xi32> to vector<32x1xi32>
    %min3A = arith.constant 7 : i32
    %min3A_144 = vector.broadcast %min3A : i32 to vector<32x1xi32>
    %min3A_145 = arith.minsi %broadcast_in_dim3A_143, %min3A_144 : vector<32x1xi32>
    %swap3A_146 = arith.constant 0 : index
    %swap3A_147 = arith.constant 0 : index
    %swap3A_148 = vector.load %arg7[%swap3A_146, %swap3A_147] : memref<32x1xi32, #tpu.memory_space<vmem>>, vector<32x1xi32>
    tpu.vector_store %arg7[%swap3A_146, %swap3A_147], %min3A_145 {strides = array<i32>} : memref<32x1xi32, #tpu.memory_space<vmem>>, vector<32x1xi32>,
    %iota3A_149 = tpu.iota {dimensions = array<i32: 1>} : vector<32x8xi32>
    %eq3A_150 = vector.broadcast %min3A_145 : vector<32x1xi32> to vector<32x8xi32>
    %eq3A_151 = arith.cmpi eq, %eq3A_150, %iota3A_149 : vector<32x8xi32>
    %jit3A_152 = arith.constant 0.000000e+00 : f32
    %broadcast_in_dim3A_153 = vector.shape_cast %dot_general3A_99 : vector<1x8xf32> to vector<1x8xf32>
    %broadcast_in_dim3A_154 = vector.broadcast %broadcast_in_dim3A_153 : vector<1x8xf32> to vector<32x8xf32>
    %broadcast_in_dim3A_155 = vector.broadcast %jit3A_152 : f32 to vector<32x8xf32>
    %select_n3A_156 = arith.select %eq3A_151, %broadcast_in_dim3A_154, %broadcast_in_dim3A_155 : vector<32x8xi1>, vector<32x8xf32>
    %reduce_sum3A_157 = arith.constant dense<0.000000e+00> : vector<32xf32>
    %reduce_sum3A_158 = vector.multi_reduction <add>, %select_n3A_156, %reduce_sum3A_157 [1] : vector<32x8xf32> to vector<32xf32>
    %broadcast_in_dim3A_159 = vector.shape_cast %reduce_sum3A_158 : vector<32xf32> to vector<32x1xf32>
    %jit3A_160 = arith.constant 0.000000e+00 : f32
    %broadcast_in_dim3A_161 = vector.shape_cast %add3A_56 : vector<1x8xf32> to vector<1x8xf32>
    %broadcast_in_dim3A_162 = vector.broadcast %broadcast_in_dim3A_161 : vector<1x8xf32> to vector<32x8xf32>
    %broadcast_in_dim3A_163 = vector.broadcast %jit3A_160 : f32 to vector<32x8xf32>
    %select_n3A_164 = arith.select %eq3A_151, %broadcast_in_dim3A_162, %broadcast_in_dim3A_163 : vector<32x8xi1>, vector<32x8xf32>
    %reduce_sum3A_165 = arith.constant dense<0.000000e+00> : vector<32xf32>
    %reduce_sum3A_166 = vector.multi_reduction <add>, %select_n3A_164, %reduce_sum3A_165 [1] : vector<32x8xf32> to vector<32xf32>
    %broadcast_in_dim3A_167 = vector.shape_cast %reduce_sum3A_166 : vector<32xf32> to vector<32x1xf32>
    %convert_element_type3A_168 = arith.sitofp %iota3A_133 : vector<32x1xi32> to vector<32x1xf32>
    %mul3A_169 = arith.constant 2.560000e+02 : f32
    %mul3A_170 = vector.broadcast %mul3A_169 : f32 to vector<32x1xf32>
    %mul3A_171 = arith.mulf %convert_element_type3A_168, %mul3A_170 : vector<32x1xf32>
    %sub3A_172 = arith.subf %mul3A_171, %broadcast_in_dim3A_159 : vector<32x1xf32>
    %sub3A_173 = arith.subf %broadcast_in_dim3A_167, %sub3A_172 : vector<32x1xf32>
    %jit3A_174 = arith.constant 0.000000e+00 : f32
    %jit3A_175 = arith.constant 2.560000e+02 : f32
    %max3A = vector.broadcast %jit3A_174 : f32 to vector<32x1xf32>
    %max3A_176 = arith.maximumf %max3A, %sub3A_173 : vector<32x1xf32>
    %min3A_177 = vector.broadcast %jit3A_175 : f32 to vector<32x1xf32>
    %min3A_178 = arith.minimumf %min3A_177, %max3A_176 : vector<32x1xf32>
    %convert_element_type3A_179 = arith.fptosi %min3A_178 : vector<32x1xf32> to vector<32x1xi32>
    %swap3A_180 = arith.constant 0 : index
    %swap3A_181 = arith.constant 0 : index
    %swap3A_182 = vector.load %arg8[%swap3A_180, %swap3A_181] : memref<32x1xi32, #tpu.memory_space<vmem>>, vector<32x1xi32>
    tpu.vector_store %arg8[%swap3A_180, %swap3A_181], %convert_element_type3A_179 {strides = array<i32>} : memref<32x1xi32, #tpu.memory_space<vmem>>, vector<32x1xi32>,
    return
  }
}

module attributes {stable_mosaic.version = 14 : i64} {
  func.func @_upgate_body(%arg0: i32, %arg1: memref<23xi32, #tpu.memory_space<smem>>, %arg2: memref<23xi32, #tpu.memory_space<smem>>, %arg3: memref<256x1024xf32, #tpu.memory_space<vmem>>, %arg4: memref<1x1024x2048xf32, #tpu.memory_space<vmem>>, %arg5: memref<1x1024x2048xf32, #tpu.memory_space<vmem>>, %arg6: memref<256x2048xbf16, #tpu.memory_space<vmem>>) attributes {dimension_semantics = [#tpu.dimension_semantics<arbitrary>], iteration_bounds = array<i64: 23>, scalar_prefetch = 2 : i64, scratch_operands = 0 : i64, tpu.core_type = #tpu.core_type<tc>, window_params = [{transform_indices = @transform_0, window_bounds = array<i64: 256, 1024>}, {transform_indices = @transform_1, window_bounds = array<i64: 1, 1024, 2048>}, {transform_indices = @transform_2, window_bounds = array<i64: 1, 1024, 2048>}, {transform_indices = @transform_3, window_bounds = array<i64: 256, 2048>}]} {
    %get3A = arith.index_cast %arg0 : i32 to index
    %get3A_0 = memref.load %arg2[%get3A] : memref<23xi32, #tpu.memory_space<smem>>
    %iota3A = tpu.iota {dimensions = array<i32: 0>} : vector<256x1xi32>
    %lt3A = vector.broadcast %get3A_0 : i32 to vector<256x1xi32>
    %lt3A_1 = arith.cmpi slt, %iota3A, %lt3A : vector<256x1xi32>
    %get3A_2 = arith.constant 0 : index
    %get3A_3 = arith.constant 0 : index
    %get3A_4 = vector.load %arg3[%get3A_2, %get3A_3] : memref<256x1024xf32, #tpu.memory_space<vmem>>, vector<256x1024xf32>
    %jit3A = arith.constant 0.000000e+00 : f32
    %broadcast_in_dim3A = vector.shape_cast %lt3A_1 : vector<256x1xi1> to vector<256x1xi1>
    %broadcast_in_dim3A_5 = vector.broadcast %broadcast_in_dim3A : vector<256x1xi1> to vector<256x1024xi1>
    %broadcast_in_dim3A_6 = vector.broadcast %jit3A : f32 to vector<256x1024xf32>
    %select_n3A = arith.select %broadcast_in_dim3A_5, %get3A_4, %broadcast_in_dim3A_6 : vector<256x1024xi1>, vector<256x1024xf32>
    %convert_element_type3A = arith.truncf %select_n3A : vector<256x1024xf32> to vector<256x1024xbf16>
    %get3A_7 = arith.constant 0 : index
    %get3A_8 = arith.constant 0 : index
    %get3A_9 = arith.constant 0 : index
    %get3A_10 = vector.load %arg4[%get3A_7, %get3A_8, %get3A_9] : memref<1x1024x2048xf32, #tpu.memory_space<vmem>>, vector<1x1024x2048xf32>
    %get3A_11 = vector.shape_cast %get3A_10 : vector<1x1024x2048xf32> to vector<1024x2048xf32>
    %convert_element_type3A_12 = arith.truncf %get3A_11 : vector<1024x2048xf32> to vector<1024x2048xbf16>
    %dot_general3A = arith.constant dense<0.000000e+00> : vector<256x2048xf32>
    %dot_general3A_13 = tpu.matmul %convert_element_type3A, %convert_element_type3A_12, %dot_general3A {dimension_numbers = #tpu.dot_dimension_numbers<[1], [0], [0], [1], [0, 0, 1, 1], [], []>, transpose_lhs_hint = false} : vector<256x1024xbf16>, vector<1024x2048xbf16>, vector<256x2048xf32> -> vector<256x2048xf32>
    %get3A_14 = arith.constant 0 : index
    %get3A_15 = arith.constant 0 : index
    %get3A_16 = arith.constant 0 : index
    %get3A_17 = vector.load %arg5[%get3A_14, %get3A_15, %get3A_16] : memref<1x1024x2048xf32, #tpu.memory_space<vmem>>, vector<1x1024x2048xf32>
    %get3A_18 = vector.shape_cast %get3A_17 : vector<1x1024x2048xf32> to vector<1024x2048xf32>
    %convert_element_type3A_19 = arith.truncf %get3A_18 : vector<1024x2048xf32> to vector<1024x2048xbf16>
    %dot_general3A_20 = arith.constant dense<0.000000e+00> : vector<256x2048xf32>
    %dot_general3A_21 = tpu.matmul %convert_element_type3A, %convert_element_type3A_19, %dot_general3A_20 {dimension_numbers = #tpu.dot_dimension_numbers<[1], [0], [0], [1], [0, 0, 1, 1], [], []>, transpose_lhs_hint = false} : vector<256x1024xbf16>, vector<1024x2048xbf16>, vector<256x2048xf32> -> vector<256x2048xf32>
    %neg3A = arith.constant 0.000000e+00 : f32
    %neg3A_22 = vector.broadcast %neg3A : f32 to vector<256x2048xf32>
    %neg3A_23 = arith.subf %neg3A_22, %dot_general3A_13 : vector<256x2048xf32>
    %exp3A = math.exp %neg3A_23 : vector<256x2048xf32>
    %add3A = arith.constant 1.000000e+00 : f32
    %add3A_24 = vector.broadcast %add3A : f32 to vector<256x2048xf32>
    %add3A_25 = arith.addf %add3A_24, %exp3A : vector<256x2048xf32>
    %div3A = arith.constant 1.000000e+00 : f32
    %div3A_26 = vector.broadcast %div3A : f32 to vector<256x2048xf32>
    %div3A_27 = arith.divf %div3A_26, %add3A_25 : vector<256x2048xf32>
    %mul3A = arith.mulf %dot_general3A_13, %div3A_27 : vector<256x2048xf32>
    %mul3A_28 = arith.mulf %mul3A, %dot_general3A_21 : vector<256x2048xf32>
    %convert_element_type3A_29 = arith.truncf %mul3A_28 : vector<256x2048xf32> to vector<256x2048xbf16>
    %swap3A = arith.constant 0 : index
    %swap3A_30 = arith.constant 0 : index
    %swap3A_31 = vector.load %arg6[%swap3A, %swap3A_30] : memref<256x2048xbf16, #tpu.memory_space<vmem>>, vector<256x2048xbf16>
    tpu.vector_store %arg6[%swap3A, %swap3A_30], %convert_element_type3A_29 {strides = array<i32>} : memref<256x2048xbf16, #tpu.memory_space<vmem>>, vector<256x2048xbf16>,
    return
  }
  func.func @transform_0(%arg0: i32, %arg1: memref<23xi32, #tpu.memory_space<smem>>, %arg2: memref<23xi32, #tpu.memory_space<smem>>) -> (i32, i32) {
    %c0_i32 = arith.constant 0 : i32
    %c0_i32_0 = arith.constant 0 : i32
    return %arg0, %c0_i32 : i32, i32
  }
  func.func @transform_1(%arg0: i32, %arg1: memref<23xi32, #tpu.memory_space<smem>>, %arg2: memref<23xi32, #tpu.memory_space<smem>>) -> (i32, i32, i32) {
    %get3A = arith.index_cast %arg0 : i32 to index
    %get3A_0 = memref.load %arg1[%get3A] : memref<23xi32, #tpu.memory_space<smem>>
    %c0_i32 = arith.constant 0 : i32
    %c0_i32_1 = arith.constant 0 : i32
    %c0_i32_2 = arith.constant 0 : i32
    return %get3A_0, %c0_i32, %c0_i32_1 : i32, i32, i32
  }
  func.func @transform_2(%arg0: i32, %arg1: memref<23xi32, #tpu.memory_space<smem>>, %arg2: memref<23xi32, #tpu.memory_space<smem>>) -> (i32, i32, i32) {
    %get3A = arith.index_cast %arg0 : i32 to index
    %get3A_0 = memref.load %arg1[%get3A] : memref<23xi32, #tpu.memory_space<smem>>
    %c0_i32 = arith.constant 0 : i32
    %c0_i32_1 = arith.constant 0 : i32
    %c0_i32_2 = arith.constant 0 : i32
    return %get3A_0, %c0_i32, %c0_i32_1 : i32, i32, i32
  }
  func.func @transform_3(%arg0: i32, %arg1: memref<23xi32, #tpu.memory_space<smem>>, %arg2: memref<23xi32, #tpu.memory_space<smem>>) -> (i32, i32) {
    %c0_i32 = arith.constant 0 : i32
    %c0_i32_0 = arith.constant 0 : i32
    return %arg0, %c0_i32 : i32, i32
  }
}

module attributes {stable_mosaic.version = 14 : i64} {
  func.func @_down_body(%arg0: i32, %arg1: memref<23xi32, #tpu.memory_space<smem>>, %arg2: memref<256x2048xbf16, #tpu.memory_space<vmem>>, %arg3: memref<1x2048xi32, #tpu.memory_space<vmem>>, %arg4: memref<1x2048xi32, #tpu.memory_space<vmem>>, %arg5: memref<1x2048xf32, #tpu.memory_space<vmem>>, %arg6: memref<1x2048xf32, #tpu.memory_space<vmem>>, %arg7: memref<1x2048x1024xf32, #tpu.memory_space<vmem>>, %arg8: memref<256x1024xf32, #tpu.memory_space<vmem>>) attributes {dimension_semantics = [#tpu.dimension_semantics<arbitrary>], iteration_bounds = array<i64: 23>, scalar_prefetch = 1 : i64, scratch_operands = 0 : i64, tpu.core_type = #tpu.core_type<tc>, window_params = [{transform_indices = @transform_0, window_bounds = array<i64: 256, 2048>}, {pipeline_mode = #tpu.pipeline_mode<synchronous>, transform_indices = @transform_1, window_bounds = array<i64: 1, 2048>}, {pipeline_mode = #tpu.pipeline_mode<synchronous>, transform_indices = @transform_2, window_bounds = array<i64: 1, 2048>}, {pipeline_mode = #tpu.pipeline_mode<synchronous>, transform_indices = @transform_3, window_bounds = array<i64: 1, 2048>}, {pipeline_mode = #tpu.pipeline_mode<synchronous>, transform_indices = @transform_4, window_bounds = array<i64: 1, 2048>}, {transform_indices = @transform_5, window_bounds = array<i64: 1, 2048, 1024>}, {transform_indices = @transform_6, window_bounds = array<i64: 256, 1024>}]} {
    %mul3A = arith.constant 256 : i32
    %mul3A_0 = arith.muli %arg0, %mul3A : i32
    %get3A = arith.constant 0 : index
    %get3A_1 = arith.constant 0 : index
    %get3A_2 = vector.load %arg2[%get3A, %get3A_1] : memref<256x2048xbf16, #tpu.memory_space<vmem>>, vector<256x2048xbf16>
    %get3A_3 = arith.constant 0 : index
    %get3A_4 = arith.constant 0 : index
    %get3A_5 = arith.constant 0 : index
    %get3A_6 = vector.load %arg7[%get3A_3, %get3A_4, %get3A_5] : memref<1x2048x1024xf32, #tpu.memory_space<vmem>>, vector<1x2048x1024xf32>
    %get3A_7 = vector.shape_cast %get3A_6 : vector<1x2048x1024xf32> to vector<2048x1024xf32>
    %convert_element_type3A = arith.truncf %get3A_7 : vector<2048x1024xf32> to vector<2048x1024xbf16>
    %dot_general3A = arith.constant dense<0.000000e+00> : vector<256x1024xf32>
    %dot_general3A_8 = tpu.matmul %get3A_2, %convert_element_type3A, %dot_general3A {dimension_numbers = #tpu.dot_dimension_numbers<[1], [0], [0], [1], [0, 0, 1, 1], [], []>, transpose_lhs_hint = false} : vector<256x2048xbf16>, vector<2048x1024xbf16>, vector<256x1024xf32> -> vector<256x1024xf32>
    %iota3A = tpu.iota {dimensions = array<i32: 0>} : vector<256x1xi32>
    %add3A = vector.broadcast %mul3A_0 : i32 to vector<256x1xi32>
    %add3A_9 = arith.addi %iota3A, %add3A : vector<256x1xi32>
    %get3A_10 = arith.constant 0 : index
    %get3A_11 = arith.constant 0 : index
    %get3A_12 = vector.load %arg3[%get3A_10, %get3A_11] : memref<1x2048xi32, #tpu.memory_space<vmem>>, vector<1x2048xi32>
    %eq3A = vector.broadcast %get3A_12 : vector<1x2048xi32> to vector<256x2048xi32>
    %eq3A_13 = vector.broadcast %add3A_9 : vector<256x1xi32> to vector<256x2048xi32>
    %eq3A_14 = arith.cmpi eq, %eq3A, %eq3A_13 : vector<256x2048xi32>
    %get3A_15 = arith.constant 0 : index
    %get3A_16 = arith.constant 0 : index
    %get3A_17 = vector.load %arg4[%get3A_15, %get3A_16] : memref<1x2048xi32, #tpu.memory_space<vmem>>, vector<1x2048xi32>
    %eq3A_18 = vector.broadcast %get3A_17 : vector<1x2048xi32> to vector<256x2048xi32>
    %eq3A_19 = vector.broadcast %add3A_9 : vector<256x1xi32> to vector<256x2048xi32>
    %eq3A_20 = arith.cmpi eq, %eq3A_18, %eq3A_19 : vector<256x2048xi32>
    %get3A_21 = arith.constant 0 : index
    %get3A_22 = arith.constant 0 : index
    %get3A_23 = vector.load %arg5[%get3A_21, %get3A_22] : memref<1x2048xf32, #tpu.memory_space<vmem>>, vector<1x2048xf32>
    %jit3A = arith.constant 0.000000e+00 : f32
    %broadcast_in_dim3A = vector.shape_cast %get3A_23 : vector<1x2048xf32> to vector<1x2048xf32>
    %broadcast_in_dim3A_24 = vector.broadcast %broadcast_in_dim3A : vector<1x2048xf32> to vector<256x2048xf32>
    %broadcast_in_dim3A_25 = vector.broadcast %jit3A : f32 to vector<256x2048xf32>
    %select_n3A = arith.select %eq3A_14, %broadcast_in_dim3A_24, %broadcast_in_dim3A_25 : vector<256x2048xi1>, vector<256x2048xf32>
    %get3A_26 = arith.constant 0 : index
    %get3A_27 = arith.constant 0 : index
    %get3A_28 = vector.load %arg6[%get3A_26, %get3A_27] : memref<1x2048xf32, #tpu.memory_space<vmem>>, vector<1x2048xf32>
    %jit3A_29 = arith.constant 0.000000e+00 : f32
    %broadcast_in_dim3A_30 = vector.shape_cast %get3A_28 : vector<1x2048xf32> to vector<1x2048xf32>
    %broadcast_in_dim3A_31 = vector.broadcast %broadcast_in_dim3A_30 : vector<1x2048xf32> to vector<256x2048xf32>
    %broadcast_in_dim3A_32 = vector.broadcast %jit3A_29 : f32 to vector<256x2048xf32>
    %select_n3A_33 = arith.select %eq3A_20, %broadcast_in_dim3A_31, %broadcast_in_dim3A_32 : vector<256x2048xi1>, vector<256x2048xf32>
    %add3A_34 = arith.addf %select_n3A, %select_n3A_33 : vector<256x2048xf32>
    %convert_element_type3A_35 = arith.truncf %add3A_34 : vector<256x2048xf32> to vector<256x2048xbf16>
    %broadcast_in_dim3A_36 = arith.constant 1.000000e+00 : bf16
    %broadcast_in_dim3A_37 = vector.broadcast %broadcast_in_dim3A_36 : bf16 to vector<2048x1xbf16>
    %dot_general3A_38 = arith.constant dense<0.000000e+00> : vector<256x1xf32>
    %dot_general3A_39 = tpu.matmul %convert_element_type3A_35, %broadcast_in_dim3A_37, %dot_general3A_38 {dimension_numbers = #tpu.dot_dimension_numbers<[1], [0], [0], [1], [0, 0, 1, 1], [], []>, transpose_lhs_hint = false} : vector<256x2048xbf16>, vector<2048x1xbf16>, vector<256x1xf32> -> vector<256x1xf32>
    %mul3A_40 = vector.broadcast %dot_general3A_39 : vector<256x1xf32> to vector<256x1024xf32>
    %mul3A_41 = arith.mulf %dot_general3A_8, %mul3A_40 : vector<256x1024xf32>
    %swap3A = arith.constant 0 : index
    %swap3A_42 = arith.constant 0 : index
    %swap3A_43 = vector.load %arg8[%swap3A, %swap3A_42] : memref<256x1024xf32, #tpu.memory_space<vmem>>, vector<256x1024xf32>
    tpu.vector_store %arg8[%swap3A, %swap3A_42], %mul3A_41 {strides = array<i32>} : memref<256x1024xf32, #tpu.memory_space<vmem>>, vector<256x1024xf32>,
    return
  }
  func.func @transform_0(%arg0: i32, %arg1: memref<23xi32, #tpu.memory_space<smem>>) -> (i32, i32) {
    %c0_i32 = arith.constant 0 : i32
    %c0_i32_0 = arith.constant 0 : i32
    return %arg0, %c0_i32 : i32, i32
  }
  func.func @transform_1(%arg0: i32, %arg1: memref<23xi32, #tpu.memory_space<smem>>) -> (i32, i32) {
    %c0_i32 = arith.constant 0 : i32
    %c0_i32_0 = arith.constant 0 : i32
    %c0_i32_1 = arith.constant 0 : i32
    return %c0_i32, %c0_i32_0 : i32, i32
  }
  func.func @transform_2(%arg0: i32, %arg1: memref<23xi32, #tpu.memory_space<smem>>) -> (i32, i32) {
    %c0_i32 = arith.constant 0 : i32
    %c0_i32_0 = arith.constant 0 : i32
    %c0_i32_1 = arith.constant 0 : i32
    return %c0_i32, %c0_i32_0 : i32, i32
  }
  func.func @transform_3(%arg0: i32, %arg1: memref<23xi32, #tpu.memory_space<smem>>) -> (i32, i32) {
    %c0_i32 = arith.constant 0 : i32
    %c0_i32_0 = arith.constant 0 : i32
    %c0_i32_1 = arith.constant 0 : i32
    return %c0_i32, %c0_i32_0 : i32, i32
  }
  func.func @transform_4(%arg0: i32, %arg1: memref<23xi32, #tpu.memory_space<smem>>) -> (i32, i32) {
    %c0_i32 = arith.constant 0 : i32
    %c0_i32_0 = arith.constant 0 : i32
    %c0_i32_1 = arith.constant 0 : i32
    return %c0_i32, %c0_i32_0 : i32, i32
  }
  func.func @transform_5(%arg0: i32, %arg1: memref<23xi32, #tpu.memory_space<smem>>) -> (i32, i32, i32) {
    %get3A = arith.index_cast %arg0 : i32 to index
    %get3A_0 = memref.load %arg1[%get3A] : memref<23xi32, #tpu.memory_space<smem>>
    %c0_i32 = arith.constant 0 : i32
    %c0_i32_1 = arith.constant 0 : i32
    %c0_i32_2 = arith.constant 0 : i32
    return %get3A_0, %c0_i32, %c0_i32_1 : i32, i32, i32
  }
  func.func @transform_6(%arg0: i32, %arg1: memref<23xi32, #tpu.memory_space<smem>>) -> (i32, i32) {
    %c0_i32 = arith.constant 0 : i32
    %c0_i32_0 = arith.constant 0 : i32
    return %arg0, %c0_i32 : i32, i32
  }
}

</mosaic_0001>

<sc_bundles>
// kernel: kernel.10.cloned.1.call-start
scs
__scs_entry_jumppad:
0x0: {  	(pc) =	sbr.rel $0x88, $3  }
0x1: {  	(tag) =	ssettag $0x0;
	lr =	simm.s32 $0x1  }
0x2: {  	[smem:$0x3F9B] =	sst lr;
	_ =	strace $0xD0000000  }
0x3: {  	_ = 	snop  }
0x4: {  	_ = 	snop  }
0x5: {  	_ = 	snop  }
0x6: {  	_ = 	snop  }
0x7: {  	_ = 	snop  }
__scs_overlays_trampoline_lowered:
0x8: {  	[smem:$0x3FAA] =	sst s0  }
0x9: {  	[smem:$0x3FAB] =	sst s1  }
0xa: {  	[smem:$0x3FAC] =	sst s2  }
0xb: {  	[smem:$0x3FAD] =	sst s3  }
0xc: {  	[smem:$0x3FAE] =	sst s4  }
0xd: {  	[smem:$0x3FAF] =	sst s5  }
0xe: {  	[smem:$0x3FB0] =	sst s6  }
0xf: {  	[smem:$0x3FB1] =	sst s7  }
0x10: {  	[smem:$0x3FB2] =	sst s8  }
0x11: {  	[smem:$0x3FB3] =	sst s9;
	s0 =	simm.s32 @!p0 $0x0  }
0x12: {  	s1 =	sld [smem:$0x3F99];
	s0 =	simm.s32 @p0 $0x1  }
0x13: {  	[smem:$0x3FB4] =	sst s0;
	s0 =	simm.s32 @!p1 $0x0  }
0x14: {  	s2 =	sld [smem:$0x3F98];
	s0 =	simm.s32 @p1 $0x1  }
0x15: {  	[smem:$0x3FB5] =	sst s0;
	s0 =	simm.s32 @!p2 $0x0  }
0x16: {  	s3 =	sld [smem:$0x3FDB];
	s0 =	simm.s32 @p2 $0x1  }
0x17: {  	s4 =	simm.s32 $0x1BF5;
	[smem:$0x3FB7] =	sst s0  }
0x18: {  	s0 =	sld [smem:$0x3F9A];
	_ =	swait.ge [sflag:s4], $0x0  }
0x19: {  	s7 =	sld [smem:$0x3F9B]  }
0x1a: {  	s8 =	sadd.s32 $0xFFFFE003, lr  }
0x1b: {  	s9 =	sadd.s32 $0xFFFFFEF7, lr;
	s5 =	simm.s32 $0xFFFFFFFF;
	p2 =	slt.u32 s8, $0xFFFFF086  }
0x1c: {  	p1 =	slt.u32 s9, $0xF7A;
	s5 =	simm.s32 @!p2 $0x0  }
0x1d: {  	s5 =	simm.s32 @p1 $0x1;
	p0 =	seq.s32 s7, s2  }
0x1e: {  	s7 =	smul.u32 @!p0 $0xF7A, s2;
	p2 =	seq.s32 @!p0 s5, $0x0  }
0x1f: {  	s9 =	smul.u32 $0xF7A, s1;
	s8 =	simm.s32 @!p0 $0x1BF5;
	p2 =	por !p2, p0  }
0x20: {  	[sflag:s8] =	ssyncset.s32 @!p0 $0xFFFFF086;
	s6 =	sadd.s32 @!p0 s3, s7;
	s7 =	simm.s32 @!p0 $0x108  }
0x21: {  	s3 =	sadd.s32 s3, s9;
	s6 =	sadd.s32 @!p0 $0x88, s6;
	s7 =	simm.s32 @p2 $0x1082  }
0x22: {  	[simem:s7], [sflag:s8] =	dma.local @!p0 [hbm:s6], $0xF7A  }
0x23: {  	s9 =	sor.u32 $0xD0000000, s2;
	s6 =	simm.s32 $0x108;
	_ =	swait.ge @!p0 [sflag:s8], $0x0  }
0x24: {  	s3 =	sadd.s32 $0x88, s3;
	s6 =	simm.s32 @!p1 $0x1082;
	[sflag:s4] =	ssyncset.s32 $0xFFFFF086  }
0x25: {  	[simem:s6], [sflag:s4] =	dma.local [hbm:s3], $0xF7A  }
0x26: {  	[smem:$0x3F9B] =	sst s1;
	(tag) =	ssettag s2;
	_ =	strace s9  }
0x27: {  	s1 =	sld [smem:$0x3FAB]  }
0x28: {  	s2 =	sld [smem:$0x3FAC]  }
0x29: {  	s4 =	sld [smem:$0x3FAE]  }
0x2a: {  	p0 =	seq.s32 s5, $0x0;
	s5 =	sld [smem:$0x3FAF]  }
0x2b: {  	s6 =	sld [smem:$0x3FB0]  }
0x2c: {  	s7 =	sld [smem:$0x3FB1]  }
0x2d: {  	s3 =	simm.s32 $0x108;
	s8 =	sld [smem:$0x3FB2]  }
0x2e: {  	s3 =	simm.s32 @!p0 $0x1082;
	s9 =	sld [smem:$0x3FB3]  }
0x2f: {  	lr =	sadd.s32 s0, s3;
	s0 =	sld [smem:$0x3FAA]  }
0x30: {  	s3 =	sld [smem:$0x3FAD]  }
0x31: {  	[smem:$0x3FB6] =	sst s10  }
0x32: {  	s10 =	sld [smem:$0x3FB4];
	_ =	sdelay $0x3  }
0x33: {  	p0 =	seq.s32 s10, $0x1;
	s10 =	sld [smem:$0x3FB6];
	_ =	sdelay $0x3  }
0x34: {  	[smem:$0x3FB6] =	sst s10  }
0x35: {  	s10 =	sld [smem:$0x3FB5];
	_ =	sdelay $0x3  }
0x36: {  	p1 =	seq.s32 s10, $0x1;
	s10 =	sld [smem:$0x3FB6];
	_ =	sdelay $0x3  }
0x37: {  	[smem:$0x3FB6] =	sst s10  }
0x38: {  	s10 =	sld [smem:$0x3FB7]  }
0x39: {  	_ = 	snop;
	(pc) =	sbr.ind lr, $3  }
0x3a: {  	_ = 	snop  }
0x3b: {  	_ = 	snop  }
0x3c: {  	p2 =	seq.s32 s10, $0x1;
	s10 =	sld [smem:$0x3FB6]  }
0x3d: {  	_ =	shalt  }
0x3e: {  	_ =	shalt  }
0x3f: {  	_ =	shalt  }
0x40: {  	_ =	shalt  }
0x41: {  	_ =	shalt  }
0x42: {  	_ =	shalt  }
0x43: {  	_ =	shalt  }
0x44: {  	_ =	shalt  }
0x45: {  	_ =	shalt  }
0x46: {  	_ =	shalt  }
0x47: {  	_ =	shalt  }
0x48: {  	_ =	shalt  }
0x49: {  	_ =	shalt  }
0x4a: {  	_ =	shalt  }
0x4b: {  	_ =	shalt  }
0x4c: {  	_ =	shalt  }
0x4d: {  	_ =	shalt  }
0x4e: {  	_ =	shalt  }
0x4f: {  	_ =	shalt  }
0x50: {  	_ =	shalt  }
0x51: {  	_ =	shalt  }
0x52: {  	_ =	shalt  }
0x53: {  	_ =	shalt  }
0x54: {  	_ =	shalt  }
0x55: {  	_ =	shalt  }
0x56: {  	_ =	shalt  }
0x57: {  	_ =	shalt  }
0x58: {  	_ =	shalt  }
0x59: {  	_ =	shalt  }
0x5a: {  	_ =	shalt  }
0x5b: {  	_ =	shalt  }
0x5c: {  	_ =	shalt  }
0x5d: {  	_ =	shalt  }
0x5e: {  	_ =	shalt  }
0x5f: {  	_ =	shalt  }
0x60: {  	_ =	shalt  }
0x61: {  	_ =	shalt  }
0x62: {  	_ =	shalt  }
0x63: {  	_ =	shalt  }
0x64: {  	_ =	shalt  }
0x65: {  	_ =	shalt  }
0x66: {  	_ =	shalt  }
0x67: {  	_ =	shalt  }
0x68: {  	_ =	shalt  }
0x69: {  	_ =	shalt  }
0x6a: {  	_ =	shalt  }
0x6b: {  	_ =	shalt  }
0x6c: {  	_ =	shalt  }
0x6d: {  	_ =	shalt  }
0x6e: {  	_ =	shalt  }
0x6f: {  	_ =	shalt  }
0x70: {  	_ =	shalt  }
0x71: {  	_ =	shalt  }
0x72: {  	_ =	shalt  }
0x73: {  	_ =	shalt  }
0x74: {  	_ =	shalt  }
0x75: {  	_ =	shalt  }
0x76: {  	_ =	shalt  }
0x77: {  	_ =	shalt  }
0x78: {  	_ =	shalt  }
0x79: {  	_ =	shalt  }
0x7a: {  	_ =	shalt  }
0x7b: {  	_ =	shalt  }
0x7c: {  	_ =	shalt  }
0x7d: {  	_ =	shalt  }
0x7e: {  	_ =	shalt  }
0x7f: {  	_ =	shalt  }
0x80: {  	_ =	shalt  }
0x81: {  	_ =	shalt  }
0x82: {  	_ =	shalt  }
0x83: {  	_ =	shalt  }
0x84: {  	_ =	shalt  }
0x85: {  	_ =	shalt  }
0x86: {  	_ =	shalt  }
0x87: {  	_ =	shalt  }
.Lfunc_end0:
.L_simem_size_0:
called_computation.1_lowered:
.L_overlay_start_0:
0x88: {  	s2 =	sld [smem:$0x3FD9]  }
0x89: {  	s3 =	sld [smem:$0x3FFE];
	_ =	sdelay $0x1  }
0x8a: {  	s1 =	srdreg.scid  }
0x8b: {  	s0 =	sand.u32 $0x1, s1  }
0x8c: {  	s17 =	sshll.u32 s0, $0xA;
	s2 =	sadd.s32 s3, s2  }
0x8d: {  	s2 =	sadd.s32 s2, s17  }
0x8e: {  	[smem:$0x3FC2] =	sst s2  }
0x8f: {  	_ = 	snop  }
0x90: {  	s2 =	sld [smem:$0x3FD0];
	(tm) =	ssettm $0x1  }
0x91: {  	s18 =	sld [smem:$0x3FFB];
	_ =	sdelay $0x3  }
0x92: {  	_ =	strace s18  }
0x93: {  	s3 =	sld [smem:$0x3FFC];
	_ =	sdelay $0x3  }
0x94: {  	_ =	strace s3  }
0x95: {  	s3 =	sld [smem:$0x3FFD];
	_ =	sdelay $0x3  }
0x96: {  	_ =	strace s3  }
0x97: {  	_ =	strace $0x8FFFFFFF  }
0x98: {  	s19 =	sld [smem:$0x3FDB];
	_ =	sdelay $0x1  }
0x99: {  	s4 =	simm.s32 $_scs_section_size  }
0x9a: {  	s5 =	simm.s32 $_size__tile_overlayer_lowered;
	s6 =	simm.s32 $_tile_overlayer_lowered  }
0x9b: {  	s22 =	simm.s32 $0x1BFF;
	s21 =	sshll.u32 s6, $0x1;
	s3 =	sadd.s32 s4, s19  }
0x9c: {  	s7 =	simm.s32 $0x0;
	s20 =	sshll.u32 s5, $0x1;
	s5 =	sadd.s32 s21, s3  }
0x9d: {  	[timem:s7], [sflag:s22] =	dma.local [hbm:s5], s20  }
0x9e: {  	_ =	swait.ge [sflag:s22], s20  }
0x9f: {  	s4 =	ssub.s32 $0x0, s20;
	[sflag:s22] =	ssyncset.done $0x0  }
0xa0: {  	[sflag:s22] =	ssyncadd.s32 s4;
	_ =	sdelay $0x1  }
0xa1: {  	s23 =	simm.s32 $0x1B8B  }
0xa2: {  	_ =	swait.ge [sflag:s23], $0x1  }
0xa3: {  	[sflag:s23] =	ssyncset.done $0x0  }
0xa4: {  	s25 =	simm.s32 $0x1B8E;
	s24 =	sld [smem:$0x3FFE];
	[sflag:s23] =	ssyncadd.s32 $0xFFFFFFFF  }
0xa5: {  	s26 =	simm.s32 $execute0_lowered;
	[smem:$0x3FD2] =	sst s25  }
0xa6: {  	s5 =	sshll.u32 s26, $0x1;
	_ =	strace $0x80000049;
	[dreg:$0x1] =	wrdreg $0xFFFFFFFF  }
0xa7: {  	s28 =	simm.s32 $_size_execute0_lowered;
	s3 =	sadd.s32 s3, s5;
	[dreg:$0x0] =	wrdreg $0x0  }
0xa8: {  	s5 =	sshll.u32 s28, $0x1;
	[dreg:$0x2] =	wrdreg s3  }
0xa9: {  	[dreg:$0x3] =	wrdreg s5  }
0xaa: {  	[dreg:$0x4] =	wrdreg $0xC0  }
0xab: {  	_ =	task [dreg:s7], $0x5FFFF  }
0xac: {  	[dreg:$0x1] =	wrdreg $0xFFFFFFFF  }
0xad: {  	[dreg:$0x0] =	wrdreg $0x60  }
0xae: {  	[dreg:$0x2] =	wrdreg s24  }
0xaf: {  	[dreg:$0x3] =	wrdreg s2  }
0xb0: {  	[dreg:$0x4] =	wrdreg $0x9  }
0xb1: {  	_ =	task.clear_ibuf [dreg:s7], $0x5FFFF;
	_ =	strace $0x90000049  }
0xb2: {  	s29 =	simm.s32 $0x9;
	_ =	strace $0x8000004B  }
0xb3: {  	_ =	swait.ge [sflag:s29], $0x1  }
0xb4: {  	[sflag:s29] =	ssyncadd.s32 $0xFFFFFFFF  }
0xb5: {  	_ =	strace $0x9000004B  }
0xb6: {  	_ =	sfence  }
0xb7: {  	s30 =	sld [smem:$0x0];
	_ =	sdelay $0x2  }
0xb8: {  	s31 =	sshll.u32 s1, $0xD;
	s1 =	sshrl.u32 s1, $0x2  }
0xb9: {  	s3 =	sand.u32 $0x4000, s31;
	s1 =	sadd.s32 s1, s30  }
0xba: {  	s0 =	sor.u32 s3, s0;
	s1 =	sshll.u32 s1, $0x11  }
0xbb: {  	s0 =	sor.u32 s1, s0  }
0xbc: {  	s0 =	sadd.s32 $0x8F2B, s0  }
0xbd: {  	[sflag:s0] =	ssyncadd.remote.s32 $0x1  }
0xbe: {  	_ =	sfence.sel $0xFFFF  }
0xbf: {  	[dreg:$0x0] =	wrdreg $0xFFFFFFFF;
	(pc) =	sbr.abs _section_cstart, $3  }
0xc0: {  	[dreg:$0x1] =	wrdreg $0xFFFFFFFF  }
0xc1: {  	_ =	task.clear_ibuf [dreg:s7], $0x2FFFF;
	_ =	strace $0x9FFFFFFF  }
0xc2: {  	(tm) =	ssettm $0x7FFFFFFF  }
0xc3: {  	_ =	shalt  }
tec
execute0_lowered:
.L_overlay_start_1:
0x0: {  	(tag) =	ssettag $0x1  }
0x1: {  	s0 =	rddreg [dreg:$0x0]  }
0x2: {  	s1 =	rddreg [dreg:$0x1];
	s2 =	simm.s32 $0x0;
	s3 =	srdreg.scid  }
0x3: {  	s5 =	stileid.u32;
	s22 =	simm.s32 $0x10000;
	s15 =	simm.s32 $0x3  }
0x4: {  	s23 =	simm.s32 $0xC800;
	s24 =	simm.s32 $0xD000;
	s25 =	simm.s32 $0xD800  }
0x5: {  	s28 =	simm.s32 $0xE800;
	s29 =	simm.s32 $0xF000;
	s30 =	simm.s32 $0xF800  }
0x6: {  	s31 =	simm.s32 $0x1;
	[smem:$0x7FF] =	sst s2;
	s3 =	sand.u32 $0x1, s3  }
0x7: {  	s5 =	sshll.u32 s5, $0x7;
	s11 =	sadd.s32 $0x200, s0;
	_ =	strace $0x8000004A  }
0x8: {  	s4 =	ssub.s32 $0x2, s3;
	s6 =	sshll.u32 s3, $0x6;
	s3 =	sadd.s32 $0xA00, s0  }
0x9: {  	s7 =	sshrl.u32 s4, $0x1;
	s8 =	sor.u32 s6, s5;
	s6 =	sadd.s32 $0xB00, s0  }
0xa: {  	s13 =	ssub.s32 s4, s7;
	s5 =	sshrl.u32 s8, $0x3;
	s7 =	sadd.s32 $0xC00, s0  }
0xb: {  	s9 =	sshll.u32 s8, $0x7;
	s12 =	sor.u32 $0x20, s8;
	s8 =	sadd.s32 $0xD00, s0  }
0xc: {  	s4 =	sadd.s32 s0, s5;
	s5 =	sadd.s32 s11, s5;
	s9 =	sadd.s32 s1, s9  }
0xd: {  	v2 =	vlaneseq.u32;
	s14 =	sshrl.u32 s12, $0x3;
	s26 =	sshll.u32 s12, $0x7;
	s13 =	smax.u32 s13, $0x1  }
0xe: {  	vm0 =	vmmov $0xffff;
	v1 =	vshrl.u32 v2, $0x3;
	s10 =	sadd.s32 s0, s14;
	s11 =	sadd.s32 s11, s14;
	s12 =	sadd.s32 s1, s26  }
0xf: {  	v0 =	vand.u32 $0x7, v2;
	v2 =	vor.u32 $0x8, v2;
	v1 =	vmul.u32 $0x8, v1;
	s26 =	simm.s32 $0xE000;
	s0 =	simm.s32 $0x2;
	s1 =	simm.s32 $0x0  }
.LBB2_1:
0x10: {  	[tilespmem:s22], [sflag:$0x3] =	stream.linear.gather [hbm4b:s4+s2], $0x20, $0x38;
	[tilespmem:$0x10100] =	vst v63  }
0x11: {  	_ =	swait.ge [sflag:s15], $0x20  }
0x12: {  	[sflag:s15] =	ssyncset.done $0x0  }
0x13: {  	s14 =	simm.s32 $0x10080;
	[sflag:s15] =	ssyncadd.s32 $0xFFFFFFE0  }
0x14: {  	[tilespmem:s14], [sflag:$0x3] =	stream.linear.gather [hbm4b:s5+s2], $0x20, $0x38;
	[tilespmem:$0x10100] =	vst v63  }
0x15: {  	_ =	swait.ge [sflag:s15], $0x20  }
0x16: {  	[sflag:s15] =	ssyncset.done $0x0  }
0x17: {  	[sflag:s15] =	ssyncadd.s32 $0xFFFFFFE0  }
0x18: {  	v3 =	vld [tilespmem:$0x10000];
	_ =	sdelay $0x4  }
0x19: {  	v4 =	vshll.u32 v3, $0x3  }
0x1a: {  	v3 =	vand.u32 $0x7, v3;
	v4 =	vand.u32 $0xFFFFFFC0, v4  }
0x1b: {  	v3 =	vor.u32 v3, v4  }
0x1c: {  	v4 =	vperm.xlane v3, v0;
	_ =	sdelay $0x1  }
0x1d: {  	v4 =	vadd.s32 v1, v4;
	_ =	sdelay $0x4  }
0x1e: {  	[tilespmem:s2], [sflag:$0x1] =	stream.indirect_vreg.gather [hbm4b:s3+s2], $0x80, v4, vm0, $0xb8;
	[tilespmem:$0x10100] =	vst v63  }
0x1f: {  	s21 =	simm.s32 $0x800;
	v3 =	vperm.xlane v3, v2  }
0x20: {  	[tilespmem:s21], [sflag:$0x1] =	stream.indirect_vreg.gather [hbm4b:s6+s2], $0x80, v4, vm0, $0xb8;
	[tilespmem:$0x10100] =	vst v63  }
0x21: {  	s16 =	simm.s32 $0x1000;
	v3 =	vadd.s32 v1, v3  }
0x22: {  	[tilespmem:s16], [sflag:$0x1] =	stream.indirect_vreg.gather [hbm4b:s7+s2], $0x80, v4, vm0, $0xb8;
	[tilespmem:$0x10100] =	vst v63  }
0x23: {  	s17 =	simm.s32 $0x1800  }
0x24: {  	[tilespmem:s17], [sflag:$0x1] =	stream.indirect_vreg.gather [hbm4b:s8+s2], $0x80, v4, vm0, $0xb8;
	[tilespmem:$0x10100] =	vst v63  }
0x25: {  	s18 =	simm.s32 $0x2000  }
0x26: {  	[tilespmem:s18], [sflag:$0x1] =	stream.indirect_vreg.gather [hbm4b:s3+s2], $0x80, v3, vm0, $0xb8;
	[tilespmem:$0x10100] =	vst v63  }
0x27: {  	s19 =	simm.s32 $0x2800  }
0x28: {  	[tilespmem:s19], [sflag:$0x1] =	stream.indirect_vreg.gather [hbm4b:s6+s2], $0x80, v3, vm0, $0xb8;
	[tilespmem:$0x10100] =	vst v63  }
0x29: {  	s20 =	simm.s32 $0x3000  }
0x2a: {  	[tilespmem:s20], [sflag:$0x1] =	stream.indirect_vreg.gather [hbm4b:s7+s2], $0x80, v3, vm0, $0xb8;
	[tilespmem:$0x10100] =	vst v63  }
0x2b: {  	s21 =	simm.s32 $0x3800  }
0x2c: {  	[tilespmem:s21], [sflag:$0x1] =	stream.indirect_vreg.gather [hbm4b:s8+s2], $0x80, v3, vm0, $0xb8;
	[tilespmem:$0x10100] =	vst v63  }
0x2d: {  	v3 =	vld [tilespmem:$0x10010];
	_ =	sdelay $0x4  }
0x2e: {  	v4 =	vshll.u32 v3, $0x3  }
0x2f: {  	v3 =	vand.u32 $0x7, v3;
	v4 =	vand.u32 $0xFFFFFFC0, v4  }
0x30: {  	v3 =	vor.u32 v3, v4  }
0x31: {  	v4 =	vperm.xlane v3, v0;
	_ =	sdelay $0x1  }
0x32: {  	v4 =	vadd.s32 v1, v4;
	_ =	sdelay $0x3  }
0x33: {  	s16 =	simm.s32 $0x4000  }
0x34: {  	[tilespmem:s16], [sflag:$0x1] =	stream.indirect_vreg.gather [hbm4b:s3+s2], $0x80, v4, vm0, $0xb8;
	[tilespmem:$0x10100] =	vst v63  }
0x35: {  	s17 =	simm.s32 $0x4800;
	v3 =	vperm.xlane v3, v2  }
0x36: {  	[tilespmem:s17], [sflag:$0x1] =	stream.indirect_vreg.gather [hbm4b:s6+s2], $0x80, v4, vm0, $0xb8;
	[tilespmem:$0x10100] =	vst v63  }
0x37: {  	s18 =	simm.s32 $0x5000;
	v3 =	vadd.s32 v1, v3  }
0x38: {  	[tilespmem:s18], [sflag:$0x1] =	stream.indirect_vreg.gather [hbm4b:s7+s2], $0x80, v4, vm0, $0xb8;
	[tilespmem:$0x10100] =	vst v63  }
0x39: {  	s19 =	simm.s32 $0x5800  }
0x3a: {  	[tilespmem:s19], [sflag:$0x1] =	stream.indirect_vreg.gather [hbm4b:s8+s2], $0x80, v4, vm0, $0xb8;
	[tilespmem:$0x10100] =	vst v63  }
0x3b: {  	s20 =	simm.s32 $0x6000  }
0x3c: {  	[tilespmem:s20], [sflag:$0x1] =	stream.indirect_vreg.gather [hbm4b:s3+s2], $0x80, v3, vm0, $0xb8;
	[tilespmem:$0x10100] =	vst v63  }
0x3d: {  	s21 =	simm.s32 $0x6800  }
0x3e: {  	[tilespmem:s21], [sflag:$0x1] =	stream.indirect_vreg.gather [hbm4b:s6+s2], $0x80, v3, vm0, $0xb8;
	[tilespmem:$0x10100] =	vst v63  }
0x3f: {  	s16 =	simm.s32 $0x7000  }
0x40: {  	[tilespmem:s16], [sflag:$0x1] =	stream.indirect_vreg.gather [hbm4b:s7+s2], $0x80, v3, vm0, $0xb8;
	[tilespmem:$0x10100] =	vst v63  }
0x41: {  	s17 =	simm.s32 $0x7800  }
0x42: {  	[tilespmem:s17], [sflag:$0x1] =	stream.indirect_vreg.gather [hbm4b:s8+s2], $0x80, v3, vm0, $0xb8;
	[tilespmem:$0x10100] =	vst v63  }
0x43: {  	v3 =	vld [tilespmem:$0x10080];
	_ =	sdelay $0x4  }
0x44: {  	v4 =	vshll.u32 v3, $0x3  }
0x45: {  	v3 =	vand.u32 $0x7, v3;
	v4 =	vand.u32 $0xFFFFFFC0, v4  }
0x46: {  	v3 =	vor.u32 v3, v4  }
0x47: {  	v4 =	vperm.xlane v3, v0;
	_ =	sdelay $0x1  }
0x48: {  	v4 =	vadd.s32 v1, v4;
	_ =	sdelay $0x3  }
0x49: {  	s18 =	simm.s32 $0x8000  }
0x4a: {  	[tilespmem:s18], [sflag:$0x2] =	stream.indirect_vreg.gather [hbm4b:s3+s2], $0x80, v4, vm0, $0xb8;
	[tilespmem:$0x10100] =	vst v63  }
0x4b: {  	s19 =	simm.s32 $0x8800;
	v3 =	vperm.xlane v3, v2  }
0x4c: {  	[tilespmem:s19], [sflag:$0x2] =	stream.indirect_vreg.gather [hbm4b:s6+s2], $0x80, v4, vm0, $0xb8;
	[tilespmem:$0x10100] =	vst v63  }
0x4d: {  	s20 =	simm.s32 $0x9000;
	v3 =	vadd.s32 v1, v3  }
0x4e: {  	[tilespmem:s20], [sflag:$0x2] =	stream.indirect_vreg.gather [hbm4b:s7+s2], $0x80, v4, vm0, $0xb8;
	[tilespmem:$0x10100] =	vst v63  }
0x4f: {  	s21 =	simm.s32 $0x9800  }
0x50: {  	[tilespmem:s21], [sflag:$0x2] =	stream.indirect_vreg.gather [hbm4b:s8+s2], $0x80, v4, vm0, $0xb8;
	[tilespmem:$0x10100] =	vst v63  }
0x51: {  	s16 =	simm.s32 $0xA000  }
0x52: {  	[tilespmem:s16], [sflag:$0x2] =	stream.indirect_vreg.gather [hbm4b:s3+s2], $0x80, v3, vm0, $0xb8;
	[tilespmem:$0x10100] =	vst v63  }
0x53: {  	s17 =	simm.s32 $0xA800  }
0x54: {  	[tilespmem:s17], [sflag:$0x2] =	stream.indirect_vreg.gather [hbm4b:s6+s2], $0x80, v3, vm0, $0xb8;
	[tilespmem:$0x10100] =	vst v63  }
0x55: {  	s18 =	simm.s32 $0xB000  }
0x56: {  	[tilespmem:s18], [sflag:$0x2] =	stream.indirect_vreg.gather [hbm4b:s7+s2], $0x80, v3, vm0, $0xb8;
	[tilespmem:$0x10100] =	vst v63  }
0x57: {  	s19 =	simm.s32 $0xB800  }
0x58: {  	[tilespmem:s19], [sflag:$0x2] =	stream.indirect_vreg.gather [hbm4b:s8+s2], $0x80, v3, vm0, $0xb8;
	[tilespmem:$0x10100] =	vst v63  }
0x59: {  	v3 =	vld [tilespmem:$0x10090];
	_ =	sdelay $0x4  }
0x5a: {  	v4 =	vshll.u32 v3, $0x3  }
0x5b: {  	v3 =	vand.u32 $0x7, v3;
	v4 =	vand.u32 $0xFFFFFFC0, v4  }
0x5c: {  	v3 =	vor.u32 v3, v4  }
0x5d: {  	v4 =	vperm.xlane v3, v0;
	_ =	sdelay $0x1  }
0x5e: {  	v4 =	vadd.s32 v1, v4;
	_ =	sdelay $0x3  }
0x5f: {  	s20 =	simm.s32 $0xC000  }
0x60: {  	[tilespmem:s20], [sflag:$0x2] =	stream.indirect_vreg.gather [hbm4b:s3+s2], $0x80, v4, vm0, $0xb8;
	[tilespmem:$0x10100] =	vst v63  }
0x61: {  	v3 =	vperm.xlane v3, v2  }
0x62: {  	[tilespmem:s23], [sflag:$0x2] =	stream.indirect_vreg.gather [hbm4b:s6+s2], $0x80, v4, vm0, $0xb8;
	[tilespmem:$0x10100] =	vst v63  }
0x63: {  	v3 =	vadd.s32 v1, v3  }
0x64: {  	[tilespmem:s24], [sflag:$0x2] =	stream.indirect_vreg.gather [hbm4b:s7+s2], $0x80, v4, vm0, $0xb8;
	[tilespmem:$0x10100] =	vst v63  }
0x65: {  	_ = 	snop  }
0x66: {  	[tilespmem:s25], [sflag:$0x2] =	stream.indirect_vreg.gather [hbm4b:s8+s2], $0x80, v4, vm0, $0xb8;
	[tilespmem:$0x10100] =	vst v63  }
0x67: {  	_ = 	snop  }
0x68: {  	[tilespmem:s26], [sflag:$0x2] =	stream.indirect_vreg.gather [hbm4b:s3+s2], $0x80, v3, vm0, $0xb8;
	[tilespmem:$0x10100] =	vst v63  }
0x69: {  	_ = 	snop  }
0x6a: {  	[tilespmem:s28], [sflag:$0x2] =	stream.indirect_vreg.gather [hbm4b:s6+s2], $0x80, v3, vm0, $0xb8;
	[tilespmem:$0x10100] =	vst v63  }
0x6b: {  	_ = 	snop  }
0x6c: {  	[tilespmem:s29], [sflag:$0x2] =	stream.indirect_vreg.gather [hbm4b:s7+s2], $0x80, v3, vm0, $0xb8;
	[tilespmem:$0x10100] =	vst v63  }
0x6d: {  	_ = 	snop  }
0x6e: {  	[tilespmem:s30], [sflag:$0x2] =	stream.indirect_vreg.gather [hbm4b:s8+s2], $0x80, v3, vm0, $0xb8;
	[tilespmem:$0x10100] =	vst v63  }
0x6f: {  	_ =	swait.ge [sflag:s31], $0x8000  }
0x70: {  	[sflag:s31] =	ssyncset.done $0x0  }
0x71: {  	[sflag:s31] =	ssyncadd.s32 $0xFFFF8000  }
0x72: {  	_ =	swait.ge [sflag:s0], $0x8000  }
0x73: {  	s21 =	sand.u32 $0x70, s2;
	s16 =	sand.u32 $0x1C00, s2;
	[sflag:s0] =	ssyncset.done $0x0  }
0x74: {  	s14 =	sor.u32 s21, s16;
	[sflag:s0] =	ssyncadd.s32 $0xFFFF8000  }
0x75: {  	v3 =	vld [tilespmem:s14+$0x8000]  }
0x76: {  	v4 =	vld [tilespmem:s14+$0x0];
	_ =	sdelay $0x3  }
0x77: {  	s16 =	simm.s32 $0x80;
	s17 =	simm.s32 $0x10  }
0x78: {  	s17 =	sand.u32 $0x70, s17;
	s18 =	sand.u32 $0x1C00, s16;
	v3 =	vadd.f32 v3, v4  }
0x79: {  	s18 =	sor.u32 s17, s18;
	s17 =	simm.s32 $0x20  }
.LBB2_2:
0x7a: {  	p0 =	sne.s32 s17, $0x3F0;
	v4 =	vld [tilespmem:s18+$0x8000];
	[tilespmem:s14+$0x0] =	vst v3;
	s14 =	smov.u32 s18  }
0x7b: {  	v3 =	vld [tilespmem:s14+$0x0];
	_ =	sdelay $0x1  }
.Ltmp0:
0x7c: {  	(pc) =	sbr.rel @p0 .LBB2_2-.Ltmp0, $4  }
0x7d: {  	_ = 	snop  }
0x7e: {  	s16 =	sadd.s32 $0x80, s16  }
0x7f: {  	s18 =	sand.u32 $0x70, s17;
	s19 =	sand.u32 $0x1C00, s16;
	v3 =	vadd.f32 v4, v3  }
0x80: {  	s17 =	sadd.s32 $0x10, s17;
	s18 =	sor.u32 s18, s19  }
0x81: {  	v4 =	vld [tilespmem:s18+$0x8000];
	[tilespmem:s14+$0x0] =	vst v3  }
0x82: {  	v3 =	vld [tilespmem:s18+$0x0];
	_ =	sdelay $0x4  }
0x83: {  	s19 =	simm.s32 $0x0;
	v3 =	vadd.f32 v4, v3  }
0x84: {  	s16 =	sand.u32 $0x70, s19;
	s14 =	sand.u32 $0x1C00, s19  }
0x85: {  	s14 =	sor.u32 s14, s16;
	[tilespmem:s18+$0x0] =	vst v3  }
0x86: {  	v3 =	vld [tilespmem:s14+$0x8080]  }
0x87: {  	v4 =	vld [tilespmem:s14+$0x80];
	_ =	sdelay $0x3  }
0x88: {  	s20 =	simm.s32 $0x10;
	s17 =	simm.s32 $0x80  }
0x89: {  	s21 =	sand.u32 $0x1C00, s17;
	s16 =	sand.u32 $0x70, s20;
	v3 =	vadd.f32 v3, v4  }
0x8a: {  	s19 =	simm.s32 $0x20;
	s20 =	sor.u32 s21, s16;
	s18 =	smov.u32 s14  }
.LBB2_4:
0x8b: {  	p0 =	sne.s32 s19, $0x3F0;
	v4 =	vld [tilespmem:s20+$0x8080];
	[tilespmem:s18+$0x80] =	vst v3;
	s18 =	smov.u32 s20  }
0x8c: {  	v3 =	vld [tilespmem:s18+$0x80];
	_ =	sdelay $0x1  }
.Ltmp1:
0x8d: {  	(pc) =	sbr.rel @p0 .LBB2_4-.Ltmp1, $4  }
0x8e: {  	_ = 	snop  }
0x8f: {  	s17 =	sadd.s32 $0x80, s17  }
0x90: {  	s20 =	sand.u32 $0x70, s19;
	s21 =	sand.u32 $0x1C00, s17;
	v3 =	vadd.f32 v4, v3  }
0x91: {  	s19 =	sadd.s32 $0x10, s19;
	s20 =	sor.u32 s21, s20  }
0x92: {  	v4 =	vld [tilespmem:s20+$0x8080];
	[tilespmem:s18+$0x80] =	vst v3  }
0x93: {  	v3 =	vld [tilespmem:s20+$0x80];
	_ =	sdelay $0x4  }
0x94: {  	v3 =	vadd.f32 v4, v3;
	_ =	sdelay $0x1  }
0x95: {  	[tilespmem:s20+$0x80] =	vst v3  }
0x96: {  	v3 =	vld [tilespmem:s14+$0x8100]  }
0x97: {  	v4 =	vld [tilespmem:s14+$0x100];
	_ =	sdelay $0x3  }
0x98: {  	s17 =	simm.s32 $0x80  }
0x99: {  	s21 =	sand.u32 $0x1C00, s17;
	v3 =	vadd.f32 v3, v4  }
0x9a: {  	s18 =	sor.u32 s21, s16;
	s16 =	simm.s32 $0x20  }
.LBB2_6:
0x9b: {  	p0 =	sne.s32 s16, $0x3F0;
	v4 =	vld [tilespmem:s18+$0x8100];
	[tilespmem:s14+$0x100] =	vst v3;
	s14 =	smov.u32 s18  }
0x9c: {  	v3 =	vld [tilespmem:s14+$0x100];
	_ =	sdelay $0x1  }
.Ltmp2:
0x9d: {  	(pc) =	sbr.rel @p0 .LBB2_6-.Ltmp2, $4  }
0x9e: {  	_ = 	snop  }
0x9f: {  	s17 =	sadd.s32 $0x80, s17  }
0xa0: {  	s18 =	sand.u32 $0x70, s16;
	s19 =	sand.u32 $0x1C00, s17;
	v3 =	vadd.f32 v4, v3  }
0xa1: {  	s16 =	sadd.s32 $0x10, s16;
	s18 =	sor.u32 s19, s18  }
0xa2: {  	v4 =	vld [tilespmem:s18+$0x8100];
	[tilespmem:s14+$0x100] =	vst v3  }
0xa3: {  	v3 =	vld [tilespmem:s18+$0x100];
	_ =	sdelay $0x4  }
0xa4: {  	s19 =	simm.s32 $0x0;
	v3 =	vadd.f32 v4, v3  }
0xa5: {  	s16 =	sand.u32 $0x70, s19;
	s14 =	sand.u32 $0x1C00, s19  }
0xa6: {  	s14 =	sor.u32 s14, s16;
	[tilespmem:s18+$0x100] =	vst v3  }
0xa7: {  	v3 =	vld [tilespmem:s14+$0x8180]  }
0xa8: {  	v4 =	vld [tilespmem:s14+$0x180];
	_ =	sdelay $0x3  }
0xa9: {  	s20 =	simm.s32 $0x10;
	s17 =	simm.s32 $0x80  }
0xaa: {  	s21 =	sand.u32 $0x1C00, s17;
	s16 =	sand.u32 $0x70, s20;
	v3 =	vadd.f32 v3, v4  }
0xab: {  	s19 =	simm.s32 $0x20;
	s20 =	sor.u32 s21, s16;
	s18 =	smov.u32 s14  }
.LBB2_8:
0xac: {  	p0 =	sne.s32 s19, $0x3F0;
	v4 =	vld [tilespmem:s20+$0x8180];
	[tilespmem:s18+$0x180] =	vst v3;
	s18 =	smov.u32 s20  }
0xad: {  	v3 =	vld [tilespmem:s18+$0x180];
	_ =	sdelay $0x1  }
.Ltmp3:
0xae: {  	(pc) =	sbr.rel @p0 .LBB2_8-.Ltmp3, $4  }
0xaf: {  	_ = 	snop  }
0xb0: {  	s17 =	sadd.s32 $0x80, s17  }
0xb1: {  	s20 =	sand.u32 $0x70, s19;
	s21 =	sand.u32 $0x1C00, s17;
	v3 =	vadd.f32 v4, v3  }
0xb2: {  	s19 =	sadd.s32 $0x10, s19;
	s20 =	sor.u32 s21, s20  }
0xb3: {  	v4 =	vld [tilespmem:s20+$0x8180];
	[tilespmem:s18+$0x180] =	vst v3  }
0xb4: {  	v3 =	vld [tilespmem:s20+$0x180];
	_ =	sdelay $0x4  }
0xb5: {  	v3 =	vadd.f32 v4, v3;
	_ =	sdelay $0x1  }
0xb6: {  	[tilespmem:s20+$0x180] =	vst v3  }
0xb7: {  	v3 =	vld [tilespmem:s14+$0x8200]  }
0xb8: {  	v4 =	vld [tilespmem:s14+$0x200];
	_ =	sdelay $0x3  }
0xb9: {  	s17 =	simm.s32 $0x80  }
0xba: {  	s21 =	sand.u32 $0x1C00, s17;
	v3 =	vadd.f32 v3, v4  }
0xbb: {  	s18 =	sor.u32 s21, s16;
	s16 =	simm.s32 $0x20  }
.LBB2_10:
0xbc: {  	p0 =	sne.s32 s16, $0x3F0;
	v4 =	vld [tilespmem:s18+$0x8200];
	[tilespmem:s14+$0x200] =	vst v3;
	s14 =	smov.u32 s18  }
0xbd: {  	v3 =	vld [tilespmem:s14+$0x200];
	_ =	sdelay $0x1  }
.Ltmp4:
0xbe: {  	(pc) =	sbr.rel @p0 .LBB2_10-.Ltmp4, $4  }
0xbf: {  	_ = 	snop  }
0xc0: {  	s17 =	sadd.s32 $0x80, s17  }
0xc1: {  	s18 =	sand.u32 $0x70, s16;
	s19 =	sand.u32 $0x1C00, s17;
	v3 =	vadd.f32 v4, v3  }
0xc2: {  	s16 =	sadd.s32 $0x10, s16;
	s18 =	sor.u32 s19, s18  }
0xc3: {  	v4 =	vld [tilespmem:s18+$0x8200];
	[tilespmem:s14+$0x200] =	vst v3  }
0xc4: {  	v3 =	vld [tilespmem:s18+$0x200];
	_ =	sdelay $0x4  }
0xc5: {  	s19 =	simm.s32 $0x0;
	v3 =	vadd.f32 v4, v3  }
0xc6: {  	s16 =	sand.u32 $0x70, s19;
	s14 =	sand.u32 $0x1C00, s19  }
0xc7: {  	s14 =	sor.u32 s14, s16;
	[tilespmem:s18+$0x200] =	vst v3  }
0xc8: {  	v3 =	vld [tilespmem:s14+$0x8280]  }
0xc9: {  	v4 =	vld [tilespmem:s14+$0x280];
	_ =	sdelay $0x3  }
0xca: {  	s20 =	simm.s32 $0x10;
	s17 =	simm.s32 $0x80  }
0xcb: {  	s21 =	sand.u32 $0x1C00, s17;
	s16 =	sand.u32 $0x70, s20;
	v3 =	vadd.f32 v3, v4  }
0xcc: {  	s19 =	simm.s32 $0x20;
	s20 =	sor.u32 s21, s16;
	s18 =	smov.u32 s14  }
.LBB2_12:
0xcd: {  	p0 =	sne.s32 s19, $0x3F0;
	v4 =	vld [tilespmem:s20+$0x8280];
	[tilespmem:s18+$0x280] =	vst v3;
	s18 =	smov.u32 s20  }
0xce: {  	v3 =	vld [tilespmem:s18+$0x280];
	_ =	sdelay $0x1  }
.Ltmp5:
0xcf: {  	(pc) =	sbr.rel @p0 .LBB2_12-.Ltmp5, $4  }
0xd0: {  	_ = 	snop  }
0xd1: {  	s17 =	sadd.s32 $0x80, s17  }
0xd2: {  	s20 =	sand.u32 $0x70, s19;
	s21 =	sand.u32 $0x1C00, s17;
	v3 =	vadd.f32 v4, v3  }
0xd3: {  	s19 =	sadd.s32 $0x10, s19;
	s20 =	sor.u32 s21, s20  }
0xd4: {  	v4 =	vld [tilespmem:s20+$0x8280];
	[tilespmem:s18+$0x280] =	vst v3  }
0xd5: {  	v3 =	vld [tilespmem:s20+$0x280];
	_ =	sdelay $0x4  }
0xd6: {  	v3 =	vadd.f32 v4, v3;
	_ =	sdelay $0x1  }
0xd7: {  	[tilespmem:s20+$0x280] =	vst v3  }
0xd8: {  	v3 =	vld [tilespmem:s14+$0x8300]  }
0xd9: {  	v4 =	vld [tilespmem:s14+$0x300];
	_ =	sdelay $0x3  }
0xda: {  	s17 =	simm.s32 $0x80  }
0xdb: {  	s21 =	sand.u32 $0x1C00, s17;
	v3 =	vadd.f32 v3, v4  }
0xdc: {  	s18 =	sor.u32 s21, s16;
	s16 =	simm.s32 $0x20  }
.LBB2_14:
0xdd: {  	p0 =	sne.s32 s16, $0x3F0;
	v4 =	vld [tilespmem:s18+$0x8300];
	[tilespmem:s14+$0x300] =	vst v3;
	s14 =	smov.u32 s18  }
0xde: {  	v3 =	vld [tilespmem:s14+$0x300];
	_ =	sdelay $0x1  }
.Ltmp6:
0xdf: {  	(pc) =	sbr.rel @p0 .LBB2_14-.Ltmp6, $4  }
0xe0: {  	_ = 	snop  }
0xe1: {  	s17 =	sadd.s32 $0x80, s17  }
0xe2: {  	s18 =	sand.u32 $0x70, s16;
	s19 =	sand.u32 $0x1C00, s17;
	v3 =	vadd.f32 v4, v3  }
0xe3: {  	s16 =	sadd.s32 $0x10, s16;
	s18 =	sor.u32 s19, s18  }
0xe4: {  	v4 =	vld [tilespmem:s18+$0x8300];
	[tilespmem:s14+$0x300] =	vst v3  }
0xe5: {  	v3 =	vld [tilespmem:s18+$0x300];
	_ =	sdelay $0x4  }
0xe6: {  	s14 =	simm.s32 $0x0;
	v3 =	vadd.f32 v4, v3  }
0xe7: {  	s16 =	sor.u32 s14, s14  }
0xe8: {  	s17 =	sor.u32 $0x380, s16;
	[tilespmem:s18+$0x300] =	vst v3  }
0xe9: {  	v3 =	vld [tilespmem:s17+$0x8000]  }
0xea: {  	v4 =	vld [tilespmem:s17+$0x0];
	_ =	sdelay $0x3  }
0xeb: {  	s16 =	simm.s32 $0x10;
	s18 =	simm.s32 $0x80  }
0xec: {  	s19 =	sor.u32 s18, s16;
	v3 =	vadd.f32 v3, v4  }
0xed: {  	s20 =	sor.u32 $0x380, s19;
	s19 =	simm.s32 $0x20  }
.LBB2_16:
0xee: {  	p0 =	sne.s32 s19, $0x3F0;
	v4 =	vld [tilespmem:s20+$0x8000];
	[tilespmem:s17+$0x0] =	vst v3;
	s17 =	smov.u32 s20  }
0xef: {  	v3 =	vld [tilespmem:s17+$0x0];
	_ =	sdelay $0x1  }
.Ltmp7:
0xf0: {  	(pc) =	sbr.rel @p0 .LBB2_16-.Ltmp7, $4  }
0xf1: {  	_ = 	snop  }
0xf2: {  	s18 =	sadd.s32 $0x80, s18  }
0xf3: {  	s20 =	sor.u32 s18, s19;
	v3 =	vadd.f32 v4, v3  }
0xf4: {  	s19 =	sadd.s32 $0x10, s19;
	s20 =	sor.u32 $0x380, s20  }
0xf5: {  	v4 =	vld [tilespmem:s20+$0x8000];
	[tilespmem:s17+$0x0] =	vst v3  }
0xf6: {  	v3 =	vld [tilespmem:s20+$0x0];
	_ =	sdelay $0x4  }
0xf7: {  	v3 =	vadd.f32 v4, v3  }
0xf8: {  	s19 =	sand.u32 $0x70, s14;
	s21 =	sand.u32 $0x1C00, s14  }
0xf9: {  	s14 =	sor.u32 s21, s19;
	[tilespmem:s20+$0x0] =	vst v3  }
0xfa: {  	v3 =	vld [tilespmem:s14+$0xA000]  }
0xfb: {  	v4 =	vld [tilespmem:s14+$0x2000];
	_ =	sdelay $0x3  }
0xfc: {  	s17 =	simm.s32 $0x80  }
0xfd: {  	s16 =	sand.u32 $0x70, s16;
	s18 =	sand.u32 $0x1C00, s17;
	v3 =	vadd.f32 v3, v4  }
0xfe: {  	s18 =	sor.u32 s18, s16;
	s16 =	simm.s32 $0x20  }
.LBB2_18:
0xff: {  	p0 =	sne.s32 s16, $0x3F0;
	v4 =	vld [tilespmem:s18+$0xA000];
	[tilespmem:s14+$0x2000] =	vst v3;
	s14 =	smov.u32 s18  }
0x100: {  	v3 =	vld [tilespmem:s14+$0x2000];
	_ =	sdelay $0x1  }
.Ltmp8:
0x101: {  	(pc) =	sbr.rel @p0 .LBB2_18-.Ltmp8, $4  }
0x102: {  	_ = 	snop  }
0x103: {  	s17 =	sadd.s32 $0x80, s17  }
0x104: {  	s18 =	sand.u32 $0x70, s16;
	s19 =	sand.u32 $0x1C00, s17;
	v3 =	vadd.f32 v4, v3  }
0x105: {  	s16 =	sadd.s32 $0x10, s16;
	s18 =	sor.u32 s19, s18  }
0x106: {  	v4 =	vld [tilespmem:s18+$0xA000];
	[tilespmem:s14+$0x2000] =	vst v3  }
0x107: {  	v3 =	vld [tilespmem:s18+$0x2000];
	_ =	sdelay $0x4  }
0x108: {  	s19 =	simm.s32 $0x0;
	v3 =	vadd.f32 v4, v3  }
0x109: {  	s16 =	sand.u32 $0x70, s19;
	s14 =	sand.u32 $0x1C00, s19  }
0x10a: {  	s14 =	sor.u32 s14, s16;
	[tilespmem:s18+$0x2000] =	vst v3  }
0x10b: {  	v3 =	vld [tilespmem:s14+$0xA080]  }
0x10c: {  	v4 =	vld [tilespmem:s14+$0x2080];
	_ =	sdelay $0x3  }
0x10d: {  	s20 =	simm.s32 $0x10;
	s17 =	simm.s32 $0x80  }
0x10e: {  	s21 =	sand.u32 $0x1C00, s17;
	s16 =	sand.u32 $0x70, s20;
	v3 =	vadd.f32 v3, v4  }
0x10f: {  	s19 =	simm.s32 $0x20;
	s20 =	sor.u32 s21, s16;
	s18 =	smov.u32 s14  }
.LBB2_20:
0x110: {  	p0 =	sne.s32 s19, $0x3F0;
	v4 =	vld [tilespmem:s20+$0xA080];
	[tilespmem:s18+$0x2080] =	vst v3;
	s18 =	smov.u32 s20  }
0x111: {  	v3 =	vld [tilespmem:s18+$0x2080];
	_ =	sdelay $0x1  }
.Ltmp9:
0x112: {  	(pc) =	sbr.rel @p0 .LBB2_20-.Ltmp9, $4  }
0x113: {  	_ = 	snop  }
0x114: {  	s17 =	sadd.s32 $0x80, s17  }
0x115: {  	s20 =	sand.u32 $0x70, s19;
	s21 =	sand.u32 $0x1C00, s17;
	v3 =	vadd.f32 v4, v3  }
0x116: {  	s19 =	sadd.s32 $0x10, s19;
	s20 =	sor.u32 s21, s20  }
0x117: {  	v4 =	vld [tilespmem:s20+$0xA080];
	[tilespmem:s18+$0x2080] =	vst v3  }
0x118: {  	v3 =	vld [tilespmem:s20+$0x2080];
	_ =	sdelay $0x4  }
0x119: {  	v3 =	vadd.f32 v4, v3;
	_ =	sdelay $0x1  }
0x11a: {  	[tilespmem:s20+$0x2080] =	vst v3  }
0x11b: {  	v3 =	vld [tilespmem:s14+$0xA100]  }
0x11c: {  	v4 =	vld [tilespmem:s14+$0x2100];
	_ =	sdelay $0x3  }
0x11d: {  	s17 =	simm.s32 $0x80  }
0x11e: {  	s21 =	sand.u32 $0x1C00, s17;
	v3 =	vadd.f32 v3, v4  }
0x11f: {  	s18 =	sor.u32 s21, s16;
	s16 =	simm.s32 $0x20  }
.LBB2_22:
0x120: {  	p0 =	sne.s32 s16, $0x3F0;
	v4 =	vld [tilespmem:s18+$0xA100];
	[tilespmem:s14+$0x2100] =	vst v3;
	s14 =	smov.u32 s18  }
0x121: {  	v3 =	vld [tilespmem:s14+$0x2100];
	_ =	sdelay $0x1  }
.Ltmp10:
0x122: {  	(pc) =	sbr.rel @p0 .LBB2_22-.Ltmp10, $4  }
0x123: {  	_ = 	snop  }
0x124: {  	s17 =	sadd.s32 $0x80, s17  }
0x125: {  	s18 =	sand.u32 $0x70, s16;
	s19 =	sand.u32 $0x1C00, s17;
	v3 =	vadd.f32 v4, v3  }
0x126: {  	s16 =	sadd.s32 $0x10, s16;
	s18 =	sor.u32 s19, s18  }
0x127: {  	v4 =	vld [tilespmem:s18+$0xA100];
	[tilespmem:s14+$0x2100] =	vst v3  }
0x128: {  	v3 =	vld [tilespmem:s18+$0x2100];
	_ =	sdelay $0x4  }
0x129: {  	s19 =	simm.s32 $0x0;
	v3 =	vadd.f32 v4, v3  }
0x12a: {  	s16 =	sand.u32 $0x70, s19;
	s14 =	sand.u32 $0x1C00, s19  }
0x12b: {  	s14 =	sor.u32 s14, s16;
	[tilespmem:s18+$0x2100] =	vst v3  }
0x12c: {  	v3 =	vld [tilespmem:s14+$0xA180]  }
0x12d: {  	v4 =	vld [tilespmem:s14+$0x2180];
	_ =	sdelay $0x3  }
0x12e: {  	s20 =	simm.s32 $0x10;
	s17 =	simm.s32 $0x80  }
0x12f: {  	s21 =	sand.u32 $0x1C00, s17;
	s16 =	sand.u32 $0x70, s20;
	v3 =	vadd.f32 v3, v4  }
0x130: {  	s19 =	simm.s32 $0x20;
	s20 =	sor.u32 s21, s16;
	s18 =	smov.u32 s14  }
.LBB2_24:
0x131: {  	p0 =	sne.s32 s19, $0x3F0;
	v4 =	vld [tilespmem:s20+$0xA180];
	[tilespmem:s18+$0x2180] =	vst v3;
	s18 =	smov.u32 s20  }
0x132: {  	v3 =	vld [tilespmem:s18+$0x2180];
	_ =	sdelay $0x1  }
.Ltmp11:
0x133: {  	(pc) =	sbr.rel @p0 .LBB2_24-.Ltmp11, $4  }
0x134: {  	_ = 	snop  }
0x135: {  	s17 =	sadd.s32 $0x80, s17  }
0x136: {  	s20 =	sand.u32 $0x70, s19;
	s21 =	sand.u32 $0x1C00, s17;
	v3 =	vadd.f32 v4, v3  }
0x137: {  	s19 =	sadd.s32 $0x10, s19;
	s20 =	sor.u32 s21, s20  }
0x138: {  	v4 =	vld [tilespmem:s20+$0xA180];
	[tilespmem:s18+$0x2180] =	vst v3  }
0x139: {  	v3 =	vld [tilespmem:s20+$0x2180];
	_ =	sdelay $0x4  }
0x13a: {  	v3 =	vadd.f32 v4, v3;
	_ =	sdelay $0x1  }
0x13b: {  	[tilespmem:s20+$0x2180] =	vst v3  }
0x13c: {  	v3 =	vld [tilespmem:s14+$0xA200]  }
0x13d: {  	v4 =	vld [tilespmem:s14+$0x2200];
	_ =	sdelay $0x3  }
0x13e: {  	s17 =	simm.s32 $0x80  }
0x13f: {  	s21 =	sand.u32 $0x1C00, s17;
	v3 =	vadd.f32 v3, v4  }
0x140: {  	s18 =	sor.u32 s21, s16;
	s16 =	simm.s32 $0x20  }
.LBB2_26:
0x141: {  	p0 =	sne.s32 s16, $0x3F0;
	v4 =	vld [tilespmem:s18+$0xA200];
	[tilespmem:s14+$0x2200] =	vst v3;
	s14 =	smov.u32 s18  }
0x142: {  	v3 =	vld [tilespmem:s14+$0x2200];
	_ =	sdelay $0x1  }
.Ltmp12:
0x143: {  	(pc) =	sbr.rel @p0 .LBB2_26-.Ltmp12, $4  }
0x144: {  	_ = 	snop  }
0x145: {  	s17 =	sadd.s32 $0x80, s17  }
0x146: {  	s18 =	sand.u32 $0x70, s16;
	s19 =	sand.u32 $0x1C00, s17;
	v3 =	vadd.f32 v4, v3  }
0x147: {  	s16 =	sadd.s32 $0x10, s16;
	s18 =	sor.u32 s19, s18  }
0x148: {  	v4 =	vld [tilespmem:s18+$0xA200];
	[tilespmem:s14+$0x2200] =	vst v3  }
0x149: {  	v3 =	vld [tilespmem:s18+$0x2200];
	_ =	sdelay $0x4  }
0x14a: {  	s19 =	simm.s32 $0x0;
	v3 =	vadd.f32 v4, v3  }
0x14b: {  	s16 =	sand.u32 $0x70, s19;
	s14 =	sand.u32 $0x1C00, s19  }
0x14c: {  	s14 =	sor.u32 s14, s16;
	[tilespmem:s18+$0x2200] =	vst v3  }
0x14d: {  	v3 =	vld [tilespmem:s14+$0xA280]  }
0x14e: {  	v4 =	vld [tilespmem:s14+$0x2280];
	_ =	sdelay $0x3  }
0x14f: {  	s20 =	simm.s32 $0x10;
	s17 =	simm.s32 $0x80  }
0x150: {  	s21 =	sand.u32 $0x1C00, s17;
	s16 =	sand.u32 $0x70, s20;
	v3 =	vadd.f32 v3, v4  }
0x151: {  	s19 =	simm.s32 $0x20;
	s20 =	sor.u32 s21, s16;
	s18 =	smov.u32 s14  }
.LBB2_28:
0x152: {  	p0 =	sne.s32 s19, $0x3F0;
	v4 =	vld [tilespmem:s20+$0xA280];
	[tilespmem:s18+$0x2280] =	vst v3;
	s18 =	smov.u32 s20  }
0x153: {  	v3 =	vld [tilespmem:s18+$0x2280];
	_ =	sdelay $0x1  }
.Ltmp13:
0x154: {  	(pc) =	sbr.rel @p0 .LBB2_28-.Ltmp13, $4  }
0x155: {  	_ = 	snop  }
0x156: {  	s17 =	sadd.s32 $0x80, s17  }
0x157: {  	s20 =	sand.u32 $0x70, s19;
	s21 =	sand.u32 $0x1C00, s17;
	v3 =	vadd.f32 v4, v3  }
0x158: {  	s19 =	sadd.s32 $0x10, s19;
	s20 =	sor.u32 s21, s20  }
0x159: {  	v4 =	vld [tilespmem:s20+$0xA280];
	[tilespmem:s18+$0x2280] =	vst v3  }
0x15a: {  	v3 =	vld [tilespmem:s20+$0x2280];
	_ =	sdelay $0x4  }
0x15b: {  	v3 =	vadd.f32 v4, v3;
	_ =	sdelay $0x1  }
0x15c: {  	[tilespmem:s20+$0x2280] =	vst v3  }
0x15d: {  	v3 =	vld [tilespmem:s14+$0xA300]  }
0x15e: {  	v4 =	vld [tilespmem:s14+$0x2300];
	_ =	sdelay $0x3  }
0x15f: {  	s17 =	simm.s32 $0x80  }
0x160: {  	s21 =	sand.u32 $0x1C00, s17;
	v3 =	vadd.f32 v3, v4  }
0x161: {  	s18 =	sor.u32 s21, s16;
	s16 =	simm.s32 $0x20  }
.LBB2_30:
0x162: {  	p0 =	sne.s32 s16, $0x3F0;
	v4 =	vld [tilespmem:s18+$0xA300];
	[tilespmem:s14+$0x2300] =	vst v3;
	s14 =	smov.u32 s18  }
0x163: {  	v3 =	vld [tilespmem:s14+$0x2300];
	_ =	sdelay $0x1  }
.Ltmp14:
0x164: {  	(pc) =	sbr.rel @p0 .LBB2_30-.Ltmp14, $4  }
0x165: {  	_ = 	snop  }
0x166: {  	s17 =	sadd.s32 $0x80, s17  }
0x167: {  	s18 =	sand.u32 $0x70, s16;
	s19 =	sand.u32 $0x1C00, s17;
	v3 =	vadd.f32 v4, v3  }
0x168: {  	s16 =	sadd.s32 $0x10, s16;
	s18 =	sor.u32 s19, s18  }
0x169: {  	v4 =	vld [tilespmem:s18+$0xA300];
	[tilespmem:s14+$0x2300] =	vst v3  }
0x16a: {  	v3 =	vld [tilespmem:s18+$0x2300];
	_ =	sdelay $0x4  }
0x16b: {  	s14 =	simm.s32 $0x0;
	v3 =	vadd.f32 v4, v3  }
0x16c: {  	s16 =	sor.u32 s14, s14  }
0x16d: {  	s17 =	sor.u32 $0x2380, s16;
	[tilespmem:s18+$0x2300] =	vst v3  }
0x16e: {  	v3 =	vld [tilespmem:s17+$0x8000]  }
0x16f: {  	v4 =	vld [tilespmem:s17+$0x0];
	_ =	sdelay $0x3  }
0x170: {  	s16 =	simm.s32 $0x10;
	s18 =	simm.s32 $0x80  }
0x171: {  	s19 =	sor.u32 s18, s16;
	v3 =	vadd.f32 v3, v4  }
0x172: {  	s20 =	sor.u32 $0x2380, s19;
	s19 =	simm.s32 $0x20  }
.LBB2_32:
0x173: {  	p0 =	sne.s32 s19, $0x3F0;
	v4 =	vld [tilespmem:s20+$0x8000];
	[tilespmem:s17+$0x0] =	vst v3;
	s17 =	smov.u32 s20  }
0x174: {  	v3 =	vld [tilespmem:s17+$0x0];
	_ =	sdelay $0x1  }
.Ltmp15:
0x175: {  	(pc) =	sbr.rel @p0 .LBB2_32-.Ltmp15, $4  }
0x176: {  	_ = 	snop  }
0x177: {  	s18 =	sadd.s32 $0x80, s18  }
0x178: {  	s20 =	sor.u32 s18, s19;
	v3 =	vadd.f32 v4, v3  }
0x179: {  	s19 =	sadd.s32 $0x10, s19;
	s20 =	sor.u32 $0x2380, s20  }
0x17a: {  	v4 =	vld [tilespmem:s20+$0x8000];
	[tilespmem:s17+$0x0] =	vst v3  }
0x17b: {  	v3 =	vld [tilespmem:s20+$0x0];
	_ =	sdelay $0x4  }
0x17c: {  	v3 =	vadd.f32 v4, v3  }
0x17d: {  	s19 =	sand.u32 $0x70, s14;
	s21 =	sand.u32 $0x1C00, s14  }
0x17e: {  	s14 =	sor.u32 s21, s19;
	[tilespmem:s20+$0x0] =	vst v3  }
0x17f: {  	v3 =	vld [tilespmem:s14+$0xC000]  }
0x180: {  	v4 =	vld [tilespmem:s14+$0x4000];
	_ =	sdelay $0x3  }
0x181: {  	s17 =	simm.s32 $0x80  }
0x182: {  	s16 =	sand.u32 $0x70, s16;
	s18 =	sand.u32 $0x1C00, s17;
	v3 =	vadd.f32 v3, v4  }
0x183: {  	s18 =	sor.u32 s18, s16;
	s16 =	simm.s32 $0x20  }
.LBB2_34:
0x184: {  	p0 =	sne.s32 s16, $0x3F0;
	v4 =	vld [tilespmem:s18+$0xC000];
	[tilespmem:s14+$0x4000] =	vst v3;
	s14 =	smov.u32 s18  }
0x185: {  	v3 =	vld [tilespmem:s14+$0x4000];
	_ =	sdelay $0x1  }
.Ltmp16:
0x186: {  	(pc) =	sbr.rel @p0 .LBB2_34-.Ltmp16, $4  }
0x187: {  	_ = 	snop  }
0x188: {  	s17 =	sadd.s32 $0x80, s17  }
0x189: {  	s18 =	sand.u32 $0x70, s16;
	s19 =	sand.u32 $0x1C00, s17;
	v3 =	vadd.f32 v4, v3  }
0x18a: {  	s16 =	sadd.s32 $0x10, s16;
	s18 =	sor.u32 s19, s18  }
0x18b: {  	v4 =	vld [tilespmem:s18+$0xC000];
	[tilespmem:s14+$0x4000] =	vst v3  }
0x18c: {  	v3 =	vld [tilespmem:s18+$0x4000];
	_ =	sdelay $0x4  }
0x18d: {  	s19 =	simm.s32 $0x0;
	v3 =	vadd.f32 v4, v3  }
0x18e: {  	s16 =	sand.u32 $0x70, s19;
	s14 =	sand.u32 $0x1C00, s19  }
0x18f: {  	s14 =	sor.u32 s14, s16;
	[tilespmem:s18+$0x4000] =	vst v3  }
0x190: {  	v3 =	vld [tilespmem:s14+$0xC080]  }
0x191: {  	v4 =	vld [tilespmem:s14+$0x4080];
	_ =	sdelay $0x3  }
0x192: {  	s20 =	simm.s32 $0x10;
	s17 =	simm.s32 $0x80  }
0x193: {  	s21 =	sand.u32 $0x1C00, s17;
	s16 =	sand.u32 $0x70, s20;
	v3 =	vadd.f32 v3, v4  }
0x194: {  	s19 =	simm.s32 $0x20;
	s20 =	sor.u32 s21, s16;
	s18 =	smov.u32 s14  }
.LBB2_36:
0x195: {  	p0 =	sne.s32 s19, $0x3F0;
	v4 =	vld [tilespmem:s20+$0xC080];
	[tilespmem:s18+$0x4080] =	vst v3;
	s18 =	smov.u32 s20  }
0x196: {  	v3 =	vld [tilespmem:s18+$0x4080];
	_ =	sdelay $0x1  }
.Ltmp17:
0x197: {  	(pc) =	sbr.rel @p0 .LBB2_36-.Ltmp17, $4  }
0x198: {  	_ = 	snop  }
0x199: {  	s17 =	sadd.s32 $0x80, s17  }
0x19a: {  	s20 =	sand.u32 $0x70, s19;
	s21 =	sand.u32 $0x1C00, s17;
	v3 =	vadd.f32 v4, v3  }
0x19b: {  	s19 =	sadd.s32 $0x10, s19;
	s20 =	sor.u32 s21, s20  }
0x19c: {  	v4 =	vld [tilespmem:s20+$0xC080];
	[tilespmem:s18+$0x4080] =	vst v3  }
0x19d: {  	v3 =	vld [tilespmem:s20+$0x4080];
	_ =	sdelay $0x4  }
0x19e: {  	v3 =	vadd.f32 v4, v3;
	_ =	sdelay $0x1  }
0x19f: {  	[tilespmem:s20+$0x4080] =	vst v3  }
0x1a0: {  	v3 =	vld [tilespmem:s14+$0xC100]  }
0x1a1: {  	v4 =	vld [tilespmem:s14+$0x4100];
	_ =	sdelay $0x3  }
0x1a2: {  	s17 =	simm.s32 $0x80  }
0x1a3: {  	s21 =	sand.u32 $0x1C00, s17;
	v3 =	vadd.f32 v3, v4  }
0x1a4: {  	s18 =	sor.u32 s21, s16;
	s16 =	simm.s32 $0x20  }
.LBB2_38:
0x1a5: {  	p0 =	sne.s32 s16, $0x3F0;
	v4 =	vld [tilespmem:s18+$0xC100];
	[tilespmem:s14+$0x4100] =	vst v3;
	s14 =	smov.u32 s18  }
0x1a6: {  	v3 =	vld [tilespmem:s14+$0x4100];
	_ =	sdelay $0x1  }
.Ltmp18:
0x1a7: {  	(pc) =	sbr.rel @p0 .LBB2_38-.Ltmp18, $4  }
0x1a8: {  	_ = 	snop  }
0x1a9: {  	s17 =	sadd.s32 $0x80, s17  }
0x1aa: {  	s18 =	sand.u32 $0x70, s16;
	s19 =	sand.u32 $0x1C00, s17;
	v3 =	vadd.f32 v4, v3  }
0x1ab: {  	s16 =	sadd.s32 $0x10, s16;
	s18 =	sor.u32 s19, s18  }
0x1ac: {  	v4 =	vld [tilespmem:s18+$0xC100];
	[tilespmem:s14+$0x4100] =	vst v3  }
0x1ad: {  	v3 =	vld [tilespmem:s18+$0x4100];
	_ =	sdelay $0x4  }
0x1ae: {  	s19 =	simm.s32 $0x0;
	v3 =	vadd.f32 v4, v3  }
0x1af: {  	s16 =	sand.u32 $0x70, s19;
	s14 =	sand.u32 $0x1C00, s19  }
0x1b0: {  	s14 =	sor.u32 s14, s16;
	[tilespmem:s18+$0x4100] =	vst v3  }
0x1b1: {  	v3 =	vld [tilespmem:s14+$0xC180]  }
0x1b2: {  	v4 =	vld [tilespmem:s14+$0x4180];
	_ =	sdelay $0x3  }
0x1b3: {  	s20 =	simm.s32 $0x10;
	s17 =	simm.s32 $0x80  }
0x1b4: {  	s21 =	sand.u32 $0x1C00, s17;
	s16 =	sand.u32 $0x70, s20;
	v3 =	vadd.f32 v3, v4  }
0x1b5: {  	s19 =	simm.s32 $0x20;
	s20 =	sor.u32 s21, s16;
	s18 =	smov.u32 s14  }
.LBB2_40:
0x1b6: {  	p0 =	sne.s32 s19, $0x3F0;
	v4 =	vld [tilespmem:s20+$0xC180];
	[tilespmem:s18+$0x4180] =	vst v3;
	s18 =	smov.u32 s20  }
0x1b7: {  	v3 =	vld [tilespmem:s18+$0x4180];
	_ =	sdelay $0x1  }
.Ltmp19:
0x1b8: {  	(pc) =	sbr.rel @p0 .LBB2_40-.Ltmp19, $4  }
0x1b9: {  	_ = 	snop  }
0x1ba: {  	s17 =	sadd.s32 $0x80, s17  }
0x1bb: {  	s20 =	sand.u32 $0x70, s19;
	s21 =	sand.u32 $0x1C00, s17;
	v3 =	vadd.f32 v4, v3  }
0x1bc: {  	s19 =	sadd.s32 $0x10, s19;
	s20 =	sor.u32 s21, s20  }
0x1bd: {  	v4 =	vld [tilespmem:s20+$0xC180];
	[tilespmem:s18+$0x4180] =	vst v3  }
0x1be: {  	v3 =	vld [tilespmem:s20+$0x4180];
	_ =	sdelay $0x4  }
0x1bf: {  	v3 =	vadd.f32 v4, v3;
	_ =	sdelay $0x1  }
0x1c0: {  	[tilespmem:s20+$0x4180] =	vst v3  }
0x1c1: {  	v3 =	vld [tilespmem:s14+$0xC200]  }
0x1c2: {  	v4 =	vld [tilespmem:s14+$0x4200];
	_ =	sdelay $0x3  }
0x1c3: {  	s17 =	simm.s32 $0x80  }
0x1c4: {  	s21 =	sand.u32 $0x1C00, s17;
	v3 =	vadd.f32 v3, v4  }
0x1c5: {  	s18 =	sor.u32 s21, s16;
	s16 =	simm.s32 $0x20  }
.LBB2_42:
0x1c6: {  	p0 =	sne.s32 s16, $0x3F0;
	v4 =	vld [tilespmem:s18+$0xC200];
	[tilespmem:s14+$0x4200] =	vst v3;
	s14 =	smov.u32 s18  }
0x1c7: {  	v3 =	vld [tilespmem:s14+$0x4200];
	_ =	sdelay $0x1  }
.Ltmp20:
0x1c8: {  	(pc) =	sbr.rel @p0 .LBB2_42-.Ltmp20, $4  }
0x1c9: {  	_ = 	snop  }
0x1ca: {  	s17 =	sadd.s32 $0x80, s17  }
0x1cb: {  	s18 =	sand.u32 $0x70, s16;
	s19 =	sand.u32 $0x1C00, s17;
	v3 =	vadd.f32 v4, v3  }
0x1cc: {  	s16 =	sadd.s32 $0x10, s16;
	s18 =	sor.u32 s19, s18  }
0x1cd: {  	v4 =	vld [tilespmem:s18+$0xC200];
	[tilespmem:s14+$0x4200] =	vst v3  }
0x1ce: {  	v3 =	vld [tilespmem:s18+$0x4200];
	_ =	sdelay $0x4  }
0x1cf: {  	s19 =	simm.s32 $0x0;
	v3 =	vadd.f32 v4, v3  }
0x1d0: {  	s16 =	sand.u32 $0x70, s19;
	s14 =	sand.u32 $0x1C00, s19  }
0x1d1: {  	s14 =	sor.u32 s14, s16;
	[tilespmem:s18+$0x4200] =	vst v3  }
0x1d2: {  	v3 =	vld [tilespmem:s14+$0xC280]  }
0x1d3: {  	v4 =	vld [tilespmem:s14+$0x4280];
	_ =	sdelay $0x3  }
0x1d4: {  	s20 =	simm.s32 $0x10;
	s17 =	simm.s32 $0x80  }
0x1d5: {  	s21 =	sand.u32 $0x1C00, s17;
	s16 =	sand.u32 $0x70, s20;
	v3 =	vadd.f32 v3, v4  }
0x1d6: {  	s19 =	simm.s32 $0x20;
	s20 =	sor.u32 s21, s16;
	s18 =	smov.u32 s14  }
.LBB2_44:
0x1d7: {  	p0 =	sne.s32 s19, $0x3F0;
	v4 =	vld [tilespmem:s20+$0xC280];
	[tilespmem:s18+$0x4280] =	vst v3;
	s18 =	smov.u32 s20  }
0x1d8: {  	v3 =	vld [tilespmem:s18+$0x4280];
	_ =	sdelay $0x1  }
.Ltmp21:
0x1d9: {  	(pc) =	sbr.rel @p0 .LBB2_44-.Ltmp21, $4  }
0x1da: {  	_ = 	snop  }
0x1db: {  	s17 =	sadd.s32 $0x80, s17  }
0x1dc: {  	s20 =	sand.u32 $0x70, s19;
	s21 =	sand.u32 $0x1C00, s17;
	v3 =	vadd.f32 v4, v3  }
0x1dd: {  	s19 =	sadd.s32 $0x10, s19;
	s20 =	sor.u32 s21, s20  }
0x1de: {  	v4 =	vld [tilespmem:s20+$0xC280];
	[tilespmem:s18+$0x4280] =	vst v3  }
0x1df: {  	v3 =	vld [tilespmem:s20+$0x4280];
	_ =	sdelay $0x4  }
0x1e0: {  	v3 =	vadd.f32 v4, v3;
	_ =	sdelay $0x1  }
0x1e1: {  	[tilespmem:s20+$0x4280] =	vst v3  }
0x1e2: {  	v3 =	vld [tilespmem:s14+$0xC300]  }
0x1e3: {  	v4 =	vld [tilespmem:s14+$0x4300];
	_ =	sdelay $0x3  }
0x1e4: {  	s17 =	simm.s32 $0x80  }
0x1e5: {  	s21 =	sand.u32 $0x1C00, s17;
	v3 =	vadd.f32 v3, v4  }
0x1e6: {  	s18 =	sor.u32 s21, s16;
	s16 =	simm.s32 $0x20  }
.LBB2_46:
0x1e7: {  	p0 =	sne.s32 s16, $0x3F0;
	v4 =	vld [tilespmem:s18+$0xC300];
	[tilespmem:s14+$0x4300] =	vst v3;
	s14 =	smov.u32 s18  }
0x1e8: {  	v3 =	vld [tilespmem:s14+$0x4300];
	_ =	sdelay $0x1  }
.Ltmp22:
0x1e9: {  	(pc) =	sbr.rel @p0 .LBB2_46-.Ltmp22, $4  }
0x1ea: {  	_ = 	snop  }
0x1eb: {  	s17 =	sadd.s32 $0x80, s17  }
0x1ec: {  	s18 =	sand.u32 $0x70, s16;
	s19 =	sand.u32 $0x1C00, s17;
	v3 =	vadd.f32 v4, v3  }
0x1ed: {  	s16 =	sadd.s32 $0x10, s16;
	s18 =	sor.u32 s19, s18  }
0x1ee: {  	v4 =	vld [tilespmem:s18+$0xC300];
	[tilespmem:s14+$0x4300] =	vst v3  }
0x1ef: {  	v3 =	vld [tilespmem:s18+$0x4300];
	_ =	sdelay $0x4  }
0x1f0: {  	s14 =	simm.s32 $0x0;
	v3 =	vadd.f32 v4, v3  }
0x1f1: {  	s16 =	sor.u32 s14, s14  }
0x1f2: {  	s17 =	sor.u32 $0x4380, s16;
	[tilespmem:s18+$0x4300] =	vst v3  }
0x1f3: {  	v3 =	vld [tilespmem:s17+$0x8000]  }
0x1f4: {  	v4 =	vld [tilespmem:s17+$0x0];
	_ =	sdelay $0x3  }
0x1f5: {  	s16 =	simm.s32 $0x10;
	s18 =	simm.s32 $0x80  }
0x1f6: {  	s19 =	sor.u32 s18, s16;
	v3 =	vadd.f32 v3, v4  }
0x1f7: {  	s20 =	sor.u32 $0x4380, s19;
	s19 =	simm.s32 $0x20  }
.LBB2_48:
0x1f8: {  	p0 =	sne.s32 s19, $0x3F0;
	v4 =	vld [tilespmem:s20+$0x8000];
	[tilespmem:s17+$0x0] =	vst v3;
	s17 =	smov.u32 s20  }
0x1f9: {  	v3 =	vld [tilespmem:s17+$0x0];
	_ =	sdelay $0x1  }
.Ltmp23:
0x1fa: {  	(pc) =	sbr.rel @p0 .LBB2_48-.Ltmp23, $4  }
0x1fb: {  	_ = 	snop  }
0x1fc: {  	s18 =	sadd.s32 $0x80, s18  }
0x1fd: {  	s20 =	sor.u32 s18, s19;
	v3 =	vadd.f32 v4, v3  }
0x1fe: {  	s19 =	sadd.s32 $0x10, s19;
	s20 =	sor.u32 $0x4380, s20  }
0x1ff: {  	v4 =	vld [tilespmem:s20+$0x8000];
	[tilespmem:s17+$0x0] =	vst v3  }
0x200: {  	v3 =	vld [tilespmem:s20+$0x0];
	_ =	sdelay $0x4  }
0x201: {  	v3 =	vadd.f32 v4, v3  }
0x202: {  	s19 =	sand.u32 $0x70, s14;
	s21 =	sand.u32 $0x1C00, s14  }
0x203: {  	s14 =	sor.u32 s21, s19;
	[tilespmem:s20+$0x0] =	vst v3  }
0x204: {  	v3 =	vld [tilespmem:s14+$0xE000]  }
0x205: {  	v4 =	vld [tilespmem:s14+$0x6000];
	_ =	sdelay $0x3  }
0x206: {  	s17 =	simm.s32 $0x80  }
0x207: {  	s16 =	sand.u32 $0x70, s16;
	s18 =	sand.u32 $0x1C00, s17;
	v3 =	vadd.f32 v3, v4  }
0x208: {  	s18 =	sor.u32 s18, s16;
	s16 =	simm.s32 $0x20  }
.LBB2_50:
0x209: {  	p0 =	sne.s32 s16, $0x3F0;
	v4 =	vld [tilespmem:s18+$0xE000];
	[tilespmem:s14+$0x6000] =	vst v3;
	s14 =	smov.u32 s18  }
0x20a: {  	v3 =	vld [tilespmem:s14+$0x6000];
	_ =	sdelay $0x1  }
.Ltmp24:
0x20b: {  	(pc) =	sbr.rel @p0 .LBB2_50-.Ltmp24, $4  }
0x20c: {  	_ = 	snop  }
0x20d: {  	s17 =	sadd.s32 $0x80, s17  }
0x20e: {  	s18 =	sand.u32 $0x70, s16;
	s19 =	sand.u32 $0x1C00, s17;
	v3 =	vadd.f32 v4, v3  }
0x20f: {  	s16 =	sadd.s32 $0x10, s16;
	s18 =	sor.u32 s19, s18  }
0x210: {  	v4 =	vld [tilespmem:s18+$0xE000];
	[tilespmem:s14+$0x6000] =	vst v3  }
0x211: {  	v3 =	vld [tilespmem:s18+$0x6000];
	_ =	sdelay $0x4  }
0x212: {  	s19 =	simm.s32 $0x0;
	v3 =	vadd.f32 v4, v3  }
0x213: {  	s16 =	sand.u32 $0x70, s19;
	s14 =	sand.u32 $0x1C00, s19  }
0x214: {  	s14 =	sor.u32 s14, s16;
	[tilespmem:s18+$0x6000] =	vst v3  }
0x215: {  	v3 =	vld [tilespmem:s14+$0xE080]  }
0x216: {  	v4 =	vld [tilespmem:s14+$0x6080];
	_ =	sdelay $0x3  }
0x217: {  	s20 =	simm.s32 $0x10;
	s17 =	simm.s32 $0x80  }
0x218: {  	s21 =	sand.u32 $0x1C00, s17;
	s16 =	sand.u32 $0x70, s20;
	v3 =	vadd.f32 v3, v4  }
0x219: {  	s19 =	simm.s32 $0x20;
	s20 =	sor.u32 s21, s16;
	s18 =	smov.u32 s14  }
.LBB2_52:
0x21a: {  	p0 =	sne.s32 s19, $0x3F0;
	v4 =	vld [tilespmem:s20+$0xE080];
	[tilespmem:s18+$0x6080] =	vst v3;
	s18 =	smov.u32 s20  }
0x21b: {  	v3 =	vld [tilespmem:s18+$0x6080];
	_ =	sdelay $0x1  }
.Ltmp25:
0x21c: {  	(pc) =	sbr.rel @p0 .LBB2_52-.Ltmp25, $4  }
0x21d: {  	_ = 	snop  }
0x21e: {  	s17 =	sadd.s32 $0x80, s17  }
0x21f: {  	s20 =	sand.u32 $0x70, s19;
	s21 =	sand.u32 $0x1C00, s17;
	v3 =	vadd.f32 v4, v3  }
0x220: {  	s19 =	sadd.s32 $0x10, s19;
	s20 =	sor.u32 s21, s20  }
0x221: {  	v4 =	vld [tilespmem:s20+$0xE080];
	[tilespmem:s18+$0x6080] =	vst v3  }
0x222: {  	v3 =	vld [tilespmem:s20+$0x6080];
	_ =	sdelay $0x4  }
0x223: {  	v3 =	vadd.f32 v4, v3;
	_ =	sdelay $0x1  }
0x224: {  	[tilespmem:s20+$0x6080] =	vst v3  }
0x225: {  	v3 =	vld [tilespmem:s14+$0xE100]  }
0x226: {  	v4 =	vld [tilespmem:s14+$0x6100];
	_ =	sdelay $0x3  }
0x227: {  	s17 =	simm.s32 $0x80  }
0x228: {  	s21 =	sand.u32 $0x1C00, s17;
	v3 =	vadd.f32 v3, v4  }
0x229: {  	s18 =	sor.u32 s21, s16;
	s16 =	simm.s32 $0x20  }
.LBB2_54:
0x22a: {  	p0 =	sne.s32 s16, $0x3F0;
	v4 =	vld [tilespmem:s18+$0xE100];
	[tilespmem:s14+$0x6100] =	vst v3;
	s14 =	smov.u32 s18  }
0x22b: {  	v3 =	vld [tilespmem:s14+$0x6100];
	_ =	sdelay $0x1  }
.Ltmp26:
0x22c: {  	(pc) =	sbr.rel @p0 .LBB2_54-.Ltmp26, $4  }
0x22d: {  	_ = 	snop  }
0x22e: {  	s17 =	sadd.s32 $0x80, s17  }
0x22f: {  	s18 =	sand.u32 $0x70, s16;
	s19 =	sand.u32 $0x1C00, s17;
	v3 =	vadd.f32 v4, v3  }
0x230: {  	s16 =	sadd.s32 $0x10, s16;
	s18 =	sor.u32 s19, s18  }
0x231: {  	v4 =	vld [tilespmem:s18+$0xE100];
	[tilespmem:s14+$0x6100] =	vst v3  }
0x232: {  	v3 =	vld [tilespmem:s18+$0x6100];
	_ =	sdelay $0x4  }
0x233: {  	s19 =	simm.s32 $0x0;
	v3 =	vadd.f32 v4, v3  }
0x234: {  	s16 =	sand.u32 $0x70, s19;
	s14 =	sand.u32 $0x1C00, s19  }
0x235: {  	s14 =	sor.u32 s14, s16;
	[tilespmem:s18+$0x6100] =	vst v3  }
0x236: {  	v3 =	vld [tilespmem:s14+$0xE180]  }
0x237: {  	v4 =	vld [tilespmem:s14+$0x6180];
	_ =	sdelay $0x3  }
0x238: {  	s20 =	simm.s32 $0x10;
	s17 =	simm.s32 $0x80  }
0x239: {  	s21 =	sand.u32 $0x1C00, s17;
	s16 =	sand.u32 $0x70, s20;
	v3 =	vadd.f32 v3, v4  }
0x23a: {  	s19 =	simm.s32 $0x20;
	s20 =	sor.u32 s21, s16;
	s18 =	smov.u32 s14  }
.LBB2_56:
0x23b: {  	p0 =	sne.s32 s19, $0x3F0;
	v4 =	vld [tilespmem:s20+$0xE180];
	[tilespmem:s18+$0x6180] =	vst v3;
	s18 =	smov.u32 s20  }
0x23c: {  	v3 =	vld [tilespmem:s18+$0x6180];
	_ =	sdelay $0x1  }
.Ltmp27:
0x23d: {  	(pc) =	sbr.rel @p0 .LBB2_56-.Ltmp27, $4  }
0x23e: {  	_ = 	snop  }
0x23f: {  	s17 =	sadd.s32 $0x80, s17  }
0x240: {  	s20 =	sand.u32 $0x70, s19;
	s21 =	sand.u32 $0x1C00, s17;
	v3 =	vadd.f32 v4, v3  }
0x241: {  	s19 =	sadd.s32 $0x10, s19;
	s20 =	sor.u32 s21, s20  }
0x242: {  	v4 =	vld [tilespmem:s20+$0xE180];
	[tilespmem:s18+$0x6180] =	vst v3  }
0x243: {  	v3 =	vld [tilespmem:s20+$0x6180];
	_ =	sdelay $0x4  }
0x244: {  	v3 =	vadd.f32 v4, v3;
	_ =	sdelay $0x1  }
0x245: {  	[tilespmem:s20+$0x6180] =	vst v3  }
0x246: {  	v3 =	vld [tilespmem:s14+$0xE200]  }
0x247: {  	v4 =	vld [tilespmem:s14+$0x6200];
	_ =	sdelay $0x3  }
0x248: {  	s17 =	simm.s32 $0x80  }
0x249: {  	s21 =	sand.u32 $0x1C00, s17;
	v3 =	vadd.f32 v3, v4  }
0x24a: {  	s18 =	sor.u32 s21, s16;
	s16 =	simm.s32 $0x20  }
.LBB2_58:
0x24b: {  	p0 =	sne.s32 s16, $0x3F0;
	v4 =	vld [tilespmem:s18+$0xE200];
	[tilespmem:s14+$0x6200] =	vst v3;
	s14 =	smov.u32 s18  }
0x24c: {  	v3 =	vld [tilespmem:s14+$0x6200];
	_ =	sdelay $0x1  }
.Ltmp28:
0x24d: {  	(pc) =	sbr.rel @p0 .LBB2_58-.Ltmp28, $4  }
0x24e: {  	_ = 	snop  }
0x24f: {  	s17 =	sadd.s32 $0x80, s17  }
0x250: {  	s18 =	sand.u32 $0x70, s16;
	s19 =	sand.u32 $0x1C00, s17;
	v3 =	vadd.f32 v4, v3  }
0x251: {  	s16 =	sadd.s32 $0x10, s16;
	s18 =	sor.u32 s19, s18  }
0x252: {  	v4 =	vld [tilespmem:s18+$0xE200];
	[tilespmem:s14+$0x6200] =	vst v3  }
0x253: {  	v3 =	vld [tilespmem:s18+$0x6200];
	_ =	sdelay $0x4  }
0x254: {  	s19 =	simm.s32 $0x0;
	v3 =	vadd.f32 v4, v3  }
0x255: {  	s16 =	sand.u32 $0x70, s19;
	s14 =	sand.u32 $0x1C00, s19  }
0x256: {  	s14 =	sor.u32 s14, s16;
	[tilespmem:s18+$0x6200] =	vst v3  }
0x257: {  	v3 =	vld [tilespmem:s14+$0xE280]  }
0x258: {  	v4 =	vld [tilespmem:s14+$0x6280];
	_ =	sdelay $0x3  }
0x259: {  	s20 =	simm.s32 $0x10;
	s17 =	simm.s32 $0x80  }
0x25a: {  	s21 =	sand.u32 $0x1C00, s17;
	s16 =	sand.u32 $0x70, s20;
	v3 =	vadd.f32 v3, v4  }
0x25b: {  	s19 =	simm.s32 $0x20;
	s20 =	sor.u32 s21, s16;
	s18 =	smov.u32 s14  }
.LBB2_60:
0x25c: {  	p0 =	sne.s32 s19, $0x3F0;
	v4 =	vld [tilespmem:s20+$0xE280];
	[tilespmem:s18+$0x6280] =	vst v3;
	s18 =	smov.u32 s20  }
0x25d: {  	v3 =	vld [tilespmem:s18+$0x6280];
	_ =	sdelay $0x1  }
.Ltmp29:
0x25e: {  	(pc) =	sbr.rel @p0 .LBB2_60-.Ltmp29, $4  }
0x25f: {  	_ = 	snop  }
0x260: {  	s17 =	sadd.s32 $0x80, s17  }
0x261: {  	s20 =	sand.u32 $0x70, s19;
	s21 =	sand.u32 $0x1C00, s17;
	v3 =	vadd.f32 v4, v3  }
0x262: {  	s19 =	sadd.s32 $0x10, s19;
	s20 =	sor.u32 s21, s20  }
0x263: {  	v4 =	vld [tilespmem:s20+$0xE280];
	[tilespmem:s18+$0x6280] =	vst v3  }
0x264: {  	v3 =	vld [tilespmem:s20+$0x6280];
	_ =	sdelay $0x4  }
0x265: {  	v3 =	vadd.f32 v4, v3;
	_ =	sdelay $0x1  }
0x266: {  	[tilespmem:s20+$0x6280] =	vst v3  }
0x267: {  	v3 =	vld [tilespmem:s14+$0xE300]  }
0x268: {  	v4 =	vld [tilespmem:s14+$0x6300];
	_ =	sdelay $0x3  }
0x269: {  	s17 =	simm.s32 $0x80  }
0x26a: {  	s21 =	sand.u32 $0x1C00, s17;
	v3 =	vadd.f32 v3, v4  }
0x26b: {  	s18 =	sor.u32 s21, s16;
	s16 =	simm.s32 $0x20  }
.LBB2_62:
0x26c: {  	p0 =	sne.s32 s16, $0x3F0;
	v4 =	vld [tilespmem:s18+$0xE300];
	[tilespmem:s14+$0x6300] =	vst v3;
	s14 =	smov.u32 s18  }
0x26d: {  	v3 =	vld [tilespmem:s14+$0x6300];
	_ =	sdelay $0x1  }
.Ltmp30:
0x26e: {  	(pc) =	sbr.rel @p0 .LBB2_62-.Ltmp30, $4  }
0x26f: {  	_ = 	snop  }
0x270: {  	s17 =	sadd.s32 $0x80, s17  }
0x271: {  	s18 =	sand.u32 $0x70, s16;
	s19 =	sand.u32 $0x1C00, s17;
	v3 =	vadd.f32 v4, v3  }
0x272: {  	s16 =	sadd.s32 $0x10, s16;
	s18 =	sor.u32 s19, s18  }
0x273: {  	v4 =	vld [tilespmem:s18+$0xE300];
	[tilespmem:s14+$0x6300] =	vst v3  }
0x274: {  	v3 =	vld [tilespmem:s18+$0x6300];
	_ =	sdelay $0x4  }
0x275: {  	s21 =	simm.s32 $0x0;
	v3 =	vadd.f32 v4, v3  }
0x276: {  	s14 =	sor.u32 s21, s21  }
0x277: {  	s14 =	sor.u32 $0x6380, s14;
	[tilespmem:s18+$0x6300] =	vst v3  }
0x278: {  	v3 =	vld [tilespmem:s14+$0x8000]  }
0x279: {  	v4 =	vld [tilespmem:s14+$0x0];
	_ =	sdelay $0x3  }
0x27a: {  	s17 =	simm.s32 $0x10;
	s16 =	simm.s32 $0x80  }
0x27b: {  	s17 =	sor.u32 s16, s17;
	v3 =	vadd.f32 v3, v4  }
0x27c: {  	s18 =	sor.u32 $0x6380, s17;
	s17 =	simm.s32 $0x20  }
.LBB2_64:
0x27d: {  	p0 =	sne.s32 s17, $0x3F0;
	v4 =	vld [tilespmem:s18+$0x8000];
	[tilespmem:s14+$0x0] =	vst v3;
	s14 =	smov.u32 s18  }
0x27e: {  	v3 =	vld [tilespmem:s14+$0x0];
	_ =	sdelay $0x1  }
.Ltmp31:
0x27f: {  	(pc) =	sbr.rel @p0 .LBB2_64-.Ltmp31, $4  }
0x280: {  	_ = 	snop  }
0x281: {  	s16 =	sadd.s32 $0x80, s16  }
0x282: {  	s18 =	sor.u32 s16, s17;
	v3 =	vadd.f32 v4, v3  }
0x283: {  	s17 =	sadd.s32 $0x10, s17;
	s18 =	sor.u32 $0x6380, s18  }
0x284: {  	v4 =	vld [tilespmem:s18+$0x8000];
	[tilespmem:s14+$0x0] =	vst v3  }
0x285: {  	v3 =	vld [tilespmem:s18+$0x0];
	_ =	sdelay $0x4  }
0x286: {  	v3 =	vadd.f32 v4, v3;
	_ =	sdelay $0x1  }
0x287: {  	s14 =	simm.s32 $0x0;
	[tilespmem:s18+$0x0] =	vst v3  }
0x288: {  	[hbm4b:s9+s14] =	stream.linear.scatter [tilespmem:s14], [sflag:$0x3], $0x8000, $0x38;
	[tilespmem:$0x10100] =	vst v63  }
0x289: {  	_ =	swait.ge [sflag:s15], $0x8000  }
0x28a: {  	[sflag:s15] =	ssyncset.done $0x0  }
0x28b: {  	[sflag:s15] =	ssyncadd.s32 $0xFFFF8000  }
0x28c: {  	[tilespmem:s22], [sflag:$0x3] =	stream.linear.gather [hbm4b:s10+s14], $0x20, $0x38;
	[tilespmem:$0x10100] =	vst v63  }
0x28d: {  	_ =	swait.ge [sflag:s15], $0x20  }
0x28e: {  	[sflag:s15] =	ssyncset.done $0x0  }
0x28f: {  	s16 =	simm.s32 $0x10080;
	[sflag:s15] =	ssyncadd.s32 $0xFFFFFFE0  }
0x290: {  	[tilespmem:s16], [sflag:$0x3] =	stream.linear.gather [hbm4b:s11+s14], $0x20, $0x38;
	[tilespmem:$0x10100] =	vst v63  }
0x291: {  	_ =	swait.ge [sflag:s15], $0x20  }
0x292: {  	[sflag:s15] =	ssyncset.done $0x0  }
0x293: {  	[sflag:s15] =	ssyncadd.s32 $0xFFFFFFE0  }
0x294: {  	v3 =	vld [tilespmem:$0x10000];
	_ =	sdelay $0x4  }
0x295: {  	v4 =	vshll.u32 v3, $0x3  }
0x296: {  	v3 =	vand.u32 $0x7, v3;
	v4 =	vand.u32 $0xFFFFFFC0, v4  }
0x297: {  	v3 =	vor.u32 v3, v4  }
0x298: {  	v4 =	vperm.xlane v3, v0;
	_ =	sdelay $0x1  }
0x299: {  	v4 =	vadd.s32 v1, v4;
	_ =	sdelay $0x4  }
0x29a: {  	[tilespmem:s14], [sflag:$0x1] =	stream.indirect_vreg.gather [hbm4b:s3+s14], $0x80, v4, vm0, $0xb8;
	[tilespmem:$0x10100] =	vst v63  }
0x29b: {  	s17 =	simm.s32 $0x800;
	v3 =	vperm.xlane v3, v2  }
0x29c: {  	[tilespmem:s17], [sflag:$0x1] =	stream.indirect_vreg.gather [hbm4b:s6+s14], $0x80, v4, vm0, $0xb8;
	[tilespmem:$0x10100] =	vst v63  }
0x29d: {  	s18 =	simm.s32 $0x1000;
	v3 =	vadd.s32 v1, v3  }
0x29e: {  	[tilespmem:s18], [sflag:$0x1] =	stream.indirect_vreg.gather [hbm4b:s7+s14], $0x80, v4, vm0, $0xb8;
	[tilespmem:$0x10100] =	vst v63  }
0x29f: {  	s19 =	simm.s32 $0x1800  }
0x2a0: {  	[tilespmem:s19], [sflag:$0x1] =	stream.indirect_vreg.gather [hbm4b:s8+s14], $0x80, v4, vm0, $0xb8;
	[tilespmem:$0x10100] =	vst v63  }
0x2a1: {  	s20 =	simm.s32 $0x2000  }
0x2a2: {  	[tilespmem:s20], [sflag:$0x1] =	stream.indirect_vreg.gather [hbm4b:s3+s14], $0x80, v3, vm0, $0xb8;
	[tilespmem:$0x10100] =	vst v63  }
0x2a3: {  	s21 =	simm.s32 $0x2800  }
0x2a4: {  	[tilespmem:s21], [sflag:$0x1] =	stream.indirect_vreg.gather [hbm4b:s6+s14], $0x80, v3, vm0, $0xb8;
	[tilespmem:$0x10100] =	vst v63  }
0x2a5: {  	s22 =	simm.s32 $0x3000  }
0x2a6: {  	[tilespmem:s22], [sflag:$0x1] =	stream.indirect_vreg.gather [hbm4b:s7+s14], $0x80, v3, vm0, $0xb8;
	[tilespmem:$0x10100] =	vst v63  }
0x2a7: {  	s17 =	simm.s32 $0x3800  }
0x2a8: {  	[tilespmem:s17], [sflag:$0x1] =	stream.indirect_vreg.gather [hbm4b:s8+s14], $0x80, v3, vm0, $0xb8;
	[tilespmem:$0x10100] =	vst v63  }
0x2a9: {  	v3 =	vld [tilespmem:$0x10010];
	_ =	sdelay $0x4  }
0x2aa: {  	v4 =	vshll.u32 v3, $0x3  }
0x2ab: {  	v3 =	vand.u32 $0x7, v3;
	v4 =	vand.u32 $0xFFFFFFC0, v4  }
0x2ac: {  	v3 =	vor.u32 v3, v4  }
0x2ad: {  	v4 =	vperm.xlane v3, v0;
	_ =	sdelay $0x1  }
0x2ae: {  	v4 =	vadd.s32 v1, v4;
	_ =	sdelay $0x3  }
0x2af: {  	s18 =	simm.s32 $0x4000  }
0x2b0: {  	[tilespmem:s18], [sflag:$0x1] =	stream.indirect_vreg.gather [hbm4b:s3+s14], $0x80, v4, vm0, $0xb8;
	[tilespmem:$0x10100] =	vst v63  }
0x2b1: {  	s19 =	simm.s32 $0x4800;
	v3 =	vperm.xlane v3, v2  }
0x2b2: {  	[tilespmem:s19], [sflag:$0x1] =	stream.indirect_vreg.gather [hbm4b:s6+s14], $0x80, v4, vm0, $0xb8;
	[tilespmem:$0x10100] =	vst v63  }
0x2b3: {  	s20 =	simm.s32 $0x5000;
	v3 =	vadd.s32 v1, v3  }
0x2b4: {  	[tilespmem:s20], [sflag:$0x1] =	stream.indirect_vreg.gather [hbm4b:s7+s14], $0x80, v4, vm0, $0xb8;
	[tilespmem:$0x10100] =	vst v63  }
0x2b5: {  	s21 =	simm.s32 $0x5800  }
0x2b6: {  	[tilespmem:s21], [sflag:$0x1] =	stream.indirect_vreg.gather [hbm4b:s8+s14], $0x80, v4, vm0, $0xb8;
	[tilespmem:$0x10100] =	vst v63  }
0x2b7: {  	s22 =	simm.s32 $0x6000  }
0x2b8: {  	[tilespmem:s22], [sflag:$0x1] =	stream.indirect_vreg.gather [hbm4b:s3+s14], $0x80, v3, vm0, $0xb8;
	[tilespmem:$0x10100] =	vst v63  }
0x2b9: {  	s17 =	simm.s32 $0x6800  }
0x2ba: {  	[tilespmem:s17], [sflag:$0x1] =	stream.indirect_vreg.gather [hbm4b:s6+s14], $0x80, v3, vm0, $0xb8;
	[tilespmem:$0x10100] =	vst v63  }
0x2bb: {  	s18 =	simm.s32 $0x7000  }
0x2bc: {  	[tilespmem:s18], [sflag:$0x1] =	stream.indirect_vreg.gather [hbm4b:s7+s14], $0x80, v3, vm0, $0xb8;
	[tilespmem:$0x10100] =	vst v63  }
0x2bd: {  	s19 =	simm.s32 $0x7800  }
0x2be: {  	[tilespmem:s19], [sflag:$0x1] =	stream.indirect_vreg.gather [hbm4b:s8+s14], $0x80, v3, vm0, $0xb8;
	[tilespmem:$0x10100] =	vst v63  }
0x2bf: {  	v3 =	vld [tilespmem:$0x10080];
	_ =	sdelay $0x4  }
0x2c0: {  	v4 =	vshll.u32 v3, $0x3  }
0x2c1: {  	v3 =	vand.u32 $0x7, v3;
	v4 =	vand.u32 $0xFFFFFFC0, v4  }
0x2c2: {  	v3 =	vor.u32 v3, v4  }
0x2c3: {  	v4 =	vperm.xlane v3, v0;
	_ =	sdelay $0x1  }
0x2c4: {  	v4 =	vadd.s32 v1, v4;
	_ =	sdelay $0x3  }
0x2c5: {  	s20 =	simm.s32 $0x8000  }
0x2c6: {  	[tilespmem:s20], [sflag:$0x2] =	stream.indirect_vreg.gather [hbm4b:s3+s14], $0x80, v4, vm0, $0xb8;
	[tilespmem:$0x10100] =	vst v63  }
0x2c7: {  	s21 =	simm.s32 $0x8800;
	v3 =	vperm.xlane v3, v2  }
0x2c8: {  	[tilespmem:s21], [sflag:$0x2] =	stream.indirect_vreg.gather [hbm4b:s6+s14], $0x80, v4, vm0, $0xb8;
	[tilespmem:$0x10100] =	vst v63  }
0x2c9: {  	s22 =	simm.s32 $0x9000;
	v3 =	vadd.s32 v1, v3  }
0x2ca: {  	[tilespmem:s22], [sflag:$0x2] =	stream.indirect_vreg.gather [hbm4b:s7+s14], $0x80, v4, vm0, $0xb8;
	[tilespmem:$0x10100] =	vst v63  }
0x2cb: {  	s17 =	simm.s32 $0x9800  }
0x2cc: {  	[tilespmem:s17], [sflag:$0x2] =	stream.indirect_vreg.gather [hbm4b:s8+s14], $0x80, v4, vm0, $0xb8;
	[tilespmem:$0x10100] =	vst v63  }
0x2cd: {  	s18 =	simm.s32 $0xA000  }
0x2ce: {  	[tilespmem:s18], [sflag:$0x2] =	stream.indirect_vreg.gather [hbm4b:s3+s14], $0x80, v3, vm0, $0xb8;
	[tilespmem:$0x10100] =	vst v63  }
0x2cf: {  	s19 =	simm.s32 $0xA800  }
0x2d0: {  	[tilespmem:s19], [sflag:$0x2] =	stream.indirect_vreg.gather [hbm4b:s6+s14], $0x80, v3, vm0, $0xb8;
	[tilespmem:$0x10100] =	vst v63  }
0x2d1: {  	s20 =	simm.s32 $0xB000  }
0x2d2: {  	[tilespmem:s20], [sflag:$0x2] =	stream.indirect_vreg.gather [hbm4b:s7+s14], $0x80, v3, vm0, $0xb8;
	[tilespmem:$0x10100] =	vst v63  }
0x2d3: {  	s21 =	simm.s32 $0xB800  }
0x2d4: {  	[tilespmem:s21], [sflag:$0x2] =	stream.indirect_vreg.gather [hbm4b:s8+s14], $0x80, v3, vm0, $0xb8;
	[tilespmem:$0x10100] =	vst v63  }
0x2d5: {  	v3 =	vld [tilespmem:$0x10090];
	_ =	sdelay $0x4  }
0x2d6: {  	v4 =	vshll.u32 v3, $0x3  }
0x2d7: {  	v3 =	vand.u32 $0x7, v3;
	v4 =	vand.u32 $0xFFFFFFC0, v4  }
0x2d8: {  	v3 =	vor.u32 v3, v4  }
0x2d9: {  	v4 =	vperm.xlane v3, v0;
	_ =	sdelay $0x1  }
0x2da: {  	v4 =	vadd.s32 v1, v4;
	_ =	sdelay $0x3  }
0x2db: {  	s22 =	simm.s32 $0xC000  }
0x2dc: {  	[tilespmem:s22], [sflag:$0x2] =	stream.indirect_vreg.gather [hbm4b:s3+s14], $0x80, v4, vm0, $0xb8;
	[tilespmem:$0x10100] =	vst v63  }
0x2dd: {  	v3 =	vperm.xlane v3, v2  }
0x2de: {  	[tilespmem:s23], [sflag:$0x2] =	stream.indirect_vreg.gather [hbm4b:s6+s14], $0x80, v4, vm0, $0xb8;
	[tilespmem:$0x10100] =	vst v63  }
0x2df: {  	v3 =	vadd.s32 v1, v3  }
0x2e0: {  	[tilespmem:s24], [sflag:$0x2] =	stream.indirect_vreg.gather [hbm4b:s7+s14], $0x80, v4, vm0, $0xb8;
	[tilespmem:$0x10100] =	vst v63  }
0x2e1: {  	_ = 	snop  }
0x2e2: {  	[tilespmem:s25], [sflag:$0x2] =	stream.indirect_vreg.gather [hbm4b:s8+s14], $0x80, v4, vm0, $0xb8;
	[tilespmem:$0x10100] =	vst v63  }
0x2e3: {  	_ = 	snop  }
0x2e4: {  	[tilespmem:s26], [sflag:$0x2] =	stream.indirect_vreg.gather [hbm4b:s3+s14], $0x80, v3, vm0, $0xb8;
	[tilespmem:$0x10100] =	vst v63  }
0x2e5: {  	_ = 	snop  }
0x2e6: {  	[tilespmem:s28], [sflag:$0x2] =	stream.indirect_vreg.gather [hbm4b:s6+s14], $0x80, v3, vm0, $0xb8;
	[tilespmem:$0x10100] =	vst v63  }
0x2e7: {  	_ = 	snop  }
0x2e8: {  	[tilespmem:s29], [sflag:$0x2] =	stream.indirect_vreg.gather [hbm4b:s7+s14], $0x80, v3, vm0, $0xb8;
	[tilespmem:$0x10100] =	vst v63  }
0x2e9: {  	_ = 	snop  }
0x2ea: {  	[tilespmem:s30], [sflag:$0x2] =	stream.indirect_vreg.gather [hbm4b:s8+s14], $0x80, v3, vm0, $0xb8;
	[tilespmem:$0x10100] =	vst v63  }
0x2eb: {  	_ =	swait.ge [sflag:s31], $0x8000  }
0x2ec: {  	[sflag:s31] =	ssyncset.done $0x0  }
0x2ed: {  	[sflag:s31] =	ssyncadd.s32 $0xFFFF8000  }
0x2ee: {  	_ =	swait.ge [sflag:s0], $0x8000  }
0x2ef: {  	s16 =	sand.u32 $0x70, s14;
	s14 =	sand.u32 $0x1C00, s14;
	[sflag:s0] =	ssyncset.done $0x0  }
0x2f0: {  	s18 =	sor.u32 s16, s14;
	[sflag:s0] =	ssyncadd.s32 $0xFFFF8000  }
0x2f1: {  	v3 =	vld [tilespmem:s18+$0x8000]  }
0x2f2: {  	v4 =	vld [tilespmem:s18+$0x0];
	_ =	sdelay $0x3  }
0x2f3: {  	s17 =	simm.s32 $0x10;
	s19 =	simm.s32 $0x80  }
0x2f4: {  	s17 =	sand.u32 $0x70, s17;
	s20 =	sand.u32 $0x1C00, s19;
	v3 =	vadd.f32 v3, v4  }
0x2f5: {  	s21 =	sor.u32 s17, s20;
	s20 =	simm.s32 $0x20  }
.LBB2_66:
0x2f6: {  	p0 =	sne.s32 s20, $0x3F0;
	v4 =	vld [tilespmem:s21+$0x8000];
	[tilespmem:s18+$0x0] =	vst v3;
	s18 =	smov.u32 s21  }
0x2f7: {  	v3 =	vld [tilespmem:s18+$0x0];
	_ =	sdelay $0x1  }
.Ltmp32:
0x2f8: {  	(pc) =	sbr.rel @p0 .LBB2_66-.Ltmp32, $4  }
0x2f9: {  	_ = 	snop  }
0x2fa: {  	s19 =	sadd.s32 $0x80, s19  }
0x2fb: {  	s21 =	sand.u32 $0x70, s20;
	s22 =	sand.u32 $0x1C00, s19;
	v3 =	vadd.f32 v4, v3  }
0x2fc: {  	s20 =	sadd.s32 $0x10, s20;
	s21 =	sor.u32 s21, s22  }
0x2fd: {  	v4 =	vld [tilespmem:s21+$0x8000];
	[tilespmem:s18+$0x0] =	vst v3  }
0x2fe: {  	v3 =	vld [tilespmem:s21+$0x0];
	_ =	sdelay $0x4  }
0x2ff: {  	v3 =	vadd.f32 v4, v3;
	_ =	sdelay $0x1  }
0x300: {  	s14 =	sor.u32 s14, s16;
	[tilespmem:s21+$0x0] =	vst v3  }
0x301: {  	v3 =	vld [tilespmem:s14+$0x8080]  }
0x302: {  	v4 =	vld [tilespmem:s14+$0x80];
	_ =	sdelay $0x3  }
0x303: {  	s16 =	simm.s32 $0x80  }
0x304: {  	s22 =	sand.u32 $0x1C00, s16;
	v3 =	vadd.f32 v3, v4  }
0x305: {  	s18 =	sor.u32 s22, s17;
	s17 =	simm.s32 $0x20  }
.LBB2_68:
0x306: {  	p0 =	sne.s32 s17, $0x3F0;
	v4 =	vld [tilespmem:s18+$0x8080];
	[tilespmem:s14+$0x80] =	vst v3;
	s14 =	smov.u32 s18  }
0x307: {  	v3 =	vld [tilespmem:s14+$0x80];
	_ =	sdelay $0x1  }
.Ltmp33:
0x308: {  	(pc) =	sbr.rel @p0 .LBB2_68-.Ltmp33, $4  }
0x309: {  	_ = 	snop  }
0x30a: {  	s16 =	sadd.s32 $0x80, s16  }
0x30b: {  	s18 =	sand.u32 $0x70, s17;
	s19 =	sand.u32 $0x1C00, s16;
	v3 =	vadd.f32 v4, v3  }
0x30c: {  	s17 =	sadd.s32 $0x10, s17;
	s18 =	sor.u32 s19, s18  }
0x30d: {  	v4 =	vld [tilespmem:s18+$0x8080];
	[tilespmem:s14+$0x80] =	vst v3  }
0x30e: {  	v3 =	vld [tilespmem:s18+$0x80];
	_ =	sdelay $0x4  }
0x30f: {  	s20 =	simm.s32 $0x0;
	v3 =	vadd.f32 v4, v3  }
0x310: {  	s16 =	sand.u32 $0x70, s20;
	s14 =	sand.u32 $0x1C00, s20  }
0x311: {  	s14 =	sor.u32 s14, s16;
	[tilespmem:s18+$0x80] =	vst v3  }
0x312: {  	v3 =	vld [tilespmem:s14+$0x8100]  }
0x313: {  	v4 =	vld [tilespmem:s14+$0x100];
	_ =	sdelay $0x3  }
0x314: {  	s21 =	simm.s32 $0x10;
	s17 =	simm.s32 $0x80  }
0x315: {  	s22 =	sand.u32 $0x1C00, s17;
	s16 =	sand.u32 $0x70, s21;
	v3 =	vadd.f32 v3, v4  }
0x316: {  	s19 =	simm.s32 $0x20;
	s20 =	sor.u32 s22, s16;
	s18 =	smov.u32 s14  }
.LBB2_70:
0x317: {  	p0 =	sne.s32 s19, $0x3F0;
	v4 =	vld [tilespmem:s20+$0x8100];
	[tilespmem:s18+$0x100] =	vst v3;
	s18 =	smov.u32 s20  }
0x318: {  	v3 =	vld [tilespmem:s18+$0x100];
	_ =	sdelay $0x1  }
.Ltmp34:
0x319: {  	(pc) =	sbr.rel @p0 .LBB2_70-.Ltmp34, $4  }
0x31a: {  	_ = 	snop  }
0x31b: {  	s17 =	sadd.s32 $0x80, s17  }
0x31c: {  	s20 =	sand.u32 $0x70, s19;
	s21 =	sand.u32 $0x1C00, s17;
	v3 =	vadd.f32 v4, v3  }
0x31d: {  	s19 =	sadd.s32 $0x10, s19;
	s20 =	sor.u32 s21, s20  }
0x31e: {  	v4 =	vld [tilespmem:s20+$0x8100];
	[tilespmem:s18+$0x100] =	vst v3  }
0x31f: {  	v3 =	vld [tilespmem:s20+$0x100];
	_ =	sdelay $0x4  }
0x320: {  	v3 =	vadd.f32 v4, v3;
	_ =	sdelay $0x1  }
0x321: {  	[tilespmem:s20+$0x100] =	vst v3  }
0x322: {  	v3 =	vld [tilespmem:s14+$0x8180]  }
0x323: {  	v4 =	vld [tilespmem:s14+$0x180];
	_ =	sdelay $0x3  }
0x324: {  	s17 =	simm.s32 $0x80  }
0x325: {  	s22 =	sand.u32 $0x1C00, s17;
	v3 =	vadd.f32 v3, v4  }
0x326: {  	s18 =	sor.u32 s22, s16;
	s16 =	simm.s32 $0x20  }
.LBB2_72:
0x327: {  	p0 =	sne.s32 s16, $0x3F0;
	v4 =	vld [tilespmem:s18+$0x8180];
	[tilespmem:s14+$0x180] =	vst v3;
	s14 =	smov.u32 s18  }
0x328: {  	v3 =	vld [tilespmem:s14+$0x180];
	_ =	sdelay $0x1  }
.Ltmp35:
0x329: {  	(pc) =	sbr.rel @p0 .LBB2_72-.Ltmp35, $4  }
0x32a: {  	_ = 	snop  }
0x32b: {  	s17 =	sadd.s32 $0x80, s17  }
0x32c: {  	s18 =	sand.u32 $0x70, s16;
	s19 =	sand.u32 $0x1C00, s17;
	v3 =	vadd.f32 v4, v3  }
0x32d: {  	s16 =	sadd.s32 $0x10, s16;
	s18 =	sor.u32 s19, s18  }
0x32e: {  	v4 =	vld [tilespmem:s18+$0x8180];
	[tilespmem:s14+$0x180] =	vst v3  }
0x32f: {  	v3 =	vld [tilespmem:s18+$0x180];
	_ =	sdelay $0x4  }
0x330: {  	s20 =	simm.s32 $0x0;
	v3 =	vadd.f32 v4, v3  }
0x331: {  	s16 =	sand.u32 $0x70, s20;
	s14 =	sand.u32 $0x1C00, s20  }
0x332: {  	s14 =	sor.u32 s14, s16;
	[tilespmem:s18+$0x180] =	vst v3  }
0x333: {  	v3 =	vld [tilespmem:s14+$0x8200]  }
0x334: {  	v4 =	vld [tilespmem:s14+$0x200];
	_ =	sdelay $0x3  }
0x335: {  	s21 =	simm.s32 $0x10;
	s17 =	simm.s32 $0x80  }
0x336: {  	s19 =	simm.s32 $0x20;
	s22 =	sand.u32 $0x1C00, s17;
	s16 =	sand.u32 $0x70, s21;
	v3 =	vadd.f32 v3, v4  }
0x337: {  	s20 =	sor.u32 s22, s16;
	s22 =	simm.s32 $0x10000;
	s18 =	smov.u32 s14  }
.LBB2_74:
0x338: {  	p0 =	sne.s32 s19, $0x3F0;
	v4 =	vld [tilespmem:s20+$0x8200];
	[tilespmem:s18+$0x200] =	vst v3;
	s18 =	smov.u32 s20  }
0x339: {  	v3 =	vld [tilespmem:s18+$0x200];
	_ =	sdelay $0x1  }
.Ltmp36:
0x33a: {  	(pc) =	sbr.rel @p0 .LBB2_74-.Ltmp36, $4  }
0x33b: {  	_ = 	snop  }
0x33c: {  	s17 =	sadd.s32 $0x80, s17  }
0x33d: {  	s20 =	sand.u32 $0x70, s19;
	s21 =	sand.u32 $0x1C00, s17;
	v3 =	vadd.f32 v4, v3  }
0x33e: {  	s19 =	sadd.s32 $0x10, s19;
	s20 =	sor.u32 s21, s20  }
0x33f: {  	v4 =	vld [tilespmem:s20+$0x8200];
	[tilespmem:s18+$0x200] =	vst v3  }
0x340: {  	v3 =	vld [tilespmem:s20+$0x200];
	_ =	sdelay $0x4  }
0x341: {  	v3 =	vadd.f32 v4, v3;
	_ =	sdelay $0x1  }
0x342: {  	[tilespmem:s20+$0x200] =	vst v3  }
0x343: {  	v3 =	vld [tilespmem:s14+$0x8280]  }
0x344: {  	v4 =	vld [tilespmem:s14+$0x280];
	_ =	sdelay $0x3  }
0x345: {  	s17 =	simm.s32 $0x80  }
0x346: {  	s21 =	sand.u32 $0x1C00, s17;
	v3 =	vadd.f32 v3, v4  }
0x347: {  	s18 =	sor.u32 s21, s16;
	s16 =	simm.s32 $0x20  }
.LBB2_76:
0x348: {  	p0 =	sne.s32 s16, $0x3F0;
	v4 =	vld [tilespmem:s18+$0x8280];
	[tilespmem:s14+$0x280] =	vst v3;
	s14 =	smov.u32 s18  }
0x349: {  	v3 =	vld [tilespmem:s14+$0x280];
	_ =	sdelay $0x1  }
.Ltmp37:
0x34a: {  	(pc) =	sbr.rel @p0 .LBB2_76-.Ltmp37, $4  }
0x34b: {  	_ = 	snop  }
0x34c: {  	s17 =	sadd.s32 $0x80, s17  }
0x34d: {  	s18 =	sand.u32 $0x70, s16;
	s19 =	sand.u32 $0x1C00, s17;
	v3 =	vadd.f32 v4, v3  }
0x34e: {  	s16 =	sadd.s32 $0x10, s16;
	s18 =	sor.u32 s19, s18  }
0x34f: {  	v4 =	vld [tilespmem:s18+$0x8280];
	[tilespmem:s14+$0x280] =	vst v3  }
0x350: {  	v3 =	vld [tilespmem:s18+$0x280];
	_ =	sdelay $0x4  }
0x351: {  	s14 =	simm.s32 $0x0;
	v3 =	vadd.f32 v4, v3  }
0x352: {  	s16 =	sand.u32 $0x70, s14;
	s17 =	sand.u32 $0x1C00, s14  }
0x353: {  	s17 =	sor.u32 s17, s16;
	[tilespmem:s18+$0x280] =	vst v3  }
0x354: {  	v3 =	vld [tilespmem:s17+$0x8300]  }
0x355: {  	v4 =	vld [tilespmem:s17+$0x300];
	_ =	sdelay $0x3  }
0x356: {  	s16 =	simm.s32 $0x10;
	s18 =	simm.s32 $0x80  }
0x357: {  	s19 =	sand.u32 $0x70, s16;
	s20 =	sand.u32 $0x1C00, s18;
	v3 =	vadd.f32 v3, v4  }
0x358: {  	s20 =	sor.u32 s20, s19;
	s19 =	simm.s32 $0x20  }
.LBB2_78:
0x359: {  	p0 =	sne.s32 s19, $0x3F0;
	v4 =	vld [tilespmem:s20+$0x8300];
	[tilespmem:s17+$0x300] =	vst v3;
	s17 =	smov.u32 s20  }
0x35a: {  	v3 =	vld [tilespmem:s17+$0x300];
	_ =	sdelay $0x1  }
.Ltmp38:
0x35b: {  	(pc) =	sbr.rel @p0 .LBB2_78-.Ltmp38, $4  }
0x35c: {  	_ = 	snop  }
0x35d: {  	s18 =	sadd.s32 $0x80, s18  }
0x35e: {  	s20 =	sand.u32 $0x70, s19;
	s21 =	sand.u32 $0x1C00, s18;
	v3 =	vadd.f32 v4, v3  }
0x35f: {  	s19 =	sadd.s32 $0x10, s19;
	s20 =	sor.u32 s21, s20  }
0x360: {  	v4 =	vld [tilespmem:s20+$0x8300];
	[tilespmem:s17+$0x300] =	vst v3  }
0x361: {  	v3 =	vld [tilespmem:s20+$0x300];
	_ =	sdelay $0x4  }
0x362: {  	v3 =	vadd.f32 v4, v3  }
0x363: {  	s14 =	sor.u32 s14, s14  }
0x364: {  	s14 =	sor.u32 $0x380, s14;
	[tilespmem:s20+$0x300] =	vst v3  }
0x365: {  	v3 =	vld [tilespmem:s14+$0x8000]  }
0x366: {  	v4 =	vld [tilespmem:s14+$0x0];
	_ =	sdelay $0x3  }
0x367: {  	s17 =	simm.s32 $0x80  }
0x368: {  	s16 =	sor.u32 s17, s16;
	v3 =	vadd.f32 v3, v4  }
0x369: {  	s18 =	sor.u32 $0x380, s16;
	s16 =	simm.s32 $0x20  }
.LBB2_80:
0x36a: {  	p0 =	sne.s32 s16, $0x3F0;
	v4 =	vld [tilespmem:s18+$0x8000];
	[tilespmem:s14+$0x0] =	vst v3;
	s14 =	smov.u32 s18  }
0x36b: {  	v3 =	vld [tilespmem:s14+$0x0];
	_ =	sdelay $0x1  }
.Ltmp39:
0x36c: {  	(pc) =	sbr.rel @p0 .LBB2_80-.Ltmp39, $4  }
0x36d: {  	_ = 	snop  }
0x36e: {  	s17 =	sadd.s32 $0x80, s17  }
0x36f: {  	s18 =	sor.u32 s17, s16;
	v3 =	vadd.f32 v4, v3  }
0x370: {  	s16 =	sadd.s32 $0x10, s16;
	s18 =	sor.u32 $0x380, s18  }
0x371: {  	v4 =	vld [tilespmem:s18+$0x8000];
	[tilespmem:s14+$0x0] =	vst v3  }
0x372: {  	v3 =	vld [tilespmem:s18+$0x0];
	_ =	sdelay $0x4  }
0x373: {  	s19 =	simm.s32 $0x0;
	v3 =	vadd.f32 v4, v3  }
0x374: {  	s16 =	sand.u32 $0x70, s19;
	s14 =	sand.u32 $0x1C00, s19  }
0x375: {  	s14 =	sor.u32 s14, s16;
	[tilespmem:s18+$0x0] =	vst v3  }
0x376: {  	v3 =	vld [tilespmem:s14+$0xA000]  }
0x377: {  	v4 =	vld [tilespmem:s14+$0x2000];
	_ =	sdelay $0x3  }
0x378: {  	s20 =	simm.s32 $0x10;
	s17 =	simm.s32 $0x80  }
0x379: {  	s21 =	sand.u32 $0x1C00, s17;
	s16 =	sand.u32 $0x70, s20;
	v3 =	vadd.f32 v3, v4  }
0x37a: {  	s19 =	simm.s32 $0x20;
	s20 =	sor.u32 s21, s16;
	s18 =	smov.u32 s14  }
.LBB2_82:
0x37b: {  	p0 =	sne.s32 s19, $0x3F0;
	v4 =	vld [tilespmem:s20+$0xA000];
	[tilespmem:s18+$0x2000] =	vst v3;
	s18 =	smov.u32 s20  }
0x37c: {  	v3 =	vld [tilespmem:s18+$0x2000];
	_ =	sdelay $0x1  }
.Ltmp40:
0x37d: {  	(pc) =	sbr.rel @p0 .LBB2_82-.Ltmp40, $4  }
0x37e: {  	_ = 	snop  }
0x37f: {  	s17 =	sadd.s32 $0x80, s17  }
0x380: {  	s20 =	sand.u32 $0x70, s19;
	s21 =	sand.u32 $0x1C00, s17;
	v3 =	vadd.f32 v4, v3  }
0x381: {  	s19 =	sadd.s32 $0x10, s19;
	s20 =	sor.u32 s21, s20  }
0x382: {  	v4 =	vld [tilespmem:s20+$0xA000];
	[tilespmem:s18+$0x2000] =	vst v3  }
0x383: {  	v3 =	vld [tilespmem:s20+$0x2000];
	_ =	sdelay $0x4  }
0x384: {  	v3 =	vadd.f32 v4, v3;
	_ =	sdelay $0x1  }
0x385: {  	[tilespmem:s20+$0x2000] =	vst v3  }
0x386: {  	v3 =	vld [tilespmem:s14+$0xA080]  }
0x387: {  	v4 =	vld [tilespmem:s14+$0x2080];
	_ =	sdelay $0x3  }
0x388: {  	s17 =	simm.s32 $0x80  }
0x389: {  	s21 =	sand.u32 $0x1C00, s17;
	v3 =	vadd.f32 v3, v4  }
0x38a: {  	s18 =	sor.u32 s21, s16;
	s16 =	simm.s32 $0x20  }
.LBB2_84:
0x38b: {  	p0 =	sne.s32 s16, $0x3F0;
	v4 =	vld [tilespmem:s18+$0xA080];
	[tilespmem:s14+$0x2080] =	vst v3;
	s14 =	smov.u32 s18  }
0x38c: {  	v3 =	vld [tilespmem:s14+$0x2080];
	_ =	sdelay $0x1  }
.Ltmp41:
0x38d: {  	(pc) =	sbr.rel @p0 .LBB2_84-.Ltmp41, $4  }
0x38e: {  	_ = 	snop  }
0x38f: {  	s17 =	sadd.s32 $0x80, s17  }
0x390: {  	s18 =	sand.u32 $0x70, s16;
	s19 =	sand.u32 $0x1C00, s17;
	v3 =	vadd.f32 v4, v3  }
0x391: {  	s16 =	sadd.s32 $0x10, s16;
	s18 =	sor.u32 s19, s18  }
0x392: {  	v4 =	vld [tilespmem:s18+$0xA080];
	[tilespmem:s14+$0x2080] =	vst v3  }
0x393: {  	v3 =	vld [tilespmem:s18+$0x2080];
	_ =	sdelay $0x4  }
0x394: {  	s19 =	simm.s32 $0x0;
	v3 =	vadd.f32 v4, v3  }
0x395: {  	s16 =	sand.u32 $0x70, s19;
	s14 =	sand.u32 $0x1C00, s19  }
0x396: {  	s14 =	sor.u32 s14, s16;
	[tilespmem:s18+$0x2080] =	vst v3  }
0x397: {  	v3 =	vld [tilespmem:s14+$0xA100]  }
0x398: {  	v4 =	vld [tilespmem:s14+$0x2100];
	_ =	sdelay $0x3  }
0x399: {  	s20 =	simm.s32 $0x10;
	s17 =	simm.s32 $0x80  }
0x39a: {  	s21 =	sand.u32 $0x1C00, s17;
	s16 =	sand.u32 $0x70, s20;
	v3 =	vadd.f32 v3, v4  }
0x39b: {  	s19 =	simm.s32 $0x20;
	s20 =	sor.u32 s21, s16;
	s18 =	smov.u32 s14  }
.LBB2_86:
0x39c: {  	p0 =	sne.s32 s19, $0x3F0;
	v4 =	vld [tilespmem:s20+$0xA100];
	[tilespmem:s18+$0x2100] =	vst v3;
	s18 =	smov.u32 s20  }
0x39d: {  	v3 =	vld [tilespmem:s18+$0x2100];
	_ =	sdelay $0x1  }
.Ltmp42:
0x39e: {  	(pc) =	sbr.rel @p0 .LBB2_86-.Ltmp42, $4  }
0x39f: {  	_ = 	snop  }
0x3a0: {  	s17 =	sadd.s32 $0x80, s17  }
0x3a1: {  	s20 =	sand.u32 $0x70, s19;
	s21 =	sand.u32 $0x1C00, s17;
	v3 =	vadd.f32 v4, v3  }
0x3a2: {  	s19 =	sadd.s32 $0x10, s19;
	s20 =	sor.u32 s21, s20  }
0x3a3: {  	v4 =	vld [tilespmem:s20+$0xA100];
	[tilespmem:s18+$0x2100] =	vst v3  }
0x3a4: {  	v3 =	vld [tilespmem:s20+$0x2100];
	_ =	sdelay $0x4  }
0x3a5: {  	v3 =	vadd.f32 v4, v3;
	_ =	sdelay $0x1  }
0x3a6: {  	[tilespmem:s20+$0x2100] =	vst v3  }
0x3a7: {  	v3 =	vld [tilespmem:s14+$0xA180]  }
0x3a8: {  	v4 =	vld [tilespmem:s14+$0x2180];
	_ =	sdelay $0x3  }
0x3a9: {  	s17 =	simm.s32 $0x80  }
0x3aa: {  	s21 =	sand.u32 $0x1C00, s17;
	v3 =	vadd.f32 v3, v4  }
0x3ab: {  	s18 =	sor.u32 s21, s16;
	s16 =	simm.s32 $0x20  }
.LBB2_88:
0x3ac: {  	p0 =	sne.s32 s16, $0x3F0;
	v4 =	vld [tilespmem:s18+$0xA180];
	[tilespmem:s14+$0x2180] =	vst v3;
	s14 =	smov.u32 s18  }
0x3ad: {  	v3 =	vld [tilespmem:s14+$0x2180];
	_ =	sdelay $0x1  }
.Ltmp43:
0x3ae: {  	(pc) =	sbr.rel @p0 .LBB2_88-.Ltmp43, $4  }
0x3af: {  	_ = 	snop  }
0x3b0: {  	s17 =	sadd.s32 $0x80, s17  }
0x3b1: {  	s18 =	sand.u32 $0x70, s16;
	s19 =	sand.u32 $0x1C00, s17;
	v3 =	vadd.f32 v4, v3  }
0x3b2: {  	s16 =	sadd.s32 $0x10, s16;
	s18 =	sor.u32 s19, s18  }
0x3b3: {  	v4 =	vld [tilespmem:s18+$0xA180];
	[tilespmem:s14+$0x2180] =	vst v3  }
0x3b4: {  	v3 =	vld [tilespmem:s18+$0x2180];
	_ =	sdelay $0x4  }
0x3b5: {  	s19 =	simm.s32 $0x0;
	v3 =	vadd.f32 v4, v3  }
0x3b6: {  	s16 =	sand.u32 $0x70, s19;
	s14 =	sand.u32 $0x1C00, s19  }
0x3b7: {  	s14 =	sor.u32 s14, s16;
	[tilespmem:s18+$0x2180] =	vst v3  }
0x3b8: {  	v3 =	vld [tilespmem:s14+$0xA200]  }
0x3b9: {  	v4 =	vld [tilespmem:s14+$0x2200];
	_ =	sdelay $0x3  }
0x3ba: {  	s20 =	simm.s32 $0x10;
	s17 =	simm.s32 $0x80  }
0x3bb: {  	s21 =	sand.u32 $0x1C00, s17;
	s16 =	sand.u32 $0x70, s20;
	v3 =	vadd.f32 v3, v4  }
0x3bc: {  	s19 =	simm.s32 $0x20;
	s20 =	sor.u32 s21, s16;
	s18 =	smov.u32 s14  }
.LBB2_90:
0x3bd: {  	p0 =	sne.s32 s19, $0x3F0;
	v4 =	vld [tilespmem:s20+$0xA200];
	[tilespmem:s18+$0x2200] =	vst v3;
	s18 =	smov.u32 s20  }
0x3be: {  	v3 =	vld [tilespmem:s18+$0x2200];
	_ =	sdelay $0x1  }
.Ltmp44:
0x3bf: {  	(pc) =	sbr.rel @p0 .LBB2_90-.Ltmp44, $4  }
0x3c0: {  	_ = 	snop  }
0x3c1: {  	s17 =	sadd.s32 $0x80, s17  }
0x3c2: {  	s20 =	sand.u32 $0x70, s19;
	s21 =	sand.u32 $0x1C00, s17;
	v3 =	vadd.f32 v4, v3  }
0x3c3: {  	s19 =	sadd.s32 $0x10, s19;
	s20 =	sor.u32 s21, s20  }
0x3c4: {  	v4 =	vld [tilespmem:s20+$0xA200];
	[tilespmem:s18+$0x2200] =	vst v3  }
0x3c5: {  	v3 =	vld [tilespmem:s20+$0x2200];
	_ =	sdelay $0x4  }
0x3c6: {  	v3 =	vadd.f32 v4, v3;
	_ =	sdelay $0x1  }
0x3c7: {  	[tilespmem:s20+$0x2200] =	vst v3  }
0x3c8: {  	v3 =	vld [tilespmem:s14+$0xA280]  }
0x3c9: {  	v4 =	vld [tilespmem:s14+$0x2280];
	_ =	sdelay $0x3  }
0x3ca: {  	s17 =	simm.s32 $0x80  }
0x3cb: {  	s21 =	sand.u32 $0x1C00, s17;
	v3 =	vadd.f32 v3, v4  }
0x3cc: {  	s18 =	sor.u32 s21, s16;
	s16 =	simm.s32 $0x20  }
.LBB2_92:
0x3cd: {  	p0 =	sne.s32 s16, $0x3F0;
	v4 =	vld [tilespmem:s18+$0xA280];
	[tilespmem:s14+$0x2280] =	vst v3;
	s14 =	smov.u32 s18  }
0x3ce: {  	v3 =	vld [tilespmem:s14+$0x2280];
	_ =	sdelay $0x1  }
.Ltmp45:
0x3cf: {  	(pc) =	sbr.rel @p0 .LBB2_92-.Ltmp45, $4  }
0x3d0: {  	_ = 	snop  }
0x3d1: {  	s17 =	sadd.s32 $0x80, s17  }
0x3d2: {  	s18 =	sand.u32 $0x70, s16;
	s19 =	sand.u32 $0x1C00, s17;
	v3 =	vadd.f32 v4, v3  }
0x3d3: {  	s16 =	sadd.s32 $0x10, s16;
	s18 =	sor.u32 s19, s18  }
0x3d4: {  	v4 =	vld [tilespmem:s18+$0xA280];
	[tilespmem:s14+$0x2280] =	vst v3  }
0x3d5: {  	v3 =	vld [tilespmem:s18+$0x2280];
	_ =	sdelay $0x4  }
0x3d6: {  	s14 =	simm.s32 $0x0;
	v3 =	vadd.f32 v4, v3  }
0x3d7: {  	s16 =	sand.u32 $0x70, s14;
	s17 =	sand.u32 $0x1C00, s14  }
0x3d8: {  	s17 =	sor.u32 s17, s16;
	[tilespmem:s18+$0x2280] =	vst v3  }
0x3d9: {  	v3 =	vld [tilespmem:s17+$0xA300]  }
0x3da: {  	v4 =	vld [tilespmem:s17+$0x2300];
	_ =	sdelay $0x3  }
0x3db: {  	s16 =	simm.s32 $0x10;
	s18 =	simm.s32 $0x80  }
0x3dc: {  	s19 =	sand.u32 $0x70, s16;
	s20 =	sand.u32 $0x1C00, s18;
	v3 =	vadd.f32 v3, v4  }
0x3dd: {  	s20 =	sor.u32 s20, s19;
	s19 =	simm.s32 $0x20  }
.LBB2_94:
0x3de: {  	p0 =	sne.s32 s19, $0x3F0;
	v4 =	vld [tilespmem:s20+$0xA300];
	[tilespmem:s17+$0x2300] =	vst v3;
	s17 =	smov.u32 s20  }
0x3df: {  	v3 =	vld [tilespmem:s17+$0x2300];
	_ =	sdelay $0x1  }
.Ltmp46:
0x3e0: {  	(pc) =	sbr.rel @p0 .LBB2_94-.Ltmp46, $4  }
0x3e1: {  	_ = 	snop  }
0x3e2: {  	s18 =	sadd.s32 $0x80, s18  }
0x3e3: {  	s20 =	sand.u32 $0x70, s19;
	s21 =	sand.u32 $0x1C00, s18;
	v3 =	vadd.f32 v4, v3  }
0x3e4: {  	s19 =	sadd.s32 $0x10, s19;
	s20 =	sor.u32 s21, s20  }
0x3e5: {  	v4 =	vld [tilespmem:s20+$0xA300];
	[tilespmem:s17+$0x2300] =	vst v3  }
0x3e6: {  	v3 =	vld [tilespmem:s20+$0x2300];
	_ =	sdelay $0x4  }
0x3e7: {  	v3 =	vadd.f32 v4, v3  }
0x3e8: {  	s14 =	sor.u32 s14, s14  }
0x3e9: {  	s14 =	sor.u32 $0x2380, s14;
	[tilespmem:s20+$0x2300] =	vst v3  }
0x3ea: {  	v3 =	vld [tilespmem:s14+$0x8000]  }
0x3eb: {  	v4 =	vld [tilespmem:s14+$0x0];
	_ =	sdelay $0x3  }
0x3ec: {  	s17 =	simm.s32 $0x80  }
0x3ed: {  	s16 =	sor.u32 s17, s16;
	v3 =	vadd.f32 v3, v4  }
0x3ee: {  	s18 =	sor.u32 $0x2380, s16;
	s16 =	simm.s32 $0x20  }
.LBB2_96:
0x3ef: {  	p0 =	sne.s32 s16, $0x3F0;
	v4 =	vld [tilespmem:s18+$0x8000];
	[tilespmem:s14+$0x0] =	vst v3;
	s14 =	smov.u32 s18  }
0x3f0: {  	v3 =	vld [tilespmem:s14+$0x0];
	_ =	sdelay $0x1  }
.Ltmp47:
0x3f1: {  	(pc) =	sbr.rel @p0 .LBB2_96-.Ltmp47, $4  }
0x3f2: {  	_ = 	snop  }
0x3f3: {  	s17 =	sadd.s32 $0x80, s17  }
0x3f4: {  	s18 =	sor.u32 s17, s16;
	v3 =	vadd.f32 v4, v3  }
0x3f5: {  	s16 =	sadd.s32 $0x10, s16;
	s18 =	sor.u32 $0x2380, s18  }
0x3f6: {  	v4 =	vld [tilespmem:s18+$0x8000];
	[tilespmem:s14+$0x0] =	vst v3  }
0x3f7: {  	v3 =	vld [tilespmem:s18+$0x0];
	_ =	sdelay $0x4  }
0x3f8: {  	s19 =	simm.s32 $0x0;
	v3 =	vadd.f32 v4, v3  }
0x3f9: {  	s16 =	sand.u32 $0x70, s19;
	s14 =	sand.u32 $0x1C00, s19  }
0x3fa: {  	s14 =	sor.u32 s14, s16;
	[tilespmem:s18+$0x0] =	vst v3  }
0x3fb: {  	v3 =	vld [tilespmem:s14+$0xC000]  }
0x3fc: {  	v4 =	vld [tilespmem:s14+$0x4000];
	_ =	sdelay $0x3  }
0x3fd: {  	s20 =	simm.s32 $0x10;
	s17 =	simm.s32 $0x80  }
0x3fe: {  	s21 =	sand.u32 $0x1C00, s17;
	s16 =	sand.u32 $0x70, s20;
	v3 =	vadd.f32 v3, v4  }
0x3ff: {  	s19 =	simm.s32 $0x20;
	s20 =	sor.u32 s21, s16;
	s18 =	smov.u32 s14  }
.LBB2_98:
0x400: {  	p0 =	sne.s32 s19, $0x3F0;
	v4 =	vld [tilespmem:s20+$0xC000];
	[tilespmem:s18+$0x4000] =	vst v3;
	s18 =	smov.u32 s20  }
0x401: {  	v3 =	vld [tilespmem:s18+$0x4000];
	_ =	sdelay $0x1  }
.Ltmp48:
0x402: {  	(pc) =	sbr.rel @p0 .LBB2_98-.Ltmp48, $4  }
0x403: {  	_ = 	snop  }
0x404: {  	s17 =	sadd.s32 $0x80, s17  }
0x405: {  	s20 =	sand.u32 $0x70, s19;
	s21 =	sand.u32 $0x1C00, s17;
	v3 =	vadd.f32 v4, v3  }
0x406: {  	s19 =	sadd.s32 $0x10, s19;
	s20 =	sor.u32 s21, s20  }
0x407: {  	v4 =	vld [tilespmem:s20+$0xC000];
	[tilespmem:s18+$0x4000] =	vst v3  }
0x408: {  	v3 =	vld [tilespmem:s20+$0x4000];
	_ =	sdelay $0x4  }
0x409: {  	v3 =	vadd.f32 v4, v3;
	_ =	sdelay $0x1  }
0x40a: {  	[tilespmem:s20+$0x4000] =	vst v3  }
0x40b: {  	v3 =	vld [tilespmem:s14+$0xC080]  }
0x40c: {  	v4 =	vld [tilespmem:s14+$0x4080];
	_ =	sdelay $0x3  }
0x40d: {  	s17 =	simm.s32 $0x80  }
0x40e: {  	s21 =	sand.u32 $0x1C00, s17;
	v3 =	vadd.f32 v3, v4  }
0x40f: {  	s18 =	sor.u32 s21, s16;
	s16 =	simm.s32 $0x20  }
.LBB2_100:
0x410: {  	p0 =	sne.s32 s16, $0x3F0;
	v4 =	vld [tilespmem:s18+$0xC080];
	[tilespmem:s14+$0x4080] =	vst v3;
	s14 =	smov.u32 s18  }
0x411: {  	v3 =	vld [tilespmem:s14+$0x4080];
	_ =	sdelay $0x1  }
.Ltmp49:
0x412: {  	(pc) =	sbr.rel @p0 .LBB2_100-.Ltmp49, $4  }
0x413: {  	_ = 	snop  }
0x414: {  	s17 =	sadd.s32 $0x80, s17  }
0x415: {  	s18 =	sand.u32 $0x70, s16;
	s19 =	sand.u32 $0x1C00, s17;
	v3 =	vadd.f32 v4, v3  }
0x416: {  	s16 =	sadd.s32 $0x10, s16;
	s18 =	sor.u32 s19, s18  }
0x417: {  	v4 =	vld [tilespmem:s18+$0xC080];
	[tilespmem:s14+$0x4080] =	vst v3  }
0x418: {  	v3 =	vld [tilespmem:s18+$0x4080];
	_ =	sdelay $0x4  }
0x419: {  	s19 =	simm.s32 $0x0;
	v3 =	vadd.f32 v4, v3  }
0x41a: {  	s16 =	sand.u32 $0x70, s19;
	s14 =	sand.u32 $0x1C00, s19  }
0x41b: {  	s14 =	sor.u32 s14, s16;
	[tilespmem:s18+$0x4080] =	vst v3  }
0x41c: {  	v3 =	vld [tilespmem:s14+$0xC100]  }
0x41d: {  	v4 =	vld [tilespmem:s14+$0x4100];
	_ =	sdelay $0x3  }
0x41e: {  	s20 =	simm.s32 $0x10;
	s17 =	simm.s32 $0x80  }
0x41f: {  	s21 =	sand.u32 $0x1C00, s17;
	s16 =	sand.u32 $0x70, s20;
	v3 =	vadd.f32 v3, v4  }
0x420: {  	s19 =	simm.s32 $0x20;
	s20 =	sor.u32 s21, s16;
	s18 =	smov.u32 s14  }
.LBB2_102:
0x421: {  	p0 =	sne.s32 s19, $0x3F0;
	v4 =	vld [tilespmem:s20+$0xC100];
	[tilespmem:s18+$0x4100] =	vst v3;
	s18 =	smov.u32 s20  }
0x422: {  	v3 =	vld [tilespmem:s18+$0x4100];
	_ =	sdelay $0x1  }
.Ltmp50:
0x423: {  	(pc) =	sbr.rel @p0 .LBB2_102-.Ltmp50, $4  }
0x424: {  	_ = 	snop  }
0x425: {  	s17 =	sadd.s32 $0x80, s17  }
0x426: {  	s20 =	sand.u32 $0x70, s19;
	s21 =	sand.u32 $0x1C00, s17;
	v3 =	vadd.f32 v4, v3  }
0x427: {  	s19 =	sadd.s32 $0x10, s19;
	s20 =	sor.u32 s21, s20  }
0x428: {  	v4 =	vld [tilespmem:s20+$0xC100];
	[tilespmem:s18+$0x4100] =	vst v3  }
0x429: {  	v3 =	vld [tilespmem:s20+$0x4100];
	_ =	sdelay $0x4  }
0x42a: {  	v3 =	vadd.f32 v4, v3;
	_ =	sdelay $0x1  }
0x42b: {  	[tilespmem:s20+$0x4100] =	vst v3  }
0x42c: {  	v3 =	vld [tilespmem:s14+$0xC180]  }
0x42d: {  	v4 =	vld [tilespmem:s14+$0x4180];
	_ =	sdelay $0x3  }
0x42e: {  	s17 =	simm.s32 $0x80  }
0x42f: {  	s21 =	sand.u32 $0x1C00, s17;
	v3 =	vadd.f32 v3, v4  }
0x430: {  	s18 =	sor.u32 s21, s16;
	s16 =	simm.s32 $0x20  }
.LBB2_104:
0x431: {  	p0 =	sne.s32 s16, $0x3F0;
	v4 =	vld [tilespmem:s18+$0xC180];
	[tilespmem:s14+$0x4180] =	vst v3;
	s14 =	smov.u32 s18  }
0x432: {  	v3 =	vld [tilespmem:s14+$0x4180];
	_ =	sdelay $0x1  }
.Ltmp51:
0x433: {  	(pc) =	sbr.rel @p0 .LBB2_104-.Ltmp51, $4  }
0x434: {  	_ = 	snop  }
0x435: {  	s17 =	sadd.s32 $0x80, s17  }
0x436: {  	s18 =	sand.u32 $0x70, s16;
	s19 =	sand.u32 $0x1C00, s17;
	v3 =	vadd.f32 v4, v3  }
0x437: {  	s16 =	sadd.s32 $0x10, s16;
	s18 =	sor.u32 s19, s18  }
0x438: {  	v4 =	vld [tilespmem:s18+$0xC180];
	[tilespmem:s14+$0x4180] =	vst v3  }
0x439: {  	v3 =	vld [tilespmem:s18+$0x4180];
	_ =	sdelay $0x4  }
0x43a: {  	s19 =	simm.s32 $0x0;
	v3 =	vadd.f32 v4, v3  }
0x43b: {  	s16 =	sand.u32 $0x70, s19;
	s14 =	sand.u32 $0x1C00, s19  }
0x43c: {  	s14 =	sor.u32 s14, s16;
	[tilespmem:s18+$0x4180] =	vst v3  }
0x43d: {  	v3 =	vld [tilespmem:s14+$0xC200]  }
0x43e: {  	v4 =	vld [tilespmem:s14+$0x4200];
	_ =	sdelay $0x3  }
0x43f: {  	s20 =	simm.s32 $0x10;
	s17 =	simm.s32 $0x80  }
0x440: {  	s21 =	sand.u32 $0x1C00, s17;
	s16 =	sand.u32 $0x70, s20;
	v3 =	vadd.f32 v3, v4  }
0x441: {  	s19 =	simm.s32 $0x20;
	s20 =	sor.u32 s21, s16;
	s18 =	smov.u32 s14  }
.LBB2_106:
0x442: {  	p0 =	sne.s32 s19, $0x3F0;
	v4 =	vld [tilespmem:s20+$0xC200];
	[tilespmem:s18+$0x4200] =	vst v3;
	s18 =	smov.u32 s20  }
0x443: {  	v3 =	vld [tilespmem:s18+$0x4200];
	_ =	sdelay $0x1  }
.Ltmp52:
0x444: {  	(pc) =	sbr.rel @p0 .LBB2_106-.Ltmp52, $4  }
0x445: {  	_ = 	snop  }
0x446: {  	s17 =	sadd.s32 $0x80, s17  }
0x447: {  	s20 =	sand.u32 $0x70, s19;
	s21 =	sand.u32 $0x1C00, s17;
	v3 =	vadd.f32 v4, v3  }
0x448: {  	s19 =	sadd.s32 $0x10, s19;
	s20 =	sor.u32 s21, s20  }
0x449: {  	v4 =	vld [tilespmem:s20+$0xC200];
	[tilespmem:s18+$0x4200] =	vst v3  }
0x44a: {  	v3 =	vld [tilespmem:s20+$0x4200];
	_ =	sdelay $0x4  }
0x44b: {  	v3 =	vadd.f32 v4, v3;
	_ =	sdelay $0x1  }
0x44c: {  	[tilespmem:s20+$0x4200] =	vst v3  }
0x44d: {  	v3 =	vld [tilespmem:s14+$0xC280]  }
0x44e: {  	v4 =	vld [tilespmem:s14+$0x4280];
	_ =	sdelay $0x3  }
0x44f: {  	s17 =	simm.s32 $0x80  }
0x450: {  	s21 =	sand.u32 $0x1C00, s17;
	v3 =	vadd.f32 v3, v4  }
0x451: {  	s18 =	sor.u32 s21, s16;
	s16 =	simm.s32 $0x20  }
.LBB2_108:
0x452: {  	p0 =	sne.s32 s16, $0x3F0;
	v4 =	vld [tilespmem:s18+$0xC280];
	[tilespmem:s14+$0x4280] =	vst v3;
	s14 =	smov.u32 s18  }
0x453: {  	v3 =	vld [tilespmem:s14+$0x4280];
	_ =	sdelay $0x1  }
.Ltmp53:
0x454: {  	(pc) =	sbr.rel @p0 .LBB2_108-.Ltmp53, $4  }
0x455: {  	_ = 	snop  }
0x456: {  	s17 =	sadd.s32 $0x80, s17  }
0x457: {  	s18 =	sand.u32 $0x70, s16;
	s19 =	sand.u32 $0x1C00, s17;
	v3 =	vadd.f32 v4, v3  }
0x458: {  	s16 =	sadd.s32 $0x10, s16;
	s18 =	sor.u32 s19, s18  }
0x459: {  	v4 =	vld [tilespmem:s18+$0xC280];
	[tilespmem:s14+$0x4280] =	vst v3  }
0x45a: {  	v3 =	vld [tilespmem:s18+$0x4280];
	_ =	sdelay $0x4  }
0x45b: {  	s14 =	simm.s32 $0x0;
	v3 =	vadd.f32 v4, v3  }
0x45c: {  	s16 =	sand.u32 $0x70, s14;
	s17 =	sand.u32 $0x1C00, s14  }
0x45d: {  	s17 =	sor.u32 s17, s16;
	[tilespmem:s18+$0x4280] =	vst v3  }
0x45e: {  	v3 =	vld [tilespmem:s17+$0xC300]  }
0x45f: {  	v4 =	vld [tilespmem:s17+$0x4300];
	_ =	sdelay $0x3  }
0x460: {  	s16 =	simm.s32 $0x10;
	s18 =	simm.s32 $0x80  }
0x461: {  	s19 =	sand.u32 $0x70, s16;
	s20 =	sand.u32 $0x1C00, s18;
	v3 =	vadd.f32 v3, v4  }
0x462: {  	s20 =	sor.u32 s20, s19;
	s19 =	simm.s32 $0x20  }
.LBB2_110:
0x463: {  	p0 =	sne.s32 s19, $0x3F0;
	v4 =	vld [tilespmem:s20+$0xC300];
	[tilespmem:s17+$0x4300] =	vst v3;
	s17 =	smov.u32 s20  }
0x464: {  	v3 =	vld [tilespmem:s17+$0x4300];
	_ =	sdelay $0x1  }
.Ltmp54:
0x465: {  	(pc) =	sbr.rel @p0 .LBB2_110-.Ltmp54, $4  }
0x466: {  	_ = 	snop  }
0x467: {  	s18 =	sadd.s32 $0x80, s18  }
0x468: {  	s20 =	sand.u32 $0x70, s19;
	s21 =	sand.u32 $0x1C00, s18;
	v3 =	vadd.f32 v4, v3  }
0x469: {  	s19 =	sadd.s32 $0x10, s19;
	s20 =	sor.u32 s21, s20  }
0x46a: {  	v4 =	vld [tilespmem:s20+$0xC300];
	[tilespmem:s17+$0x4300] =	vst v3  }
0x46b: {  	v3 =	vld [tilespmem:s20+$0x4300];
	_ =	sdelay $0x4  }
0x46c: {  	v3 =	vadd.f32 v4, v3  }
0x46d: {  	s14 =	sor.u32 s14, s14  }
0x46e: {  	s14 =	sor.u32 $0x4380, s14;
	[tilespmem:s20+$0x4300] =	vst v3  }
0x46f: {  	v3 =	vld [tilespmem:s14+$0x8000]  }
0x470: {  	v4 =	vld [tilespmem:s14+$0x0];
	_ =	sdelay $0x3  }
0x471: {  	s17 =	simm.s32 $0x80  }
0x472: {  	s16 =	sor.u32 s17, s16;
	v3 =	vadd.f32 v3, v4  }
0x473: {  	s18 =	sor.u32 $0x4380, s16;
	s16 =	simm.s32 $0x20  }
.LBB2_112:
0x474: {  	p0 =	sne.s32 s16, $0x3F0;
	v4 =	vld [tilespmem:s18+$0x8000];
	[tilespmem:s14+$0x0] =	vst v3;
	s14 =	smov.u32 s18  }
0x475: {  	v3 =	vld [tilespmem:s14+$0x0];
	_ =	sdelay $0x1  }
.Ltmp55:
0x476: {  	(pc) =	sbr.rel @p0 .LBB2_112-.Ltmp55, $4  }
0x477: {  	_ = 	snop  }
0x478: {  	s17 =	sadd.s32 $0x80, s17  }
0x479: {  	s18 =	sor.u32 s17, s16;
	v3 =	vadd.f32 v4, v3  }
0x47a: {  	s16 =	sadd.s32 $0x10, s16;
	s18 =	sor.u32 $0x4380, s18  }
0x47b: {  	v4 =	vld [tilespmem:s18+$0x8000];
	[tilespmem:s14+$0x0] =	vst v3  }
0x47c: {  	v3 =	vld [tilespmem:s18+$0x0];
	_ =	sdelay $0x4  }
0x47d: {  	s19 =	simm.s32 $0x0;
	v3 =	vadd.f32 v4, v3  }
0x47e: {  	s16 =	sand.u32 $0x70, s19;
	s14 =	sand.u32 $0x1C00, s19  }
0x47f: {  	s14 =	sor.u32 s14, s16;
	[tilespmem:s18+$0x0] =	vst v3  }
0x480: {  	v3 =	vld [tilespmem:s14+$0xE000]  }
0x481: {  	v4 =	vld [tilespmem:s14+$0x6000];
	_ =	sdelay $0x3  }
0x482: {  	s20 =	simm.s32 $0x10;
	s17 =	simm.s32 $0x80  }
0x483: {  	s21 =	sand.u32 $0x1C00, s17;
	s16 =	sand.u32 $0x70, s20;
	v3 =	vadd.f32 v3, v4  }
0x484: {  	s19 =	simm.s32 $0x20;
	s20 =	sor.u32 s21, s16;
	s18 =	smov.u32 s14  }
.LBB2_114:
0x485: {  	p0 =	sne.s32 s19, $0x3F0;
	v4 =	vld [tilespmem:s20+$0xE000];
	[tilespmem:s18+$0x6000] =	vst v3;
	s18 =	smov.u32 s20  }
0x486: {  	v3 =	vld [tilespmem:s18+$0x6000];
	_ =	sdelay $0x1  }
.Ltmp56:
0x487: {  	(pc) =	sbr.rel @p0 .LBB2_114-.Ltmp56, $4  }
0x488: {  	_ = 	snop  }
0x489: {  	s17 =	sadd.s32 $0x80, s17  }
0x48a: {  	s20 =	sand.u32 $0x70, s19;
	s21 =	sand.u32 $0x1C00, s17;
	v3 =	vadd.f32 v4, v3  }
0x48b: {  	s19 =	sadd.s32 $0x10, s19;
	s20 =	sor.u32 s21, s20  }
0x48c: {  	v4 =	vld [tilespmem:s20+$0xE000];
	[tilespmem:s18+$0x6000] =	vst v3  }
0x48d: {  	v3 =	vld [tilespmem:s20+$0x6000];
	_ =	sdelay $0x4  }
0x48e: {  	v3 =	vadd.f32 v4, v3;
	_ =	sdelay $0x1  }
0x48f: {  	[tilespmem:s20+$0x6000] =	vst v3  }
0x490: {  	v3 =	vld [tilespmem:s14+$0xE080]  }
0x491: {  	v4 =	vld [tilespmem:s14+$0x6080];
	_ =	sdelay $0x3  }
0x492: {  	s17 =	simm.s32 $0x80  }
0x493: {  	s21 =	sand.u32 $0x1C00, s17;
	v3 =	vadd.f32 v3, v4  }
0x494: {  	s18 =	sor.u32 s21, s16;
	s16 =	simm.s32 $0x20  }
.LBB2_116:
0x495: {  	p0 =	sne.s32 s16, $0x3F0;
	v4 =	vld [tilespmem:s18+$0xE080];
	[tilespmem:s14+$0x6080] =	vst v3;
	s14 =	smov.u32 s18  }
0x496: {  	v3 =	vld [tilespmem:s14+$0x6080];
	_ =	sdelay $0x1  }
.Ltmp57:
0x497: {  	(pc) =	sbr.rel @p0 .LBB2_116-.Ltmp57, $4  }
0x498: {  	_ = 	snop  }
0x499: {  	s17 =	sadd.s32 $0x80, s17  }
0x49a: {  	s18 =	sand.u32 $0x70, s16;
	s19 =	sand.u32 $0x1C00, s17;
	v3 =	vadd.f32 v4, v3  }
0x49b: {  	s16 =	sadd.s32 $0x10, s16;
	s18 =	sor.u32 s19, s18  }
0x49c: {  	v4 =	vld [tilespmem:s18+$0xE080];
	[tilespmem:s14+$0x6080] =	vst v3  }
0x49d: {  	v3 =	vld [tilespmem:s18+$0x6080];
	_ =	sdelay $0x4  }
0x49e: {  	s19 =	simm.s32 $0x0;
	v3 =	vadd.f32 v4, v3  }
0x49f: {  	s16 =	sand.u32 $0x70, s19;
	s14 =	sand.u32 $0x1C00, s19  }
0x4a0: {  	s14 =	sor.u32 s14, s16;
	[tilespmem:s18+$0x6080] =	vst v3  }
0x4a1: {  	v3 =	vld [tilespmem:s14+$0xE100]  }
0x4a2: {  	v4 =	vld [tilespmem:s14+$0x6100];
	_ =	sdelay $0x3  }
0x4a3: {  	s20 =	simm.s32 $0x10;
	s17 =	simm.s32 $0x80  }
0x4a4: {  	s21 =	sand.u32 $0x1C00, s17;
	s16 =	sand.u32 $0x70, s20;
	v3 =	vadd.f32 v3, v4  }
0x4a5: {  	s19 =	simm.s32 $0x20;
	s20 =	sor.u32 s21, s16;
	s18 =	smov.u32 s14  }
.LBB2_118:
0x4a6: {  	p0 =	sne.s32 s19, $0x3F0;
	v4 =	vld [tilespmem:s20+$0xE100];
	[tilespmem:s18+$0x6100] =	vst v3;
	s18 =	smov.u32 s20  }
0x4a7: {  	v3 =	vld [tilespmem:s18+$0x6100];
	_ =	sdelay $0x1  }
.Ltmp58:
0x4a8: {  	(pc) =	sbr.rel @p0 .LBB2_118-.Ltmp58, $4  }
0x4a9: {  	_ = 	snop  }
0x4aa: {  	s17 =	sadd.s32 $0x80, s17  }
0x4ab: {  	s20 =	sand.u32 $0x70, s19;
	s21 =	sand.u32 $0x1C00, s17;
	v3 =	vadd.f32 v4, v3  }
0x4ac: {  	s19 =	sadd.s32 $0x10, s19;
	s20 =	sor.u32 s21, s20  }
0x4ad: {  	v4 =	vld [tilespmem:s20+$0xE100];
	[tilespmem:s18+$0x6100] =	vst v3  }
0x4ae: {  	v3 =	vld [tilespmem:s20+$0x6100];
	_ =	sdelay $0x4  }
0x4af: {  	v3 =	vadd.f32 v4, v3;
	_ =	sdelay $0x1  }
0x4b0: {  	[tilespmem:s20+$0x6100] =	vst v3  }
0x4b1: {  	v3 =	vld [tilespmem:s14+$0xE180]  }
0x4b2: {  	v4 =	vld [tilespmem:s14+$0x6180];
	_ =	sdelay $0x3  }
0x4b3: {  	s17 =	simm.s32 $0x80  }
0x4b4: {  	s21 =	sand.u32 $0x1C00, s17;
	v3 =	vadd.f32 v3, v4  }
0x4b5: {  	s18 =	sor.u32 s21, s16;
	s16 =	simm.s32 $0x20  }
.LBB2_120:
0x4b6: {  	p0 =	sne.s32 s16, $0x3F0;
	v4 =	vld [tilespmem:s18+$0xE180];
	[tilespmem:s14+$0x6180] =	vst v3;
	s14 =	smov.u32 s18  }
0x4b7: {  	v3 =	vld [tilespmem:s14+$0x6180];
	_ =	sdelay $0x1  }
.Ltmp59:
0x4b8: {  	(pc) =	sbr.rel @p0 .LBB2_120-.Ltmp59, $4  }
0x4b9: {  	_ = 	snop  }
0x4ba: {  	s17 =	sadd.s32 $0x80, s17  }
0x4bb: {  	s18 =	sand.u32 $0x70, s16;
	s19 =	sand.u32 $0x1C00, s17;
	v3 =	vadd.f32 v4, v3  }
0x4bc: {  	s16 =	sadd.s32 $0x10, s16;
	s18 =	sor.u32 s19, s18  }
0x4bd: {  	v4 =	vld [tilespmem:s18+$0xE180];
	[tilespmem:s14+$0x6180] =	vst v3  }
0x4be: {  	v3 =	vld [tilespmem:s18+$0x6180];
	_ =	sdelay $0x4  }
0x4bf: {  	s19 =	simm.s32 $0x0;
	v3 =	vadd.f32 v4, v3  }
0x4c0: {  	s16 =	sand.u32 $0x70, s19;
	s14 =	sand.u32 $0x1C00, s19  }
0x4c1: {  	s14 =	sor.u32 s14, s16;
	[tilespmem:s18+$0x6180] =	vst v3  }
0x4c2: {  	v3 =	vld [tilespmem:s14+$0xE200]  }
0x4c3: {  	v4 =	vld [tilespmem:s14+$0x6200];
	_ =	sdelay $0x3  }
0x4c4: {  	s20 =	simm.s32 $0x10;
	s17 =	simm.s32 $0x80  }
0x4c5: {  	s21 =	sand.u32 $0x1C00, s17;
	s16 =	sand.u32 $0x70, s20;
	v3 =	vadd.f32 v3, v4  }
0x4c6: {  	s19 =	simm.s32 $0x20;
	s20 =	sor.u32 s21, s16;
	s18 =	smov.u32 s14  }
.LBB2_122:
0x4c7: {  	p0 =	sne.s32 s19, $0x3F0;
	v4 =	vld [tilespmem:s20+$0xE200];
	[tilespmem:s18+$0x6200] =	vst v3;
	s18 =	smov.u32 s20  }
0x4c8: {  	v3 =	vld [tilespmem:s18+$0x6200];
	_ =	sdelay $0x1  }
.Ltmp60:
0x4c9: {  	(pc) =	sbr.rel @p0 .LBB2_122-.Ltmp60, $4  }
0x4ca: {  	_ = 	snop  }
0x4cb: {  	s17 =	sadd.s32 $0x80, s17  }
0x4cc: {  	s20 =	sand.u32 $0x70, s19;
	s21 =	sand.u32 $0x1C00, s17;
	v3 =	vadd.f32 v4, v3  }
0x4cd: {  	s19 =	sadd.s32 $0x10, s19;
	s20 =	sor.u32 s21, s20  }
0x4ce: {  	v4 =	vld [tilespmem:s20+$0xE200];
	[tilespmem:s18+$0x6200] =	vst v3  }
0x4cf: {  	v3 =	vld [tilespmem:s20+$0x6200];
	_ =	sdelay $0x4  }
0x4d0: {  	v3 =	vadd.f32 v4, v3;
	_ =	sdelay $0x1  }
0x4d1: {  	[tilespmem:s20+$0x6200] =	vst v3  }
0x4d2: {  	v3 =	vld [tilespmem:s14+$0xE280]  }
0x4d3: {  	v4 =	vld [tilespmem:s14+$0x6280];
	_ =	sdelay $0x3  }
0x4d4: {  	s17 =	simm.s32 $0x80  }
0x4d5: {  	s21 =	sand.u32 $0x1C00, s17;
	v3 =	vadd.f32 v3, v4  }
0x4d6: {  	s18 =	sor.u32 s21, s16;
	s16 =	simm.s32 $0x20  }
.LBB2_124:
0x4d7: {  	p0 =	sne.s32 s16, $0x3F0;
	v4 =	vld [tilespmem:s18+$0xE280];
	[tilespmem:s14+$0x6280] =	vst v3;
	s14 =	smov.u32 s18  }
0x4d8: {  	v3 =	vld [tilespmem:s14+$0x6280];
	_ =	sdelay $0x1  }
.Ltmp61:
0x4d9: {  	(pc) =	sbr.rel @p0 .LBB2_124-.Ltmp61, $4  }
0x4da: {  	_ = 	snop  }
0x4db: {  	s17 =	sadd.s32 $0x80, s17  }
0x4dc: {  	s18 =	sand.u32 $0x70, s16;
	s19 =	sand.u32 $0x1C00, s17;
	v3 =	vadd.f32 v4, v3  }
0x4dd: {  	s16 =	sadd.s32 $0x10, s16;
	s18 =	sor.u32 s19, s18  }
0x4de: {  	v4 =	vld [tilespmem:s18+$0xE280];
	[tilespmem:s14+$0x6280] =	vst v3  }
0x4df: {  	v3 =	vld [tilespmem:s18+$0x6280];
	_ =	sdelay $0x4  }
0x4e0: {  	s14 =	simm.s32 $0x0;
	v3 =	vadd.f32 v4, v3  }
0x4e1: {  	s16 =	sand.u32 $0x70, s14;
	s17 =	sand.u32 $0x1C00, s14  }
0x4e2: {  	s17 =	sor.u32 s17, s16;
	[tilespmem:s18+$0x6280] =	vst v3  }
0x4e3: {  	v3 =	vld [tilespmem:s17+$0xE300]  }
0x4e4: {  	v4 =	vld [tilespmem:s17+$0x6300];
	_ =	sdelay $0x3  }
0x4e5: {  	s16 =	simm.s32 $0x10;
	s18 =	simm.s32 $0x80  }
0x4e6: {  	s19 =	sand.u32 $0x70, s16;
	s20 =	sand.u32 $0x1C00, s18;
	v3 =	vadd.f32 v3, v4  }
0x4e7: {  	s20 =	sor.u32 s20, s19;
	s19 =	simm.s32 $0x20  }
.LBB2_126:
0x4e8: {  	p0 =	sne.s32 s19, $0x3F0;
	v4 =	vld [tilespmem:s20+$0xE300];
	[tilespmem:s17+$0x6300] =	vst v3;
	s17 =	smov.u32 s20  }
0x4e9: {  	v3 =	vld [tilespmem:s17+$0x6300];
	_ =	sdelay $0x1  }
.Ltmp62:
0x4ea: {  	(pc) =	sbr.rel @p0 .LBB2_126-.Ltmp62, $4  }
0x4eb: {  	_ = 	snop  }
0x4ec: {  	s18 =	sadd.s32 $0x80, s18  }
0x4ed: {  	s20 =	sand.u32 $0x70, s19;
	s21 =	sand.u32 $0x1C00, s18;
	v3 =	vadd.f32 v4, v3  }
0x4ee: {  	s19 =	sadd.s32 $0x10, s19;
	s20 =	sor.u32 s21, s20  }
0x4ef: {  	v4 =	vld [tilespmem:s20+$0xE300];
	[tilespmem:s17+$0x6300] =	vst v3  }
0x4f0: {  	v3 =	vld [tilespmem:s20+$0x6300];
	_ =	sdelay $0x4  }
0x4f1: {  	v3 =	vadd.f32 v4, v3  }
0x4f2: {  	s14 =	sor.u32 s14, s14  }
0x4f3: {  	s14 =	sor.u32 $0x6380, s14;
	[tilespmem:s20+$0x6300] =	vst v3  }
0x4f4: {  	v3 =	vld [tilespmem:s14+$0x8000]  }
0x4f5: {  	v4 =	vld [tilespmem:s14+$0x0];
	_ =	sdelay $0x3  }
0x4f6: {  	s17 =	simm.s32 $0x80  }
0x4f7: {  	s16 =	sor.u32 s17, s16;
	v3 =	vadd.f32 v3, v4  }
0x4f8: {  	s18 =	sor.u32 $0x6380, s16;
	s16 =	simm.s32 $0x20  }
.LBB2_128:
0x4f9: {  	p0 =	sne.s32 s16, $0x3F0;
	v4 =	vld [tilespmem:s18+$0x8000];
	[tilespmem:s14+$0x0] =	vst v3;
	s14 =	smov.u32 s18  }
0x4fa: {  	v3 =	vld [tilespmem:s14+$0x0];
	_ =	sdelay $0x1  }
.Ltmp63:
0x4fb: {  	(pc) =	sbr.rel @p0 .LBB2_128-.Ltmp63, $4  }
0x4fc: {  	_ = 	snop  }
0x4fd: {  	s17 =	sadd.s32 $0x80, s17  }
0x4fe: {  	s18 =	sor.u32 s17, s16;
	v3 =	vadd.f32 v4, v3  }
0x4ff: {  	s16 =	sadd.s32 $0x10, s16;
	s18 =	sor.u32 $0x6380, s18  }
0x500: {  	v4 =	vld [tilespmem:s18+$0x8000];
	[tilespmem:s14+$0x0] =	vst v3  }
0x501: {  	v3 =	vld [tilespmem:s18+$0x0];
	_ =	sdelay $0x4  }
0x502: {  	s1 =	sadd.s32 $0x1, s1;
	v3 =	vadd.f32 v4, v3  }
0x503: {  	p0 =	sne.s32 s1, s13  }
.Ltmp64:
0x504: {  	[tilespmem:s18+$0x0] =	vst v3;
	(pc) =	sbr.rel @p0 .LBB2_1-.Ltmp64, $4  }
0x505: {  	[hbm4b:s12+s2] =	stream.linear.scatter [tilespmem:s2], [sflag:$0x3], $0x8000, $0x38;
	[tilespmem:$0x10100] =	vst v63  }
0x506: {  	_ =	swait.ge [sflag:s15], $0x8000  }
0x507: {  	[sflag:s15] =	ssyncset.done $0x0  }
0x508: {  	[sflag:s15] =	ssyncadd.s32 $0xFFFF8000  }
0x509: {  	_ =	sfence.sel $0x180000  }
0x50a: {  	[bflag:$0x0] =	sbarrier.arrive $0xFFFF  }
0x50b: {  	_ =	strace $0x9000004A  }
0x50c: {  	s0 =	stileid.u32;
	[bflag:$0x2] =	sbarrier.arrive $0xFFFF  }
0x50d: {  	p0 =	sne.s32 s0, $0x0;
	s0 =	rddreg [dreg:$0x2]  }
0x50e: {  	s0 =	sadd.s32 @!p0 $0x100000, s0  }
0x50f: {  	[sflag:s0] =	ssyncadd.tile.s32 @!p0 $0x1;
	_ =	shalt  }
.Lfunc_end2:
_tile_overlayer_lowered:
.L_overlay_start_2:
0x510: {  	(tag) =	ssettag $0x2  }
0x511: {  	s0 =	rddreg [dreg:$0x0];
	s2 =	stileid.u32  }
0x512: {  	s1 =	rddreg [dreg:$0x1];
	p0 =	sne.s32 s2, $0x0  }
0x513: {  	s3 =	rddreg [dreg:$0x2];
	[bflag:$0x3] =	sbarrier.arrive $0xFFFF;
	s2 =	simm.s32 @!p0 $0x1C03  }
0x514: {  	[timem:s3], [sflag:s2] =	dma.local @!p0 [hbm:s0], s1  }
0x515: {  	s0 =	simm.s32 @!p0 $0x3  }
0x516: {  	_ =	swait.ge @!p0 [sflag:s0], s1  }
0x517: {  	s1 =	ssub.s32 @!p0 $0x0, s1;
	[sflag:s0] =	ssyncset.done @!p0 $0x0  }
0x518: {  	[sflag:s0] =	ssyncadd.s32 @!p0 s1  }
0x519: {  	[bflag:$0x3] =	sbarrier.arrive $0xFFFF  }
0x51a: {  	_ =	shalt  }

// kernel: kernel.7.cloned.1.call-start
scs
__scs_entry_jumppad:
0x0: {  	(pc) =	sbr.rel $0x88, $3  }
0x1: {  	(tag) =	ssettag $0x0;
	lr =	simm.s32 $0x1  }
0x2: {  	[smem:$0x3F9B] =	sst lr;
	_ =	strace $0xD0000000  }
0x3: {  	_ = 	snop  }
0x4: {  	_ = 	snop  }
0x5: {  	_ = 	snop  }
0x6: {  	_ = 	snop  }
0x7: {  	_ = 	snop  }
__scs_overlays_trampoline_lowered:
0x8: {  	[smem:$0x3FAA] =	sst s0  }
0x9: {  	[smem:$0x3FAB] =	sst s1  }
0xa: {  	[smem:$0x3FAC] =	sst s2  }
0xb: {  	[smem:$0x3FAD] =	sst s3  }
0xc: {  	[smem:$0x3FAE] =	sst s4  }
0xd: {  	[smem:$0x3FAF] =	sst s5  }
0xe: {  	[smem:$0x3FB0] =	sst s6  }
0xf: {  	[smem:$0x3FB1] =	sst s7  }
0x10: {  	[smem:$0x3FB2] =	sst s8  }
0x11: {  	[smem:$0x3FB3] =	sst s9;
	s0 =	simm.s32 @!p0 $0x0  }
0x12: {  	s1 =	sld [smem:$0x3F99];
	s0 =	simm.s32 @p0 $0x1  }
0x13: {  	[smem:$0x3FB4] =	sst s0;
	s0 =	simm.s32 @!p1 $0x0  }
0x14: {  	s2 =	sld [smem:$0x3F98];
	s0 =	simm.s32 @p1 $0x1  }
0x15: {  	[smem:$0x3FB5] =	sst s0;
	s0 =	simm.s32 @!p2 $0x0  }
0x16: {  	s3 =	sld [smem:$0x3FDB];
	s0 =	simm.s32 @p2 $0x1  }
0x17: {  	s4 =	simm.s32 $0x1BF5;
	[smem:$0x3FB7] =	sst s0  }
0x18: {  	s0 =	sld [smem:$0x3F9A];
	_ =	swait.ge [sflag:s4], $0x0  }
0x19: {  	s7 =	sld [smem:$0x3F9B]  }
0x1a: {  	s8 =	sadd.s32 $0xFFFFE003, lr  }
0x1b: {  	s9 =	sadd.s32 $0xFFFFFEF7, lr;
	s5 =	simm.s32 $0xFFFFFFFF;
	p2 =	slt.u32 s8, $0xFFFFF086  }
0x1c: {  	p1 =	slt.u32 s9, $0xF7A;
	s5 =	simm.s32 @!p2 $0x0  }
0x1d: {  	s5 =	simm.s32 @p1 $0x1;
	p0 =	seq.s32 s7, s2  }
0x1e: {  	s7 =	smul.u32 @!p0 $0xF7A, s2;
	p2 =	seq.s32 @!p0 s5, $0x0  }
0x1f: {  	s9 =	smul.u32 $0xF7A, s1;
	s8 =	simm.s32 @!p0 $0x1BF5;
	p2 =	por !p2, p0  }
0x20: {  	[sflag:s8] =	ssyncset.s32 @!p0 $0xFFFFF086;
	s6 =	sadd.s32 @!p0 s3, s7;
	s7 =	simm.s32 @!p0 $0x108  }
0x21: {  	s3 =	sadd.s32 s3, s9;
	s6 =	sadd.s32 @!p0 $0x88, s6;
	s7 =	simm.s32 @p2 $0x1082  }
0x22: {  	[simem:s7], [sflag:s8] =	dma.local @!p0 [hbm:s6], $0xF7A  }
0x23: {  	s9 =	sor.u32 $0xD0000000, s2;
	s6 =	simm.s32 $0x108;
	_ =	swait.ge @!p0 [sflag:s8], $0x0  }
0x24: {  	s3 =	sadd.s32 $0x88, s3;
	s6 =	simm.s32 @!p1 $0x1082;
	[sflag:s4] =	ssyncset.s32 $0xFFFFF086  }
0x25: {  	[simem:s6], [sflag:s4] =	dma.local [hbm:s3], $0xF7A  }
0x26: {  	[smem:$0x3F9B] =	sst s1;
	(tag) =	ssettag s2;
	_ =	strace s9  }
0x27: {  	s1 =	sld [smem:$0x3FAB]  }
0x28: {  	s2 =	sld [smem:$0x3FAC]  }
0x29: {  	s4 =	sld [smem:$0x3FAE]  }
0x2a: {  	p0 =	seq.s32 s5, $0x0;
	s5 =	sld [smem:$0x3FAF]  }
0x2b: {  	s6 =	sld [smem:$0x3FB0]  }
0x2c: {  	s7 =	sld [smem:$0x3FB1]  }
0x2d: {  	s3 =	simm.s32 $0x108;
	s8 =	sld [smem:$0x3FB2]  }
0x2e: {  	s3 =	simm.s32 @!p0 $0x1082;
	s9 =	sld [smem:$0x3FB3]  }
0x2f: {  	lr =	sadd.s32 s0, s3;
	s0 =	sld [smem:$0x3FAA]  }
0x30: {  	s3 =	sld [smem:$0x3FAD]  }
0x31: {  	[smem:$0x3FB6] =	sst s10  }
0x32: {  	s10 =	sld [smem:$0x3FB4];
	_ =	sdelay $0x3  }
0x33: {  	p0 =	seq.s32 s10, $0x1;
	s10 =	sld [smem:$0x3FB6];
	_ =	sdelay $0x3  }
0x34: {  	[smem:$0x3FB6] =	sst s10  }
0x35: {  	s10 =	sld [smem:$0x3FB5];
	_ =	sdelay $0x3  }
0x36: {  	p1 =	seq.s32 s10, $0x1;
	s10 =	sld [smem:$0x3FB6];
	_ =	sdelay $0x3  }
0x37: {  	[smem:$0x3FB6] =	sst s10  }
0x38: {  	s10 =	sld [smem:$0x3FB7]  }
0x39: {  	_ = 	snop;
	(pc) =	sbr.ind lr, $3  }
0x3a: {  	_ = 	snop  }
0x3b: {  	_ = 	snop  }
0x3c: {  	p2 =	seq.s32 s10, $0x1;
	s10 =	sld [smem:$0x3FB6]  }
0x3d: {  	_ =	shalt  }
0x3e: {  	_ =	shalt  }
0x3f: {  	_ =	shalt  }
0x40: {  	_ =	shalt  }
0x41: {  	_ =	shalt  }
0x42: {  	_ =	shalt  }
0x43: {  	_ =	shalt  }
0x44: {  	_ =	shalt  }
0x45: {  	_ =	shalt  }
0x46: {  	_ =	shalt  }
0x47: {  	_ =	shalt  }
0x48: {  	_ =	shalt  }
0x49: {  	_ =	shalt  }
0x4a: {  	_ =	shalt  }
0x4b: {  	_ =	shalt  }
0x4c: {  	_ =	shalt  }
0x4d: {  	_ =	shalt  }
0x4e: {  	_ =	shalt  }
0x4f: {  	_ =	shalt  }
0x50: {  	_ =	shalt  }
0x51: {  	_ =	shalt  }
0x52: {  	_ =	shalt  }
0x53: {  	_ =	shalt  }
0x54: {  	_ =	shalt  }
0x55: {  	_ =	shalt  }
0x56: {  	_ =	shalt  }
0x57: {  	_ =	shalt  }
0x58: {  	_ =	shalt  }
0x59: {  	_ =	shalt  }
0x5a: {  	_ =	shalt  }
0x5b: {  	_ =	shalt  }
0x5c: {  	_ =	shalt  }
0x5d: {  	_ =	shalt  }
0x5e: {  	_ =	shalt  }
0x5f: {  	_ =	shalt  }
0x60: {  	_ =	shalt  }
0x61: {  	_ =	shalt  }
0x62: {  	_ =	shalt  }
0x63: {  	_ =	shalt  }
0x64: {  	_ =	shalt  }
0x65: {  	_ =	shalt  }
0x66: {  	_ =	shalt  }
0x67: {  	_ =	shalt  }
0x68: {  	_ =	shalt  }
0x69: {  	_ =	shalt  }
0x6a: {  	_ =	shalt  }
0x6b: {  	_ =	shalt  }
0x6c: {  	_ =	shalt  }
0x6d: {  	_ =	shalt  }
0x6e: {  	_ =	shalt  }
0x6f: {  	_ =	shalt  }
0x70: {  	_ =	shalt  }
0x71: {  	_ =	shalt  }
0x72: {  	_ =	shalt  }
0x73: {  	_ =	shalt  }
0x74: {  	_ =	shalt  }
0x75: {  	_ =	shalt  }
0x76: {  	_ =	shalt  }
0x77: {  	_ =	shalt  }
0x78: {  	_ =	shalt  }
0x79: {  	_ =	shalt  }
0x7a: {  	_ =	shalt  }
0x7b: {  	_ =	shalt  }
0x7c: {  	_ =	shalt  }
0x7d: {  	_ =	shalt  }
0x7e: {  	_ =	shalt  }
0x7f: {  	_ =	shalt  }
0x80: {  	_ =	shalt  }
0x81: {  	_ =	shalt  }
0x82: {  	_ =	shalt  }
0x83: {  	_ =	shalt  }
0x84: {  	_ =	shalt  }
0x85: {  	_ =	shalt  }
0x86: {  	_ =	shalt  }
0x87: {  	_ =	shalt  }
.Lfunc_end0:
.L_simem_size_0:
called_computation_lowered:
.L_overlay_start_0:
0x88: {  	s2 =	sld [smem:$0x3FD9]  }
0x89: {  	s3 =	sld [smem:$0x3FFE];
	_ =	sdelay $0x1  }
0x8a: {  	s1 =	srdreg.scid  }
0x8b: {  	s0 =	sand.u32 $0x1, s1  }
0x8c: {  	s17 =	sshll.u32 s0, $0xA;
	s2 =	sadd.s32 s3, s2  }
0x8d: {  	s2 =	sadd.s32 s2, s17  }
0x8e: {  	[smem:$0x3FC2] =	sst s2  }
0x8f: {  	_ = 	snop  }
0x90: {  	s2 =	sld [smem:$0x3FC9];
	(tm) =	ssettm $0x1  }
0x91: {  	s18 =	sld [smem:$0x3FFB];
	_ =	sdelay $0x3  }
0x92: {  	_ =	strace s18  }
0x93: {  	s3 =	sld [smem:$0x3FFC];
	_ =	sdelay $0x3  }
0x94: {  	_ =	strace s3  }
0x95: {  	s3 =	sld [smem:$0x3FFD];
	_ =	sdelay $0x3  }
0x96: {  	_ =	strace s3  }
0x97: {  	_ =	strace $0x8FFFFFFF  }
0x98: {  	s19 =	sld [smem:$0x3FDB];
	_ =	sdelay $0x1  }
0x99: {  	s4 =	simm.s32 $_scs_section_size  }
0x9a: {  	s5 =	simm.s32 $_size__tile_overlayer_lowered;
	s6 =	simm.s32 $_tile_overlayer_lowered  }
0x9b: {  	s22 =	simm.s32 $0x1BFF;
	s21 =	sshll.u32 s6, $0x1;
	s3 =	sadd.s32 s4, s19  }
0x9c: {  	s7 =	simm.s32 $0x0;
	s20 =	sshll.u32 s5, $0x1;
	s5 =	sadd.s32 s21, s3  }
0x9d: {  	[timem:s7], [sflag:s22] =	dma.local [hbm:s5], s20  }
0x9e: {  	_ =	swait.ge [sflag:s22], s20  }
0x9f: {  	s4 =	ssub.s32 $0x0, s20;
	[sflag:s22] =	ssyncset.done $0x0  }
0xa0: {  	[sflag:s22] =	ssyncadd.s32 s4;
	_ =	sdelay $0x1  }
0xa1: {  	s23 =	simm.s32 $0x1B8B  }
0xa2: {  	_ =	swait.ge [sflag:s23], $0x1  }
0xa3: {  	[sflag:s23] =	ssyncset.done $0x0  }
0xa4: {  	s25 =	simm.s32 $0x1B8E;
	s24 =	sld [smem:$0x3FFE];
	[sflag:s23] =	ssyncadd.s32 $0xFFFFFFFF  }
0xa5: {  	s26 =	simm.s32 $execute0_lowered;
	[smem:$0x3FD2] =	sst s25  }
0xa6: {  	s5 =	sshll.u32 s26, $0x1;
	_ =	strace $0x80000046;
	[dreg:$0x1] =	wrdreg $0xFFFFFFFF  }
0xa7: {  	s28 =	simm.s32 $_size_execute0_lowered;
	s3 =	sadd.s32 s3, s5;
	[dreg:$0x0] =	wrdreg $0x0  }
0xa8: {  	s5 =	sshll.u32 s28, $0x1;
	[dreg:$0x2] =	wrdreg s3  }
0xa9: {  	[dreg:$0x3] =	wrdreg s5  }
0xaa: {  	[dreg:$0x4] =	wrdreg $0xC0  }
0xab: {  	_ =	task [dreg:s7], $0x5FFFF  }
0xac: {  	[dreg:$0x1] =	wrdreg $0xFFFFFFFF  }
0xad: {  	[dreg:$0x0] =	wrdreg $0x60  }
0xae: {  	[dreg:$0x2] =	wrdreg s2  }
0xaf: {  	[dreg:$0x3] =	wrdreg s24  }
0xb0: {  	[dreg:$0x4] =	wrdreg $0x9  }
0xb1: {  	_ =	task.clear_ibuf [dreg:s7], $0x5FFFF;
	_ =	strace $0x90000046  }
0xb2: {  	s29 =	simm.s32 $0x9;
	_ =	strace $0x80000048  }
0xb3: {  	_ =	swait.ge [sflag:s29], $0x1  }
0xb4: {  	[sflag:s29] =	ssyncadd.s32 $0xFFFFFFFF  }
0xb5: {  	_ =	strace $0x90000048  }
0xb6: {  	_ =	sfence  }
0xb7: {  	s30 =	sld [smem:$0x0];
	_ =	sdelay $0x2  }
0xb8: {  	s31 =	sshll.u32 s1, $0xD;
	s1 =	sshrl.u32 s1, $0x2  }
0xb9: {  	s3 =	sand.u32 $0x4000, s31;
	s1 =	sadd.s32 s1, s30  }
0xba: {  	s0 =	sor.u32 s3, s0;
	s1 =	sshll.u32 s1, $0x11  }
0xbb: {  	s0 =	sor.u32 s1, s0  }
0xbc: {  	s0 =	sadd.s32 $0x8F2B, s0  }
0xbd: {  	[sflag:s0] =	ssyncadd.remote.s32 $0x1  }
0xbe: {  	_ =	sfence.sel $0xFFFF  }
0xbf: {  	[dreg:$0x0] =	wrdreg $0xFFFFFFFF;
	(pc) =	sbr.abs _section_cstart, $3  }
0xc0: {  	[dreg:$0x1] =	wrdreg $0xFFFFFFFF  }
0xc1: {  	_ =	task.clear_ibuf [dreg:s7], $0x2FFFF;
	_ =	strace $0x9FFFFFFF  }
0xc2: {  	(tm) =	ssettm $0x7FFFFFFF  }
0xc3: {  	_ =	shalt  }
tec
execute0_lowered:
.L_overlay_start_1:
0x0: {  	(tag) =	ssettag $0x1  }
0x1: {  	s0 =	rddreg [dreg:$0x0]  }
0x2: {  	s1 =	rddreg [dreg:$0x1]  }
0x3: {  	s2 =	srdreg.scid;
	s4 =	stileid.u32;
	s25 =	simm.s32 $0x10000  }
0x4: {  	s26 =	simm.s32 $0x10080;
	s9 =	simm.s32 $0x3;
	s21 =	simm.s32 $0x1800  }
0x5: {  	s22 =	simm.s32 $0x2000;
	s28 =	simm.s32 $0x4800;
	s29 =	simm.s32 $0x5000  }
0x6: {  	s30 =	simm.s32 $0x5800;
	s31 =	simm.s32 $0x6000;
	s10 =	simm.s32 $0x8000  }
0x7: {  	s11 =	simm.s32 $0x8800;
	s12 =	simm.s32 $0x9000;
	s13 =	simm.s32 $0x9800  }
0x8: {  	s14 =	simm.s32 $0xA000;
	s15 =	simm.s32 $0xA800;
	s16 =	simm.s32 $0xB000  }
0x9: {  	s17 =	simm.s32 $0xB800;
	s18 =	simm.s32 $0xC000;
	s3 =	sand.u32 $0x1, s2  }
0xa: {  	s2 =	simm.s32 $0x0;
	s4 =	sshll.u32 s4, $0x7;
	s6 =	sadd.s32 $0x1C600, s1  }
0xb: {  	s7 =	sadd.s32 $0x1C700, s1;
	s5 =	sshll.u32 s3, $0x6;
	[smem:$0x7FF] =	sst s2  }
0xc: {  	s3 =	ssub.s32 $0x2, s3;
	_ =	strace $0x80000047;
	[dreg:$0x5] =	wrdreg s25  }
0xd: {  	s4 =	sor.u32 s5, s4;
	s23 =	sshrl.u32 s3, $0x1;
	[dreg:$0x6] =	wrdreg s26  }
0xe: {  	s25 =	simm.s32 $0x3800;
	s26 =	simm.s32 $0x4000;
	s5 =	sshll.u32 s4, $0x7  }
0xf: {  	s4 =	sshrl.u32 s4, $0x3;
	s3 =	ssub.s32 s3, s23;
	s23 =	simm.s32 $0x2800  }
0x10: {  	s0 =	sadd.s32 s0, s5;
	s4 =	sadd.s32 s1, s4;
	s5 =	sadd.s32 $0x1C500, s1  }
0x11: {  	v2 =	vlaneseq.u32;
	s8 =	smax.u32 s3, $0x1;
	s3 =	simm.s32 $0x7800;
	[dreg:$0x3] =	wrdreg s0  }
0x12: {  	vm0 =	vmmov $0xffff;
	v1 =	vshrl.u32 v2, $0x3;
	[dreg:$0x7] =	wrdreg s4;
	s24 =	sadd.s32 $0x200, s4;
	s4 =	sadd.s32 $0x1C400, s1  }
0x13: {  	v0 =	vand.u32 $0x7, v2;
	v2 =	vor.u32 $0x8, v2;
	v1 =	vmul.u32 $0x8, v1;
	s1 =	simm.s32 $0x7000;
	[dreg:$0x4] =	wrdreg s24;
	s24 =	simm.s32 $0x3000  }
.LBB2_1:
0x14: {  	s19 =	rddreg [dreg:$0x3]  }
0x15: {  	[tilespmem:s2], [sflag:$0x3] =	stream.linear.gather [hbm4b:s19+s2], $0x10000, $0x38;
	[tilespmem:$0x10100] =	vst v63  }
0x16: {  	_ =	swait.ge [sflag:s9], $0x10000  }
0x17: {  	s0 =	rddreg [dreg:$0x5];
	[sflag:s9] =	ssyncset.done $0x0  }
0x18: {  	s20 =	rddreg [dreg:$0x7];
	[sflag:s9] =	ssyncadd.s32 $0xFFFF0000  }
0x19: {  	[tilespmem:s0], [sflag:$0x3] =	stream.linear.gather [hbm4b:s20+s2], $0x40, $0x38;
	[tilespmem:$0x10100] =	vst v63  }
0x1a: {  	_ =	swait.ge [sflag:s9], $0x40  }
0x1b: {  	s20 =	rddreg [dreg:$0x4];
	[sflag:s9] =	ssyncset.done $0x0  }
0x1c: {  	s0 =	rddreg [dreg:$0x6];
	[sflag:s9] =	ssyncadd.s32 $0xFFFFFFC0  }
0x1d: {  	[tilespmem:s0], [sflag:$0x3] =	stream.linear.gather [hbm4b:s20+s2], $0x40, $0x38;
	[tilespmem:$0x10100] =	vst v63  }
0x1e: {  	_ =	swait.ge [sflag:s9], $0x40  }
0x1f: {  	[sflag:s9] =	ssyncset.done $0x0  }
0x20: {  	[sflag:s9] =	ssyncadd.s32 $0xFFFFFFC0  }
0x21: {  	v3 =	vld [tilespmem:$0x10000];
	_ =	sdelay $0x4  }
0x22: {  	v4 =	vshll.u32 v3, $0x3  }
0x23: {  	v3 =	vand.u32 $0x7, v3;
	v4 =	vand.u32 $0xFFFFFFC0, v4  }
0x24: {  	v3 =	vor.u32 v3, v4  }
0x25: {  	v4 =	vperm.xlane v3, v0;
	_ =	sdelay $0x1  }
0x26: {  	v4 =	vadd.s32 v1, v4;
	_ =	sdelay $0x4  }
0x27: {  	[hbm4b:s4+s2] =	stream.indirect_vreg.scatter [tilespmem:s2], [sflag:$0x1], $0x80, v4, vm0, $0xb8;
	[tilespmem:$0x10100] =	vst v63  }
0x28: {  	s19 =	simm.s32 $0x800;
	v3 =	vperm.xlane v3, v2  }
0x29: {  	[hbm4b:s5+s2] =	stream.indirect_vreg.scatter [tilespmem:s19], [sflag:$0x1], $0x80, v4, vm0, $0xb8;
	[tilespmem:$0x10100] =	vst v63  }
0x2a: {  	s20 =	simm.s32 $0x1000;
	v3 =	vadd.s32 v1, v3  }
0x2b: {  	[hbm4b:s6+s2] =	stream.indirect_vreg.scatter [tilespmem:s20], [sflag:$0x1], $0x80, v4, vm0, $0xb8;
	[tilespmem:$0x10100] =	vst v63  }
0x2c: {  	_ = 	snop  }
0x2d: {  	[hbm4b:s7+s2] =	stream.indirect_vreg.scatter [tilespmem:s21], [sflag:$0x1], $0x80, v4, vm0, $0xb8;
	[tilespmem:$0x10100] =	vst v63  }
0x2e: {  	_ = 	snop  }
0x2f: {  	[hbm4b:s4+s2] =	stream.indirect_vreg.scatter [tilespmem:s22], [sflag:$0x1], $0x80, v3, vm0, $0xb8;
	[tilespmem:$0x10100] =	vst v63  }
0x30: {  	_ = 	snop  }
0x31: {  	[hbm4b:s5+s2] =	stream.indirect_vreg.scatter [tilespmem:s23], [sflag:$0x1], $0x80, v3, vm0, $0xb8;
	[tilespmem:$0x10100] =	vst v63  }
0x32: {  	_ = 	snop  }
0x33: {  	[hbm4b:s6+s2] =	stream.indirect_vreg.scatter [tilespmem:s24], [sflag:$0x1], $0x80, v3, vm0, $0xb8;
	[tilespmem:$0x10100] =	vst v63  }
0x34: {  	_ = 	snop  }
0x35: {  	[hbm4b:s7+s2] =	stream.indirect_vreg.scatter [tilespmem:s25], [sflag:$0x1], $0x80, v3, vm0, $0xb8;
	[tilespmem:$0x10100] =	vst v63  }
0x36: {  	v3 =	vld [tilespmem:$0x10010];
	_ =	sdelay $0x4  }
0x37: {  	v57 =	vshll.u32 v3, $0x3  }
0x38: {  	v3 =	vand.u32 $0x7, v3;
	v4 =	vand.u32 $0xFFFFFFC0, v57  }
0x39: {  	v3 =	vor.u32 v3, v4  }
0x3a: {  	v4 =	vperm.xlane v3, v0;
	_ =	sdelay $0x1  }
0x3b: {  	v4 =	vadd.s32 v1, v4;
	_ =	sdelay $0x4  }
0x3c: {  	[hbm4b:s4+s2] =	stream.indirect_vreg.scatter [tilespmem:s26], [sflag:$0x1], $0x80, v4, vm0, $0xb8;
	[tilespmem:$0x10100] =	vst v63  }
0x3d: {  	v3 =	vperm.xlane v3, v2  }
0x3e: {  	[hbm4b:s5+s2] =	stream.indirect_vreg.scatter [tilespmem:s28], [sflag:$0x1], $0x80, v4, vm0, $0xb8;
	[tilespmem:$0x10100] =	vst v63  }
0x3f: {  	v3 =	vadd.s32 v1, v3  }
0x40: {  	[hbm4b:s6+s2] =	stream.indirect_vreg.scatter [tilespmem:s29], [sflag:$0x1], $0x80, v4, vm0, $0xb8;
	[tilespmem:$0x10100] =	vst v63  }
0x41: {  	_ = 	snop  }
0x42: {  	[hbm4b:s7+s2] =	stream.indirect_vreg.scatter [tilespmem:s30], [sflag:$0x1], $0x80, v4, vm0, $0xb8;
	[tilespmem:$0x10100] =	vst v63  }
0x43: {  	_ = 	snop  }
0x44: {  	[hbm4b:s4+s2] =	stream.indirect_vreg.scatter [tilespmem:s31], [sflag:$0x1], $0x80, v3, vm0, $0xb8;
	[tilespmem:$0x10100] =	vst v63  }
0x45: {  	s0 =	simm.s32 $0x6800  }
0x46: {  	[hbm4b:s5+s2] =	stream.indirect_vreg.scatter [tilespmem:s0], [sflag:$0x1], $0x80, v3, vm0, $0xb8;
	[tilespmem:$0x10100] =	vst v63  }
0x47: {  	_ = 	snop  }
0x48: {  	[hbm4b:s6+s2] =	stream.indirect_vreg.scatter [tilespmem:s1], [sflag:$0x1], $0x80, v3, vm0, $0xb8;
	[tilespmem:$0x10100] =	vst v63  }
0x49: {  	_ = 	snop  }
0x4a: {  	[hbm4b:s7+s2] =	stream.indirect_vreg.scatter [tilespmem:s3], [sflag:$0x1], $0x80, v3, vm0, $0xb8;
	[tilespmem:$0x10100] =	vst v63  }
0x4b: {  	v3 =	vld [tilespmem:$0x10020];
	_ =	sdelay $0x4  }
0x4c: {  	v58 =	vshll.u32 v3, $0x3  }
0x4d: {  	v3 =	vand.u32 $0x7, v3;
	v4 =	vand.u32 $0xFFFFFFC0, v58  }
0x4e: {  	v3 =	vor.u32 v3, v4  }
0x4f: {  	v4 =	vperm.xlane v3, v0;
	_ =	sdelay $0x1  }
0x50: {  	v4 =	vadd.s32 v1, v4;
	_ =	sdelay $0x4  }
0x51: {  	[hbm4b:s4+s2] =	stream.indirect_vreg.scatter [tilespmem:s10], [sflag:$0x1], $0x80, v4, vm0, $0xb8;
	[tilespmem:$0x10100] =	vst v63  }
0x52: {  	v3 =	vperm.xlane v3, v2  }
0x53: {  	[hbm4b:s5+s2] =	stream.indirect_vreg.scatter [tilespmem:s11], [sflag:$0x1], $0x80, v4, vm0, $0xb8;
	[tilespmem:$0x10100] =	vst v63  }
0x54: {  	v3 =	vadd.s32 v1, v3  }
0x55: {  	[hbm4b:s6+s2] =	stream.indirect_vreg.scatter [tilespmem:s12], [sflag:$0x1], $0x80, v4, vm0, $0xb8;
	[tilespmem:$0x10100] =	vst v63  }
0x56: {  	_ = 	snop  }
0x57: {  	[hbm4b:s7+s2] =	stream.indirect_vreg.scatter [tilespmem:s13], [sflag:$0x1], $0x80, v4, vm0, $0xb8;
	[tilespmem:$0x10100] =	vst v63  }
0x58: {  	_ = 	snop  }
0x59: {  	[hbm4b:s4+s2] =	stream.indirect_vreg.scatter [tilespmem:s14], [sflag:$0x1], $0x80, v3, vm0, $0xb8;
	[tilespmem:$0x10100] =	vst v63  }
0x5a: {  	_ = 	snop  }
0x5b: {  	[hbm4b:s5+s2] =	stream.indirect_vreg.scatter [tilespmem:s15], [sflag:$0x1], $0x80, v3, vm0, $0xb8;
	[tilespmem:$0x10100] =	vst v63  }
0x5c: {  	_ = 	snop  }
0x5d: {  	[hbm4b:s6+s2] =	stream.indirect_vreg.scatter [tilespmem:s16], [sflag:$0x1], $0x80, v3, vm0, $0xb8;
	[tilespmem:$0x10100] =	vst v63  }
0x5e: {  	_ = 	snop  }
0x5f: {  	[hbm4b:s7+s2] =	stream.indirect_vreg.scatter [tilespmem:s17], [sflag:$0x1], $0x80, v3, vm0, $0xb8;
	[tilespmem:$0x10100] =	vst v63  }
0x60: {  	v3 =	vld [tilespmem:$0x10030];
	_ =	sdelay $0x4  }
0x61: {  	v59 =	vshll.u32 v3, $0x3  }
0x62: {  	v3 =	vand.u32 $0x7, v3;
	v4 =	vand.u32 $0xFFFFFFC0, v59  }
0x63: {  	v3 =	vor.u32 v3, v4  }
0x64: {  	v4 =	vperm.xlane v3, v0;
	_ =	sdelay $0x1  }
0x65: {  	v4 =	vadd.s32 v1, v4;
	_ =	sdelay $0x4  }
0x66: {  	[hbm4b:s4+s2] =	stream.indirect_vreg.scatter [tilespmem:s18], [sflag:$0x1], $0x80, v4, vm0, $0xb8;
	[tilespmem:$0x10100] =	vst v63  }
0x67: {  	s0 =	simm.s32 $0xC800;
	v3 =	vperm.xlane v3, v2  }
0x68: {  	[hbm4b:s5+s2] =	stream.indirect_vreg.scatter [tilespmem:s0], [sflag:$0x1], $0x80, v4, vm0, $0xb8;
	[tilespmem:$0x10100] =	vst v63  }
0x69: {  	v3 =	vadd.s32 v1, v3;
	s0 =	simm.s32 $0xD000  }
0x6a: {  	[hbm4b:s6+s2] =	stream.indirect_vreg.scatter [tilespmem:s0], [sflag:$0x1], $0x80, v4, vm0, $0xb8;
	[tilespmem:$0x10100] =	vst v63  }
0x6b: {  	s0 =	simm.s32 $0xD800  }
0x6c: {  	[hbm4b:s7+s2] =	stream.indirect_vreg.scatter [tilespmem:s0], [sflag:$0x1], $0x80, v4, vm0, $0xb8;
	[tilespmem:$0x10100] =	vst v63  }
0x6d: {  	s0 =	simm.s32 $0xE000  }
0x6e: {  	[hbm4b:s4+s2] =	stream.indirect_vreg.scatter [tilespmem:s0], [sflag:$0x1], $0x80, v3, vm0, $0xb8;
	[tilespmem:$0x10100] =	vst v63  }
0x6f: {  	s0 =	simm.s32 $0xE800  }
0x70: {  	[hbm4b:s5+s2] =	stream.indirect_vreg.scatter [tilespmem:s0], [sflag:$0x1], $0x80, v3, vm0, $0xb8;
	[tilespmem:$0x10100] =	vst v63  }
0x71: {  	s0 =	simm.s32 $0xF000  }
0x72: {  	[hbm4b:s6+s2] =	stream.indirect_vreg.scatter [tilespmem:s0], [sflag:$0x1], $0x80, v3, vm0, $0xb8;
	[tilespmem:$0x10100] =	vst v63  }
0x73: {  	s0 =	simm.s32 $0xF800  }
0x74: {  	[hbm4b:s7+s2] =	stream.indirect_vreg.scatter [tilespmem:s0], [sflag:$0x1], $0x80, v3, vm0, $0xb8;
	[tilespmem:$0x10100] =	vst v63  }
0x75: {  	v3 =	vld [tilespmem:$0x10080];
	_ =	sdelay $0x4  }
0x76: {  	v60 =	vshll.u32 v3, $0x3  }
0x77: {  	v3 =	vand.u32 $0x7, v3;
	v4 =	vand.u32 $0xFFFFFFC0, v60  }
0x78: {  	v3 =	vor.u32 v3, v4  }
0x79: {  	v4 =	vperm.xlane v3, v0;
	_ =	sdelay $0x1  }
0x7a: {  	v4 =	vadd.s32 v1, v4;
	_ =	sdelay $0x4  }
0x7b: {  	[hbm4b:s4+s2] =	stream.indirect_vreg.scatter [tilespmem:s2], [sflag:$0x2], $0x80, v4, vm0, $0xb8;
	[tilespmem:$0x10100] =	vst v63  }
0x7c: {  	v3 =	vperm.xlane v3, v2  }
0x7d: {  	[hbm4b:s5+s2] =	stream.indirect_vreg.scatter [tilespmem:s19], [sflag:$0x2], $0x80, v4, vm0, $0xb8;
	[tilespmem:$0x10100] =	vst v63  }
0x7e: {  	v3 =	vadd.s32 v1, v3  }
0x7f: {  	[hbm4b:s6+s2] =	stream.indirect_vreg.scatter [tilespmem:s20], [sflag:$0x2], $0x80, v4, vm0, $0xb8;
	[tilespmem:$0x10100] =	vst v63  }
0x80: {  	_ = 	snop  }
0x81: {  	[hbm4b:s7+s2] =	stream.indirect_vreg.scatter [tilespmem:s21], [sflag:$0x2], $0x80, v4, vm0, $0xb8;
	[tilespmem:$0x10100] =	vst v63  }
0x82: {  	_ = 	snop  }
0x83: {  	[hbm4b:s4+s2] =	stream.indirect_vreg.scatter [tilespmem:s22], [sflag:$0x2], $0x80, v3, vm0, $0xb8;
	[tilespmem:$0x10100] =	vst v63  }
0x84: {  	_ = 	snop  }
0x85: {  	[hbm4b:s5+s2] =	stream.indirect_vreg.scatter [tilespmem:s23], [sflag:$0x2], $0x80, v3, vm0, $0xb8;
	[tilespmem:$0x10100] =	vst v63  }
0x86: {  	_ = 	snop  }
0x87: {  	[hbm4b:s6+s2] =	stream.indirect_vreg.scatter [tilespmem:s24], [sflag:$0x2], $0x80, v3, vm0, $0xb8;
	[tilespmem:$0x10100] =	vst v63  }
0x88: {  	_ = 	snop  }
0x89: {  	[hbm4b:s7+s2] =	stream.indirect_vreg.scatter [tilespmem:s25], [sflag:$0x2], $0x80, v3, vm0, $0xb8;
	[tilespmem:$0x10100] =	vst v63  }
0x8a: {  	v3 =	vld [tilespmem:$0x10090];
	_ =	sdelay $0x4  }
0x8b: {  	v61 =	vshll.u32 v3, $0x3  }
0x8c: {  	v3 =	vand.u32 $0x7, v3;
	v4 =	vand.u32 $0xFFFFFFC0, v61  }
0x8d: {  	v3 =	vor.u32 v3, v4  }
0x8e: {  	v4 =	vperm.xlane v3, v0;
	_ =	sdelay $0x1  }
0x8f: {  	v4 =	vadd.s32 v1, v4;
	_ =	sdelay $0x4  }
0x90: {  	[hbm4b:s4+s2] =	stream.indirect_vreg.scatter [tilespmem:s26], [sflag:$0x2], $0x80, v4, vm0, $0xb8;
	[tilespmem:$0x10100] =	vst v63  }
0x91: {  	v3 =	vperm.xlane v3, v2  }
0x92: {  	[hbm4b:s5+s2] =	stream.indirect_vreg.scatter [tilespmem:s28], [sflag:$0x2], $0x80, v4, vm0, $0xb8;
	[tilespmem:$0x10100] =	vst v63  }
0x93: {  	v3 =	vadd.s32 v1, v3  }
0x94: {  	[hbm4b:s6+s2] =	stream.indirect_vreg.scatter [tilespmem:s29], [sflag:$0x2], $0x80, v4, vm0, $0xb8;
	[tilespmem:$0x10100] =	vst v63  }
0x95: {  	_ = 	snop  }
0x96: {  	[hbm4b:s7+s2] =	stream.indirect_vreg.scatter [tilespmem:s30], [sflag:$0x2], $0x80, v4, vm0, $0xb8;
	[tilespmem:$0x10100] =	vst v63  }
0x97: {  	_ = 	snop  }
0x98: {  	[hbm4b:s4+s2] =	stream.indirect_vreg.scatter [tilespmem:s31], [sflag:$0x2], $0x80, v3, vm0, $0xb8;
	[tilespmem:$0x10100] =	vst v63  }
0x99: {  	s19 =	simm.s32 $0x6800  }
0x9a: {  	[hbm4b:s5+s2] =	stream.indirect_vreg.scatter [tilespmem:s19], [sflag:$0x2], $0x80, v3, vm0, $0xb8;
	[tilespmem:$0x10100] =	vst v63  }
0x9b: {  	_ = 	snop  }
0x9c: {  	[hbm4b:s6+s2] =	stream.indirect_vreg.scatter [tilespmem:s1], [sflag:$0x2], $0x80, v3, vm0, $0xb8;
	[tilespmem:$0x10100] =	vst v63  }
0x9d: {  	_ = 	snop  }
0x9e: {  	[hbm4b:s7+s2] =	stream.indirect_vreg.scatter [tilespmem:s3], [sflag:$0x2], $0x80, v3, vm0, $0xb8;
	[tilespmem:$0x10100] =	vst v63  }
0x9f: {  	v3 =	vld [tilespmem:$0x100A0];
	_ =	sdelay $0x4  }
0xa0: {  	v62 =	vshll.u32 v3, $0x3  }
0xa1: {  	v3 =	vand.u32 $0x7, v3;
	v4 =	vand.u32 $0xFFFFFFC0, v62  }
0xa2: {  	v3 =	vor.u32 v3, v4  }
0xa3: {  	v4 =	vperm.xlane v3, v0;
	_ =	sdelay $0x1  }
0xa4: {  	v4 =	vadd.s32 v1, v4;
	_ =	sdelay $0x4  }
0xa5: {  	[hbm4b:s4+s2] =	stream.indirect_vreg.scatter [tilespmem:s10], [sflag:$0x2], $0x80, v4, vm0, $0xb8;
	[tilespmem:$0x10100] =	vst v63  }
0xa6: {  	v3 =	vperm.xlane v3, v2  }
0xa7: {  	[hbm4b:s5+s2] =	stream.indirect_vreg.scatter [tilespmem:s11], [sflag:$0x2], $0x80, v4, vm0, $0xb8;
	[tilespmem:$0x10100] =	vst v63  }
0xa8: {  	v3 =	vadd.s32 v1, v3  }
0xa9: {  	[hbm4b:s6+s2] =	stream.indirect_vreg.scatter [tilespmem:s12], [sflag:$0x2], $0x80, v4, vm0, $0xb8;
	[tilespmem:$0x10100] =	vst v63  }
0xaa: {  	_ = 	snop  }
0xab: {  	[hbm4b:s7+s2] =	stream.indirect_vreg.scatter [tilespmem:s13], [sflag:$0x2], $0x80, v4, vm0, $0xb8;
	[tilespmem:$0x10100] =	vst v63  }
0xac: {  	_ = 	snop  }
0xad: {  	[hbm4b:s4+s2] =	stream.indirect_vreg.scatter [tilespmem:s14], [sflag:$0x2], $0x80, v3, vm0, $0xb8;
	[tilespmem:$0x10100] =	vst v63  }
0xae: {  	_ = 	snop  }
0xaf: {  	[hbm4b:s5+s2] =	stream.indirect_vreg.scatter [tilespmem:s15], [sflag:$0x2], $0x80, v3, vm0, $0xb8;
	[tilespmem:$0x10100] =	vst v63  }
0xb0: {  	_ = 	snop  }
0xb1: {  	[hbm4b:s6+s2] =	stream.indirect_vreg.scatter [tilespmem:s16], [sflag:$0x2], $0x80, v3, vm0, $0xb8;
	[tilespmem:$0x10100] =	vst v63  }
0xb2: {  	_ = 	snop  }
0xb3: {  	[hbm4b:s7+s2] =	stream.indirect_vreg.scatter [tilespmem:s17], [sflag:$0x2], $0x80, v3, vm0, $0xb8;
	[tilespmem:$0x10100] =	vst v63  }
0xb4: {  	v3 =	vld [tilespmem:$0x100B0];
	_ =	sdelay $0x4  }
0xb5: {  	v63 =	vshll.u32 v3, $0x3  }
0xb6: {  	v3 =	vand.u32 $0x7, v3;
	v4 =	vand.u32 $0xFFFFFFC0, v63  }
0xb7: {  	v3 =	vor.u32 v3, v4  }
0xb8: {  	v4 =	vperm.xlane v3, v0;
	_ =	sdelay $0x1  }
0xb9: {  	v4 =	vadd.s32 v1, v4;
	_ =	sdelay $0x4  }
0xba: {  	[hbm4b:s4+s2] =	stream.indirect_vreg.scatter [tilespmem:s18], [sflag:$0x2], $0x80, v4, vm0, $0xb8;
	[tilespmem:$0x10100] =	vst v63  }
0xbb: {  	s20 =	simm.s32 $0xC800;
	v3 =	vperm.xlane v3, v2  }
0xbc: {  	[hbm4b:s5+s2] =	stream.indirect_vreg.scatter [tilespmem:s20], [sflag:$0x2], $0x80, v4, vm0, $0xb8;
	[tilespmem:$0x10100] =	vst v63  }
0xbd: {  	s19 =	simm.s32 $0xD000;
	v3 =	vadd.s32 v1, v3  }
0xbe: {  	[hbm4b:s6+s2] =	stream.indirect_vreg.scatter [tilespmem:s19], [sflag:$0x2], $0x80, v4, vm0, $0xb8;
	[tilespmem:$0x10100] =	vst v63  }
0xbf: {  	s20 =	simm.s32 $0xD800  }
0xc0: {  	[hbm4b:s7+s2] =	stream.indirect_vreg.scatter [tilespmem:s20], [sflag:$0x2], $0x80, v4, vm0, $0xb8;
	[tilespmem:$0x10100] =	vst v63  }
0xc1: {  	s19 =	simm.s32 $0xE000  }
0xc2: {  	[hbm4b:s4+s2] =	stream.indirect_vreg.scatter [tilespmem:s19], [sflag:$0x2], $0x80, v3, vm0, $0xb8;
	[tilespmem:$0x10100] =	vst v63  }
0xc3: {  	s20 =	simm.s32 $0xE800  }
0xc4: {  	[hbm4b:s5+s2] =	stream.indirect_vreg.scatter [tilespmem:s20], [sflag:$0x2], $0x80, v3, vm0, $0xb8;
	[tilespmem:$0x10100] =	vst v63  }
0xc5: {  	s19 =	simm.s32 $0xF000  }
0xc6: {  	[hbm4b:s6+s2] =	stream.indirect_vreg.scatter [tilespmem:s19], [sflag:$0x2], $0x80, v3, vm0, $0xb8;
	[tilespmem:$0x10100] =	vst v63  }
0xc7: {  	s20 =	simm.s32 $0xF800;
	s19 =	simm.s32 $0x1  }
0xc8: {  	[hbm4b:s7+s2] =	stream.indirect_vreg.scatter [tilespmem:s20], [sflag:$0x2], $0x80, v3, vm0, $0xb8;
	[tilespmem:$0x10100] =	vst v63  }
0xc9: {  	p0 =	sne.s32 s8, $0x1;
	_ =	swait.ge [sflag:s19], $0x10000  }
.Ltmp0:
0xca: {  	[sflag:s19] =	ssyncset.done $0x0;
	(pc) =	sbr.rel @p0 .LBB2_1-.Ltmp0, $4  }
0xcb: {  	s20 =	simm.s32 $0x2;
	[sflag:s19] =	ssyncadd.s32 $0xFFFF0000  }
0xcc: {  	_ =	swait.ge [sflag:s20], $0x10000  }
0xcd: {  	[sflag:s20] =	ssyncset.done $0x0  }
0xce: {  	s8 =	sadd.s32 $0xFFFFFFFF, s8;
	[sflag:s20] =	ssyncadd.s32 $0xFFFF0000  }
0xcf: {  	_ =	sfence.sel $0x180000  }
0xd0: {  	[bflag:$0x0] =	sbarrier.arrive $0xFFFF  }
0xd1: {  	_ =	strace $0x90000047  }
0xd2: {  	s0 =	stileid.u32;
	[bflag:$0x2] =	sbarrier.arrive $0xFFFF  }
0xd3: {  	p0 =	sne.s32 s0, $0x0;
	s0 =	rddreg [dreg:$0x2]  }
0xd4: {  	s0 =	sadd.s32 @!p0 $0x100000, s0  }
0xd5: {  	[sflag:s0] =	ssyncadd.tile.s32 @!p0 $0x1;
	_ =	shalt  }
.Lfunc_end2:
_tile_overlayer_lowered:
.L_overlay_start_2:
0xd6: {  	(tag) =	ssettag $0x2  }
0xd7: {  	s0 =	rddreg [dreg:$0x0];
	s2 =	stileid.u32  }
0xd8: {  	s1 =	rddreg [dreg:$0x1];
	p0 =	sne.s32 s2, $0x0  }
0xd9: {  	s3 =	rddreg [dreg:$0x2];
	[bflag:$0x3] =	sbarrier.arrive $0xFFFF;
	s2 =	simm.s32 @!p0 $0x1C03  }
0xda: {  	[timem:s3], [sflag:s2] =	dma.local @!p0 [hbm:s0], s1  }
0xdb: {  	s0 =	simm.s32 @!p0 $0x3  }
0xdc: {  	_ =	swait.ge @!p0 [sflag:s0], s1  }
0xdd: {  	s1 =	ssub.s32 @!p0 $0x0, s1;
	[sflag:s0] =	ssyncset.done @!p0 $0x0  }
0xde: {  	[sflag:s0] =	ssyncadd.s32 @!p0 s1  }
0xdf: {  	[bflag:$0x3] =	sbarrier.arrive $0xFFFF  }
0xe0: {  	_ =	shalt  }

</sc_bundles>
